<compile_context>
chip_gen: v7x
topology: tpu7x:2x2x1
jax: 0.10.2.dev20260603
libtpu: 0.0.44.dev20260713+nightly
codegen_flags: <defaults>
</compile_context>

<pallas_src>
import functools

import jax
import jax.numpy as jnp
from jax import lax
from jax.experimental import pallas as pl
from jax.experimental.pallas import tpu as pltpu
from jax.experimental.pallas import tpu_sc as plsc

_N = 10000
_E = 320000
_NODE_DIM = 128
_HID = 64
_G = 64
_EPS = 1e-5

_NC = 2
_NS = 16
_NW = _NC * _NS
_CH = 128
_NCHUNK = 80
_EPT = _NCHUNK * _CH
_E_PAD = _NW * _EPT
_N_PAD = 10240
_RPS = _N_PAD // _NS
_NBUF = 8
_LOOK = 4
_HH = _HID // 2
_NCHUNK_A = 160
_EPS_A = _NCHUNK_A * _CH

_mesh = plsc.VectorSubcoreMesh(
    core_axis_name="c", subcore_axis_name="s", num_cores=_NC, num_subcores=_NS)
_sc_params = pltpu.CompilerParams(use_tc_tiling_on_sc=False)


_DW = 8


@functools.partial(
    pl.kernel,
    out_type=jax.ShapeDtypeStruct((_NC, _N_PAD, _DW), jnp.float32),
    mesh=_mesh,
    scratch_types=[
        pltpu.VMEM((_NCHUNK_A, _CH), jnp.int32),
        pltpu.VMEM((_CH, _DW), jnp.float32),
        pltpu.VMEM_SHARED((_N_PAD, _DW), jnp.float32),
        pltpu.SemaphoreType.DMA,
    ],
    compiler_params=_sc_params,
)
def _deg_kernel(dst_hbm, ones_hbm, zero_hbm, out_hbm, dst_v, ones_v, acc, dsem):
    c = lax.axis_index("c")
    s = lax.axis_index("s")
    pltpu.sync_copy(dst_hbm.at[s], dst_v)
    pltpu.sync_copy(ones_hbm, ones_v)
    my_rows = pl.ds(s * _RPS, _RPS)
    pltpu.sync_copy(zero_hbm.at[my_rows], acc.at[my_rows])
    plsc.subcore_barrier()

    half = _NCHUNK_A // _NC
    off = c * half

    def body(i, carry):
        j0 = off + i * 8
        for b in range(8):
            pltpu.async_copy(ones_v, acc.at[dst_v.at[j0 + b]], dsem, add=True)
        for b in range(8):
            pltpu.make_async_copy(ones_v, acc.at[dst_v.at[j0 + b]], dsem).wait()
        return carry

    lax.fori_loop(0, half // 8, body, 0)
    plsc.subcore_barrier()
    pltpu.sync_copy(acc.at[my_rows], out_hbm.at[c, my_rows])


@functools.partial(
    pl.kernel,
    out_type=jax.ShapeDtypeStruct((_N_PAD, _HID), jnp.float32),
    mesh=_mesh,
    scratch_types=[
        pltpu.VMEM((_EPS_A,), jnp.int32),
        pltpu.VMEM((_NCHUNK_A, _CH), jnp.int32),
        [pltpu.VMEM((_CH, _HH), jnp.float32)] * _NBUF,
        pltpu.VMEM_SHARED((_N_PAD, _HH), jnp.float32),
        pltpu.VMEM_SHARED((_N_PAD, _HH), jnp.float32),
        [pltpu.SemaphoreType.DMA] * _NBUF,
        [pltpu.SemaphoreType.DMA] * _NBUF,
    ],
    compiler_params=_sc_params,
)
def _agg_kernel(src_hbm, dst_hbm, hp_hbm, zero_hbm, out_hbm,
                src_v, dst_v, bufs, acc, hp_spm, gsems, ssems):
    c = lax.axis_index("c")
    s = lax.axis_index("s")

    pltpu.sync_copy(src_hbm.at[s], src_v)
    pltpu.sync_copy(dst_hbm.at[s], dst_v)

    my_rows = pl.ds(s * _RPS, _RPS)
    my_cols = pl.ds(c * _HH, _HH)
    pltpu.sync_copy(hp_hbm.at[my_rows, my_cols], hp_spm.at[my_rows])
    pltpu.sync_copy(zero_hbm.at[my_rows], acc.at[my_rows])
    plsc.subcore_barrier()

    def gather(j, b):
        pltpu.async_copy(
            hp_spm.at[src_v.at[pl.ds(j * _CH, _CH)]], bufs[b], gsems[b])

    def gwait(j, b):
        pltpu.make_async_copy(
            hp_spm.at[src_v.at[pl.ds(j * _CH, _CH)]], bufs[b], gsems[b]).wait()

    def scatter(j, b):
        pltpu.async_copy(bufs[b], acc.at[dst_v.at[j]], ssems[b], add=True)

    def swait(j, b):
        pltpu.make_async_copy(
            bufs[b], acc.at[dst_v.at[j]], ssems[b]).wait()

    for b in range(_LOOK):
        gather(b, b)

    def step(i, j, b, first):
        gwait(j, b)
        scatter(j, b)
        bn = (b + _LOOK) % _NBUF
        if first:
            if j >= _LOOK:
                swait(j - _LOOK, bn)
            gather(j + _LOOK, bn)
        else:
            swait(j - _LOOK, bn)

            @pl.when(j + _LOOK < _NCHUNK_A)
            def _():
                gather(j + _LOOK, bn)

    for b in range(_NBUF):
        step(0, b, b, True)

    def body(i, carry):
        j0 = i * _NBUF
        for b in range(_NBUF):
            step(i, j0 + b, b, False)
        return carry

    lax.fori_loop(1, _NCHUNK_A // _NBUF, body, 0)

    for b in range(_LOOK):
        swait(_NCHUNK_A - _LOOK + b, (_NCHUNK_A - _LOOK + b) % _NBUF)

    plsc.subcore_barrier()
    pltpu.sync_copy(acc.at[my_rows], out_hbm.at[my_rows, my_cols])


_NB = 8
_BR = _N_PAD // _NB


def _hp1_body(parts_ref, x_ref, w_ref, dis_out, hp_out):
    deg = parts_ref[0, :, 0:1] + parts_ref[1, :, 0:1]
    dis = lax.rsqrt(deg + 1.0)
    dis_out[...] = dis
    h = jnp.dot(x_ref[...], w_ref[...], preferred_element_type=jnp.float32)
    hp_out[...] = h * dis


def _hp1_call(deg_parts, x_pad, W1):
    f32 = jnp.float32
    return pl.pallas_call(
        _hp1_body,
        grid=(_NB,),
        in_specs=[
            pl.BlockSpec((2, _BR, _DW), lambda i: (0, i, 0)),
            pl.BlockSpec((_BR, _NODE_DIM), lambda i: (i, 0)),
            pl.BlockSpec((_NODE_DIM, _HID), lambda i: (0, 0)),
        ],
        out_specs=[
            pl.BlockSpec((_BR, 1), lambda i: (i, 0)),
            pl.BlockSpec((_BR, _HID), lambda i: (i, 0)),
        ],
        out_shape=[
            jax.ShapeDtypeStruct((_N_PAD, 1), f32),
            jax.ShapeDtypeStruct((_N_PAD, _HID), f32),
        ],
    )(deg_parts, x_pad, W1)


def _bn_relu(conv, g_ref, be_ref):
    cr = conv[:_N]
    mean = jnp.sum(cr, axis=0) * (1.0 / _N)
    var = jnp.sum((cr - mean) ** 2, axis=0) * (1.0 / _N)
    inv = lax.rsqrt(var + _EPS)
    a = g_ref[...] * (conv - mean) * inv + be_ref[...]
    a = jnp.maximum(a, 0.0)
    rowid = lax.broadcasted_iota(jnp.int32, (_N_PAD, 1), 0)
    return jnp.where(rowid < _N, a, 0.0)


def _layer_body(parts_ref, hp_ref, dis_ref, b_ref, g_ref, be_ref, w_ref, out_ref):
    conv = dis_ref[...] * (parts_ref[...] + hp_ref[...]) + b_ref[...]
    a = _bn_relu(conv, g_ref, be_ref)
    out_ref[...] = jnp.dot(
        a, w_ref[...], preferred_element_type=jnp.float32) * dis_ref[...]


def _layer_call(parts, hp, dis_col, b, g, be, Wn):
    f32 = jnp.float32
    return pl.pallas_call(
        _layer_body,
        out_shape=jax.ShapeDtypeStruct((_N_PAD, _HID), f32),
    )(parts, hp, dis_col, b, g, be, Wn)


def _final_body(parts_ref, hp_ref, dis_ref, b_ref, g_ref, be_ref, batch_ref,
                out_ref):
    conv = dis_ref[...] * (parts_ref[...] + hp_ref[...]) + b_ref[...]
    a = _bn_relu(conv, g_ref, be_ref)
    gid = lax.broadcasted_iota(jnp.int32, (1, _G), 1)
    onehot = (batch_ref[...] == gid).astype(jnp.float32)
    dnum = (((0,), (0,)), ((), ()))
    sums = lax.dot_general(onehot, a, dnum, preferred_element_type=jnp.float32)
    ones_col = jnp.ones((_N_PAD, 1), jnp.float32)
    cnt = lax.dot_general(onehot, ones_col, dnum,
                          preferred_element_type=jnp.float32)
    out_ref[...] = sums / jnp.maximum(cnt, 1.0)


def _final_call(parts, hp, dis_col, b, g, be, batch_col):
    f32 = jnp.float32
    return pl.pallas_call(
        _final_body,
        out_shape=jax.ShapeDtypeStruct((_G, _HID), f32),
    )(parts, hp, dis_col, b, g, be, batch_col)


def kernel(x, edge_index, batch, W1, b1, g1, be1, W2, b2, g2, be2, W3, b3, g3, be3):
    f32 = jnp.float32
    x_pad = jnp.pad(x, ((0, _N_PAD - _N), (0, 0)))
    epad = jnp.full((_E_PAD - _E,), _N, jnp.int32)
    src_flat = jnp.concatenate([edge_index[0], epad]).reshape(_NS, _EPS_A)
    dst_tiled = jnp.concatenate(
        [edge_index[1], epad]).reshape(_NS, _NCHUNK_A, _CH)
    batch_col = jnp.concatenate(
        [batch, jnp.full((_N_PAD - _N,), _G, jnp.int32)]).reshape(_N_PAD, 1)
    zeros2d = jnp.zeros((_N_PAD, _HH), f32)
    ones8 = jnp.ones((_CH, _DW), f32)
    zeros8 = jnp.zeros((_N_PAD, _DW), f32)

    deg_parts = _deg_kernel(dst_tiled, ones8, zeros8)
    dis_col, hp = _hp1_call(deg_parts, x_pad, W1)

    for (b, g, be, Wn) in ((b1, g1, be1, W2), (b2, g2, be2, W3)):
        parts = _agg_kernel(src_flat, dst_tiled, hp, zeros2d)
        hp = _layer_call(parts, hp, dis_col, b.reshape(1, _HID),
                         g.reshape(1, _HID), be.reshape(1, _HID), Wn)

    parts = _agg_kernel(src_flat, dst_tiled, hp, zeros2d)
    return _final_call(parts, hp, dis_col, b3.reshape(1, _HID),
                       g3.reshape(1, _HID), be3.reshape(1, _HID), batch_col)

# --- scband reference (transcript-rebuilt; emitter-appended) ---
"""Pipeline reference for scband-molecular-gcnencoder-11897059410622 (READ-ONLY COPY).

The authoritative reference and input builder live on the scoring server;
editing this copy changes nothing except your own understanding.
"""

import jax, jax.numpy as jnp
import numpy as np

N = 10000
E = 320000
NODE_DIM = 128
HID = 64
NUM_GRAPHS = 64
EPS = 1e-5


def setup_inputs(seed: int = 0) -> dict:
    key = jax.random.key(seed)
    ks = jax.random.split(key, 16)
    x = jax.random.normal(ks[0], (N, NODE_DIM), dtype=jnp.float32)
    edge_index = jax.random.randint(ks[1], (2, E), 0, N, dtype=jnp.int32)
    batch = jnp.sort(jax.random.randint(ks[2], (N,), 0, NUM_GRAPHS, dtype=jnp.int32))
    W1 = jax.random.normal(ks[3], (NODE_DIM, HID), dtype=jnp.float32) / np.sqrt(NODE_DIM)
    b1 = jnp.zeros((HID,), jnp.float32)
    g1 = jnp.ones((HID,), jnp.float32)
    be1 = jnp.zeros((HID,), jnp.float32)
    W2 = jax.random.normal(ks[4], (HID, HID), dtype=jnp.float32) / np.sqrt(HID)
    b2 = jnp.zeros((HID,), jnp.float32)
    g2 = jnp.ones((HID,), jnp.float32)
    be2 = jnp.zeros((HID,), jnp.float32)
    W3 = jax.random.normal(ks[5], (HID, HID), dtype=jnp.float32) / np.sqrt(HID)
    b3 = jnp.zeros((HID,), jnp.float32)
    g3 = jnp.ones((HID,), jnp.float32)
    be3 = jnp.zeros((HID,), jnp.float32)
    return {"x": x, "edge_index": edge_index, "batch": batch,
            "W1": W1, "b1": b1, "g1": g1, "be1": be1,
            "W2": W2, "b2": b2, "g2": g2, "be2": be2,
            "W3": W3, "b3": b3, "g3": g3, "be3": be3}


def _gcn_conv(x, edge_index, W, b):
    # GCNConv: add self-loops, symmetric normalization D^{-1/2}(A+I)D^{-1/2} X W + b
    loop = jnp.arange(N, dtype=edge_index.dtype)
    src = jnp.concatenate([edge_index[0], loop])
    dst = jnp.concatenate([edge_index[1], loop])
    deg = jnp.zeros((N,), jnp.float32).at[dst].add(1.0)
    dis = jnp.where(deg > 0, jax.lax.rsqrt(jnp.maximum(deg, 1.0)), 0.0)
    norm = dis[src] * dis[dst]
    h = x @ W
    msg = h[src] * norm[:, None]
    out = jnp.zeros((N, h.shape[1]), jnp.float32).at[dst].add(msg)
    return out + b


def _batchnorm(x, gamma, beta):
    # training-mode BatchNorm over node dimension (biased variance)
    mean = jnp.mean(x, axis=0)
    var = jnp.mean((x - mean) ** 2, axis=0)
    return gamma * (x - mean) / jnp.sqrt(var + EPS) + beta


def reference(x, edge_index, batch, W1, b1, g1, be1, W2, b2, g2, be2, W3, b3, g3, be3):
    h = jax.nn.relu(_batchnorm(_gcn_conv(x, edge_index, W1, b1), g1, be1))
    h = jax.nn.relu(_batchnorm(_gcn_conv(h, edge_index, W2, b2), g2, be2))
    h = jax.nn.relu(_batchnorm(_gcn_conv(h, edge_index, W3, b3), g3, be3))
    sums = jax.ops.segment_sum(h, batch, num_segments=NUM_GRAPHS)
    cnt = jax.ops.segment_sum(jnp.ones((N,), jnp.float32), batch, num_segments=NUM_GRAPHS)
    return sums / jnp.maximum(cnt, 1.0)[:, None]

if __name__ == "__main__":
    import jax
    _d = setup_inputs()
    print(jax.jit(kernel)(*tuple(_d.values())))

</pallas_src>

<mosaic_0001>
#map = affine_map<(d0, d1) -> (0, 0)>
#map1 = affine_map<(d0, d1) -> (0, 0, 0)>
module attributes {stable_mosaic.version = 14 : i64} {
  func.func @_agg_kernel(%arg0: i32, %arg1: i32, %arg2: memref<16x20480xi32, #tpu.memory_space<hbm>>, %arg3: memref<16x160x128xi32, #tpu.memory_space<hbm>>, %arg4: memref<10240x64xf32, #tpu.memory_space<hbm>>, %arg5: memref<10240x32xf32, #tpu.memory_space<hbm>>, %arg6: memref<10240x64xf32, #tpu.memory_space<hbm>>, %arg7: memref<20480xi32, #tpu.memory_space<vmem>>, %arg8: memref<160x128xi32, #tpu.memory_space<vmem>>, %arg9: memref<128x32xf32, #tpu.memory_space<vmem>>, %arg10: memref<128x32xf32, #tpu.memory_space<vmem>>, %arg11: memref<128x32xf32, #tpu.memory_space<vmem>>, %arg12: memref<128x32xf32, #tpu.memory_space<vmem>>, %arg13: memref<128x32xf32, #tpu.memory_space<vmem>>, %arg14: memref<128x32xf32, #tpu.memory_space<vmem>>, %arg15: memref<128x32xf32, #tpu.memory_space<vmem>>, %arg16: memref<128x32xf32, #tpu.memory_space<vmem>>, %arg17: memref<10240x32xf32, #tpu.memory_space<vmem_shared>>, %arg18: memref<10240x32xf32, #tpu.memory_space<vmem_shared>>, %arg19: memref<!tpu.dma_semaphore, #tpu.memory_space<semaphore_mem>>, %arg20: memref<!tpu.dma_semaphore, #tpu.memory_space<semaphore_mem>>, %arg21: memref<!tpu.dma_semaphore, #tpu.memory_space<semaphore_mem>>, %arg22: memref<!tpu.dma_semaphore, #tpu.memory_space<semaphore_mem>>, %arg23: memref<!tpu.dma_semaphore, #tpu.memory_space<semaphore_mem>>, %arg24: memref<!tpu.dma_semaphore, #tpu.memory_space<semaphore_mem>>, %arg25: memref<!tpu.dma_semaphore, #tpu.memory_space<semaphore_mem>>, %arg26: memref<!tpu.dma_semaphore, #tpu.memory_space<semaphore_mem>>, %arg27: memref<!tpu.dma_semaphore, #tpu.memory_space<semaphore_mem>>, %arg28: memref<!tpu.dma_semaphore, #tpu.memory_space<semaphore_mem>>, %arg29: memref<!tpu.dma_semaphore, #tpu.memory_space<semaphore_mem>>, %arg30: memref<!tpu.dma_semaphore, #tpu.memory_space<semaphore_mem>>, %arg31: memref<!tpu.dma_semaphore, #tpu.memory_space<semaphore_mem>>, %arg32: memref<!tpu.dma_semaphore, #tpu.memory_space<semaphore_mem>>, %arg33: memref<!tpu.dma_semaphore, #tpu.memory_space<semaphore_mem>>, %arg34: memref<!tpu.dma_semaphore, #tpu.memory_space<semaphore_mem>>) attributes {dimension_semantics = [#tpu.dimension_semantics<core_parallel>, #tpu.dimension_semantics<subcore_parallel>], iteration_bounds = array<i64: 2, 16>, scalar_prefetch = 0 : i64, scratch_operands = 28 : i64, tpu.core_type = #tpu.core_type<sc_vector_subcore>, window_params = [{transform_indices = #map}, {transform_indices = #map1}, {transform_indices = #map}, {transform_indices = #map}, {transform_indices = #map}]} {
    "tpu.region"() ({
      %run_scoped3A = tpu.sem_alloc : memref<!tpu.dma_semaphore, #tpu.memory_space<semaphore_mem>>
      %dma_start3A_219 = arith.constant 0 : i32
      %dma_start3A_220 = tpu.memref_slice %arg2[%arg1, %dma_start3A_219] : memref<16x20480xi32, #tpu.memory_space<hbm>> -> memref<1x20480xi32, #tpu.memory_space<hbm>>
      %dma_start3A_221 = tpu.memref_squeeze %dma_start3A_220 : memref<1x20480xi32, #tpu.memory_space<hbm>> -> memref<20480xi32, #tpu.memory_space<hbm>>
      %dma_start3A_222 = arith.constant 0 : i32
      %dma_start3A_223 = tpu.memref_slice %arg2[%arg1, %dma_start3A_222] : memref<16x20480xi32, #tpu.memory_space<hbm>> -> memref<1x20480xi32, #tpu.memory_space<hbm>>
      %dma_start3A_224 = tpu.memref_squeeze %dma_start3A_223 : memref<1x20480xi32, #tpu.memory_space<hbm>> -> memref<20480xi32, #tpu.memory_space<hbm>>
      tpu.enqueue_dma source(%dma_start3A_224 : memref<20480xi32, #tpu.memory_space<hbm>>) target(%arg7 : memref<20480xi32, #tpu.memory_space<vmem>>) target_semaphore(%run_scoped3A : memref<!tpu.dma_semaphore, #tpu.memory_space<semaphore_mem>>)
      %dma_wait3A_225 = arith.constant 0 : i32
      %dma_wait3A_226 = tpu.memref_slice %arg2[%arg1, %dma_wait3A_225] : memref<16x20480xi32, #tpu.memory_space<hbm>> -> memref<1x20480xi32, #tpu.memory_space<hbm>>
      %dma_wait3A_227 = tpu.memref_squeeze %dma_wait3A_226 : memref<1x20480xi32, #tpu.memory_space<hbm>> -> memref<20480xi32, #tpu.memory_space<hbm>>
      %dma_wait3A_228 = arith.constant 0 : i32
      %dma_wait3A_229 = tpu.memref_slice %arg2[%arg1, %dma_wait3A_228] : memref<16x20480xi32, #tpu.memory_space<hbm>> -> memref<1x20480xi32, #tpu.memory_space<hbm>>
      %dma_wait3A_230 = tpu.memref_squeeze %dma_wait3A_229 : memref<1x20480xi32, #tpu.memory_space<hbm>> -> memref<20480xi32, #tpu.memory_space<hbm>>
      tpu.wait_dma2 semaphore(%run_scoped3A : memref<!tpu.dma_semaphore, #tpu.memory_space<semaphore_mem>>) src(%dma_wait3A_230 : memref<20480xi32, #tpu.memory_space<hbm>>) dst(%arg7 : memref<20480xi32, #tpu.memory_space<vmem>>)
      tpu.yield
    }) : () -> ()
    "tpu.region"() ({
      %run_scoped3A = tpu.sem_alloc : memref<!tpu.dma_semaphore, #tpu.memory_space<semaphore_mem>>
      %dma_start3A_219 = arith.constant 0 : i32
      %dma_start3A_220 = arith.constant 0 : i32
      %dma_start3A_221 = tpu.memref_slice %arg3[%arg1, %dma_start3A_219, %dma_start3A_220] : memref<16x160x128xi32, #tpu.memory_space<hbm>> -> memref<1x160x128xi32, #tpu.memory_space<hbm>>
      %dma_start3A_222 = tpu.memref_squeeze %dma_start3A_221 : memref<1x160x128xi32, #tpu.memory_space<hbm>> -> memref<160x128xi32, #tpu.memory_space<hbm>>
      %dma_start3A_223 = arith.constant 0 : i32
      %dma_start3A_224 = arith.constant 0 : i32
      %dma_start3A_225 = tpu.memref_slice %arg3[%arg1, %dma_start3A_223, %dma_start3A_224] : memref<16x160x128xi32, #tpu.memory_space<hbm>> -> memref<1x160x128xi32, #tpu.memory_space<hbm>>
      %dma_start3A_226 = tpu.memref_squeeze %dma_start3A_225 : memref<1x160x128xi32, #tpu.memory_space<hbm>> -> memref<160x128xi32, #tpu.memory_space<hbm>>
      tpu.enqueue_dma source(%dma_start3A_226 : memref<160x128xi32, #tpu.memory_space<hbm>>) target(%arg8 : memref<160x128xi32, #tpu.memory_space<vmem>>) target_semaphore(%run_scoped3A : memref<!tpu.dma_semaphore, #tpu.memory_space<semaphore_mem>>)
      %dma_wait3A_227 = arith.constant 0 : i32
      %dma_wait3A_228 = arith.constant 0 : i32
      %dma_wait3A_229 = tpu.memref_slice %arg3[%arg1, %dma_wait3A_227, %dma_wait3A_228] : memref<16x160x128xi32, #tpu.memory_space<hbm>> -> memref<1x160x128xi32, #tpu.memory_space<hbm>>
      %dma_wait3A_230 = tpu.memref_squeeze %dma_wait3A_229 : memref<1x160x128xi32, #tpu.memory_space<hbm>> -> memref<160x128xi32, #tpu.memory_space<hbm>>
      %dma_wait3A_231 = arith.constant 0 : i32
      %dma_wait3A_232 = arith.constant 0 : i32
      %dma_wait3A_233 = tpu.memref_slice %arg3[%arg1, %dma_wait3A_231, %dma_wait3A_232] : memref<16x160x128xi32, #tpu.memory_space<hbm>> -> memref<1x160x128xi32, #tpu.memory_space<hbm>>
      %dma_wait3A_234 = tpu.memref_squeeze %dma_wait3A_233 : memref<1x160x128xi32, #tpu.memory_space<hbm>> -> memref<160x128xi32, #tpu.memory_space<hbm>>
      tpu.wait_dma2 semaphore(%run_scoped3A : memref<!tpu.dma_semaphore, #tpu.memory_space<semaphore_mem>>) src(%dma_wait3A_234 : memref<160x128xi32, #tpu.memory_space<hbm>>) dst(%arg8 : memref<160x128xi32, #tpu.memory_space<vmem>>)
      tpu.yield
    }) : () -> ()
    %mul3A = arith.constant 640 : i32
    %mul3A_0 = arith.muli %arg1, %mul3A : i32
    %mul3A_1 = arith.constant 32 : i32
    %mul3A_2 = arith.muli %arg0, %mul3A_1 : i32
    "tpu.region"() ({
      %run_scoped3A = tpu.sem_alloc : memref<!tpu.dma_semaphore, #tpu.memory_space<semaphore_mem>>
      %dma_start3A_219 = arith.constant 0 : i32
      %dma_start3A_220 = tpu.memref_slice %arg18[%mul3A_0, %dma_start3A_219] : memref<10240x32xf32, #tpu.memory_space<vmem_shared>> -> memref<640x32xf32, #tpu.memory_space<vmem_shared>>
      %dma_start3A_221 = tpu.memref_slice %arg4[%mul3A_0, %mul3A_2] : memref<10240x64xf32, #tpu.memory_space<hbm>> -> memref<640x32xf32, #tpu.memory_space<hbm>>
      tpu.enqueue_dma source(%dma_start3A_221 : memref<640x32xf32, #tpu.memory_space<hbm>>) target(%dma_start3A_220 : memref<640x32xf32, #tpu.memory_space<vmem_shared>>) target_semaphore(%run_scoped3A : memref<!tpu.dma_semaphore, #tpu.memory_space<semaphore_mem>>)
      %dma_wait3A_222 = arith.constant 0 : i32
      %dma_wait3A_223 = tpu.memref_slice %arg18[%mul3A_0, %dma_wait3A_222] : memref<10240x32xf32, #tpu.memory_space<vmem_shared>> -> memref<640x32xf32, #tpu.memory_space<vmem_shared>>
      %dma_wait3A_224 = tpu.memref_slice %arg4[%mul3A_0, %mul3A_2] : memref<10240x64xf32, #tpu.memory_space<hbm>> -> memref<640x32xf32, #tpu.memory_space<hbm>>
      tpu.wait_dma2 semaphore(%run_scoped3A : memref<!tpu.dma_semaphore, #tpu.memory_space<semaphore_mem>>) src(%dma_wait3A_224 : memref<640x32xf32, #tpu.memory_space<hbm>>) dst(%dma_wait3A_223 : memref<640x32xf32, #tpu.memory_space<vmem_shared>>)
      tpu.yield
    }) : () -> ()
    "tpu.region"() ({
      %run_scoped3A = tpu.sem_alloc : memref<!tpu.dma_semaphore, #tpu.memory_space<semaphore_mem>>
      %dma_start3A_219 = arith.constant 0 : i32
      %dma_start3A_220 = tpu.memref_slice %arg17[%mul3A_0, %dma_start3A_219] : memref<10240x32xf32, #tpu.memory_space<vmem_shared>> -> memref<640x32xf32, #tpu.memory_space<vmem_shared>>
      %dma_start3A_221 = arith.constant 0 : i32
      %dma_start3A_222 = tpu.memref_slice %arg5[%mul3A_0, %dma_start3A_221] : memref<10240x32xf32, #tpu.memory_space<hbm>> -> memref<640x32xf32, #tpu.memory_space<hbm>>
      tpu.enqueue_dma source(%dma_start3A_222 : memref<640x32xf32, #tpu.memory_space<hbm>>) target(%dma_start3A_220 : memref<640x32xf32, #tpu.memory_space<vmem_shared>>) target_semaphore(%run_scoped3A : memref<!tpu.dma_semaphore, #tpu.memory_space<semaphore_mem>>)
      %dma_wait3A_223 = arith.constant 0 : i32
      %dma_wait3A_224 = tpu.memref_slice %arg17[%mul3A_0, %dma_wait3A_223] : memref<10240x32xf32, #tpu.memory_space<vmem_shared>> -> memref<640x32xf32, #tpu.memory_space<vmem_shared>>
      %dma_wait3A_225 = arith.constant 0 : i32
      %dma_wait3A_226 = tpu.memref_slice %arg5[%mul3A_0, %dma_wait3A_225] : memref<10240x32xf32, #tpu.memory_space<hbm>> -> memref<640x32xf32, #tpu.memory_space<hbm>>
      tpu.wait_dma2 semaphore(%run_scoped3A : memref<!tpu.dma_semaphore, #tpu.memory_space<semaphore_mem>>) src(%dma_wait3A_226 : memref<640x32xf32, #tpu.memory_space<hbm>>) dst(%dma_wait3A_224 : memref<640x32xf32, #tpu.memory_space<vmem_shared>>)
      tpu.yield
    }) : () -> ()
    %barrier3A = arith.constant 0 : index
    tpu.barrier barrier_id(%barrier3A)
    %dma_start3A = arith.constant 0 : i32
    %dma_start3A_3 = tpu.memref_slice %arg7[%dma_start3A] : memref<20480xi32, #tpu.memory_space<vmem>> -> memref<128xi32, #tpu.memory_space<vmem>>
    %dma_start3A_4 = arith.constant 0 : i32
    %dma_start3A_5 = arith.constant 0 : i32
    %dma_start3A_6 = tpu.memref_slice %arg18[%dma_start3A_4, %dma_start3A_5] : memref<10240x32xf32, #tpu.memory_space<vmem_shared>> -> memref<10240x32xf32, #tpu.memory_space<vmem_shared>>
    tpu.enqueue_indirect_dma source(%dma_start3A_6 : memref<10240x32xf32, #tpu.memory_space<vmem_shared>>) target(%arg9 : memref<128x32xf32, #tpu.memory_space<vmem>>) offsets(%dma_start3A_3 : memref<128xi32, #tpu.memory_space<vmem>>) semaphore(%arg19 : memref<!tpu.dma_semaphore, #tpu.memory_space<semaphore_mem>>)
    %dma_start3A_7 = arith.constant 128 : i32
    %dma_start3A_8 = tpu.memref_slice %arg7[%dma_start3A_7] : memref<20480xi32, #tpu.memory_space<vmem>> -> memref<128xi32, #tpu.memory_space<vmem>>
    %dma_start3A_9 = arith.constant 0 : i32
    %dma_start3A_10 = arith.constant 0 : i32
    %dma_start3A_11 = tpu.memref_slice %arg18[%dma_start3A_9, %dma_start3A_10] : memref<10240x32xf32, #tpu.memory_space<vmem_shared>> -> memref<10240x32xf32, #tpu.memory_space<vmem_shared>>
    tpu.enqueue_indirect_dma source(%dma_start3A_11 : memref<10240x32xf32, #tpu.memory_space<vmem_shared>>) target(%arg10 : memref<128x32xf32, #tpu.memory_space<vmem>>) offsets(%dma_start3A_8 : memref<128xi32, #tpu.memory_space<vmem>>) semaphore(%arg20 : memref<!tpu.dma_semaphore, #tpu.memory_space<semaphore_mem>>)
    %dma_start3A_12 = arith.constant 256 : i32
    %dma_start3A_13 = tpu.memref_slice %arg7[%dma_start3A_12] : memref<20480xi32, #tpu.memory_space<vmem>> -> memref<128xi32, #tpu.memory_space<vmem>>
    %dma_start3A_14 = arith.constant 0 : i32
    %dma_start3A_15 = arith.constant 0 : i32
    %dma_start3A_16 = tpu.memref_slice %arg18[%dma_start3A_14, %dma_start3A_15] : memref<10240x32xf32, #tpu.memory_space<vmem_shared>> -> memref<10240x32xf32, #tpu.memory_space<vmem_shared>>
    tpu.enqueue_indirect_dma source(%dma_start3A_16 : memref<10240x32xf32, #tpu.memory_space<vmem_shared>>) target(%arg11 : memref<128x32xf32, #tpu.memory_space<vmem>>) offsets(%dma_start3A_13 : memref<128xi32, #tpu.memory_space<vmem>>) semaphore(%arg21 : memref<!tpu.dma_semaphore, #tpu.memory_space<semaphore_mem>>)
    %dma_start3A_17 = arith.constant 384 : i32
    %dma_start3A_18 = tpu.memref_slice %arg7[%dma_start3A_17] : memref<20480xi32, #tpu.memory_space<vmem>> -> memref<128xi32, #tpu.memory_space<vmem>>
    %dma_start3A_19 = arith.constant 0 : i32
    %dma_start3A_20 = arith.constant 0 : i32
    %dma_start3A_21 = tpu.memref_slice %arg18[%dma_start3A_19, %dma_start3A_20] : memref<10240x32xf32, #tpu.memory_space<vmem_shared>> -> memref<10240x32xf32, #tpu.memory_space<vmem_shared>>
    tpu.enqueue_indirect_dma source(%dma_start3A_21 : memref<10240x32xf32, #tpu.memory_space<vmem_shared>>) target(%arg12 : memref<128x32xf32, #tpu.memory_space<vmem>>) offsets(%dma_start3A_18 : memref<128xi32, #tpu.memory_space<vmem>>) semaphore(%arg22 : memref<!tpu.dma_semaphore, #tpu.memory_space<semaphore_mem>>)
    %dma_wait3A = arith.constant 0 : i32
    %dma_wait3A_22 = tpu.memref_slice %arg7[%dma_wait3A] : memref<20480xi32, #tpu.memory_space<vmem>> -> memref<128xi32, #tpu.memory_space<vmem>>
    %dma_wait3A_23 = arith.constant 0 : i32
    %dma_wait3A_24 = arith.constant 0 : i32
    %dma_wait3A_25 = tpu.memref_slice %arg18[%dma_wait3A_23, %dma_wait3A_24] : memref<10240x32xf32, #tpu.memory_space<vmem_shared>> -> memref<10240x32xf32, #tpu.memory_space<vmem_shared>>
    tpu.wait_indirect_dma semaphore(%arg19 : memref<!tpu.dma_semaphore, #tpu.memory_space<semaphore_mem>>) src(%dma_wait3A_25 : memref<10240x32xf32, #tpu.memory_space<vmem_shared>>) dst(%arg9 : memref<128x32xf32, #tpu.memory_space<vmem>>)
    %dma_start3A_26 = arith.constant 0 : i32
    %dma_start3A_27 = arith.constant 0 : i32
    %dma_start3A_28 = tpu.memref_slice %arg8[%dma_start3A_26, %dma_start3A_27] : memref<160x128xi32, #tpu.memory_space<vmem>> -> memref<1x128xi32, #tpu.memory_space<vmem>>
    %dma_start3A_29 = tpu.memref_squeeze %dma_start3A_28 : memref<1x128xi32, #tpu.memory_space<vmem>> -> memref<128xi32, #tpu.memory_space<vmem>>
    %dma_start3A_30 = arith.constant 0 : i32
    %dma_start3A_31 = arith.constant 0 : i32
    %dma_start3A_32 = tpu.memref_slice %arg17[%dma_start3A_30, %dma_start3A_31] : memref<10240x32xf32, #tpu.memory_space<vmem_shared>> -> memref<10240x32xf32, #tpu.memory_space<vmem_shared>>
    tpu.enqueue_indirect_dma source(%arg9 : memref<128x32xf32, #tpu.memory_space<vmem>>) target(%dma_start3A_32 : memref<10240x32xf32, #tpu.memory_space<vmem_shared>>) offsets(%dma_start3A_29 : memref<128xi32, #tpu.memory_space<vmem>>) semaphore(%arg27 : memref<!tpu.dma_semaphore, #tpu.memory_space<semaphore_mem>>) {add = true}
    %dma_start3A_33 = arith.constant 512 : i32
    %dma_start3A_34 = tpu.memref_slice %arg7[%dma_start3A_33] : memref<20480xi32, #tpu.memory_space<vmem>> -> memref<128xi32, #tpu.memory_space<vmem>>
    %dma_start3A_35 = arith.constant 0 : i32
    %dma_start3A_36 = arith.constant 0 : i32
    %dma_start3A_37 = tpu.memref_slice %arg18[%dma_start3A_35, %dma_start3A_36] : memref<10240x32xf32, #tpu.memory_space<vmem_shared>> -> memref<10240x32xf32, #tpu.memory_space<vmem_shared>>
    tpu.enqueue_indirect_dma source(%dma_start3A_37 : memref<10240x32xf32, #tpu.memory_space<vmem_shared>>) target(%arg13 : memref<128x32xf32, #tpu.memory_space<vmem>>) offsets(%dma_start3A_34 : memref<128xi32, #tpu.memory_space<vmem>>) semaphore(%arg23 : memref<!tpu.dma_semaphore, #tpu.memory_space<semaphore_mem>>)
    %dma_wait3A_38 = arith.constant 128 : i32
    %dma_wait3A_39 = tpu.memref_slice %arg7[%dma_wait3A_38] : memref<20480xi32, #tpu.memory_space<vmem>> -> memref<128xi32, #tpu.memory_space<vmem>>
    %dma_wait3A_40 = arith.constant 0 : i32
    %dma_wait3A_41 = arith.constant 0 : i32
    %dma_wait3A_42 = tpu.memref_slice %arg18[%dma_wait3A_40, %dma_wait3A_41] : memref<10240x32xf32, #tpu.memory_space<vmem_shared>> -> memref<10240x32xf32, #tpu.memory_space<vmem_shared>>
    tpu.wait_indirect_dma semaphore(%arg20 : memref<!tpu.dma_semaphore, #tpu.memory_space<semaphore_mem>>) src(%dma_wait3A_42 : memref<10240x32xf32, #tpu.memory_space<vmem_shared>>) dst(%arg10 : memref<128x32xf32, #tpu.memory_space<vmem>>)
    %dma_start3A_43 = arith.constant 1 : i32
    %dma_start3A_44 = arith.constant 0 : i32
    %dma_start3A_45 = tpu.memref_slice %arg8[%dma_start3A_43, %dma_start3A_44] : memref<160x128xi32, #tpu.memory_space<vmem>> -> memref<1x128xi32, #tpu.memory_space<vmem>>
    %dma_start3A_46 = tpu.memref_squeeze %dma_start3A_45 : memref<1x128xi32, #tpu.memory_space<vmem>> -> memref<128xi32, #tpu.memory_space<vmem>>
    %dma_start3A_47 = arith.constant 0 : i32
    %dma_start3A_48 = arith.constant 0 : i32
    %dma_start3A_49 = tpu.memref_slice %arg17[%dma_start3A_47, %dma_start3A_48] : memref<10240x32xf32, #tpu.memory_space<vmem_shared>> -> memref<10240x32xf32, #tpu.memory_space<vmem_shared>>
    tpu.enqueue_indirect_dma source(%arg10 : memref<128x32xf32, #tpu.memory_space<vmem>>) target(%dma_start3A_49 : memref<10240x32xf32, #tpu.memory_space<vmem_shared>>) offsets(%dma_start3A_46 : memref<128xi32, #tpu.memory_space<vmem>>) semaphore(%arg28 : memref<!tpu.dma_semaphore, #tpu.memory_space<semaphore_mem>>) {add = true}
    %dma_start3A_50 = arith.constant 640 : i32
    %dma_start3A_51 = tpu.memref_slice %arg7[%dma_start3A_50] : memref<20480xi32, #tpu.memory_space<vmem>> -> memref<128xi32, #tpu.memory_space<vmem>>
    %dma_start3A_52 = arith.constant 0 : i32
    %dma_start3A_53 = arith.constant 0 : i32
    %dma_start3A_54 = tpu.memref_slice %arg18[%dma_start3A_52, %dma_start3A_53] : memref<10240x32xf32, #tpu.memory_space<vmem_shared>> -> memref<10240x32xf32, #tpu.memory_space<vmem_shared>>
    tpu.enqueue_indirect_dma source(%dma_start3A_54 : memref<10240x32xf32, #tpu.memory_space<vmem_shared>>) target(%arg14 : memref<128x32xf32, #tpu.memory_space<vmem>>) offsets(%dma_start3A_51 : memref<128xi32, #tpu.memory_space<vmem>>) semaphore(%arg24 : memref<!tpu.dma_semaphore, #tpu.memory_space<semaphore_mem>>)
    %dma_wait3A_55 = arith.constant 256 : i32
    %dma_wait3A_56 = tpu.memref_slice %arg7[%dma_wait3A_55] : memref<20480xi32, #tpu.memory_space<vmem>> -> memref<128xi32, #tpu.memory_space<vmem>>
    %dma_wait3A_57 = arith.constant 0 : i32
    %dma_wait3A_58 = arith.constant 0 : i32
    %dma_wait3A_59 = tpu.memref_slice %arg18[%dma_wait3A_57, %dma_wait3A_58] : memref<10240x32xf32, #tpu.memory_space<vmem_shared>> -> memref<10240x32xf32, #tpu.memory_space<vmem_shared>>
    tpu.wait_indirect_dma semaphore(%arg21 : memref<!tpu.dma_semaphore, #tpu.memory_space<semaphore_mem>>) src(%dma_wait3A_59 : memref<10240x32xf32, #tpu.memory_space<vmem_shared>>) dst(%arg11 : memref<128x32xf32, #tpu.memory_space<vmem>>)
    %dma_start3A_60 = arith.constant 2 : i32
    %dma_start3A_61 = arith.constant 0 : i32
    %dma_start3A_62 = tpu.memref_slice %arg8[%dma_start3A_60, %dma_start3A_61] : memref<160x128xi32, #tpu.memory_space<vmem>> -> memref<1x128xi32, #tpu.memory_space<vmem>>
    %dma_start3A_63 = tpu.memref_squeeze %dma_start3A_62 : memref<1x128xi32, #tpu.memory_space<vmem>> -> memref<128xi32, #tpu.memory_space<vmem>>
    %dma_start3A_64 = arith.constant 0 : i32
    %dma_start3A_65 = arith.constant 0 : i32
    %dma_start3A_66 = tpu.memref_slice %arg17[%dma_start3A_64, %dma_start3A_65] : memref<10240x32xf32, #tpu.memory_space<vmem_shared>> -> memref<10240x32xf32, #tpu.memory_space<vmem_shared>>
    tpu.enqueue_indirect_dma source(%arg11 : memref<128x32xf32, #tpu.memory_space<vmem>>) target(%dma_start3A_66 : memref<10240x32xf32, #tpu.memory_space<vmem_shared>>) offsets(%dma_start3A_63 : memref<128xi32, #tpu.memory_space<vmem>>) semaphore(%arg29 : memref<!tpu.dma_semaphore, #tpu.memory_space<semaphore_mem>>) {add = true}
    %dma_start3A_67 = arith.constant 768 : i32
    %dma_start3A_68 = tpu.memref_slice %arg7[%dma_start3A_67] : memref<20480xi32, #tpu.memory_space<vmem>> -> memref<128xi32, #tpu.memory_space<vmem>>
    %dma_start3A_69 = arith.constant 0 : i32
    %dma_start3A_70 = arith.constant 0 : i32
    %dma_start3A_71 = tpu.memref_slice %arg18[%dma_start3A_69, %dma_start3A_70] : memref<10240x32xf32, #tpu.memory_space<vmem_shared>> -> memref<10240x32xf32, #tpu.memory_space<vmem_shared>>
    tpu.enqueue_indirect_dma source(%dma_start3A_71 : memref<10240x32xf32, #tpu.memory_space<vmem_shared>>) target(%arg15 : memref<128x32xf32, #tpu.memory_space<vmem>>) offsets(%dma_start3A_68 : memref<128xi32, #tpu.memory_space<vmem>>) semaphore(%arg25 : memref<!tpu.dma_semaphore, #tpu.memory_space<semaphore_mem>>)
    %dma_wait3A_72 = arith.constant 384 : i32
    %dma_wait3A_73 = tpu.memref_slice %arg7[%dma_wait3A_72] : memref<20480xi32, #tpu.memory_space<vmem>> -> memref<128xi32, #tpu.memory_space<vmem>>
    %dma_wait3A_74 = arith.constant 0 : i32
    %dma_wait3A_75 = arith.constant 0 : i32
    %dma_wait3A_76 = tpu.memref_slice %arg18[%dma_wait3A_74, %dma_wait3A_75] : memref<10240x32xf32, #tpu.memory_space<vmem_shared>> -> memref<10240x32xf32, #tpu.memory_space<vmem_shared>>
    tpu.wait_indirect_dma semaphore(%arg22 : memref<!tpu.dma_semaphore, #tpu.memory_space<semaphore_mem>>) src(%dma_wait3A_76 : memref<10240x32xf32, #tpu.memory_space<vmem_shared>>) dst(%arg12 : memref<128x32xf32, #tpu.memory_space<vmem>>)
    %dma_start3A_77 = arith.constant 3 : i32
    %dma_start3A_78 = arith.constant 0 : i32
    %dma_start3A_79 = tpu.memref_slice %arg8[%dma_start3A_77, %dma_start3A_78] : memref<160x128xi32, #tpu.memory_space<vmem>> -> memref<1x128xi32, #tpu.memory_space<vmem>>
    %dma_start3A_80 = tpu.memref_squeeze %dma_start3A_79 : memref<1x128xi32, #tpu.memory_space<vmem>> -> memref<128xi32, #tpu.memory_space<vmem>>
    %dma_start3A_81 = arith.constant 0 : i32
    %dma_start3A_82 = arith.constant 0 : i32
    %dma_start3A_83 = tpu.memref_slice %arg17[%dma_start3A_81, %dma_start3A_82] : memref<10240x32xf32, #tpu.memory_space<vmem_shared>> -> memref<10240x32xf32, #tpu.memory_space<vmem_shared>>
    tpu.enqueue_indirect_dma source(%arg12 : memref<128x32xf32, #tpu.memory_space<vmem>>) target(%dma_start3A_83 : memref<10240x32xf32, #tpu.memory_space<vmem_shared>>) offsets(%dma_start3A_80 : memref<128xi32, #tpu.memory_space<vmem>>) semaphore(%arg30 : memref<!tpu.dma_semaphore, #tpu.memory_space<semaphore_mem>>) {add = true}
    %dma_start3A_84 = arith.constant 896 : i32
    %dma_start3A_85 = tpu.memref_slice %arg7[%dma_start3A_84] : memref<20480xi32, #tpu.memory_space<vmem>> -> memref<128xi32, #tpu.memory_space<vmem>>
    %dma_start3A_86 = arith.constant 0 : i32
    %dma_start3A_87 = arith.constant 0 : i32
    %dma_start3A_88 = tpu.memref_slice %arg18[%dma_start3A_86, %dma_start3A_87] : memref<10240x32xf32, #tpu.memory_space<vmem_shared>> -> memref<10240x32xf32, #tpu.memory_space<vmem_shared>>
    tpu.enqueue_indirect_dma source(%dma_start3A_88 : memref<10240x32xf32, #tpu.memory_space<vmem_shared>>) target(%arg16 : memref<128x32xf32, #tpu.memory_space<vmem>>) offsets(%dma_start3A_85 : memref<128xi32, #tpu.memory_space<vmem>>) semaphore(%arg26 : memref<!tpu.dma_semaphore, #tpu.memory_space<semaphore_mem>>)
    %dma_wait3A_89 = arith.constant 512 : i32
    %dma_wait3A_90 = tpu.memref_slice %arg7[%dma_wait3A_89] : memref<20480xi32, #tpu.memory_space<vmem>> -> memref<128xi32, #tpu.memory_space<vmem>>
    %dma_wait3A_91 = arith.constant 0 : i32
    %dma_wait3A_92 = arith.constant 0 : i32
    %dma_wait3A_93 = tpu.memref_slice %arg18[%dma_wait3A_91, %dma_wait3A_92] : memref<10240x32xf32, #tpu.memory_space<vmem_shared>> -> memref<10240x32xf32, #tpu.memory_space<vmem_shared>>
    tpu.wait_indirect_dma semaphore(%arg23 : memref<!tpu.dma_semaphore, #tpu.memory_space<semaphore_mem>>) src(%dma_wait3A_93 : memref<10240x32xf32, #tpu.memory_space<vmem_shared>>) dst(%arg13 : memref<128x32xf32, #tpu.memory_space<vmem>>)
    %dma_start3A_94 = arith.constant 4 : i32
    %dma_start3A_95 = arith.constant 0 : i32
    %dma_start3A_96 = tpu.memref_slice %arg8[%dma_start3A_94, %dma_start3A_95] : memref<160x128xi32, #tpu.memory_space<vmem>> -> memref<1x128xi32, #tpu.memory_space<vmem>>
    %dma_start3A_97 = tpu.memref_squeeze %dma_start3A_96 : memref<1x128xi32, #tpu.memory_space<vmem>> -> memref<128xi32, #tpu.memory_space<vmem>>
    %dma_start3A_98 = arith.constant 0 : i32
    %dma_start3A_99 = arith.constant 0 : i32
    %dma_start3A_100 = tpu.memref_slice %arg17[%dma_start3A_98, %dma_start3A_99] : memref<10240x32xf32, #tpu.memory_space<vmem_shared>> -> memref<10240x32xf32, #tpu.memory_space<vmem_shared>>
    tpu.enqueue_indirect_dma source(%arg13 : memref<128x32xf32, #tpu.memory_space<vmem>>) target(%dma_start3A_100 : memref<10240x32xf32, #tpu.memory_space<vmem_shared>>) offsets(%dma_start3A_97 : memref<128xi32, #tpu.memory_space<vmem>>) semaphore(%arg31 : memref<!tpu.dma_semaphore, #tpu.memory_space<semaphore_mem>>) {add = true}
    %dma_wait3A_101 = arith.constant 0 : i32
    %dma_wait3A_102 = arith.constant 0 : i32
    %dma_wait3A_103 = tpu.memref_slice %arg8[%dma_wait3A_101, %dma_wait3A_102] : memref<160x128xi32, #tpu.memory_space<vmem>> -> memref<1x128xi32, #tpu.memory_space<vmem>>
    %dma_wait3A_104 = tpu.memref_squeeze %dma_wait3A_103 : memref<1x128xi32, #tpu.memory_space<vmem>> -> memref<128xi32, #tpu.memory_space<vmem>>
    %dma_wait3A_105 = arith.constant 0 : i32
    %dma_wait3A_106 = arith.constant 0 : i32
    %dma_wait3A_107 = tpu.memref_slice %arg17[%dma_wait3A_105, %dma_wait3A_106] : memref<10240x32xf32, #tpu.memory_space<vmem_shared>> -> memref<10240x32xf32, #tpu.memory_space<vmem_shared>>
    tpu.wait_indirect_dma semaphore(%arg27 : memref<!tpu.dma_semaphore, #tpu.memory_space<semaphore_mem>>) src(%arg9 : memref<128x32xf32, #tpu.memory_space<vmem>>) dst(%dma_wait3A_107 : memref<10240x32xf32, #tpu.memory_space<vmem_shared>>)
    %dma_start3A_108 = arith.constant 1024 : i32
    %dma_start3A_109 = tpu.memref_slice %arg7[%dma_start3A_108] : memref<20480xi32, #tpu.memory_space<vmem>> -> memref<128xi32, #tpu.memory_space<vmem>>
    %dma_start3A_110 = arith.constant 0 : i32
    %dma_start3A_111 = arith.constant 0 : i32
    %dma_start3A_112 = tpu.memref_slice %arg18[%dma_start3A_110, %dma_start3A_111] : memref<10240x32xf32, #tpu.memory_space<vmem_shared>> -> memref<10240x32xf32, #tpu.memory_space<vmem_shared>>
    tpu.enqueue_indirect_dma source(%dma_start3A_112 : memref<10240x32xf32, #tpu.memory_space<vmem_shared>>) target(%arg9 : memref<128x32xf32, #tpu.memory_space<vmem>>) offsets(%dma_start3A_109 : memref<128xi32, #tpu.memory_space<vmem>>) semaphore(%arg19 : memref<!tpu.dma_semaphore, #tpu.memory_space<semaphore_mem>>)
    %dma_wait3A_113 = arith.constant 640 : i32
    %dma_wait3A_114 = tpu.memref_slice %arg7[%dma_wait3A_113] : memref<20480xi32, #tpu.memory_space<vmem>> -> memref<128xi32, #tpu.memory_space<vmem>>
    %dma_wait3A_115 = arith.constant 0 : i32
    %dma_wait3A_116 = arith.constant 0 : i32
    %dma_wait3A_117 = tpu.memref_slice %arg18[%dma_wait3A_115, %dma_wait3A_116] : memref<10240x32xf32, #tpu.memory_space<vmem_shared>> -> memref<10240x32xf32, #tpu.memory_space<vmem_shared>>
    tpu.wait_indirect_dma semaphore(%arg24 : memref<!tpu.dma_semaphore, #tpu.memory_space<semaphore_mem>>) src(%dma_wait3A_117 : memref<10240x32xf32, #tpu.memory_space<vmem_shared>>) dst(%arg14 : memref<128x32xf32, #tpu.memory_space<vmem>>)
    %dma_start3A_118 = arith.constant 5 : i32
    %dma_start3A_119 = arith.constant 0 : i32
    %dma_start3A_120 = tpu.memref_slice %arg8[%dma_start3A_118, %dma_start3A_119] : memref<160x128xi32, #tpu.memory_space<vmem>> -> memref<1x128xi32, #tpu.memory_space<vmem>>
    %dma_start3A_121 = tpu.memref_squeeze %dma_start3A_120 : memref<1x128xi32, #tpu.memory_space<vmem>> -> memref<128xi32, #tpu.memory_space<vmem>>
    %dma_start3A_122 = arith.constant 0 : i32
    %dma_start3A_123 = arith.constant 0 : i32
    %dma_start3A_124 = tpu.memref_slice %arg17[%dma_start3A_122, %dma_start3A_123] : memref<10240x32xf32, #tpu.memory_space<vmem_shared>> -> memref<10240x32xf32, #tpu.memory_space<vmem_shared>>
    tpu.enqueue_indirect_dma source(%arg14 : memref<128x32xf32, #tpu.memory_space<vmem>>) target(%dma_start3A_124 : memref<10240x32xf32, #tpu.memory_space<vmem_shared>>) offsets(%dma_start3A_121 : memref<128xi32, #tpu.memory_space<vmem>>) semaphore(%arg32 : memref<!tpu.dma_semaphore, #tpu.memory_space<semaphore_mem>>) {add = true}
    %dma_wait3A_125 = arith.constant 1 : i32
    %dma_wait3A_126 = arith.constant 0 : i32
    %dma_wait3A_127 = tpu.memref_slice %arg8[%dma_wait3A_125, %dma_wait3A_126] : memref<160x128xi32, #tpu.memory_space<vmem>> -> memref<1x128xi32, #tpu.memory_space<vmem>>
    %dma_wait3A_128 = tpu.memref_squeeze %dma_wait3A_127 : memref<1x128xi32, #tpu.memory_space<vmem>> -> memref<128xi32, #tpu.memory_space<vmem>>
    %dma_wait3A_129 = arith.constant 0 : i32
    %dma_wait3A_130 = arith.constant 0 : i32
    %dma_wait3A_131 = tpu.memref_slice %arg17[%dma_wait3A_129, %dma_wait3A_130] : memref<10240x32xf32, #tpu.memory_space<vmem_shared>> -> memref<10240x32xf32, #tpu.memory_space<vmem_shared>>
    tpu.wait_indirect_dma semaphore(%arg28 : memref<!tpu.dma_semaphore, #tpu.memory_space<semaphore_mem>>) src(%arg10 : memref<128x32xf32, #tpu.memory_space<vmem>>) dst(%dma_wait3A_131 : memref<10240x32xf32, #tpu.memory_space<vmem_shared>>)
    %dma_start3A_132 = arith.constant 1152 : i32
    %dma_start3A_133 = tpu.memref_slice %arg7[%dma_start3A_132] : memref<20480xi32, #tpu.memory_space<vmem>> -> memref<128xi32, #tpu.memory_space<vmem>>
    %dma_start3A_134 = arith.constant 0 : i32
    %dma_start3A_135 = arith.constant 0 : i32
    %dma_start3A_136 = tpu.memref_slice %arg18[%dma_start3A_134, %dma_start3A_135] : memref<10240x32xf32, #tpu.memory_space<vmem_shared>> -> memref<10240x32xf32, #tpu.memory_space<vmem_shared>>
    tpu.enqueue_indirect_dma source(%dma_start3A_136 : memref<10240x32xf32, #tpu.memory_space<vmem_shared>>) target(%arg10 : memref<128x32xf32, #tpu.memory_space<vmem>>) offsets(%dma_start3A_133 : memref<128xi32, #tpu.memory_space<vmem>>) semaphore(%arg20 : memref<!tpu.dma_semaphore, #tpu.memory_space<semaphore_mem>>)
    %dma_wait3A_137 = arith.constant 768 : i32
    %dma_wait3A_138 = tpu.memref_slice %arg7[%dma_wait3A_137] : memref<20480xi32, #tpu.memory_space<vmem>> -> memref<128xi32, #tpu.memory_space<vmem>>
    %dma_wait3A_139 = arith.constant 0 : i32
    %dma_wait3A_140 = arith.constant 0 : i32
    %dma_wait3A_141 = tpu.memref_slice %arg18[%dma_wait3A_139, %dma_wait3A_140] : memref<10240x32xf32, #tpu.memory_space<vmem_shared>> -> memref<10240x32xf32, #tpu.memory_space<vmem_shared>>
    tpu.wait_indirect_dma semaphore(%arg25 : memref<!tpu.dma_semaphore, #tpu.memory_space<semaphore_mem>>) src(%dma_wait3A_141 : memref<10240x32xf32, #tpu.memory_space<vmem_shared>>) dst(%arg15 : memref<128x32xf32, #tpu.memory_space<vmem>>)
    %dma_start3A_142 = arith.constant 6 : i32
    %dma_start3A_143 = arith.constant 0 : i32
    %dma_start3A_144 = tpu.memref_slice %arg8[%dma_start3A_142, %dma_start3A_143] : memref<160x128xi32, #tpu.memory_space<vmem>> -> memref<1x128xi32, #tpu.memory_space<vmem>>
    %dma_start3A_145 = tpu.memref_squeeze %dma_start3A_144 : memref<1x128xi32, #tpu.memory_space<vmem>> -> memref<128xi32, #tpu.memory_space<vmem>>
    %dma_start3A_146 = arith.constant 0 : i32
    %dma_start3A_147 = arith.constant 0 : i32
    %dma_start3A_148 = tpu.memref_slice %arg17[%dma_start3A_146, %dma_start3A_147] : memref<10240x32xf32, #tpu.memory_space<vmem_shared>> -> memref<10240x32xf32, #tpu.memory_space<vmem_shared>>
    tpu.enqueue_indirect_dma source(%arg15 : memref<128x32xf32, #tpu.memory_space<vmem>>) target(%dma_start3A_148 : memref<10240x32xf32, #tpu.memory_space<vmem_shared>>) offsets(%dma_start3A_145 : memref<128xi32, #tpu.memory_space<vmem>>) semaphore(%arg33 : memref<!tpu.dma_semaphore, #tpu.memory_space<semaphore_mem>>) {add = true}
    %dma_wait3A_149 = arith.constant 2 : i32
    %dma_wait3A_150 = arith.constant 0 : i32
    %dma_wait3A_151 = tpu.memref_slice %arg8[%dma_wait3A_149, %dma_wait3A_150] : memref<160x128xi32, #tpu.memory_space<vmem>> -> memref<1x128xi32, #tpu.memory_space<vmem>>
    %dma_wait3A_152 = tpu.memref_squeeze %dma_wait3A_151 : memref<1x128xi32, #tpu.memory_space<vmem>> -> memref<128xi32, #tpu.memory_space<vmem>>
    %dma_wait3A_153 = arith.constant 0 : i32
    %dma_wait3A_154 = arith.constant 0 : i32
    %dma_wait3A_155 = tpu.memref_slice %arg17[%dma_wait3A_153, %dma_wait3A_154] : memref<10240x32xf32, #tpu.memory_space<vmem_shared>> -> memref<10240x32xf32, #tpu.memory_space<vmem_shared>>
    tpu.wait_indirect_dma semaphore(%arg29 : memref<!tpu.dma_semaphore, #tpu.memory_space<semaphore_mem>>) src(%arg11 : memref<128x32xf32, #tpu.memory_space<vmem>>) dst(%dma_wait3A_155 : memref<10240x32xf32, #tpu.memory_space<vmem_shared>>)
    %dma_start3A_156 = arith.constant 1280 : i32
    %dma_start3A_157 = tpu.memref_slice %arg7[%dma_start3A_156] : memref<20480xi32, #tpu.memory_space<vmem>> -> memref<128xi32, #tpu.memory_space<vmem>>
    %dma_start3A_158 = arith.constant 0 : i32
    %dma_start3A_159 = arith.constant 0 : i32
    %dma_start3A_160 = tpu.memref_slice %arg18[%dma_start3A_158, %dma_start3A_159] : memref<10240x32xf32, #tpu.memory_space<vmem_shared>> -> memref<10240x32xf32, #tpu.memory_space<vmem_shared>>
    tpu.enqueue_indirect_dma source(%dma_start3A_160 : memref<10240x32xf32, #tpu.memory_space<vmem_shared>>) target(%arg11 : memref<128x32xf32, #tpu.memory_space<vmem>>) offsets(%dma_start3A_157 : memref<128xi32, #tpu.memory_space<vmem>>) semaphore(%arg21 : memref<!tpu.dma_semaphore, #tpu.memory_space<semaphore_mem>>)
    %dma_wait3A_161 = arith.constant 896 : i32
    %dma_wait3A_162 = tpu.memref_slice %arg7[%dma_wait3A_161] : memref<20480xi32, #tpu.memory_space<vmem>> -> memref<128xi32, #tpu.memory_space<vmem>>
    %dma_wait3A_163 = arith.constant 0 : i32
    %dma_wait3A_164 = arith.constant 0 : i32
    %dma_wait3A_165 = tpu.memref_slice %arg18[%dma_wait3A_163, %dma_wait3A_164] : memref<10240x32xf32, #tpu.memory_space<vmem_shared>> -> memref<10240x32xf32, #tpu.memory_space<vmem_shared>>
    tpu.wait_indirect_dma semaphore(%arg26 : memref<!tpu.dma_semaphore, #tpu.memory_space<semaphore_mem>>) src(%dma_wait3A_165 : memref<10240x32xf32, #tpu.memory_space<vmem_shared>>) dst(%arg16 : memref<128x32xf32, #tpu.memory_space<vmem>>)
    %dma_start3A_166 = arith.constant 7 : i32
    %dma_start3A_167 = arith.constant 0 : i32
    %dma_start3A_168 = tpu.memref_slice %arg8[%dma_start3A_166, %dma_start3A_167] : memref<160x128xi32, #tpu.memory_space<vmem>> -> memref<1x128xi32, #tpu.memory_space<vmem>>
    %dma_start3A_169 = tpu.memref_squeeze %dma_start3A_168 : memref<1x128xi32, #tpu.memory_space<vmem>> -> memref<128xi32, #tpu.memory_space<vmem>>
    %dma_start3A_170 = arith.constant 0 : i32
    %dma_start3A_171 = arith.constant 0 : i32
    %dma_start3A_172 = tpu.memref_slice %arg17[%dma_start3A_170, %dma_start3A_171] : memref<10240x32xf32, #tpu.memory_space<vmem_shared>> -> memref<10240x32xf32, #tpu.memory_space<vmem_shared>>
    tpu.enqueue_indirect_dma source(%arg16 : memref<128x32xf32, #tpu.memory_space<vmem>>) target(%dma_start3A_172 : memref<10240x32xf32, #tpu.memory_space<vmem_shared>>) offsets(%dma_start3A_169 : memref<128xi32, #tpu.memory_space<vmem>>) semaphore(%arg34 : memref<!tpu.dma_semaphore, #tpu.memory_space<semaphore_mem>>) {add = true}
    %dma_wait3A_173 = arith.constant 3 : i32
    %dma_wait3A_174 = arith.constant 0 : i32
    %dma_wait3A_175 = tpu.memref_slice %arg8[%dma_wait3A_173, %dma_wait3A_174] : memref<160x128xi32, #tpu.memory_space<vmem>> -> memref<1x128xi32, #tpu.memory_space<vmem>>
    %dma_wait3A_176 = tpu.memref_squeeze %dma_wait3A_175 : memref<1x128xi32, #tpu.memory_space<vmem>> -> memref<128xi32, #tpu.memory_space<vmem>>
    %dma_wait3A_177 = arith.constant 0 : i32
    %dma_wait3A_178 = arith.constant 0 : i32
    %dma_wait3A_179 = tpu.memref_slice %arg17[%dma_wait3A_177, %dma_wait3A_178] : memref<10240x32xf32, #tpu.memory_space<vmem_shared>> -> memref<10240x32xf32, #tpu.memory_space<vmem_shared>>
    tpu.wait_indirect_dma semaphore(%arg30 : memref<!tpu.dma_semaphore, #tpu.memory_space<semaphore_mem>>) src(%arg12 : memref<128x32xf32, #tpu.memory_space<vmem>>) dst(%dma_wait3A_179 : memref<10240x32xf32, #tpu.memory_space<vmem_shared>>)
    %dma_start3A_180 = arith.constant 1408 : i32
    %dma_start3A_181 = tpu.memref_slice %arg7[%dma_start3A_180] : memref<20480xi32, #tpu.memory_space<vmem>> -> memref<128xi32, #tpu.memory_space<vmem>>
    %dma_start3A_182 = arith.constant 0 : i32
    %dma_start3A_183 = arith.constant 0 : i32
    %dma_start3A_184 = tpu.memref_slice %arg18[%dma_start3A_182, %dma_start3A_183] : memref<10240x32xf32, #tpu.memory_space<vmem_shared>> -> memref<10240x32xf32, #tpu.memory_space<vmem_shared>>
    tpu.enqueue_indirect_dma source(%dma_start3A_184 : memref<10240x32xf32, #tpu.memory_space<vmem_shared>>) target(%arg12 : memref<128x32xf32, #tpu.memory_space<vmem>>) offsets(%dma_start3A_181 : memref<128xi32, #tpu.memory_space<vmem>>) semaphore(%arg22 : memref<!tpu.dma_semaphore, #tpu.memory_space<semaphore_mem>>)
    %scan3A = arith.constant 0 : i32
    %scan3A_185 = arith.constant 1 : i32
    %scan3A_186 = arith.constant 19 : i32
    %scan3A_187 = arith.addi %scan3A_185, %scan3A_186 : i32
    %scan3A_188 = arith.constant 1 : i32
    scf.for %scan3A_219 = %scan3A_185 to %scan3A_187 step %scan3A_188  : i32 {
      %mul3A_220 = arith.constant 8 : i32
      %mul3A_221 = arith.muli %scan3A_219, %mul3A_220 : i32
      %add3A = arith.constant 0 : i32
      %add3A_222 = arith.addi %mul3A_221, %add3A : i32
      %mul3A_223 = arith.constant 128 : i32
      %mul3A_224 = arith.muli %add3A_222, %mul3A_223 : i32
      %dma_wait3A_225 = tpu.memref_slice %arg7[%mul3A_224] : memref<20480xi32, #tpu.memory_space<vmem>> -> memref<128xi32, #tpu.memory_space<vmem>>
      %dma_wait3A_226 = arith.constant 0 : i32
      %dma_wait3A_227 = arith.constant 0 : i32
      %dma_wait3A_228 = tpu.memref_slice %arg18[%dma_wait3A_226, %dma_wait3A_227] : memref<10240x32xf32, #tpu.memory_space<vmem_shared>> -> memref<10240x32xf32, #tpu.memory_space<vmem_shared>>
      tpu.wait_indirect_dma semaphore(%arg19 : memref<!tpu.dma_semaphore, #tpu.memory_space<semaphore_mem>>) src(%dma_wait3A_228 : memref<10240x32xf32, #tpu.memory_space<vmem_shared>>) dst(%arg9 : memref<128x32xf32, #tpu.memory_space<vmem>>)
      %dma_start3A_229 = arith.constant 0 : i32
      %dma_start3A_230 = tpu.memref_slice %arg8[%add3A_222, %dma_start3A_229] : memref<160x128xi32, #tpu.memory_space<vmem>> -> memref<1x128xi32, #tpu.memory_space<vmem>>
      %dma_start3A_231 = tpu.memref_squeeze %dma_start3A_230 : memref<1x128xi32, #tpu.memory_space<vmem>> -> memref<128xi32, #tpu.memory_space<vmem>>
      %dma_start3A_232 = arith.constant 0 : i32
      %dma_start3A_233 = arith.constant 0 : i32
      %dma_start3A_234 = tpu.memref_slice %arg17[%dma_start3A_232, %dma_start3A_233] : memref<10240x32xf32, #tpu.memory_space<vmem_shared>> -> memref<10240x32xf32, #tpu.memory_space<vmem_shared>>
      tpu.enqueue_indirect_dma source(%arg9 : memref<128x32xf32, #tpu.memory_space<vmem>>) target(%dma_start3A_234 : memref<10240x32xf32, #tpu.memory_space<vmem_shared>>) offsets(%dma_start3A_231 : memref<128xi32, #tpu.memory_space<vmem>>) semaphore(%arg27 : memref<!tpu.dma_semaphore, #tpu.memory_space<semaphore_mem>>) {add = true}
      %sub3A = arith.constant 4 : i32
      %sub3A_235 = arith.subi %add3A_222, %sub3A : i32
      %dma_wait3A_236 = arith.constant 0 : i32
      %dma_wait3A_237 = tpu.memref_slice %arg8[%sub3A_235, %dma_wait3A_236] : memref<160x128xi32, #tpu.memory_space<vmem>> -> memref<1x128xi32, #tpu.memory_space<vmem>>
      %dma_wait3A_238 = tpu.memref_squeeze %dma_wait3A_237 : memref<1x128xi32, #tpu.memory_space<vmem>> -> memref<128xi32, #tpu.memory_space<vmem>>
      %dma_wait3A_239 = arith.constant 0 : i32
      %dma_wait3A_240 = arith.constant 0 : i32
      %dma_wait3A_241 = tpu.memref_slice %arg17[%dma_wait3A_239, %dma_wait3A_240] : memref<10240x32xf32, #tpu.memory_space<vmem_shared>> -> memref<10240x32xf32, #tpu.memory_space<vmem_shared>>
      tpu.wait_indirect_dma semaphore(%arg31 : memref<!tpu.dma_semaphore, #tpu.memory_space<semaphore_mem>>) src(%arg13 : memref<128x32xf32, #tpu.memory_space<vmem>>) dst(%dma_wait3A_241 : memref<10240x32xf32, #tpu.memory_space<vmem_shared>>)
      %add3A_242 = arith.constant 4 : i32
      %add3A_243 = arith.addi %add3A_222, %add3A_242 : i32
      %lt3A = arith.constant 160 : i32
      %lt3A_244 = arith.cmpi slt, %add3A_243, %lt3A : i32
      %convert_element_type3A = arith.extui %lt3A_244 : i1 to i32
      %cond3A = arith.constant 0 : i32
      %cond3A_245 = arith.cmpi ne, %convert_element_type3A, %cond3A : i32
      scf.if %cond3A_245 {
        %add3A_449 = arith.constant 4 : i32
        %add3A_450 = arith.addi %add3A_222, %add3A_449 : i32
        %mul3A_451 = arith.constant 128 : i32
        %mul3A_452 = arith.muli %add3A_450, %mul3A_451 : i32
        %dma_start3A_453 = tpu.memref_slice %arg7[%mul3A_452] : memref<20480xi32, #tpu.memory_space<vmem>> -> memref<128xi32, #tpu.memory_space<vmem>>
        %dma_start3A_454 = arith.constant 0 : i32
        %dma_start3A_455 = arith.constant 0 : i32
        %dma_start3A_456 = tpu.memref_slice %arg18[%dma_start3A_454, %dma_start3A_455] : memref<10240x32xf32, #tpu.memory_space<vmem_shared>> -> memref<10240x32xf32, #tpu.memory_space<vmem_shared>>
        tpu.enqueue_indirect_dma source(%dma_start3A_456 : memref<10240x32xf32, #tpu.memory_space<vmem_shared>>) target(%arg13 : memref<128x32xf32, #tpu.memory_space<vmem>>) offsets(%dma_start3A_453 : memref<128xi32, #tpu.memory_space<vmem>>) semaphore(%arg23 : memref<!tpu.dma_semaphore, #tpu.memory_space<semaphore_mem>>)
      } else {
      }
      %add3A_246 = arith.constant 1 : i32
      %add3A_247 = arith.addi %mul3A_221, %add3A_246 : i32
      %mul3A_248 = arith.constant 128 : i32
      %mul3A_249 = arith.muli %add3A_247, %mul3A_248 : i32
      %dma_wait3A_250 = tpu.memref_slice %arg7[%mul3A_249] : memref<20480xi32, #tpu.memory_space<vmem>> -> memref<128xi32, #tpu.memory_space<vmem>>
      %dma_wait3A_251 = arith.constant 0 : i32
      %dma_wait3A_252 = arith.constant 0 : i32
      %dma_wait3A_253 = tpu.memref_slice %arg18[%dma_wait3A_251, %dma_wait3A_252] : memref<10240x32xf32, #tpu.memory_space<vmem_shared>> -> memref<10240x32xf32, #tpu.memory_space<vmem_shared>>
      tpu.wait_indirect_dma semaphore(%arg20 : memref<!tpu.dma_semaphore, #tpu.memory_space<semaphore_mem>>) src(%dma_wait3A_253 : memref<10240x32xf32, #tpu.memory_space<vmem_shared>>) dst(%arg10 : memref<128x32xf32, #tpu.memory_space<vmem>>)
      %dma_start3A_254 = arith.constant 0 : i32
      %dma_start3A_255 = tpu.memref_slice %arg8[%add3A_247, %dma_start3A_254] : memref<160x128xi32, #tpu.memory_space<vmem>> -> memref<1x128xi32, #tpu.memory_space<vmem>>
      %dma_start3A_256 = tpu.memref_squeeze %dma_start3A_255 : memref<1x128xi32, #tpu.memory_space<vmem>> -> memref<128xi32, #tpu.memory_space<vmem>>
      %dma_start3A_257 = arith.constant 0 : i32
      %dma_start3A_258 = arith.constant 0 : i32
      %dma_start3A_259 = tpu.memref_slice %arg17[%dma_start3A_257, %dma_start3A_258] : memref<10240x32xf32, #tpu.memory_space<vmem_shared>> -> memref<10240x32xf32, #tpu.memory_space<vmem_shared>>
      tpu.enqueue_indirect_dma source(%arg10 : memref<128x32xf32, #tpu.memory_space<vmem>>) target(%dma_start3A_259 : memref<10240x32xf32, #tpu.memory_space<vmem_shared>>) offsets(%dma_start3A_256 : memref<128xi32, #tpu.memory_space<vmem>>) semaphore(%arg28 : memref<!tpu.dma_semaphore, #tpu.memory_space<semaphore_mem>>) {add = true}
      %sub3A_260 = arith.constant 4 : i32
      %sub3A_261 = arith.subi %add3A_247, %sub3A_260 : i32
      %dma_wait3A_262 = arith.constant 0 : i32
      %dma_wait3A_263 = tpu.memref_slice %arg8[%sub3A_261, %dma_wait3A_262] : memref<160x128xi32, #tpu.memory_space<vmem>> -> memref<1x128xi32, #tpu.memory_space<vmem>>
      %dma_wait3A_264 = tpu.memref_squeeze %dma_wait3A_263 : memref<1x128xi32, #tpu.memory_space<vmem>> -> memref<128xi32, #tpu.memory_space<vmem>>
      %dma_wait3A_265 = arith.constant 0 : i32
      %dma_wait3A_266 = arith.constant 0 : i32
      %dma_wait3A_267 = tpu.memref_slice %arg17[%dma_wait3A_265, %dma_wait3A_266] : memref<10240x32xf32, #tpu.memory_space<vmem_shared>> -> memref<10240x32xf32, #tpu.memory_space<vmem_shared>>
      tpu.wait_indirect_dma semaphore(%arg32 : memref<!tpu.dma_semaphore, #tpu.memory_space<semaphore_mem>>) src(%arg14 : memref<128x32xf32, #tpu.memory_space<vmem>>) dst(%dma_wait3A_267 : memref<10240x32xf32, #tpu.memory_space<vmem_shared>>)
      %add3A_268 = arith.constant 4 : i32
      %add3A_269 = arith.addi %add3A_247, %add3A_268 : i32
      %lt3A_270 = arith.constant 160 : i32
      %lt3A_271 = arith.cmpi slt, %add3A_269, %lt3A_270 : i32
      %convert_element_type3A_272 = arith.extui %lt3A_271 : i1 to i32
      %cond3A_273 = arith.constant 0 : i32
      %cond3A_274 = arith.cmpi ne, %convert_element_type3A_272, %cond3A_273 : i32
      scf.if %cond3A_274 {
        %add3A_449 = arith.constant 4 : i32
        %add3A_450 = arith.addi %add3A_247, %add3A_449 : i32
        %mul3A_451 = arith.constant 128 : i32
        %mul3A_452 = arith.muli %add3A_450, %mul3A_451 : i32
        %dma_start3A_453 = tpu.memref_slice %arg7[%mul3A_452] : memref<20480xi32, #tpu.memory_space<vmem>> -> memref<128xi32, #tpu.memory_space<vmem>>
        %dma_start3A_454 = arith.constant 0 : i32
        %dma_start3A_455 = arith.constant 0 : i32
        %dma_start3A_456 = tpu.memref_slice %arg18[%dma_start3A_454, %dma_start3A_455] : memref<10240x32xf32, #tpu.memory_space<vmem_shared>> -> memref<10240x32xf32, #tpu.memory_space<vmem_shared>>
        tpu.enqueue_indirect_dma source(%dma_start3A_456 : memref<10240x32xf32, #tpu.memory_space<vmem_shared>>) target(%arg14 : memref<128x32xf32, #tpu.memory_space<vmem>>) offsets(%dma_start3A_453 : memref<128xi32, #tpu.memory_space<vmem>>) semaphore(%arg24 : memref<!tpu.dma_semaphore, #tpu.memory_space<semaphore_mem>>)
      } else {
      }
      %add3A_275 = arith.constant 2 : i32
      %add3A_276 = arith.addi %mul3A_221, %add3A_275 : i32
      %mul3A_277 = arith.constant 128 : i32
      %mul3A_278 = arith.muli %add3A_276, %mul3A_277 : i32
      %dma_wait3A_279 = tpu.memref_slice %arg7[%mul3A_278] : memref<20480xi32, #tpu.memory_space<vmem>> -> memref<128xi32, #tpu.memory_space<vmem>>
      %dma_wait3A_280 = arith.constant 0 : i32
      %dma_wait3A_281 = arith.constant 0 : i32
      %dma_wait3A_282 = tpu.memref_slice %arg18[%dma_wait3A_280, %dma_wait3A_281] : memref<10240x32xf32, #tpu.memory_space<vmem_shared>> -> memref<10240x32xf32, #tpu.memory_space<vmem_shared>>
      tpu.wait_indirect_dma semaphore(%arg21 : memref<!tpu.dma_semaphore, #tpu.memory_space<semaphore_mem>>) src(%dma_wait3A_282 : memref<10240x32xf32, #tpu.memory_space<vmem_shared>>) dst(%arg11 : memref<128x32xf32, #tpu.memory_space<vmem>>)
      %dma_start3A_283 = arith.constant 0 : i32
      %dma_start3A_284 = tpu.memref_slice %arg8[%add3A_276, %dma_start3A_283] : memref<160x128xi32, #tpu.memory_space<vmem>> -> memref<1x128xi32, #tpu.memory_space<vmem>>
      %dma_start3A_285 = tpu.memref_squeeze %dma_start3A_284 : memref<1x128xi32, #tpu.memory_space<vmem>> -> memref<128xi32, #tpu.memory_space<vmem>>
      %dma_start3A_286 = arith.constant 0 : i32
      %dma_start3A_287 = arith.constant 0 : i32
      %dma_start3A_288 = tpu.memref_slice %arg17[%dma_start3A_286, %dma_start3A_287] : memref<10240x32xf32, #tpu.memory_space<vmem_shared>> -> memref<10240x32xf32, #tpu.memory_space<vmem_shared>>
      tpu.enqueue_indirect_dma source(%arg11 : memref<128x32xf32, #tpu.memory_space<vmem>>) target(%dma_start3A_288 : memref<10240x32xf32, #tpu.memory_space<vmem_shared>>) offsets(%dma_start3A_285 : memref<128xi32, #tpu.memory_space<vmem>>) semaphore(%arg29 : memref<!tpu.dma_semaphore, #tpu.memory_space<semaphore_mem>>) {add = true}
      %sub3A_289 = arith.constant 4 : i32
      %sub3A_290 = arith.subi %add3A_276, %sub3A_289 : i32
      %dma_wait3A_291 = arith.constant 0 : i32
      %dma_wait3A_292 = tpu.memref_slice %arg8[%sub3A_290, %dma_wait3A_291] : memref<160x128xi32, #tpu.memory_space<vmem>> -> memref<1x128xi32, #tpu.memory_space<vmem>>
      %dma_wait3A_293 = tpu.memref_squeeze %dma_wait3A_292 : memref<1x128xi32, #tpu.memory_space<vmem>> -> memref<128xi32, #tpu.memory_space<vmem>>
      %dma_wait3A_294 = arith.constant 0 : i32
      %dma_wait3A_295 = arith.constant 0 : i32
      %dma_wait3A_296 = tpu.memref_slice %arg17[%dma_wait3A_294, %dma_wait3A_295] : memref<10240x32xf32, #tpu.memory_space<vmem_shared>> -> memref<10240x32xf32, #tpu.memory_space<vmem_shared>>
      tpu.wait_indirect_dma semaphore(%arg33 : memref<!tpu.dma_semaphore, #tpu.memory_space<semaphore_mem>>) src(%arg15 : memref<128x32xf32, #tpu.memory_space<vmem>>) dst(%dma_wait3A_296 : memref<10240x32xf32, #tpu.memory_space<vmem_shared>>)
      %add3A_297 = arith.constant 4 : i32
      %add3A_298 = arith.addi %add3A_276, %add3A_297 : i32
      %lt3A_299 = arith.constant 160 : i32
      %lt3A_300 = arith.cmpi slt, %add3A_298, %lt3A_299 : i32
      %convert_element_type3A_301 = arith.extui %lt3A_300 : i1 to i32
      %cond3A_302 = arith.constant 0 : i32
      %cond3A_303 = arith.cmpi ne, %convert_element_type3A_301, %cond3A_302 : i32
      scf.if %cond3A_303 {
        %add3A_449 = arith.constant 4 : i32
        %add3A_450 = arith.addi %add3A_276, %add3A_449 : i32
        %mul3A_451 = arith.constant 128 : i32
        %mul3A_452 = arith.muli %add3A_450, %mul3A_451 : i32
        %dma_start3A_453 = tpu.memref_slice %arg7[%mul3A_452] : memref<20480xi32, #tpu.memory_space<vmem>> -> memref<128xi32, #tpu.memory_space<vmem>>
        %dma_start3A_454 = arith.constant 0 : i32
        %dma_start3A_455 = arith.constant 0 : i32
        %dma_start3A_456 = tpu.memref_slice %arg18[%dma_start3A_454, %dma_start3A_455] : memref<10240x32xf32, #tpu.memory_space<vmem_shared>> -> memref<10240x32xf32, #tpu.memory_space<vmem_shared>>
        tpu.enqueue_indirect_dma source(%dma_start3A_456 : memref<10240x32xf32, #tpu.memory_space<vmem_shared>>) target(%arg15 : memref<128x32xf32, #tpu.memory_space<vmem>>) offsets(%dma_start3A_453 : memref<128xi32, #tpu.memory_space<vmem>>) semaphore(%arg25 : memref<!tpu.dma_semaphore, #tpu.memory_space<semaphore_mem>>)
      } else {
      }
      %add3A_304 = arith.constant 3 : i32
      %add3A_305 = arith.addi %mul3A_221, %add3A_304 : i32
      %mul3A_306 = arith.constant 128 : i32
      %mul3A_307 = arith.muli %add3A_305, %mul3A_306 : i32
      %dma_wait3A_308 = tpu.memref_slice %arg7[%mul3A_307] : memref<20480xi32, #tpu.memory_space<vmem>> -> memref<128xi32, #tpu.memory_space<vmem>>
      %dma_wait3A_309 = arith.constant 0 : i32
      %dma_wait3A_310 = arith.constant 0 : i32
      %dma_wait3A_311 = tpu.memref_slice %arg18[%dma_wait3A_309, %dma_wait3A_310] : memref<10240x32xf32, #tpu.memory_space<vmem_shared>> -> memref<10240x32xf32, #tpu.memory_space<vmem_shared>>
      tpu.wait_indirect_dma semaphore(%arg22 : memref<!tpu.dma_semaphore, #tpu.memory_space<semaphore_mem>>) src(%dma_wait3A_311 : memref<10240x32xf32, #tpu.memory_space<vmem_shared>>) dst(%arg12 : memref<128x32xf32, #tpu.memory_space<vmem>>)
      %dma_start3A_312 = arith.constant 0 : i32
      %dma_start3A_313 = tpu.memref_slice %arg8[%add3A_305, %dma_start3A_312] : memref<160x128xi32, #tpu.memory_space<vmem>> -> memref<1x128xi32, #tpu.memory_space<vmem>>
      %dma_start3A_314 = tpu.memref_squeeze %dma_start3A_313 : memref<1x128xi32, #tpu.memory_space<vmem>> -> memref<128xi32, #tpu.memory_space<vmem>>
      %dma_start3A_315 = arith.constant 0 : i32
      %dma_start3A_316 = arith.constant 0 : i32
      %dma_start3A_317 = tpu.memref_slice %arg17[%dma_start3A_315, %dma_start3A_316] : memref<10240x32xf32, #tpu.memory_space<vmem_shared>> -> memref<10240x32xf32, #tpu.memory_space<vmem_shared>>
      tpu.enqueue_indirect_dma source(%arg12 : memref<128x32xf32, #tpu.memory_space<vmem>>) target(%dma_start3A_317 : memref<10240x32xf32, #tpu.memory_space<vmem_shared>>) offsets(%dma_start3A_314 : memref<128xi32, #tpu.memory_space<vmem>>) semaphore(%arg30 : memref<!tpu.dma_semaphore, #tpu.memory_space<semaphore_mem>>) {add = true}
      %sub3A_318 = arith.constant 4 : i32
      %sub3A_319 = arith.subi %add3A_305, %sub3A_318 : i32
      %dma_wait3A_320 = arith.constant 0 : i32
      %dma_wait3A_321 = tpu.memref_slice %arg8[%sub3A_319, %dma_wait3A_320] : memref<160x128xi32, #tpu.memory_space<vmem>> -> memref<1x128xi32, #tpu.memory_space<vmem>>
      %dma_wait3A_322 = tpu.memref_squeeze %dma_wait3A_321 : memref<1x128xi32, #tpu.memory_space<vmem>> -> memref<128xi32, #tpu.memory_space<vmem>>
      %dma_wait3A_323 = arith.constant 0 : i32
      %dma_wait3A_324 = arith.constant 0 : i32
      %dma_wait3A_325 = tpu.memref_slice %arg17[%dma_wait3A_323, %dma_wait3A_324] : memref<10240x32xf32, #tpu.memory_space<vmem_shared>> -> memref<10240x32xf32, #tpu.memory_space<vmem_shared>>
      tpu.wait_indirect_dma semaphore(%arg34 : memref<!tpu.dma_semaphore, #tpu.memory_space<semaphore_mem>>) src(%arg16 : memref<128x32xf32, #tpu.memory_space<vmem>>) dst(%dma_wait3A_325 : memref<10240x32xf32, #tpu.memory_space<vmem_shared>>)
      %add3A_326 = arith.constant 4 : i32
      %add3A_327 = arith.addi %add3A_305, %add3A_326 : i32
      %lt3A_328 = arith.constant 160 : i32
      %lt3A_329 = arith.cmpi slt, %add3A_327, %lt3A_328 : i32
      %convert_element_type3A_330 = arith.extui %lt3A_329 : i1 to i32
      %cond3A_331 = arith.constant 0 : i32
      %cond3A_332 = arith.cmpi ne, %convert_element_type3A_330, %cond3A_331 : i32
      scf.if %cond3A_332 {
        %add3A_449 = arith.constant 4 : i32
        %add3A_450 = arith.addi %add3A_305, %add3A_449 : i32
        %mul3A_451 = arith.constant 128 : i32
        %mul3A_452 = arith.muli %add3A_450, %mul3A_451 : i32
        %dma_start3A_453 = tpu.memref_slice %arg7[%mul3A_452] : memref<20480xi32, #tpu.memory_space<vmem>> -> memref<128xi32, #tpu.memory_space<vmem>>
        %dma_start3A_454 = arith.constant 0 : i32
        %dma_start3A_455 = arith.constant 0 : i32
        %dma_start3A_456 = tpu.memref_slice %arg18[%dma_start3A_454, %dma_start3A_455] : memref<10240x32xf32, #tpu.memory_space<vmem_shared>> -> memref<10240x32xf32, #tpu.memory_space<vmem_shared>>
        tpu.enqueue_indirect_dma source(%dma_start3A_456 : memref<10240x32xf32, #tpu.memory_space<vmem_shared>>) target(%arg16 : memref<128x32xf32, #tpu.memory_space<vmem>>) offsets(%dma_start3A_453 : memref<128xi32, #tpu.memory_space<vmem>>) semaphore(%arg26 : memref<!tpu.dma_semaphore, #tpu.memory_space<semaphore_mem>>)
      } else {
      }
      %add3A_333 = arith.constant 4 : i32
      %add3A_334 = arith.addi %mul3A_221, %add3A_333 : i32
      %mul3A_335 = arith.constant 128 : i32
      %mul3A_336 = arith.muli %add3A_334, %mul3A_335 : i32
      %dma_wait3A_337 = tpu.memref_slice %arg7[%mul3A_336] : memref<20480xi32, #tpu.memory_space<vmem>> -> memref<128xi32, #tpu.memory_space<vmem>>
      %dma_wait3A_338 = arith.constant 0 : i32
      %dma_wait3A_339 = arith.constant 0 : i32
      %dma_wait3A_340 = tpu.memref_slice %arg18[%dma_wait3A_338, %dma_wait3A_339] : memref<10240x32xf32, #tpu.memory_space<vmem_shared>> -> memref<10240x32xf32, #tpu.memory_space<vmem_shared>>
      tpu.wait_indirect_dma semaphore(%arg23 : memref<!tpu.dma_semaphore, #tpu.memory_space<semaphore_mem>>) src(%dma_wait3A_340 : memref<10240x32xf32, #tpu.memory_space<vmem_shared>>) dst(%arg13 : memref<128x32xf32, #tpu.memory_space<vmem>>)
      %dma_start3A_341 = arith.constant 0 : i32
      %dma_start3A_342 = tpu.memref_slice %arg8[%add3A_334, %dma_start3A_341] : memref<160x128xi32, #tpu.memory_space<vmem>> -> memref<1x128xi32, #tpu.memory_space<vmem>>
      %dma_start3A_343 = tpu.memref_squeeze %dma_start3A_342 : memref<1x128xi32, #tpu.memory_space<vmem>> -> memref<128xi32, #tpu.memory_space<vmem>>
      %dma_start3A_344 = arith.constant 0 : i32
      %dma_start3A_345 = arith.constant 0 : i32
      %dma_start3A_346 = tpu.memref_slice %arg17[%dma_start3A_344, %dma_start3A_345] : memref<10240x32xf32, #tpu.memory_space<vmem_shared>> -> memref<10240x32xf32, #tpu.memory_space<vmem_shared>>
      tpu.enqueue_indirect_dma source(%arg13 : memref<128x32xf32, #tpu.memory_space<vmem>>) target(%dma_start3A_346 : memref<10240x32xf32, #tpu.memory_space<vmem_shared>>) offsets(%dma_start3A_343 : memref<128xi32, #tpu.memory_space<vmem>>) semaphore(%arg31 : memref<!tpu.dma_semaphore, #tpu.memory_space<semaphore_mem>>) {add = true}
      %sub3A_347 = arith.constant 4 : i32
      %sub3A_348 = arith.subi %add3A_334, %sub3A_347 : i32
      %dma_wait3A_349 = arith.constant 0 : i32
      %dma_wait3A_350 = tpu.memref_slice %arg8[%sub3A_348, %dma_wait3A_349] : memref<160x128xi32, #tpu.memory_space<vmem>> -> memref<1x128xi32, #tpu.memory_space<vmem>>
      %dma_wait3A_351 = tpu.memref_squeeze %dma_wait3A_350 : memref<1x128xi32, #tpu.memory_space<vmem>> -> memref<128xi32, #tpu.memory_space<vmem>>
      %dma_wait3A_352 = arith.constant 0 : i32
      %dma_wait3A_353 = arith.constant 0 : i32
      %dma_wait3A_354 = tpu.memref_slice %arg17[%dma_wait3A_352, %dma_wait3A_353] : memref<10240x32xf32, #tpu.memory_space<vmem_shared>> -> memref<10240x32xf32, #tpu.memory_space<vmem_shared>>
      tpu.wait_indirect_dma semaphore(%arg27 : memref<!tpu.dma_semaphore, #tpu.memory_space<semaphore_mem>>) src(%arg9 : memref<128x32xf32, #tpu.memory_space<vmem>>) dst(%dma_wait3A_354 : memref<10240x32xf32, #tpu.memory_space<vmem_shared>>)
      %add3A_355 = arith.constant 4 : i32
      %add3A_356 = arith.addi %add3A_334, %add3A_355 : i32
      %lt3A_357 = arith.constant 160 : i32
      %lt3A_358 = arith.cmpi slt, %add3A_356, %lt3A_357 : i32
      %convert_element_type3A_359 = arith.extui %lt3A_358 : i1 to i32
      %cond3A_360 = arith.constant 0 : i32
      %cond3A_361 = arith.cmpi ne, %convert_element_type3A_359, %cond3A_360 : i32
      scf.if %cond3A_361 {
        %add3A_449 = arith.constant 4 : i32
        %add3A_450 = arith.addi %add3A_334, %add3A_449 : i32
        %mul3A_451 = arith.constant 128 : i32
        %mul3A_452 = arith.muli %add3A_450, %mul3A_451 : i32
        %dma_start3A_453 = tpu.memref_slice %arg7[%mul3A_452] : memref<20480xi32, #tpu.memory_space<vmem>> -> memref<128xi32, #tpu.memory_space<vmem>>
        %dma_start3A_454 = arith.constant 0 : i32
        %dma_start3A_455 = arith.constant 0 : i32
        %dma_start3A_456 = tpu.memref_slice %arg18[%dma_start3A_454, %dma_start3A_455] : memref<10240x32xf32, #tpu.memory_space<vmem_shared>> -> memref<10240x32xf32, #tpu.memory_space<vmem_shared>>
        tpu.enqueue_indirect_dma source(%dma_start3A_456 : memref<10240x32xf32, #tpu.memory_space<vmem_shared>>) target(%arg9 : memref<128x32xf32, #tpu.memory_space<vmem>>) offsets(%dma_start3A_453 : memref<128xi32, #tpu.memory_space<vmem>>) semaphore(%arg19 : memref<!tpu.dma_semaphore, #tpu.memory_space<semaphore_mem>>)
      } else {
      }
      %add3A_362 = arith.constant 5 : i32
      %add3A_363 = arith.addi %mul3A_221, %add3A_362 : i32
      %mul3A_364 = arith.constant 128 : i32
      %mul3A_365 = arith.muli %add3A_363, %mul3A_364 : i32
      %dma_wait3A_366 = tpu.memref_slice %arg7[%mul3A_365] : memref<20480xi32, #tpu.memory_space<vmem>> -> memref<128xi32, #tpu.memory_space<vmem>>
      %dma_wait3A_367 = arith.constant 0 : i32
      %dma_wait3A_368 = arith.constant 0 : i32
      %dma_wait3A_369 = tpu.memref_slice %arg18[%dma_wait3A_367, %dma_wait3A_368] : memref<10240x32xf32, #tpu.memory_space<vmem_shared>> -> memref<10240x32xf32, #tpu.memory_space<vmem_shared>>
      tpu.wait_indirect_dma semaphore(%arg24 : memref<!tpu.dma_semaphore, #tpu.memory_space<semaphore_mem>>) src(%dma_wait3A_369 : memref<10240x32xf32, #tpu.memory_space<vmem_shared>>) dst(%arg14 : memref<128x32xf32, #tpu.memory_space<vmem>>)
      %dma_start3A_370 = arith.constant 0 : i32
      %dma_start3A_371 = tpu.memref_slice %arg8[%add3A_363, %dma_start3A_370] : memref<160x128xi32, #tpu.memory_space<vmem>> -> memref<1x128xi32, #tpu.memory_space<vmem>>
      %dma_start3A_372 = tpu.memref_squeeze %dma_start3A_371 : memref<1x128xi32, #tpu.memory_space<vmem>> -> memref<128xi32, #tpu.memory_space<vmem>>
      %dma_start3A_373 = arith.constant 0 : i32
      %dma_start3A_374 = arith.constant 0 : i32
      %dma_start3A_375 = tpu.memref_slice %arg17[%dma_start3A_373, %dma_start3A_374] : memref<10240x32xf32, #tpu.memory_space<vmem_shared>> -> memref<10240x32xf32, #tpu.memory_space<vmem_shared>>
      tpu.enqueue_indirect_dma source(%arg14 : memref<128x32xf32, #tpu.memory_space<vmem>>) target(%dma_start3A_375 : memref<10240x32xf32, #tpu.memory_space<vmem_shared>>) offsets(%dma_start3A_372 : memref<128xi32, #tpu.memory_space<vmem>>) semaphore(%arg32 : memref<!tpu.dma_semaphore, #tpu.memory_space<semaphore_mem>>) {add = true}
      %sub3A_376 = arith.constant 4 : i32
      %sub3A_377 = arith.subi %add3A_363, %sub3A_376 : i32
      %dma_wait3A_378 = arith.constant 0 : i32
      %dma_wait3A_379 = tpu.memref_slice %arg8[%sub3A_377, %dma_wait3A_378] : memref<160x128xi32, #tpu.memory_space<vmem>> -> memref<1x128xi32, #tpu.memory_space<vmem>>
      %dma_wait3A_380 = tpu.memref_squeeze %dma_wait3A_379 : memref<1x128xi32, #tpu.memory_space<vmem>> -> memref<128xi32, #tpu.memory_space<vmem>>
      %dma_wait3A_381 = arith.constant 0 : i32
      %dma_wait3A_382 = arith.constant 0 : i32
      %dma_wait3A_383 = tpu.memref_slice %arg17[%dma_wait3A_381, %dma_wait3A_382] : memref<10240x32xf32, #tpu.memory_space<vmem_shared>> -> memref<10240x32xf32, #tpu.memory_space<vmem_shared>>
      tpu.wait_indirect_dma semaphore(%arg28 : memref<!tpu.dma_semaphore, #tpu.memory_space<semaphore_mem>>) src(%arg10 : memref<128x32xf32, #tpu.memory_space<vmem>>) dst(%dma_wait3A_383 : memref<10240x32xf32, #tpu.memory_space<vmem_shared>>)
      %add3A_384 = arith.constant 4 : i32
      %add3A_385 = arith.addi %add3A_363, %add3A_384 : i32
      %lt3A_386 = arith.constant 160 : i32
      %lt3A_387 = arith.cmpi slt, %add3A_385, %lt3A_386 : i32
      %convert_element_type3A_388 = arith.extui %lt3A_387 : i1 to i32
      %cond3A_389 = arith.constant 0 : i32
      %cond3A_390 = arith.cmpi ne, %convert_element_type3A_388, %cond3A_389 : i32
      scf.if %cond3A_390 {
        %add3A_449 = arith.constant 4 : i32
        %add3A_450 = arith.addi %add3A_363, %add3A_449 : i32
        %mul3A_451 = arith.constant 128 : i32
        %mul3A_452 = arith.muli %add3A_450, %mul3A_451 : i32
        %dma_start3A_453 = tpu.memref_slice %arg7[%mul3A_452] : memref<20480xi32, #tpu.memory_space<vmem>> -> memref<128xi32, #tpu.memory_space<vmem>>
        %dma_start3A_454 = arith.constant 0 : i32
        %dma_start3A_455 = arith.constant 0 : i32
        %dma_start3A_456 = tpu.memref_slice %arg18[%dma_start3A_454, %dma_start3A_455] : memref<10240x32xf32, #tpu.memory_space<vmem_shared>> -> memref<10240x32xf32, #tpu.memory_space<vmem_shared>>
        tpu.enqueue_indirect_dma source(%dma_start3A_456 : memref<10240x32xf32, #tpu.memory_space<vmem_shared>>) target(%arg10 : memref<128x32xf32, #tpu.memory_space<vmem>>) offsets(%dma_start3A_453 : memref<128xi32, #tpu.memory_space<vmem>>) semaphore(%arg20 : memref<!tpu.dma_semaphore, #tpu.memory_space<semaphore_mem>>)
      } else {
      }
      %add3A_391 = arith.constant 6 : i32
      %add3A_392 = arith.addi %mul3A_221, %add3A_391 : i32
      %mul3A_393 = arith.constant 128 : i32
      %mul3A_394 = arith.muli %add3A_392, %mul3A_393 : i32
      %dma_wait3A_395 = tpu.memref_slice %arg7[%mul3A_394] : memref<20480xi32, #tpu.memory_space<vmem>> -> memref<128xi32, #tpu.memory_space<vmem>>
      %dma_wait3A_396 = arith.constant 0 : i32
      %dma_wait3A_397 = arith.constant 0 : i32
      %dma_wait3A_398 = tpu.memref_slice %arg18[%dma_wait3A_396, %dma_wait3A_397] : memref<10240x32xf32, #tpu.memory_space<vmem_shared>> -> memref<10240x32xf32, #tpu.memory_space<vmem_shared>>
      tpu.wait_indirect_dma semaphore(%arg25 : memref<!tpu.dma_semaphore, #tpu.memory_space<semaphore_mem>>) src(%dma_wait3A_398 : memref<10240x32xf32, #tpu.memory_space<vmem_shared>>) dst(%arg15 : memref<128x32xf32, #tpu.memory_space<vmem>>)
      %dma_start3A_399 = arith.constant 0 : i32
      %dma_start3A_400 = tpu.memref_slice %arg8[%add3A_392, %dma_start3A_399] : memref<160x128xi32, #tpu.memory_space<vmem>> -> memref<1x128xi32, #tpu.memory_space<vmem>>
      %dma_start3A_401 = tpu.memref_squeeze %dma_start3A_400 : memref<1x128xi32, #tpu.memory_space<vmem>> -> memref<128xi32, #tpu.memory_space<vmem>>
      %dma_start3A_402 = arith.constant 0 : i32
      %dma_start3A_403 = arith.constant 0 : i32
      %dma_start3A_404 = tpu.memref_slice %arg17[%dma_start3A_402, %dma_start3A_403] : memref<10240x32xf32, #tpu.memory_space<vmem_shared>> -> memref<10240x32xf32, #tpu.memory_space<vmem_shared>>
      tpu.enqueue_indirect_dma source(%arg15 : memref<128x32xf32, #tpu.memory_space<vmem>>) target(%dma_start3A_404 : memref<10240x32xf32, #tpu.memory_space<vmem_shared>>) offsets(%dma_start3A_401 : memref<128xi32, #tpu.memory_space<vmem>>) semaphore(%arg33 : memref<!tpu.dma_semaphore, #tpu.memory_space<semaphore_mem>>) {add = true}
      %sub3A_405 = arith.constant 4 : i32
      %sub3A_406 = arith.subi %add3A_392, %sub3A_405 : i32
      %dma_wait3A_407 = arith.constant 0 : i32
      %dma_wait3A_408 = tpu.memref_slice %arg8[%sub3A_406, %dma_wait3A_407] : memref<160x128xi32, #tpu.memory_space<vmem>> -> memref<1x128xi32, #tpu.memory_space<vmem>>
      %dma_wait3A_409 = tpu.memref_squeeze %dma_wait3A_408 : memref<1x128xi32, #tpu.memory_space<vmem>> -> memref<128xi32, #tpu.memory_space<vmem>>
      %dma_wait3A_410 = arith.constant 0 : i32
      %dma_wait3A_411 = arith.constant 0 : i32
      %dma_wait3A_412 = tpu.memref_slice %arg17[%dma_wait3A_410, %dma_wait3A_411] : memref<10240x32xf32, #tpu.memory_space<vmem_shared>> -> memref<10240x32xf32, #tpu.memory_space<vmem_shared>>
      tpu.wait_indirect_dma semaphore(%arg29 : memref<!tpu.dma_semaphore, #tpu.memory_space<semaphore_mem>>) src(%arg11 : memref<128x32xf32, #tpu.memory_space<vmem>>) dst(%dma_wait3A_412 : memref<10240x32xf32, #tpu.memory_space<vmem_shared>>)
      %add3A_413 = arith.constant 4 : i32
      %add3A_414 = arith.addi %add3A_392, %add3A_413 : i32
      %lt3A_415 = arith.constant 160 : i32
      %lt3A_416 = arith.cmpi slt, %add3A_414, %lt3A_415 : i32
      %convert_element_type3A_417 = arith.extui %lt3A_416 : i1 to i32
      %cond3A_418 = arith.constant 0 : i32
      %cond3A_419 = arith.cmpi ne, %convert_element_type3A_417, %cond3A_418 : i32
      scf.if %cond3A_419 {
        %add3A_449 = arith.constant 4 : i32
        %add3A_450 = arith.addi %add3A_392, %add3A_449 : i32
        %mul3A_451 = arith.constant 128 : i32
        %mul3A_452 = arith.muli %add3A_450, %mul3A_451 : i32
        %dma_start3A_453 = tpu.memref_slice %arg7[%mul3A_452] : memref<20480xi32, #tpu.memory_space<vmem>> -> memref<128xi32, #tpu.memory_space<vmem>>
        %dma_start3A_454 = arith.constant 0 : i32
        %dma_start3A_455 = arith.constant 0 : i32
        %dma_start3A_456 = tpu.memref_slice %arg18[%dma_start3A_454, %dma_start3A_455] : memref<10240x32xf32, #tpu.memory_space<vmem_shared>> -> memref<10240x32xf32, #tpu.memory_space<vmem_shared>>
        tpu.enqueue_indirect_dma source(%dma_start3A_456 : memref<10240x32xf32, #tpu.memory_space<vmem_shared>>) target(%arg11 : memref<128x32xf32, #tpu.memory_space<vmem>>) offsets(%dma_start3A_453 : memref<128xi32, #tpu.memory_space<vmem>>) semaphore(%arg21 : memref<!tpu.dma_semaphore, #tpu.memory_space<semaphore_mem>>)
      } else {
      }
      %add3A_420 = arith.constant 7 : i32
      %add3A_421 = arith.addi %mul3A_221, %add3A_420 : i32
      %mul3A_422 = arith.constant 128 : i32
      %mul3A_423 = arith.muli %add3A_421, %mul3A_422 : i32
      %dma_wait3A_424 = tpu.memref_slice %arg7[%mul3A_423] : memref<20480xi32, #tpu.memory_space<vmem>> -> memref<128xi32, #tpu.memory_space<vmem>>
      %dma_wait3A_425 = arith.constant 0 : i32
      %dma_wait3A_426 = arith.constant 0 : i32
      %dma_wait3A_427 = tpu.memref_slice %arg18[%dma_wait3A_425, %dma_wait3A_426] : memref<10240x32xf32, #tpu.memory_space<vmem_shared>> -> memref<10240x32xf32, #tpu.memory_space<vmem_shared>>
      tpu.wait_indirect_dma semaphore(%arg26 : memref<!tpu.dma_semaphore, #tpu.memory_space<semaphore_mem>>) src(%dma_wait3A_427 : memref<10240x32xf32, #tpu.memory_space<vmem_shared>>) dst(%arg16 : memref<128x32xf32, #tpu.memory_space<vmem>>)
      %dma_start3A_428 = arith.constant 0 : i32
      %dma_start3A_429 = tpu.memref_slice %arg8[%add3A_421, %dma_start3A_428] : memref<160x128xi32, #tpu.memory_space<vmem>> -> memref<1x128xi32, #tpu.memory_space<vmem>>
      %dma_start3A_430 = tpu.memref_squeeze %dma_start3A_429 : memref<1x128xi32, #tpu.memory_space<vmem>> -> memref<128xi32, #tpu.memory_space<vmem>>
      %dma_start3A_431 = arith.constant 0 : i32
      %dma_start3A_432 = arith.constant 0 : i32
      %dma_start3A_433 = tpu.memref_slice %arg17[%dma_start3A_431, %dma_start3A_432] : memref<10240x32xf32, #tpu.memory_space<vmem_shared>> -> memref<10240x32xf32, #tpu.memory_space<vmem_shared>>
      tpu.enqueue_indirect_dma source(%arg16 : memref<128x32xf32, #tpu.memory_space<vmem>>) target(%dma_start3A_433 : memref<10240x32xf32, #tpu.memory_space<vmem_shared>>) offsets(%dma_start3A_430 : memref<128xi32, #tpu.memory_space<vmem>>) semaphore(%arg34 : memref<!tpu.dma_semaphore, #tpu.memory_space<semaphore_mem>>) {add = true}
      %sub3A_434 = arith.constant 4 : i32
      %sub3A_435 = arith.subi %add3A_421, %sub3A_434 : i32
      %dma_wait3A_436 = arith.constant 0 : i32
      %dma_wait3A_437 = tpu.memref_slice %arg8[%sub3A_435, %dma_wait3A_436] : memref<160x128xi32, #tpu.memory_space<vmem>> -> memref<1x128xi32, #tpu.memory_space<vmem>>
      %dma_wait3A_438 = tpu.memref_squeeze %dma_wait3A_437 : memref<1x128xi32, #tpu.memory_space<vmem>> -> memref<128xi32, #tpu.memory_space<vmem>>
      %dma_wait3A_439 = arith.constant 0 : i32
      %dma_wait3A_440 = arith.constant 0 : i32
      %dma_wait3A_441 = tpu.memref_slice %arg17[%dma_wait3A_439, %dma_wait3A_440] : memref<10240x32xf32, #tpu.memory_space<vmem_shared>> -> memref<10240x32xf32, #tpu.memory_space<vmem_shared>>
      tpu.wait_indirect_dma semaphore(%arg30 : memref<!tpu.dma_semaphore, #tpu.memory_space<semaphore_mem>>) src(%arg12 : memref<128x32xf32, #tpu.memory_space<vmem>>) dst(%dma_wait3A_441 : memref<10240x32xf32, #tpu.memory_space<vmem_shared>>)
      %add3A_442 = arith.constant 4 : i32
      %add3A_443 = arith.addi %add3A_421, %add3A_442 : i32
      %lt3A_444 = arith.constant 160 : i32
      %lt3A_445 = arith.cmpi slt, %add3A_443, %lt3A_444 : i32
      %convert_element_type3A_446 = arith.extui %lt3A_445 : i1 to i32
      %cond3A_447 = arith.constant 0 : i32
      %cond3A_448 = arith.cmpi ne, %convert_element_type3A_446, %cond3A_447 : i32
      scf.if %cond3A_448 {
        %add3A_449 = arith.constant 4 : i32
        %add3A_450 = arith.addi %add3A_421, %add3A_449 : i32
        %mul3A_451 = arith.constant 128 : i32
        %mul3A_452 = arith.muli %add3A_450, %mul3A_451 : i32
        %dma_start3A_453 = tpu.memref_slice %arg7[%mul3A_452] : memref<20480xi32, #tpu.memory_space<vmem>> -> memref<128xi32, #tpu.memory_space<vmem>>
        %dma_start3A_454 = arith.constant 0 : i32
        %dma_start3A_455 = arith.constant 0 : i32
        %dma_start3A_456 = tpu.memref_slice %arg18[%dma_start3A_454, %dma_start3A_455] : memref<10240x32xf32, #tpu.memory_space<vmem_shared>> -> memref<10240x32xf32, #tpu.memory_space<vmem_shared>>
        tpu.enqueue_indirect_dma source(%dma_start3A_456 : memref<10240x32xf32, #tpu.memory_space<vmem_shared>>) target(%arg12 : memref<128x32xf32, #tpu.memory_space<vmem>>) offsets(%dma_start3A_453 : memref<128xi32, #tpu.memory_space<vmem>>) semaphore(%arg22 : memref<!tpu.dma_semaphore, #tpu.memory_space<semaphore_mem>>)
      } else {
      }
    }
    %scan3A_189 = arith.constant 19 : i32
    %dma_wait3A_190 = arith.constant 156 : i32
    %dma_wait3A_191 = arith.constant 0 : i32
    %dma_wait3A_192 = tpu.memref_slice %arg8[%dma_wait3A_190, %dma_wait3A_191] : memref<160x128xi32, #tpu.memory_space<vmem>> -> memref<1x128xi32, #tpu.memory_space<vmem>>
    %dma_wait3A_193 = tpu.memref_squeeze %dma_wait3A_192 : memref<1x128xi32, #tpu.memory_space<vmem>> -> memref<128xi32, #tpu.memory_space<vmem>>
    %dma_wait3A_194 = arith.constant 0 : i32
    %dma_wait3A_195 = arith.constant 0 : i32
    %dma_wait3A_196 = tpu.memref_slice %arg17[%dma_wait3A_194, %dma_wait3A_195] : memref<10240x32xf32, #tpu.memory_space<vmem_shared>> -> memref<10240x32xf32, #tpu.memory_space<vmem_shared>>
    tpu.wait_indirect_dma semaphore(%arg31 : memref<!tpu.dma_semaphore, #tpu.memory_space<semaphore_mem>>) src(%arg13 : memref<128x32xf32, #tpu.memory_space<vmem>>) dst(%dma_wait3A_196 : memref<10240x32xf32, #tpu.memory_space<vmem_shared>>)
    %dma_wait3A_197 = arith.constant 157 : i32
    %dma_wait3A_198 = arith.constant 0 : i32
    %dma_wait3A_199 = tpu.memref_slice %arg8[%dma_wait3A_197, %dma_wait3A_198] : memref<160x128xi32, #tpu.memory_space<vmem>> -> memref<1x128xi32, #tpu.memory_space<vmem>>
    %dma_wait3A_200 = tpu.memref_squeeze %dma_wait3A_199 : memref<1x128xi32, #tpu.memory_space<vmem>> -> memref<128xi32, #tpu.memory_space<vmem>>
    %dma_wait3A_201 = arith.constant 0 : i32
    %dma_wait3A_202 = arith.constant 0 : i32
    %dma_wait3A_203 = tpu.memref_slice %arg17[%dma_wait3A_201, %dma_wait3A_202] : memref<10240x32xf32, #tpu.memory_space<vmem_shared>> -> memref<10240x32xf32, #tpu.memory_space<vmem_shared>>
    tpu.wait_indirect_dma semaphore(%arg32 : memref<!tpu.dma_semaphore, #tpu.memory_space<semaphore_mem>>) src(%arg14 : memref<128x32xf32, #tpu.memory_space<vmem>>) dst(%dma_wait3A_203 : memref<10240x32xf32, #tpu.memory_space<vmem_shared>>)
    %dma_wait3A_204 = arith.constant 158 : i32
    %dma_wait3A_205 = arith.constant 0 : i32
    %dma_wait3A_206 = tpu.memref_slice %arg8[%dma_wait3A_204, %dma_wait3A_205] : memref<160x128xi32, #tpu.memory_space<vmem>> -> memref<1x128xi32, #tpu.memory_space<vmem>>
    %dma_wait3A_207 = tpu.memref_squeeze %dma_wait3A_206 : memref<1x128xi32, #tpu.memory_space<vmem>> -> memref<128xi32, #tpu.memory_space<vmem>>
    %dma_wait3A_208 = arith.constant 0 : i32
    %dma_wait3A_209 = arith.constant 0 : i32
    %dma_wait3A_210 = tpu.memref_slice %arg17[%dma_wait3A_208, %dma_wait3A_209] : memref<10240x32xf32, #tpu.memory_space<vmem_shared>> -> memref<10240x32xf32, #tpu.memory_space<vmem_shared>>
    tpu.wait_indirect_dma semaphore(%arg33 : memref<!tpu.dma_semaphore, #tpu.memory_space<semaphore_mem>>) src(%arg15 : memref<128x32xf32, #tpu.memory_space<vmem>>) dst(%dma_wait3A_210 : memref<10240x32xf32, #tpu.memory_space<vmem_shared>>)
    %dma_wait3A_211 = arith.constant 159 : i32
    %dma_wait3A_212 = arith.constant 0 : i32
    %dma_wait3A_213 = tpu.memref_slice %arg8[%dma_wait3A_211, %dma_wait3A_212] : memref<160x128xi32, #tpu.memory_space<vmem>> -> memref<1x128xi32, #tpu.memory_space<vmem>>
    %dma_wait3A_214 = tpu.memref_squeeze %dma_wait3A_213 : memref<1x128xi32, #tpu.memory_space<vmem>> -> memref<128xi32, #tpu.memory_space<vmem>>
    %dma_wait3A_215 = arith.constant 0 : i32
    %dma_wait3A_216 = arith.constant 0 : i32
    %dma_wait3A_217 = tpu.memref_slice %arg17[%dma_wait3A_215, %dma_wait3A_216] : memref<10240x32xf32, #tpu.memory_space<vmem_shared>> -> memref<10240x32xf32, #tpu.memory_space<vmem_shared>>
    tpu.wait_indirect_dma semaphore(%arg34 : memref<!tpu.dma_semaphore, #tpu.memory_space<semaphore_mem>>) src(%arg16 : memref<128x32xf32, #tpu.memory_space<vmem>>) dst(%dma_wait3A_217 : memref<10240x32xf32, #tpu.memory_space<vmem_shared>>)
    %barrier3A_218 = arith.constant 0 : index
    tpu.barrier barrier_id(%barrier3A_218)
    "tpu.region"() ({
      %run_scoped3A = tpu.sem_alloc : memref<!tpu.dma_semaphore, #tpu.memory_space<semaphore_mem>>
      %dma_start3A_219 = tpu.memref_slice %arg6[%mul3A_0, %mul3A_2] : memref<10240x64xf32, #tpu.memory_space<hbm>> -> memref<640x32xf32, #tpu.memory_space<hbm>>
      %dma_start3A_220 = arith.constant 0 : i32
      %dma_start3A_221 = tpu.memref_slice %arg17[%mul3A_0, %dma_start3A_220] : memref<10240x32xf32, #tpu.memory_space<vmem_shared>> -> memref<640x32xf32, #tpu.memory_space<vmem_shared>>
      tpu.enqueue_dma source(%dma_start3A_221 : memref<640x32xf32, #tpu.memory_space<vmem_shared>>) target(%dma_start3A_219 : memref<640x32xf32, #tpu.memory_space<hbm>>) target_semaphore(%run_scoped3A : memref<!tpu.dma_semaphore, #tpu.memory_space<semaphore_mem>>)
      %dma_wait3A_222 = tpu.memref_slice %arg6[%mul3A_0, %mul3A_2] : memref<10240x64xf32, #tpu.memory_space<hbm>> -> memref<640x32xf32, #tpu.memory_space<hbm>>
      %dma_wait3A_223 = arith.constant 0 : i32
      %dma_wait3A_224 = tpu.memref_slice %arg17[%mul3A_0, %dma_wait3A_223] : memref<10240x32xf32, #tpu.memory_space<vmem_shared>> -> memref<640x32xf32, #tpu.memory_space<vmem_shared>>
      tpu.wait_dma2 semaphore(%run_scoped3A : memref<!tpu.dma_semaphore, #tpu.memory_space<semaphore_mem>>) src(%dma_wait3A_224 : memref<640x32xf32, #tpu.memory_space<vmem_shared>>) dst(%dma_wait3A_222 : memref<640x32xf32, #tpu.memory_space<hbm>>)
      tpu.yield
    }) : () -> ()
    return
  }
}

#map = affine_map<(d0, d1) -> (0, 0, 0)>
#map1 = affine_map<(d0, d1) -> (0, 0)>
module attributes {stable_mosaic.version = 14 : i64} {
  func.func @_deg_kernel(%arg0: i32, %arg1: i32, %arg2: memref<16x160x128xi32, #tpu.memory_space<hbm>>, %arg3: memref<128x8xf32, #tpu.memory_space<hbm>>, %arg4: memref<10240x8xf32, #tpu.memory_space<hbm>>, %arg5: memref<2x10240x8xf32, #tpu.memory_space<hbm>>, %arg6: memref<160x128xi32, #tpu.memory_space<vmem>>, %arg7: memref<128x8xf32, #tpu.memory_space<vmem>>, %arg8: memref<10240x8xf32, #tpu.memory_space<vmem_shared>>, %arg9: memref<!tpu.dma_semaphore, #tpu.memory_space<semaphore_mem>>) attributes {dimension_semantics = [#tpu.dimension_semantics<core_parallel>, #tpu.dimension_semantics<subcore_parallel>], iteration_bounds = array<i64: 2, 16>, scalar_prefetch = 0 : i64, scratch_operands = 4 : i64, tpu.core_type = #tpu.core_type<sc_vector_subcore>, window_params = [{transform_indices = #map}, {transform_indices = #map1}, {transform_indices = #map1}, {transform_indices = #map}]} {
    "tpu.region"() ({
      %run_scoped3A = tpu.sem_alloc : memref<!tpu.dma_semaphore, #tpu.memory_space<semaphore_mem>>
      %dma_start3A = arith.constant 0 : i32
      %dma_start3A_9 = arith.constant 0 : i32
      %dma_start3A_10 = tpu.memref_slice %arg2[%arg1, %dma_start3A, %dma_start3A_9] : memref<16x160x128xi32, #tpu.memory_space<hbm>> -> memref<1x160x128xi32, #tpu.memory_space<hbm>>
      %dma_start3A_11 = tpu.memref_squeeze %dma_start3A_10 : memref<1x160x128xi32, #tpu.memory_space<hbm>> -> memref<160x128xi32, #tpu.memory_space<hbm>>
      %dma_start3A_12 = arith.constant 0 : i32
      %dma_start3A_13 = arith.constant 0 : i32
      %dma_start3A_14 = tpu.memref_slice %arg2[%arg1, %dma_start3A_12, %dma_start3A_13] : memref<16x160x128xi32, #tpu.memory_space<hbm>> -> memref<1x160x128xi32, #tpu.memory_space<hbm>>
      %dma_start3A_15 = tpu.memref_squeeze %dma_start3A_14 : memref<1x160x128xi32, #tpu.memory_space<hbm>> -> memref<160x128xi32, #tpu.memory_space<hbm>>
      tpu.enqueue_dma source(%dma_start3A_15 : memref<160x128xi32, #tpu.memory_space<hbm>>) target(%arg6 : memref<160x128xi32, #tpu.memory_space<vmem>>) target_semaphore(%run_scoped3A : memref<!tpu.dma_semaphore, #tpu.memory_space<semaphore_mem>>)
      %dma_wait3A = arith.constant 0 : i32
      %dma_wait3A_16 = arith.constant 0 : i32
      %dma_wait3A_17 = tpu.memref_slice %arg2[%arg1, %dma_wait3A, %dma_wait3A_16] : memref<16x160x128xi32, #tpu.memory_space<hbm>> -> memref<1x160x128xi32, #tpu.memory_space<hbm>>
      %dma_wait3A_18 = tpu.memref_squeeze %dma_wait3A_17 : memref<1x160x128xi32, #tpu.memory_space<hbm>> -> memref<160x128xi32, #tpu.memory_space<hbm>>
      %dma_wait3A_19 = arith.constant 0 : i32
      %dma_wait3A_20 = arith.constant 0 : i32
      %dma_wait3A_21 = tpu.memref_slice %arg2[%arg1, %dma_wait3A_19, %dma_wait3A_20] : memref<16x160x128xi32, #tpu.memory_space<hbm>> -> memref<1x160x128xi32, #tpu.memory_space<hbm>>
      %dma_wait3A_22 = tpu.memref_squeeze %dma_wait3A_21 : memref<1x160x128xi32, #tpu.memory_space<hbm>> -> memref<160x128xi32, #tpu.memory_space<hbm>>
      tpu.wait_dma2 semaphore(%run_scoped3A : memref<!tpu.dma_semaphore, #tpu.memory_space<semaphore_mem>>) src(%dma_wait3A_22 : memref<160x128xi32, #tpu.memory_space<hbm>>) dst(%arg6 : memref<160x128xi32, #tpu.memory_space<vmem>>)
      tpu.yield
    }) : () -> ()
    "tpu.region"() ({
      %run_scoped3A = tpu.sem_alloc : memref<!tpu.dma_semaphore, #tpu.memory_space<semaphore_mem>>
      tpu.enqueue_dma source(%arg3 : memref<128x8xf32, #tpu.memory_space<hbm>>) target(%arg7 : memref<128x8xf32, #tpu.memory_space<vmem>>) target_semaphore(%run_scoped3A : memref<!tpu.dma_semaphore, #tpu.memory_space<semaphore_mem>>)
      tpu.wait_dma2 semaphore(%run_scoped3A : memref<!tpu.dma_semaphore, #tpu.memory_space<semaphore_mem>>) src(%arg3 : memref<128x8xf32, #tpu.memory_space<hbm>>) dst(%arg7 : memref<128x8xf32, #tpu.memory_space<vmem>>)
      tpu.yield
    }) : () -> ()
    %mul3A = arith.constant 640 : i32
    %mul3A_0 = arith.muli %arg1, %mul3A : i32
    "tpu.region"() ({
      %run_scoped3A = tpu.sem_alloc : memref<!tpu.dma_semaphore, #tpu.memory_space<semaphore_mem>>
      %dma_start3A = arith.constant 0 : i32
      %dma_start3A_9 = tpu.memref_slice %arg8[%mul3A_0, %dma_start3A] : memref<10240x8xf32, #tpu.memory_space<vmem_shared>> -> memref<640x8xf32, #tpu.memory_space<vmem_shared>>
      %dma_start3A_10 = arith.constant 0 : i32
      %dma_start3A_11 = tpu.memref_slice %arg4[%mul3A_0, %dma_start3A_10] : memref<10240x8xf32, #tpu.memory_space<hbm>> -> memref<640x8xf32, #tpu.memory_space<hbm>>
      tpu.enqueue_dma source(%dma_start3A_11 : memref<640x8xf32, #tpu.memory_space<hbm>>) target(%dma_start3A_9 : memref<640x8xf32, #tpu.memory_space<vmem_shared>>) target_semaphore(%run_scoped3A : memref<!tpu.dma_semaphore, #tpu.memory_space<semaphore_mem>>)
      %dma_wait3A = arith.constant 0 : i32
      %dma_wait3A_12 = tpu.memref_slice %arg8[%mul3A_0, %dma_wait3A] : memref<10240x8xf32, #tpu.memory_space<vmem_shared>> -> memref<640x8xf32, #tpu.memory_space<vmem_shared>>
      %dma_wait3A_13 = arith.constant 0 : i32
      %dma_wait3A_14 = tpu.memref_slice %arg4[%mul3A_0, %dma_wait3A_13] : memref<10240x8xf32, #tpu.memory_space<hbm>> -> memref<640x8xf32, #tpu.memory_space<hbm>>
      tpu.wait_dma2 semaphore(%run_scoped3A : memref<!tpu.dma_semaphore, #tpu.memory_space<semaphore_mem>>) src(%dma_wait3A_14 : memref<640x8xf32, #tpu.memory_space<hbm>>) dst(%dma_wait3A_12 : memref<640x8xf32, #tpu.memory_space<vmem_shared>>)
      tpu.yield
    }) : () -> ()
    %barrier3A = arith.constant 0 : index
    tpu.barrier barrier_id(%barrier3A)
    %mul3A_1 = arith.constant 80 : i32
    %mul3A_2 = arith.muli %arg0, %mul3A_1 : i32
    %scan3A = arith.constant 0 : i32
    %scan3A_3 = arith.constant 0 : i32
    %scan3A_4 = arith.constant 10 : i32
    %scan3A_5 = arith.addi %scan3A_3, %scan3A_4 : i32
    %scan3A_6 = arith.constant 1 : i32
    scf.for %scan3A_9 = %scan3A_3 to %scan3A_5 step %scan3A_6  : i32 {
      %mul3A_10 = arith.constant 8 : i32
      %mul3A_11 = arith.muli %scan3A_9, %mul3A_10 : i32
      %add3A = arith.addi %mul3A_2, %mul3A_11 : i32
      %add3A_12 = arith.constant 0 : i32
      %add3A_13 = arith.addi %add3A, %add3A_12 : i32
      %dma_start3A = arith.constant 0 : i32
      %dma_start3A_14 = tpu.memref_slice %arg6[%add3A_13, %dma_start3A] : memref<160x128xi32, #tpu.memory_space<vmem>> -> memref<1x128xi32, #tpu.memory_space<vmem>>
      %dma_start3A_15 = tpu.memref_squeeze %dma_start3A_14 : memref<1x128xi32, #tpu.memory_space<vmem>> -> memref<128xi32, #tpu.memory_space<vmem>>
      %dma_start3A_16 = arith.constant 0 : i32
      %dma_start3A_17 = arith.constant 0 : i32
      %dma_start3A_18 = tpu.memref_slice %arg8[%dma_start3A_16, %dma_start3A_17] : memref<10240x8xf32, #tpu.memory_space<vmem_shared>> -> memref<10240x8xf32, #tpu.memory_space<vmem_shared>>
      tpu.enqueue_indirect_dma source(%arg7 : memref<128x8xf32, #tpu.memory_space<vmem>>) target(%dma_start3A_18 : memref<10240x8xf32, #tpu.memory_space<vmem_shared>>) offsets(%dma_start3A_15 : memref<128xi32, #tpu.memory_space<vmem>>) semaphore(%arg9 : memref<!tpu.dma_semaphore, #tpu.memory_space<semaphore_mem>>) {add = true}
      %add3A_19 = arith.constant 1 : i32
      %add3A_20 = arith.addi %add3A, %add3A_19 : i32
      %dma_start3A_21 = arith.constant 0 : i32
      %dma_start3A_22 = tpu.memref_slice %arg6[%add3A_20, %dma_start3A_21] : memref<160x128xi32, #tpu.memory_space<vmem>> -> memref<1x128xi32, #tpu.memory_space<vmem>>
      %dma_start3A_23 = tpu.memref_squeeze %dma_start3A_22 : memref<1x128xi32, #tpu.memory_space<vmem>> -> memref<128xi32, #tpu.memory_space<vmem>>
      %dma_start3A_24 = arith.constant 0 : i32
      %dma_start3A_25 = arith.constant 0 : i32
      %dma_start3A_26 = tpu.memref_slice %arg8[%dma_start3A_24, %dma_start3A_25] : memref<10240x8xf32, #tpu.memory_space<vmem_shared>> -> memref<10240x8xf32, #tpu.memory_space<vmem_shared>>
      tpu.enqueue_indirect_dma source(%arg7 : memref<128x8xf32, #tpu.memory_space<vmem>>) target(%dma_start3A_26 : memref<10240x8xf32, #tpu.memory_space<vmem_shared>>) offsets(%dma_start3A_23 : memref<128xi32, #tpu.memory_space<vmem>>) semaphore(%arg9 : memref<!tpu.dma_semaphore, #tpu.memory_space<semaphore_mem>>) {add = true}
      %add3A_27 = arith.constant 2 : i32
      %add3A_28 = arith.addi %add3A, %add3A_27 : i32
      %dma_start3A_29 = arith.constant 0 : i32
      %dma_start3A_30 = tpu.memref_slice %arg6[%add3A_28, %dma_start3A_29] : memref<160x128xi32, #tpu.memory_space<vmem>> -> memref<1x128xi32, #tpu.memory_space<vmem>>
      %dma_start3A_31 = tpu.memref_squeeze %dma_start3A_30 : memref<1x128xi32, #tpu.memory_space<vmem>> -> memref<128xi32, #tpu.memory_space<vmem>>
      %dma_start3A_32 = arith.constant 0 : i32
      %dma_start3A_33 = arith.constant 0 : i32
      %dma_start3A_34 = tpu.memref_slice %arg8[%dma_start3A_32, %dma_start3A_33] : memref<10240x8xf32, #tpu.memory_space<vmem_shared>> -> memref<10240x8xf32, #tpu.memory_space<vmem_shared>>
      tpu.enqueue_indirect_dma source(%arg7 : memref<128x8xf32, #tpu.memory_space<vmem>>) target(%dma_start3A_34 : memref<10240x8xf32, #tpu.memory_space<vmem_shared>>) offsets(%dma_start3A_31 : memref<128xi32, #tpu.memory_space<vmem>>) semaphore(%arg9 : memref<!tpu.dma_semaphore, #tpu.memory_space<semaphore_mem>>) {add = true}
      %add3A_35 = arith.constant 3 : i32
      %add3A_36 = arith.addi %add3A, %add3A_35 : i32
      %dma_start3A_37 = arith.constant 0 : i32
      %dma_start3A_38 = tpu.memref_slice %arg6[%add3A_36, %dma_start3A_37] : memref<160x128xi32, #tpu.memory_space<vmem>> -> memref<1x128xi32, #tpu.memory_space<vmem>>
      %dma_start3A_39 = tpu.memref_squeeze %dma_start3A_38 : memref<1x128xi32, #tpu.memory_space<vmem>> -> memref<128xi32, #tpu.memory_space<vmem>>
      %dma_start3A_40 = arith.constant 0 : i32
      %dma_start3A_41 = arith.constant 0 : i32
      %dma_start3A_42 = tpu.memref_slice %arg8[%dma_start3A_40, %dma_start3A_41] : memref<10240x8xf32, #tpu.memory_space<vmem_shared>> -> memref<10240x8xf32, #tpu.memory_space<vmem_shared>>
      tpu.enqueue_indirect_dma source(%arg7 : memref<128x8xf32, #tpu.memory_space<vmem>>) target(%dma_start3A_42 : memref<10240x8xf32, #tpu.memory_space<vmem_shared>>) offsets(%dma_start3A_39 : memref<128xi32, #tpu.memory_space<vmem>>) semaphore(%arg9 : memref<!tpu.dma_semaphore, #tpu.memory_space<semaphore_mem>>) {add = true}
      %add3A_43 = arith.constant 4 : i32
      %add3A_44 = arith.addi %add3A, %add3A_43 : i32
      %dma_start3A_45 = arith.constant 0 : i32
      %dma_start3A_46 = tpu.memref_slice %arg6[%add3A_44, %dma_start3A_45] : memref<160x128xi32, #tpu.memory_space<vmem>> -> memref<1x128xi32, #tpu.memory_space<vmem>>
      %dma_start3A_47 = tpu.memref_squeeze %dma_start3A_46 : memref<1x128xi32, #tpu.memory_space<vmem>> -> memref<128xi32, #tpu.memory_space<vmem>>
      %dma_start3A_48 = arith.constant 0 : i32
      %dma_start3A_49 = arith.constant 0 : i32
      %dma_start3A_50 = tpu.memref_slice %arg8[%dma_start3A_48, %dma_start3A_49] : memref<10240x8xf32, #tpu.memory_space<vmem_shared>> -> memref<10240x8xf32, #tpu.memory_space<vmem_shared>>
      tpu.enqueue_indirect_dma source(%arg7 : memref<128x8xf32, #tpu.memory_space<vmem>>) target(%dma_start3A_50 : memref<10240x8xf32, #tpu.memory_space<vmem_shared>>) offsets(%dma_start3A_47 : memref<128xi32, #tpu.memory_space<vmem>>) semaphore(%arg9 : memref<!tpu.dma_semaphore, #tpu.memory_space<semaphore_mem>>) {add = true}
      %add3A_51 = arith.constant 5 : i32
      %add3A_52 = arith.addi %add3A, %add3A_51 : i32
      %dma_start3A_53 = arith.constant 0 : i32
      %dma_start3A_54 = tpu.memref_slice %arg6[%add3A_52, %dma_start3A_53] : memref<160x128xi32, #tpu.memory_space<vmem>> -> memref<1x128xi32, #tpu.memory_space<vmem>>
      %dma_start3A_55 = tpu.memref_squeeze %dma_start3A_54 : memref<1x128xi32, #tpu.memory_space<vmem>> -> memref<128xi32, #tpu.memory_space<vmem>>
      %dma_start3A_56 = arith.constant 0 : i32
      %dma_start3A_57 = arith.constant 0 : i32
      %dma_start3A_58 = tpu.memref_slice %arg8[%dma_start3A_56, %dma_start3A_57] : memref<10240x8xf32, #tpu.memory_space<vmem_shared>> -> memref<10240x8xf32, #tpu.memory_space<vmem_shared>>
      tpu.enqueue_indirect_dma source(%arg7 : memref<128x8xf32, #tpu.memory_space<vmem>>) target(%dma_start3A_58 : memref<10240x8xf32, #tpu.memory_space<vmem_shared>>) offsets(%dma_start3A_55 : memref<128xi32, #tpu.memory_space<vmem>>) semaphore(%arg9 : memref<!tpu.dma_semaphore, #tpu.memory_space<semaphore_mem>>) {add = true}
      %add3A_59 = arith.constant 6 : i32
      %add3A_60 = arith.addi %add3A, %add3A_59 : i32
      %dma_start3A_61 = arith.constant 0 : i32
      %dma_start3A_62 = tpu.memref_slice %arg6[%add3A_60, %dma_start3A_61] : memref<160x128xi32, #tpu.memory_space<vmem>> -> memref<1x128xi32, #tpu.memory_space<vmem>>
      %dma_start3A_63 = tpu.memref_squeeze %dma_start3A_62 : memref<1x128xi32, #tpu.memory_space<vmem>> -> memref<128xi32, #tpu.memory_space<vmem>>
      %dma_start3A_64 = arith.constant 0 : i32
      %dma_start3A_65 = arith.constant 0 : i32
      %dma_start3A_66 = tpu.memref_slice %arg8[%dma_start3A_64, %dma_start3A_65] : memref<10240x8xf32, #tpu.memory_space<vmem_shared>> -> memref<10240x8xf32, #tpu.memory_space<vmem_shared>>
      tpu.enqueue_indirect_dma source(%arg7 : memref<128x8xf32, #tpu.memory_space<vmem>>) target(%dma_start3A_66 : memref<10240x8xf32, #tpu.memory_space<vmem_shared>>) offsets(%dma_start3A_63 : memref<128xi32, #tpu.memory_space<vmem>>) semaphore(%arg9 : memref<!tpu.dma_semaphore, #tpu.memory_space<semaphore_mem>>) {add = true}
      %add3A_67 = arith.constant 7 : i32
      %add3A_68 = arith.addi %add3A, %add3A_67 : i32
      %dma_start3A_69 = arith.constant 0 : i32
      %dma_start3A_70 = tpu.memref_slice %arg6[%add3A_68, %dma_start3A_69] : memref<160x128xi32, #tpu.memory_space<vmem>> -> memref<1x128xi32, #tpu.memory_space<vmem>>
      %dma_start3A_71 = tpu.memref_squeeze %dma_start3A_70 : memref<1x128xi32, #tpu.memory_space<vmem>> -> memref<128xi32, #tpu.memory_space<vmem>>
      %dma_start3A_72 = arith.constant 0 : i32
      %dma_start3A_73 = arith.constant 0 : i32
      %dma_start3A_74 = tpu.memref_slice %arg8[%dma_start3A_72, %dma_start3A_73] : memref<10240x8xf32, #tpu.memory_space<vmem_shared>> -> memref<10240x8xf32, #tpu.memory_space<vmem_shared>>
      tpu.enqueue_indirect_dma source(%arg7 : memref<128x8xf32, #tpu.memory_space<vmem>>) target(%dma_start3A_74 : memref<10240x8xf32, #tpu.memory_space<vmem_shared>>) offsets(%dma_start3A_71 : memref<128xi32, #tpu.memory_space<vmem>>) semaphore(%arg9 : memref<!tpu.dma_semaphore, #tpu.memory_space<semaphore_mem>>) {add = true}
      %add3A_75 = arith.constant 0 : i32
      %add3A_76 = arith.addi %add3A, %add3A_75 : i32
      %dma_wait3A = arith.constant 0 : i32
      %dma_wait3A_77 = tpu.memref_slice %arg6[%add3A_76, %dma_wait3A] : memref<160x128xi32, #tpu.memory_space<vmem>> -> memref<1x128xi32, #tpu.memory_space<vmem>>
      %dma_wait3A_78 = tpu.memref_squeeze %dma_wait3A_77 : memref<1x128xi32, #tpu.memory_space<vmem>> -> memref<128xi32, #tpu.memory_space<vmem>>
      %dma_wait3A_79 = arith.constant 0 : i32
      %dma_wait3A_80 = arith.constant 0 : i32
      %dma_wait3A_81 = tpu.memref_slice %arg8[%dma_wait3A_79, %dma_wait3A_80] : memref<10240x8xf32, #tpu.memory_space<vmem_shared>> -> memref<10240x8xf32, #tpu.memory_space<vmem_shared>>
      tpu.wait_indirect_dma semaphore(%arg9 : memref<!tpu.dma_semaphore, #tpu.memory_space<semaphore_mem>>) src(%arg7 : memref<128x8xf32, #tpu.memory_space<vmem>>) dst(%dma_wait3A_81 : memref<10240x8xf32, #tpu.memory_space<vmem_shared>>)
      %add3A_82 = arith.constant 1 : i32
      %add3A_83 = arith.addi %add3A, %add3A_82 : i32
      %dma_wait3A_84 = arith.constant 0 : i32
      %dma_wait3A_85 = tpu.memref_slice %arg6[%add3A_83, %dma_wait3A_84] : memref<160x128xi32, #tpu.memory_space<vmem>> -> memref<1x128xi32, #tpu.memory_space<vmem>>
      %dma_wait3A_86 = tpu.memref_squeeze %dma_wait3A_85 : memref<1x128xi32, #tpu.memory_space<vmem>> -> memref<128xi32, #tpu.memory_space<vmem>>
      %dma_wait3A_87 = arith.constant 0 : i32
      %dma_wait3A_88 = arith.constant 0 : i32
      %dma_wait3A_89 = tpu.memref_slice %arg8[%dma_wait3A_87, %dma_wait3A_88] : memref<10240x8xf32, #tpu.memory_space<vmem_shared>> -> memref<10240x8xf32, #tpu.memory_space<vmem_shared>>
      tpu.wait_indirect_dma semaphore(%arg9 : memref<!tpu.dma_semaphore, #tpu.memory_space<semaphore_mem>>) src(%arg7 : memref<128x8xf32, #tpu.memory_space<vmem>>) dst(%dma_wait3A_89 : memref<10240x8xf32, #tpu.memory_space<vmem_shared>>)
      %add3A_90 = arith.constant 2 : i32
      %add3A_91 = arith.addi %add3A, %add3A_90 : i32
      %dma_wait3A_92 = arith.constant 0 : i32
      %dma_wait3A_93 = tpu.memref_slice %arg6[%add3A_91, %dma_wait3A_92] : memref<160x128xi32, #tpu.memory_space<vmem>> -> memref<1x128xi32, #tpu.memory_space<vmem>>
      %dma_wait3A_94 = tpu.memref_squeeze %dma_wait3A_93 : memref<1x128xi32, #tpu.memory_space<vmem>> -> memref<128xi32, #tpu.memory_space<vmem>>
      %dma_wait3A_95 = arith.constant 0 : i32
      %dma_wait3A_96 = arith.constant 0 : i32
      %dma_wait3A_97 = tpu.memref_slice %arg8[%dma_wait3A_95, %dma_wait3A_96] : memref<10240x8xf32, #tpu.memory_space<vmem_shared>> -> memref<10240x8xf32, #tpu.memory_space<vmem_shared>>
      tpu.wait_indirect_dma semaphore(%arg9 : memref<!tpu.dma_semaphore, #tpu.memory_space<semaphore_mem>>) src(%arg7 : memref<128x8xf32, #tpu.memory_space<vmem>>) dst(%dma_wait3A_97 : memref<10240x8xf32, #tpu.memory_space<vmem_shared>>)
      %add3A_98 = arith.constant 3 : i32
      %add3A_99 = arith.addi %add3A, %add3A_98 : i32
      %dma_wait3A_100 = arith.constant 0 : i32
      %dma_wait3A_101 = tpu.memref_slice %arg6[%add3A_99, %dma_wait3A_100] : memref<160x128xi32, #tpu.memory_space<vmem>> -> memref<1x128xi32, #tpu.memory_space<vmem>>
      %dma_wait3A_102 = tpu.memref_squeeze %dma_wait3A_101 : memref<1x128xi32, #tpu.memory_space<vmem>> -> memref<128xi32, #tpu.memory_space<vmem>>
      %dma_wait3A_103 = arith.constant 0 : i32
      %dma_wait3A_104 = arith.constant 0 : i32
      %dma_wait3A_105 = tpu.memref_slice %arg8[%dma_wait3A_103, %dma_wait3A_104] : memref<10240x8xf32, #tpu.memory_space<vmem_shared>> -> memref<10240x8xf32, #tpu.memory_space<vmem_shared>>
      tpu.wait_indirect_dma semaphore(%arg9 : memref<!tpu.dma_semaphore, #tpu.memory_space<semaphore_mem>>) src(%arg7 : memref<128x8xf32, #tpu.memory_space<vmem>>) dst(%dma_wait3A_105 : memref<10240x8xf32, #tpu.memory_space<vmem_shared>>)
      %add3A_106 = arith.constant 4 : i32
      %add3A_107 = arith.addi %add3A, %add3A_106 : i32
      %dma_wait3A_108 = arith.constant 0 : i32
      %dma_wait3A_109 = tpu.memref_slice %arg6[%add3A_107, %dma_wait3A_108] : memref<160x128xi32, #tpu.memory_space<vmem>> -> memref<1x128xi32, #tpu.memory_space<vmem>>
      %dma_wait3A_110 = tpu.memref_squeeze %dma_wait3A_109 : memref<1x128xi32, #tpu.memory_space<vmem>> -> memref<128xi32, #tpu.memory_space<vmem>>
      %dma_wait3A_111 = arith.constant 0 : i32
      %dma_wait3A_112 = arith.constant 0 : i32
      %dma_wait3A_113 = tpu.memref_slice %arg8[%dma_wait3A_111, %dma_wait3A_112] : memref<10240x8xf32, #tpu.memory_space<vmem_shared>> -> memref<10240x8xf32, #tpu.memory_space<vmem_shared>>
      tpu.wait_indirect_dma semaphore(%arg9 : memref<!tpu.dma_semaphore, #tpu.memory_space<semaphore_mem>>) src(%arg7 : memref<128x8xf32, #tpu.memory_space<vmem>>) dst(%dma_wait3A_113 : memref<10240x8xf32, #tpu.memory_space<vmem_shared>>)
      %add3A_114 = arith.constant 5 : i32
      %add3A_115 = arith.addi %add3A, %add3A_114 : i32
      %dma_wait3A_116 = arith.constant 0 : i32
      %dma_wait3A_117 = tpu.memref_slice %arg6[%add3A_115, %dma_wait3A_116] : memref<160x128xi32, #tpu.memory_space<vmem>> -> memref<1x128xi32, #tpu.memory_space<vmem>>
      %dma_wait3A_118 = tpu.memref_squeeze %dma_wait3A_117 : memref<1x128xi32, #tpu.memory_space<vmem>> -> memref<128xi32, #tpu.memory_space<vmem>>
      %dma_wait3A_119 = arith.constant 0 : i32
      %dma_wait3A_120 = arith.constant 0 : i32
      %dma_wait3A_121 = tpu.memref_slice %arg8[%dma_wait3A_119, %dma_wait3A_120] : memref<10240x8xf32, #tpu.memory_space<vmem_shared>> -> memref<10240x8xf32, #tpu.memory_space<vmem_shared>>
      tpu.wait_indirect_dma semaphore(%arg9 : memref<!tpu.dma_semaphore, #tpu.memory_space<semaphore_mem>>) src(%arg7 : memref<128x8xf32, #tpu.memory_space<vmem>>) dst(%dma_wait3A_121 : memref<10240x8xf32, #tpu.memory_space<vmem_shared>>)
      %add3A_122 = arith.constant 6 : i32
      %add3A_123 = arith.addi %add3A, %add3A_122 : i32
      %dma_wait3A_124 = arith.constant 0 : i32
      %dma_wait3A_125 = tpu.memref_slice %arg6[%add3A_123, %dma_wait3A_124] : memref<160x128xi32, #tpu.memory_space<vmem>> -> memref<1x128xi32, #tpu.memory_space<vmem>>
      %dma_wait3A_126 = tpu.memref_squeeze %dma_wait3A_125 : memref<1x128xi32, #tpu.memory_space<vmem>> -> memref<128xi32, #tpu.memory_space<vmem>>
      %dma_wait3A_127 = arith.constant 0 : i32
      %dma_wait3A_128 = arith.constant 0 : i32
      %dma_wait3A_129 = tpu.memref_slice %arg8[%dma_wait3A_127, %dma_wait3A_128] : memref<10240x8xf32, #tpu.memory_space<vmem_shared>> -> memref<10240x8xf32, #tpu.memory_space<vmem_shared>>
      tpu.wait_indirect_dma semaphore(%arg9 : memref<!tpu.dma_semaphore, #tpu.memory_space<semaphore_mem>>) src(%arg7 : memref<128x8xf32, #tpu.memory_space<vmem>>) dst(%dma_wait3A_129 : memref<10240x8xf32, #tpu.memory_space<vmem_shared>>)
      %add3A_130 = arith.constant 7 : i32
      %add3A_131 = arith.addi %add3A, %add3A_130 : i32
      %dma_wait3A_132 = arith.constant 0 : i32
      %dma_wait3A_133 = tpu.memref_slice %arg6[%add3A_131, %dma_wait3A_132] : memref<160x128xi32, #tpu.memory_space<vmem>> -> memref<1x128xi32, #tpu.memory_space<vmem>>
      %dma_wait3A_134 = tpu.memref_squeeze %dma_wait3A_133 : memref<1x128xi32, #tpu.memory_space<vmem>> -> memref<128xi32, #tpu.memory_space<vmem>>
      %dma_wait3A_135 = arith.constant 0 : i32
      %dma_wait3A_136 = arith.constant 0 : i32
      %dma_wait3A_137 = tpu.memref_slice %arg8[%dma_wait3A_135, %dma_wait3A_136] : memref<10240x8xf32, #tpu.memory_space<vmem_shared>> -> memref<10240x8xf32, #tpu.memory_space<vmem_shared>>
      tpu.wait_indirect_dma semaphore(%arg9 : memref<!tpu.dma_semaphore, #tpu.memory_space<semaphore_mem>>) src(%arg7 : memref<128x8xf32, #tpu.memory_space<vmem>>) dst(%dma_wait3A_137 : memref<10240x8xf32, #tpu.memory_space<vmem_shared>>)
    }
    %scan3A_7 = arith.constant 10 : i32
    %barrier3A_8 = arith.constant 0 : index
    tpu.barrier barrier_id(%barrier3A_8)
    "tpu.region"() ({
      %run_scoped3A = tpu.sem_alloc : memref<!tpu.dma_semaphore, #tpu.memory_space<semaphore_mem>>
      %dma_start3A = arith.constant 0 : i32
      %dma_start3A_9 = tpu.memref_slice %arg5[%arg0, %mul3A_0, %dma_start3A] : memref<2x10240x8xf32, #tpu.memory_space<hbm>> -> memref<1x640x8xf32, #tpu.memory_space<hbm>>
      %dma_start3A_10 = tpu.memref_squeeze %dma_start3A_9 : memref<1x640x8xf32, #tpu.memory_space<hbm>> -> memref<640x8xf32, #tpu.memory_space<hbm>>
      %dma_start3A_11 = arith.constant 0 : i32
      %dma_start3A_12 = tpu.memref_slice %arg8[%mul3A_0, %dma_start3A_11] : memref<10240x8xf32, #tpu.memory_space<vmem_shared>> -> memref<640x8xf32, #tpu.memory_space<vmem_shared>>
      tpu.enqueue_dma source(%dma_start3A_12 : memref<640x8xf32, #tpu.memory_space<vmem_shared>>) target(%dma_start3A_10 : memref<640x8xf32, #tpu.memory_space<hbm>>) target_semaphore(%run_scoped3A : memref<!tpu.dma_semaphore, #tpu.memory_space<semaphore_mem>>)
      %dma_wait3A = arith.constant 0 : i32
      %dma_wait3A_13 = tpu.memref_slice %arg5[%arg0, %mul3A_0, %dma_wait3A] : memref<2x10240x8xf32, #tpu.memory_space<hbm>> -> memref<1x640x8xf32, #tpu.memory_space<hbm>>
      %dma_wait3A_14 = tpu.memref_squeeze %dma_wait3A_13 : memref<1x640x8xf32, #tpu.memory_space<hbm>> -> memref<640x8xf32, #tpu.memory_space<hbm>>
      %dma_wait3A_15 = arith.constant 0 : i32
      %dma_wait3A_16 = tpu.memref_slice %arg8[%mul3A_0, %dma_wait3A_15] : memref<10240x8xf32, #tpu.memory_space<vmem_shared>> -> memref<640x8xf32, #tpu.memory_space<vmem_shared>>
      tpu.wait_dma2 semaphore(%run_scoped3A : memref<!tpu.dma_semaphore, #tpu.memory_space<semaphore_mem>>) src(%dma_wait3A_16 : memref<640x8xf32, #tpu.memory_space<vmem_shared>>) dst(%dma_wait3A_14 : memref<640x8xf32, #tpu.memory_space<hbm>>)
      tpu.yield
    }) : () -> ()
    return
  }
}

#map = affine_map<(d0, d1) -> (0, 0)>
#map1 = affine_map<(d0, d1) -> (0, 0, 0)>
module attributes {stable_mosaic.version = 14 : i64} {
  func.func @_agg_kernel(%arg0: i32, %arg1: i32, %arg2: memref<16x20480xi32, #tpu.memory_space<hbm>>, %arg3: memref<16x160x128xi32, #tpu.memory_space<hbm>>, %arg4: memref<10240x64xf32, #tpu.memory_space<hbm>>, %arg5: memref<10240x32xf32, #tpu.memory_space<hbm>>, %arg6: memref<10240x64xf32, #tpu.memory_space<hbm>>, %arg7: memref<20480xi32, #tpu.memory_space<vmem>>, %arg8: memref<160x128xi32, #tpu.memory_space<vmem>>, %arg9: memref<128x32xf32, #tpu.memory_space<vmem>>, %arg10: memref<128x32xf32, #tpu.memory_space<vmem>>, %arg11: memref<128x32xf32, #tpu.memory_space<vmem>>, %arg12: memref<128x32xf32, #tpu.memory_space<vmem>>, %arg13: memref<128x32xf32, #tpu.memory_space<vmem>>, %arg14: memref<128x32xf32, #tpu.memory_space<vmem>>, %arg15: memref<128x32xf32, #tpu.memory_space<vmem>>, %arg16: memref<128x32xf32, #tpu.memory_space<vmem>>, %arg17: memref<10240x32xf32, #tpu.memory_space<vmem_shared>>, %arg18: memref<10240x32xf32, #tpu.memory_space<vmem_shared>>, %arg19: memref<!tpu.dma_semaphore, #tpu.memory_space<semaphore_mem>>, %arg20: memref<!tpu.dma_semaphore, #tpu.memory_space<semaphore_mem>>, %arg21: memref<!tpu.dma_semaphore, #tpu.memory_space<semaphore_mem>>, %arg22: memref<!tpu.dma_semaphore, #tpu.memory_space<semaphore_mem>>, %arg23: memref<!tpu.dma_semaphore, #tpu.memory_space<semaphore_mem>>, %arg24: memref<!tpu.dma_semaphore, #tpu.memory_space<semaphore_mem>>, %arg25: memref<!tpu.dma_semaphore, #tpu.memory_space<semaphore_mem>>, %arg26: memref<!tpu.dma_semaphore, #tpu.memory_space<semaphore_mem>>, %arg27: memref<!tpu.dma_semaphore, #tpu.memory_space<semaphore_mem>>, %arg28: memref<!tpu.dma_semaphore, #tpu.memory_space<semaphore_mem>>, %arg29: memref<!tpu.dma_semaphore, #tpu.memory_space<semaphore_mem>>, %arg30: memref<!tpu.dma_semaphore, #tpu.memory_space<semaphore_mem>>, %arg31: memref<!tpu.dma_semaphore, #tpu.memory_space<semaphore_mem>>, %arg32: memref<!tpu.dma_semaphore, #tpu.memory_space<semaphore_mem>>, %arg33: memref<!tpu.dma_semaphore, #tpu.memory_space<semaphore_mem>>, %arg34: memref<!tpu.dma_semaphore, #tpu.memory_space<semaphore_mem>>) attributes {dimension_semantics = [#tpu.dimension_semantics<core_parallel>, #tpu.dimension_semantics<subcore_parallel>], iteration_bounds = array<i64: 2, 16>, scalar_prefetch = 0 : i64, scratch_operands = 28 : i64, tpu.core_type = #tpu.core_type<sc_vector_subcore>, window_params = [{transform_indices = #map}, {transform_indices = #map1}, {transform_indices = #map}, {transform_indices = #map}, {transform_indices = #map}]} {
    "tpu.region"() ({
      %run_scoped3A = tpu.sem_alloc : memref<!tpu.dma_semaphore, #tpu.memory_space<semaphore_mem>>
      %dma_start3A_219 = arith.constant 0 : i32
      %dma_start3A_220 = tpu.memref_slice %arg2[%arg1, %dma_start3A_219] : memref<16x20480xi32, #tpu.memory_space<hbm>> -> memref<1x20480xi32, #tpu.memory_space<hbm>>
      %dma_start3A_221 = tpu.memref_squeeze %dma_start3A_220 : memref<1x20480xi32, #tpu.memory_space<hbm>> -> memref<20480xi32, #tpu.memory_space<hbm>>
      %dma_start3A_222 = arith.constant 0 : i32
      %dma_start3A_223 = tpu.memref_slice %arg2[%arg1, %dma_start3A_222] : memref<16x20480xi32, #tpu.memory_space<hbm>> -> memref<1x20480xi32, #tpu.memory_space<hbm>>
      %dma_start3A_224 = tpu.memref_squeeze %dma_start3A_223 : memref<1x20480xi32, #tpu.memory_space<hbm>> -> memref<20480xi32, #tpu.memory_space<hbm>>
      tpu.enqueue_dma source(%dma_start3A_224 : memref<20480xi32, #tpu.memory_space<hbm>>) target(%arg7 : memref<20480xi32, #tpu.memory_space<vmem>>) target_semaphore(%run_scoped3A : memref<!tpu.dma_semaphore, #tpu.memory_space<semaphore_mem>>)
      %dma_wait3A_225 = arith.constant 0 : i32
      %dma_wait3A_226 = tpu.memref_slice %arg2[%arg1, %dma_wait3A_225] : memref<16x20480xi32, #tpu.memory_space<hbm>> -> memref<1x20480xi32, #tpu.memory_space<hbm>>
      %dma_wait3A_227 = tpu.memref_squeeze %dma_wait3A_226 : memref<1x20480xi32, #tpu.memory_space<hbm>> -> memref<20480xi32, #tpu.memory_space<hbm>>
      %dma_wait3A_228 = arith.constant 0 : i32
      %dma_wait3A_229 = tpu.memref_slice %arg2[%arg1, %dma_wait3A_228] : memref<16x20480xi32, #tpu.memory_space<hbm>> -> memref<1x20480xi32, #tpu.memory_space<hbm>>
      %dma_wait3A_230 = tpu.memref_squeeze %dma_wait3A_229 : memref<1x20480xi32, #tpu.memory_space<hbm>> -> memref<20480xi32, #tpu.memory_space<hbm>>
      tpu.wait_dma2 semaphore(%run_scoped3A : memref<!tpu.dma_semaphore, #tpu.memory_space<semaphore_mem>>) src(%dma_wait3A_230 : memref<20480xi32, #tpu.memory_space<hbm>>) dst(%arg7 : memref<20480xi32, #tpu.memory_space<vmem>>)
      tpu.yield
    }) : () -> ()
    "tpu.region"() ({
      %run_scoped3A = tpu.sem_alloc : memref<!tpu.dma_semaphore, #tpu.memory_space<semaphore_mem>>
      %dma_start3A_219 = arith.constant 0 : i32
      %dma_start3A_220 = arith.constant 0 : i32
      %dma_start3A_221 = tpu.memref_slice %arg3[%arg1, %dma_start3A_219, %dma_start3A_220] : memref<16x160x128xi32, #tpu.memory_space<hbm>> -> memref<1x160x128xi32, #tpu.memory_space<hbm>>
      %dma_start3A_222 = tpu.memref_squeeze %dma_start3A_221 : memref<1x160x128xi32, #tpu.memory_space<hbm>> -> memref<160x128xi32, #tpu.memory_space<hbm>>
      %dma_start3A_223 = arith.constant 0 : i32
      %dma_start3A_224 = arith.constant 0 : i32
      %dma_start3A_225 = tpu.memref_slice %arg3[%arg1, %dma_start3A_223, %dma_start3A_224] : memref<16x160x128xi32, #tpu.memory_space<hbm>> -> memref<1x160x128xi32, #tpu.memory_space<hbm>>
      %dma_start3A_226 = tpu.memref_squeeze %dma_start3A_225 : memref<1x160x128xi32, #tpu.memory_space<hbm>> -> memref<160x128xi32, #tpu.memory_space<hbm>>
      tpu.enqueue_dma source(%dma_start3A_226 : memref<160x128xi32, #tpu.memory_space<hbm>>) target(%arg8 : memref<160x128xi32, #tpu.memory_space<vmem>>) target_semaphore(%run_scoped3A : memref<!tpu.dma_semaphore, #tpu.memory_space<semaphore_mem>>)
      %dma_wait3A_227 = arith.constant 0 : i32
      %dma_wait3A_228 = arith.constant 0 : i32
      %dma_wait3A_229 = tpu.memref_slice %arg3[%arg1, %dma_wait3A_227, %dma_wait3A_228] : memref<16x160x128xi32, #tpu.memory_space<hbm>> -> memref<1x160x128xi32, #tpu.memory_space<hbm>>
      %dma_wait3A_230 = tpu.memref_squeeze %dma_wait3A_229 : memref<1x160x128xi32, #tpu.memory_space<hbm>> -> memref<160x128xi32, #tpu.memory_space<hbm>>
      %dma_wait3A_231 = arith.constant 0 : i32
      %dma_wait3A_232 = arith.constant 0 : i32
      %dma_wait3A_233 = tpu.memref_slice %arg3[%arg1, %dma_wait3A_231, %dma_wait3A_232] : memref<16x160x128xi32, #tpu.memory_space<hbm>> -> memref<1x160x128xi32, #tpu.memory_space<hbm>>
      %dma_wait3A_234 = tpu.memref_squeeze %dma_wait3A_233 : memref<1x160x128xi32, #tpu.memory_space<hbm>> -> memref<160x128xi32, #tpu.memory_space<hbm>>
      tpu.wait_dma2 semaphore(%run_scoped3A : memref<!tpu.dma_semaphore, #tpu.memory_space<semaphore_mem>>) src(%dma_wait3A_234 : memref<160x128xi32, #tpu.memory_space<hbm>>) dst(%arg8 : memref<160x128xi32, #tpu.memory_space<vmem>>)
      tpu.yield
    }) : () -> ()
    %mul3A = arith.constant 640 : i32
    %mul3A_0 = arith.muli %arg1, %mul3A : i32
    %mul3A_1 = arith.constant 32 : i32
    %mul3A_2 = arith.muli %arg0, %mul3A_1 : i32
    "tpu.region"() ({
      %run_scoped3A = tpu.sem_alloc : memref<!tpu.dma_semaphore, #tpu.memory_space<semaphore_mem>>
      %dma_start3A_219 = arith.constant 0 : i32
      %dma_start3A_220 = tpu.memref_slice %arg18[%mul3A_0, %dma_start3A_219] : memref<10240x32xf32, #tpu.memory_space<vmem_shared>> -> memref<640x32xf32, #tpu.memory_space<vmem_shared>>
      %dma_start3A_221 = tpu.memref_slice %arg4[%mul3A_0, %mul3A_2] : memref<10240x64xf32, #tpu.memory_space<hbm>> -> memref<640x32xf32, #tpu.memory_space<hbm>>
      tpu.enqueue_dma source(%dma_start3A_221 : memref<640x32xf32, #tpu.memory_space<hbm>>) target(%dma_start3A_220 : memref<640x32xf32, #tpu.memory_space<vmem_shared>>) target_semaphore(%run_scoped3A : memref<!tpu.dma_semaphore, #tpu.memory_space<semaphore_mem>>)
      %dma_wait3A_222 = arith.constant 0 : i32
      %dma_wait3A_223 = tpu.memref_slice %arg18[%mul3A_0, %dma_wait3A_222] : memref<10240x32xf32, #tpu.memory_space<vmem_shared>> -> memref<640x32xf32, #tpu.memory_space<vmem_shared>>
      %dma_wait3A_224 = tpu.memref_slice %arg4[%mul3A_0, %mul3A_2] : memref<10240x64xf32, #tpu.memory_space<hbm>> -> memref<640x32xf32, #tpu.memory_space<hbm>>
      tpu.wait_dma2 semaphore(%run_scoped3A : memref<!tpu.dma_semaphore, #tpu.memory_space<semaphore_mem>>) src(%dma_wait3A_224 : memref<640x32xf32, #tpu.memory_space<hbm>>) dst(%dma_wait3A_223 : memref<640x32xf32, #tpu.memory_space<vmem_shared>>)
      tpu.yield
    }) : () -> ()
    "tpu.region"() ({
      %run_scoped3A = tpu.sem_alloc : memref<!tpu.dma_semaphore, #tpu.memory_space<semaphore_mem>>
      %dma_start3A_219 = arith.constant 0 : i32
      %dma_start3A_220 = tpu.memref_slice %arg17[%mul3A_0, %dma_start3A_219] : memref<10240x32xf32, #tpu.memory_space<vmem_shared>> -> memref<640x32xf32, #tpu.memory_space<vmem_shared>>
      %dma_start3A_221 = arith.constant 0 : i32
      %dma_start3A_222 = tpu.memref_slice %arg5[%mul3A_0, %dma_start3A_221] : memref<10240x32xf32, #tpu.memory_space<hbm>> -> memref<640x32xf32, #tpu.memory_space<hbm>>
      tpu.enqueue_dma source(%dma_start3A_222 : memref<640x32xf32, #tpu.memory_space<hbm>>) target(%dma_start3A_220 : memref<640x32xf32, #tpu.memory_space<vmem_shared>>) target_semaphore(%run_scoped3A : memref<!tpu.dma_semaphore, #tpu.memory_space<semaphore_mem>>)
      %dma_wait3A_223 = arith.constant 0 : i32
      %dma_wait3A_224 = tpu.memref_slice %arg17[%mul3A_0, %dma_wait3A_223] : memref<10240x32xf32, #tpu.memory_space<vmem_shared>> -> memref<640x32xf32, #tpu.memory_space<vmem_shared>>
      %dma_wait3A_225 = arith.constant 0 : i32
      %dma_wait3A_226 = tpu.memref_slice %arg5[%mul3A_0, %dma_wait3A_225] : memref<10240x32xf32, #tpu.memory_space<hbm>> -> memref<640x32xf32, #tpu.memory_space<hbm>>
      tpu.wait_dma2 semaphore(%run_scoped3A : memref<!tpu.dma_semaphore, #tpu.memory_space<semaphore_mem>>) src(%dma_wait3A_226 : memref<640x32xf32, #tpu.memory_space<hbm>>) dst(%dma_wait3A_224 : memref<640x32xf32, #tpu.memory_space<vmem_shared>>)
      tpu.yield
    }) : () -> ()
    %barrier3A = arith.constant 0 : index
    tpu.barrier barrier_id(%barrier3A)
    %dma_start3A = arith.constant 0 : i32
    %dma_start3A_3 = tpu.memref_slice %arg7[%dma_start3A] : memref<20480xi32, #tpu.memory_space<vmem>> -> memref<128xi32, #tpu.memory_space<vmem>>
    %dma_start3A_4 = arith.constant 0 : i32
    %dma_start3A_5 = arith.constant 0 : i32
    %dma_start3A_6 = tpu.memref_slice %arg18[%dma_start3A_4, %dma_start3A_5] : memref<10240x32xf32, #tpu.memory_space<vmem_shared>> -> memref<10240x32xf32, #tpu.memory_space<vmem_shared>>
    tpu.enqueue_indirect_dma source(%dma_start3A_6 : memref<10240x32xf32, #tpu.memory_space<vmem_shared>>) target(%arg9 : memref<128x32xf32, #tpu.memory_space<vmem>>) offsets(%dma_start3A_3 : memref<128xi32, #tpu.memory_space<vmem>>) semaphore(%arg19 : memref<!tpu.dma_semaphore, #tpu.memory_space<semaphore_mem>>)
    %dma_start3A_7 = arith.constant 128 : i32
    %dma_start3A_8 = tpu.memref_slice %arg7[%dma_start3A_7] : memref<20480xi32, #tpu.memory_space<vmem>> -> memref<128xi32, #tpu.memory_space<vmem>>
    %dma_start3A_9 = arith.constant 0 : i32
    %dma_start3A_10 = arith.constant 0 : i32
    %dma_start3A_11 = tpu.memref_slice %arg18[%dma_start3A_9, %dma_start3A_10] : memref<10240x32xf32, #tpu.memory_space<vmem_shared>> -> memref<10240x32xf32, #tpu.memory_space<vmem_shared>>
    tpu.enqueue_indirect_dma source(%dma_start3A_11 : memref<10240x32xf32, #tpu.memory_space<vmem_shared>>) target(%arg10 : memref<128x32xf32, #tpu.memory_space<vmem>>) offsets(%dma_start3A_8 : memref<128xi32, #tpu.memory_space<vmem>>) semaphore(%arg20 : memref<!tpu.dma_semaphore, #tpu.memory_space<semaphore_mem>>)
    %dma_start3A_12 = arith.constant 256 : i32
    %dma_start3A_13 = tpu.memref_slice %arg7[%dma_start3A_12] : memref<20480xi32, #tpu.memory_space<vmem>> -> memref<128xi32, #tpu.memory_space<vmem>>
    %dma_start3A_14 = arith.constant 0 : i32
    %dma_start3A_15 = arith.constant 0 : i32
    %dma_start3A_16 = tpu.memref_slice %arg18[%dma_start3A_14, %dma_start3A_15] : memref<10240x32xf32, #tpu.memory_space<vmem_shared>> -> memref<10240x32xf32, #tpu.memory_space<vmem_shared>>
    tpu.enqueue_indirect_dma source(%dma_start3A_16 : memref<10240x32xf32, #tpu.memory_space<vmem_shared>>) target(%arg11 : memref<128x32xf32, #tpu.memory_space<vmem>>) offsets(%dma_start3A_13 : memref<128xi32, #tpu.memory_space<vmem>>) semaphore(%arg21 : memref<!tpu.dma_semaphore, #tpu.memory_space<semaphore_mem>>)
    %dma_start3A_17 = arith.constant 384 : i32
    %dma_start3A_18 = tpu.memref_slice %arg7[%dma_start3A_17] : memref<20480xi32, #tpu.memory_space<vmem>> -> memref<128xi32, #tpu.memory_space<vmem>>
    %dma_start3A_19 = arith.constant 0 : i32
    %dma_start3A_20 = arith.constant 0 : i32
    %dma_start3A_21 = tpu.memref_slice %arg18[%dma_start3A_19, %dma_start3A_20] : memref<10240x32xf32, #tpu.memory_space<vmem_shared>> -> memref<10240x32xf32, #tpu.memory_space<vmem_shared>>
    tpu.enqueue_indirect_dma source(%dma_start3A_21 : memref<10240x32xf32, #tpu.memory_space<vmem_shared>>) target(%arg12 : memref<128x32xf32, #tpu.memory_space<vmem>>) offsets(%dma_start3A_18 : memref<128xi32, #tpu.memory_space<vmem>>) semaphore(%arg22 : memref<!tpu.dma_semaphore, #tpu.memory_space<semaphore_mem>>)
    %dma_wait3A = arith.constant 0 : i32
    %dma_wait3A_22 = tpu.memref_slice %arg7[%dma_wait3A] : memref<20480xi32, #tpu.memory_space<vmem>> -> memref<128xi32, #tpu.memory_space<vmem>>
    %dma_wait3A_23 = arith.constant 0 : i32
    %dma_wait3A_24 = arith.constant 0 : i32
    %dma_wait3A_25 = tpu.memref_slice %arg18[%dma_wait3A_23, %dma_wait3A_24] : memref<10240x32xf32, #tpu.memory_space<vmem_shared>> -> memref<10240x32xf32, #tpu.memory_space<vmem_shared>>
    tpu.wait_indirect_dma semaphore(%arg19 : memref<!tpu.dma_semaphore, #tpu.memory_space<semaphore_mem>>) src(%dma_wait3A_25 : memref<10240x32xf32, #tpu.memory_space<vmem_shared>>) dst(%arg9 : memref<128x32xf32, #tpu.memory_space<vmem>>)
    %dma_start3A_26 = arith.constant 0 : i32
    %dma_start3A_27 = arith.constant 0 : i32
    %dma_start3A_28 = tpu.memref_slice %arg8[%dma_start3A_26, %dma_start3A_27] : memref<160x128xi32, #tpu.memory_space<vmem>> -> memref<1x128xi32, #tpu.memory_space<vmem>>
    %dma_start3A_29 = tpu.memref_squeeze %dma_start3A_28 : memref<1x128xi32, #tpu.memory_space<vmem>> -> memref<128xi32, #tpu.memory_space<vmem>>
    %dma_start3A_30 = arith.constant 0 : i32
    %dma_start3A_31 = arith.constant 0 : i32
    %dma_start3A_32 = tpu.memref_slice %arg17[%dma_start3A_30, %dma_start3A_31] : memref<10240x32xf32, #tpu.memory_space<vmem_shared>> -> memref<10240x32xf32, #tpu.memory_space<vmem_shared>>
    tpu.enqueue_indirect_dma source(%arg9 : memref<128x32xf32, #tpu.memory_space<vmem>>) target(%dma_start3A_32 : memref<10240x32xf32, #tpu.memory_space<vmem_shared>>) offsets(%dma_start3A_29 : memref<128xi32, #tpu.memory_space<vmem>>) semaphore(%arg27 : memref<!tpu.dma_semaphore, #tpu.memory_space<semaphore_mem>>) {add = true}
    %dma_start3A_33 = arith.constant 512 : i32
    %dma_start3A_34 = tpu.memref_slice %arg7[%dma_start3A_33] : memref<20480xi32, #tpu.memory_space<vmem>> -> memref<128xi32, #tpu.memory_space<vmem>>
    %dma_start3A_35 = arith.constant 0 : i32
    %dma_start3A_36 = arith.constant 0 : i32
    %dma_start3A_37 = tpu.memref_slice %arg18[%dma_start3A_35, %dma_start3A_36] : memref<10240x32xf32, #tpu.memory_space<vmem_shared>> -> memref<10240x32xf32, #tpu.memory_space<vmem_shared>>
    tpu.enqueue_indirect_dma source(%dma_start3A_37 : memref<10240x32xf32, #tpu.memory_space<vmem_shared>>) target(%arg13 : memref<128x32xf32, #tpu.memory_space<vmem>>) offsets(%dma_start3A_34 : memref<128xi32, #tpu.memory_space<vmem>>) semaphore(%arg23 : memref<!tpu.dma_semaphore, #tpu.memory_space<semaphore_mem>>)
    %dma_wait3A_38 = arith.constant 128 : i32
    %dma_wait3A_39 = tpu.memref_slice %arg7[%dma_wait3A_38] : memref<20480xi32, #tpu.memory_space<vmem>> -> memref<128xi32, #tpu.memory_space<vmem>>
    %dma_wait3A_40 = arith.constant 0 : i32
    %dma_wait3A_41 = arith.constant 0 : i32
    %dma_wait3A_42 = tpu.memref_slice %arg18[%dma_wait3A_40, %dma_wait3A_41] : memref<10240x32xf32, #tpu.memory_space<vmem_shared>> -> memref<10240x32xf32, #tpu.memory_space<vmem_shared>>
    tpu.wait_indirect_dma semaphore(%arg20 : memref<!tpu.dma_semaphore, #tpu.memory_space<semaphore_mem>>) src(%dma_wait3A_42 : memref<10240x32xf32, #tpu.memory_space<vmem_shared>>) dst(%arg10 : memref<128x32xf32, #tpu.memory_space<vmem>>)
    %dma_start3A_43 = arith.constant 1 : i32
    %dma_start3A_44 = arith.constant 0 : i32
    %dma_start3A_45 = tpu.memref_slice %arg8[%dma_start3A_43, %dma_start3A_44] : memref<160x128xi32, #tpu.memory_space<vmem>> -> memref<1x128xi32, #tpu.memory_space<vmem>>
    %dma_start3A_46 = tpu.memref_squeeze %dma_start3A_45 : memref<1x128xi32, #tpu.memory_space<vmem>> -> memref<128xi32, #tpu.memory_space<vmem>>
    %dma_start3A_47 = arith.constant 0 : i32
    %dma_start3A_48 = arith.constant 0 : i32
    %dma_start3A_49 = tpu.memref_slice %arg17[%dma_start3A_47, %dma_start3A_48] : memref<10240x32xf32, #tpu.memory_space<vmem_shared>> -> memref<10240x32xf32, #tpu.memory_space<vmem_shared>>
    tpu.enqueue_indirect_dma source(%arg10 : memref<128x32xf32, #tpu.memory_space<vmem>>) target(%dma_start3A_49 : memref<10240x32xf32, #tpu.memory_space<vmem_shared>>) offsets(%dma_start3A_46 : memref<128xi32, #tpu.memory_space<vmem>>) semaphore(%arg28 : memref<!tpu.dma_semaphore, #tpu.memory_space<semaphore_mem>>) {add = true}
    %dma_start3A_50 = arith.constant 640 : i32
    %dma_start3A_51 = tpu.memref_slice %arg7[%dma_start3A_50] : memref<20480xi32, #tpu.memory_space<vmem>> -> memref<128xi32, #tpu.memory_space<vmem>>
    %dma_start3A_52 = arith.constant 0 : i32
    %dma_start3A_53 = arith.constant 0 : i32
    %dma_start3A_54 = tpu.memref_slice %arg18[%dma_start3A_52, %dma_start3A_53] : memref<10240x32xf32, #tpu.memory_space<vmem_shared>> -> memref<10240x32xf32, #tpu.memory_space<vmem_shared>>
    tpu.enqueue_indirect_dma source(%dma_start3A_54 : memref<10240x32xf32, #tpu.memory_space<vmem_shared>>) target(%arg14 : memref<128x32xf32, #tpu.memory_space<vmem>>) offsets(%dma_start3A_51 : memref<128xi32, #tpu.memory_space<vmem>>) semaphore(%arg24 : memref<!tpu.dma_semaphore, #tpu.memory_space<semaphore_mem>>)
    %dma_wait3A_55 = arith.constant 256 : i32
    %dma_wait3A_56 = tpu.memref_slice %arg7[%dma_wait3A_55] : memref<20480xi32, #tpu.memory_space<vmem>> -> memref<128xi32, #tpu.memory_space<vmem>>
    %dma_wait3A_57 = arith.constant 0 : i32
    %dma_wait3A_58 = arith.constant 0 : i32
    %dma_wait3A_59 = tpu.memref_slice %arg18[%dma_wait3A_57, %dma_wait3A_58] : memref<10240x32xf32, #tpu.memory_space<vmem_shared>> -> memref<10240x32xf32, #tpu.memory_space<vmem_shared>>
    tpu.wait_indirect_dma semaphore(%arg21 : memref<!tpu.dma_semaphore, #tpu.memory_space<semaphore_mem>>) src(%dma_wait3A_59 : memref<10240x32xf32, #tpu.memory_space<vmem_shared>>) dst(%arg11 : memref<128x32xf32, #tpu.memory_space<vmem>>)
    %dma_start3A_60 = arith.constant 2 : i32
    %dma_start3A_61 = arith.constant 0 : i32
    %dma_start3A_62 = tpu.memref_slice %arg8[%dma_start3A_60, %dma_start3A_61] : memref<160x128xi32, #tpu.memory_space<vmem>> -> memref<1x128xi32, #tpu.memory_space<vmem>>
    %dma_start3A_63 = tpu.memref_squeeze %dma_start3A_62 : memref<1x128xi32, #tpu.memory_space<vmem>> -> memref<128xi32, #tpu.memory_space<vmem>>
    %dma_start3A_64 = arith.constant 0 : i32
    %dma_start3A_65 = arith.constant 0 : i32
    %dma_start3A_66 = tpu.memref_slice %arg17[%dma_start3A_64, %dma_start3A_65] : memref<10240x32xf32, #tpu.memory_space<vmem_shared>> -> memref<10240x32xf32, #tpu.memory_space<vmem_shared>>
    tpu.enqueue_indirect_dma source(%arg11 : memref<128x32xf32, #tpu.memory_space<vmem>>) target(%dma_start3A_66 : memref<10240x32xf32, #tpu.memory_space<vmem_shared>>) offsets(%dma_start3A_63 : memref<128xi32, #tpu.memory_space<vmem>>) semaphore(%arg29 : memref<!tpu.dma_semaphore, #tpu.memory_space<semaphore_mem>>) {add = true}
    %dma_start3A_67 = arith.constant 768 : i32
    %dma_start3A_68 = tpu.memref_slice %arg7[%dma_start3A_67] : memref<20480xi32, #tpu.memory_space<vmem>> -> memref<128xi32, #tpu.memory_space<vmem>>
    %dma_start3A_69 = arith.constant 0 : i32
    %dma_start3A_70 = arith.constant 0 : i32
    %dma_start3A_71 = tpu.memref_slice %arg18[%dma_start3A_69, %dma_start3A_70] : memref<10240x32xf32, #tpu.memory_space<vmem_shared>> -> memref<10240x32xf32, #tpu.memory_space<vmem_shared>>
    tpu.enqueue_indirect_dma source(%dma_start3A_71 : memref<10240x32xf32, #tpu.memory_space<vmem_shared>>) target(%arg15 : memref<128x32xf32, #tpu.memory_space<vmem>>) offsets(%dma_start3A_68 : memref<128xi32, #tpu.memory_space<vmem>>) semaphore(%arg25 : memref<!tpu.dma_semaphore, #tpu.memory_space<semaphore_mem>>)
    %dma_wait3A_72 = arith.constant 384 : i32
    %dma_wait3A_73 = tpu.memref_slice %arg7[%dma_wait3A_72] : memref<20480xi32, #tpu.memory_space<vmem>> -> memref<128xi32, #tpu.memory_space<vmem>>
    %dma_wait3A_74 = arith.constant 0 : i32
    %dma_wait3A_75 = arith.constant 0 : i32
    %dma_wait3A_76 = tpu.memref_slice %arg18[%dma_wait3A_74, %dma_wait3A_75] : memref<10240x32xf32, #tpu.memory_space<vmem_shared>> -> memref<10240x32xf32, #tpu.memory_space<vmem_shared>>
    tpu.wait_indirect_dma semaphore(%arg22 : memref<!tpu.dma_semaphore, #tpu.memory_space<semaphore_mem>>) src(%dma_wait3A_76 : memref<10240x32xf32, #tpu.memory_space<vmem_shared>>) dst(%arg12 : memref<128x32xf32, #tpu.memory_space<vmem>>)
    %dma_start3A_77 = arith.constant 3 : i32
    %dma_start3A_78 = arith.constant 0 : i32
    %dma_start3A_79 = tpu.memref_slice %arg8[%dma_start3A_77, %dma_start3A_78] : memref<160x128xi32, #tpu.memory_space<vmem>> -> memref<1x128xi32, #tpu.memory_space<vmem>>
    %dma_start3A_80 = tpu.memref_squeeze %dma_start3A_79 : memref<1x128xi32, #tpu.memory_space<vmem>> -> memref<128xi32, #tpu.memory_space<vmem>>
    %dma_start3A_81 = arith.constant 0 : i32
    %dma_start3A_82 = arith.constant 0 : i32
    %dma_start3A_83 = tpu.memref_slice %arg17[%dma_start3A_81, %dma_start3A_82] : memref<10240x32xf32, #tpu.memory_space<vmem_shared>> -> memref<10240x32xf32, #tpu.memory_space<vmem_shared>>
    tpu.enqueue_indirect_dma source(%arg12 : memref<128x32xf32, #tpu.memory_space<vmem>>) target(%dma_start3A_83 : memref<10240x32xf32, #tpu.memory_space<vmem_shared>>) offsets(%dma_start3A_80 : memref<128xi32, #tpu.memory_space<vmem>>) semaphore(%arg30 : memref<!tpu.dma_semaphore, #tpu.memory_space<semaphore_mem>>) {add = true}
    %dma_start3A_84 = arith.constant 896 : i32
    %dma_start3A_85 = tpu.memref_slice %arg7[%dma_start3A_84] : memref<20480xi32, #tpu.memory_space<vmem>> -> memref<128xi32, #tpu.memory_space<vmem>>
    %dma_start3A_86 = arith.constant 0 : i32
    %dma_start3A_87 = arith.constant 0 : i32
    %dma_start3A_88 = tpu.memref_slice %arg18[%dma_start3A_86, %dma_start3A_87] : memref<10240x32xf32, #tpu.memory_space<vmem_shared>> -> memref<10240x32xf32, #tpu.memory_space<vmem_shared>>
    tpu.enqueue_indirect_dma source(%dma_start3A_88 : memref<10240x32xf32, #tpu.memory_space<vmem_shared>>) target(%arg16 : memref<128x32xf32, #tpu.memory_space<vmem>>) offsets(%dma_start3A_85 : memref<128xi32, #tpu.memory_space<vmem>>) semaphore(%arg26 : memref<!tpu.dma_semaphore, #tpu.memory_space<semaphore_mem>>)
    %dma_wait3A_89 = arith.constant 512 : i32
    %dma_wait3A_90 = tpu.memref_slice %arg7[%dma_wait3A_89] : memref<20480xi32, #tpu.memory_space<vmem>> -> memref<128xi32, #tpu.memory_space<vmem>>
    %dma_wait3A_91 = arith.constant 0 : i32
    %dma_wait3A_92 = arith.constant 0 : i32
    %dma_wait3A_93 = tpu.memref_slice %arg18[%dma_wait3A_91, %dma_wait3A_92] : memref<10240x32xf32, #tpu.memory_space<vmem_shared>> -> memref<10240x32xf32, #tpu.memory_space<vmem_shared>>
    tpu.wait_indirect_dma semaphore(%arg23 : memref<!tpu.dma_semaphore, #tpu.memory_space<semaphore_mem>>) src(%dma_wait3A_93 : memref<10240x32xf32, #tpu.memory_space<vmem_shared>>) dst(%arg13 : memref<128x32xf32, #tpu.memory_space<vmem>>)
    %dma_start3A_94 = arith.constant 4 : i32
    %dma_start3A_95 = arith.constant 0 : i32
    %dma_start3A_96 = tpu.memref_slice %arg8[%dma_start3A_94, %dma_start3A_95] : memref<160x128xi32, #tpu.memory_space<vmem>> -> memref<1x128xi32, #tpu.memory_space<vmem>>
    %dma_start3A_97 = tpu.memref_squeeze %dma_start3A_96 : memref<1x128xi32, #tpu.memory_space<vmem>> -> memref<128xi32, #tpu.memory_space<vmem>>
    %dma_start3A_98 = arith.constant 0 : i32
    %dma_start3A_99 = arith.constant 0 : i32
    %dma_start3A_100 = tpu.memref_slice %arg17[%dma_start3A_98, %dma_start3A_99] : memref<10240x32xf32, #tpu.memory_space<vmem_shared>> -> memref<10240x32xf32, #tpu.memory_space<vmem_shared>>
    tpu.enqueue_indirect_dma source(%arg13 : memref<128x32xf32, #tpu.memory_space<vmem>>) target(%dma_start3A_100 : memref<10240x32xf32, #tpu.memory_space<vmem_shared>>) offsets(%dma_start3A_97 : memref<128xi32, #tpu.memory_space<vmem>>) semaphore(%arg31 : memref<!tpu.dma_semaphore, #tpu.memory_space<semaphore_mem>>) {add = true}
    %dma_wait3A_101 = arith.constant 0 : i32
    %dma_wait3A_102 = arith.constant 0 : i32
    %dma_wait3A_103 = tpu.memref_slice %arg8[%dma_wait3A_101, %dma_wait3A_102] : memref<160x128xi32, #tpu.memory_space<vmem>> -> memref<1x128xi32, #tpu.memory_space<vmem>>
    %dma_wait3A_104 = tpu.memref_squeeze %dma_wait3A_103 : memref<1x128xi32, #tpu.memory_space<vmem>> -> memref<128xi32, #tpu.memory_space<vmem>>
    %dma_wait3A_105 = arith.constant 0 : i32
    %dma_wait3A_106 = arith.constant 0 : i32
    %dma_wait3A_107 = tpu.memref_slice %arg17[%dma_wait3A_105, %dma_wait3A_106] : memref<10240x32xf32, #tpu.memory_space<vmem_shared>> -> memref<10240x32xf32, #tpu.memory_space<vmem_shared>>
    tpu.wait_indirect_dma semaphore(%arg27 : memref<!tpu.dma_semaphore, #tpu.memory_space<semaphore_mem>>) src(%arg9 : memref<128x32xf32, #tpu.memory_space<vmem>>) dst(%dma_wait3A_107 : memref<10240x32xf32, #tpu.memory_space<vmem_shared>>)
    %dma_start3A_108 = arith.constant 1024 : i32
    %dma_start3A_109 = tpu.memref_slice %arg7[%dma_start3A_108] : memref<20480xi32, #tpu.memory_space<vmem>> -> memref<128xi32, #tpu.memory_space<vmem>>
    %dma_start3A_110 = arith.constant 0 : i32
    %dma_start3A_111 = arith.constant 0 : i32
    %dma_start3A_112 = tpu.memref_slice %arg18[%dma_start3A_110, %dma_start3A_111] : memref<10240x32xf32, #tpu.memory_space<vmem_shared>> -> memref<10240x32xf32, #tpu.memory_space<vmem_shared>>
    tpu.enqueue_indirect_dma source(%dma_start3A_112 : memref<10240x32xf32, #tpu.memory_space<vmem_shared>>) target(%arg9 : memref<128x32xf32, #tpu.memory_space<vmem>>) offsets(%dma_start3A_109 : memref<128xi32, #tpu.memory_space<vmem>>) semaphore(%arg19 : memref<!tpu.dma_semaphore, #tpu.memory_space<semaphore_mem>>)
    %dma_wait3A_113 = arith.constant 640 : i32
    %dma_wait3A_114 = tpu.memref_slice %arg7[%dma_wait3A_113] : memref<20480xi32, #tpu.memory_space<vmem>> -> memref<128xi32, #tpu.memory_space<vmem>>
    %dma_wait3A_115 = arith.constant 0 : i32
    %dma_wait3A_116 = arith.constant 0 : i32
    %dma_wait3A_117 = tpu.memref_slice %arg18[%dma_wait3A_115, %dma_wait3A_116] : memref<10240x32xf32, #tpu.memory_space<vmem_shared>> -> memref<10240x32xf32, #tpu.memory_space<vmem_shared>>
    tpu.wait_indirect_dma semaphore(%arg24 : memref<!tpu.dma_semaphore, #tpu.memory_space<semaphore_mem>>) src(%dma_wait3A_117 : memref<10240x32xf32, #tpu.memory_space<vmem_shared>>) dst(%arg14 : memref<128x32xf32, #tpu.memory_space<vmem>>)
    %dma_start3A_118 = arith.constant 5 : i32
    %dma_start3A_119 = arith.constant 0 : i32
    %dma_start3A_120 = tpu.memref_slice %arg8[%dma_start3A_118, %dma_start3A_119] : memref<160x128xi32, #tpu.memory_space<vmem>> -> memref<1x128xi32, #tpu.memory_space<vmem>>
    %dma_start3A_121 = tpu.memref_squeeze %dma_start3A_120 : memref<1x128xi32, #tpu.memory_space<vmem>> -> memref<128xi32, #tpu.memory_space<vmem>>
    %dma_start3A_122 = arith.constant 0 : i32
    %dma_start3A_123 = arith.constant 0 : i32
    %dma_start3A_124 = tpu.memref_slice %arg17[%dma_start3A_122, %dma_start3A_123] : memref<10240x32xf32, #tpu.memory_space<vmem_shared>> -> memref<10240x32xf32, #tpu.memory_space<vmem_shared>>
    tpu.enqueue_indirect_dma source(%arg14 : memref<128x32xf32, #tpu.memory_space<vmem>>) target(%dma_start3A_124 : memref<10240x32xf32, #tpu.memory_space<vmem_shared>>) offsets(%dma_start3A_121 : memref<128xi32, #tpu.memory_space<vmem>>) semaphore(%arg32 : memref<!tpu.dma_semaphore, #tpu.memory_space<semaphore_mem>>) {add = true}
    %dma_wait3A_125 = arith.constant 1 : i32
    %dma_wait3A_126 = arith.constant 0 : i32
    %dma_wait3A_127 = tpu.memref_slice %arg8[%dma_wait3A_125, %dma_wait3A_126] : memref<160x128xi32, #tpu.memory_space<vmem>> -> memref<1x128xi32, #tpu.memory_space<vmem>>
    %dma_wait3A_128 = tpu.memref_squeeze %dma_wait3A_127 : memref<1x128xi32, #tpu.memory_space<vmem>> -> memref<128xi32, #tpu.memory_space<vmem>>
    %dma_wait3A_129 = arith.constant 0 : i32
    %dma_wait3A_130 = arith.constant 0 : i32
    %dma_wait3A_131 = tpu.memref_slice %arg17[%dma_wait3A_129, %dma_wait3A_130] : memref<10240x32xf32, #tpu.memory_space<vmem_shared>> -> memref<10240x32xf32, #tpu.memory_space<vmem_shared>>
    tpu.wait_indirect_dma semaphore(%arg28 : memref<!tpu.dma_semaphore, #tpu.memory_space<semaphore_mem>>) src(%arg10 : memref<128x32xf32, #tpu.memory_space<vmem>>) dst(%dma_wait3A_131 : memref<10240x32xf32, #tpu.memory_space<vmem_shared>>)
    %dma_start3A_132 = arith.constant 1152 : i32
    %dma_start3A_133 = tpu.memref_slice %arg7[%dma_start3A_132] : memref<20480xi32, #tpu.memory_space<vmem>> -> memref<128xi32, #tpu.memory_space<vmem>>
    %dma_start3A_134 = arith.constant 0 : i32
    %dma_start3A_135 = arith.constant 0 : i32
    %dma_start3A_136 = tpu.memref_slice %arg18[%dma_start3A_134, %dma_start3A_135] : memref<10240x32xf32, #tpu.memory_space<vmem_shared>> -> memref<10240x32xf32, #tpu.memory_space<vmem_shared>>
    tpu.enqueue_indirect_dma source(%dma_start3A_136 : memref<10240x32xf32, #tpu.memory_space<vmem_shared>>) target(%arg10 : memref<128x32xf32, #tpu.memory_space<vmem>>) offsets(%dma_start3A_133 : memref<128xi32, #tpu.memory_space<vmem>>) semaphore(%arg20 : memref<!tpu.dma_semaphore, #tpu.memory_space<semaphore_mem>>)
    %dma_wait3A_137 = arith.constant 768 : i32
    %dma_wait3A_138 = tpu.memref_slice %arg7[%dma_wait3A_137] : memref<20480xi32, #tpu.memory_space<vmem>> -> memref<128xi32, #tpu.memory_space<vmem>>
    %dma_wait3A_139 = arith.constant 0 : i32
    %dma_wait3A_140 = arith.constant 0 : i32
    %dma_wait3A_141 = tpu.memref_slice %arg18[%dma_wait3A_139, %dma_wait3A_140] : memref<10240x32xf32, #tpu.memory_space<vmem_shared>> -> memref<10240x32xf32, #tpu.memory_space<vmem_shared>>
    tpu.wait_indirect_dma semaphore(%arg25 : memref<!tpu.dma_semaphore, #tpu.memory_space<semaphore_mem>>) src(%dma_wait3A_141 : memref<10240x32xf32, #tpu.memory_space<vmem_shared>>) dst(%arg15 : memref<128x32xf32, #tpu.memory_space<vmem>>)
    %dma_start3A_142 = arith.constant 6 : i32
    %dma_start3A_143 = arith.constant 0 : i32
    %dma_start3A_144 = tpu.memref_slice %arg8[%dma_start3A_142, %dma_start3A_143] : memref<160x128xi32, #tpu.memory_space<vmem>> -> memref<1x128xi32, #tpu.memory_space<vmem>>
    %dma_start3A_145 = tpu.memref_squeeze %dma_start3A_144 : memref<1x128xi32, #tpu.memory_space<vmem>> -> memref<128xi32, #tpu.memory_space<vmem>>
    %dma_start3A_146 = arith.constant 0 : i32
    %dma_start3A_147 = arith.constant 0 : i32
    %dma_start3A_148 = tpu.memref_slice %arg17[%dma_start3A_146, %dma_start3A_147] : memref<10240x32xf32, #tpu.memory_space<vmem_shared>> -> memref<10240x32xf32, #tpu.memory_space<vmem_shared>>
    tpu.enqueue_indirect_dma source(%arg15 : memref<128x32xf32, #tpu.memory_space<vmem>>) target(%dma_start3A_148 : memref<10240x32xf32, #tpu.memory_space<vmem_shared>>) offsets(%dma_start3A_145 : memref<128xi32, #tpu.memory_space<vmem>>) semaphore(%arg33 : memref<!tpu.dma_semaphore, #tpu.memory_space<semaphore_mem>>) {add = true}
    %dma_wait3A_149 = arith.constant 2 : i32
    %dma_wait3A_150 = arith.constant 0 : i32
    %dma_wait3A_151 = tpu.memref_slice %arg8[%dma_wait3A_149, %dma_wait3A_150] : memref<160x128xi32, #tpu.memory_space<vmem>> -> memref<1x128xi32, #tpu.memory_space<vmem>>
    %dma_wait3A_152 = tpu.memref_squeeze %dma_wait3A_151 : memref<1x128xi32, #tpu.memory_space<vmem>> -> memref<128xi32, #tpu.memory_space<vmem>>
    %dma_wait3A_153 = arith.constant 0 : i32
    %dma_wait3A_154 = arith.constant 0 : i32
    %dma_wait3A_155 = tpu.memref_slice %arg17[%dma_wait3A_153, %dma_wait3A_154] : memref<10240x32xf32, #tpu.memory_space<vmem_shared>> -> memref<10240x32xf32, #tpu.memory_space<vmem_shared>>
    tpu.wait_indirect_dma semaphore(%arg29 : memref<!tpu.dma_semaphore, #tpu.memory_space<semaphore_mem>>) src(%arg11 : memref<128x32xf32, #tpu.memory_space<vmem>>) dst(%dma_wait3A_155 : memref<10240x32xf32, #tpu.memory_space<vmem_shared>>)
    %dma_start3A_156 = arith.constant 1280 : i32
    %dma_start3A_157 = tpu.memref_slice %arg7[%dma_start3A_156] : memref<20480xi32, #tpu.memory_space<vmem>> -> memref<128xi32, #tpu.memory_space<vmem>>
    %dma_start3A_158 = arith.constant 0 : i32
    %dma_start3A_159 = arith.constant 0 : i32
    %dma_start3A_160 = tpu.memref_slice %arg18[%dma_start3A_158, %dma_start3A_159] : memref<10240x32xf32, #tpu.memory_space<vmem_shared>> -> memref<10240x32xf32, #tpu.memory_space<vmem_shared>>
    tpu.enqueue_indirect_dma source(%dma_start3A_160 : memref<10240x32xf32, #tpu.memory_space<vmem_shared>>) target(%arg11 : memref<128x32xf32, #tpu.memory_space<vmem>>) offsets(%dma_start3A_157 : memref<128xi32, #tpu.memory_space<vmem>>) semaphore(%arg21 : memref<!tpu.dma_semaphore, #tpu.memory_space<semaphore_mem>>)
    %dma_wait3A_161 = arith.constant 896 : i32
    %dma_wait3A_162 = tpu.memref_slice %arg7[%dma_wait3A_161] : memref<20480xi32, #tpu.memory_space<vmem>> -> memref<128xi32, #tpu.memory_space<vmem>>
    %dma_wait3A_163 = arith.constant 0 : i32
    %dma_wait3A_164 = arith.constant 0 : i32
    %dma_wait3A_165 = tpu.memref_slice %arg18[%dma_wait3A_163, %dma_wait3A_164] : memref<10240x32xf32, #tpu.memory_space<vmem_shared>> -> memref<10240x32xf32, #tpu.memory_space<vmem_shared>>
    tpu.wait_indirect_dma semaphore(%arg26 : memref<!tpu.dma_semaphore, #tpu.memory_space<semaphore_mem>>) src(%dma_wait3A_165 : memref<10240x32xf32, #tpu.memory_space<vmem_shared>>) dst(%arg16 : memref<128x32xf32, #tpu.memory_space<vmem>>)
    %dma_start3A_166 = arith.constant 7 : i32
    %dma_start3A_167 = arith.constant 0 : i32
    %dma_start3A_168 = tpu.memref_slice %arg8[%dma_start3A_166, %dma_start3A_167] : memref<160x128xi32, #tpu.memory_space<vmem>> -> memref<1x128xi32, #tpu.memory_space<vmem>>
    %dma_start3A_169 = tpu.memref_squeeze %dma_start3A_168 : memref<1x128xi32, #tpu.memory_space<vmem>> -> memref<128xi32, #tpu.memory_space<vmem>>
    %dma_start3A_170 = arith.constant 0 : i32
    %dma_start3A_171 = arith.constant 0 : i32
    %dma_start3A_172 = tpu.memref_slice %arg17[%dma_start3A_170, %dma_start3A_171] : memref<10240x32xf32, #tpu.memory_space<vmem_shared>> -> memref<10240x32xf32, #tpu.memory_space<vmem_shared>>
    tpu.enqueue_indirect_dma source(%arg16 : memref<128x32xf32, #tpu.memory_space<vmem>>) target(%dma_start3A_172 : memref<10240x32xf32, #tpu.memory_space<vmem_shared>>) offsets(%dma_start3A_169 : memref<128xi32, #tpu.memory_space<vmem>>) semaphore(%arg34 : memref<!tpu.dma_semaphore, #tpu.memory_space<semaphore_mem>>) {add = true}
    %dma_wait3A_173 = arith.constant 3 : i32
    %dma_wait3A_174 = arith.constant 0 : i32
    %dma_wait3A_175 = tpu.memref_slice %arg8[%dma_wait3A_173, %dma_wait3A_174] : memref<160x128xi32, #tpu.memory_space<vmem>> -> memref<1x128xi32, #tpu.memory_space<vmem>>
    %dma_wait3A_176 = tpu.memref_squeeze %dma_wait3A_175 : memref<1x128xi32, #tpu.memory_space<vmem>> -> memref<128xi32, #tpu.memory_space<vmem>>
    %dma_wait3A_177 = arith.constant 0 : i32
    %dma_wait3A_178 = arith.constant 0 : i32
    %dma_wait3A_179 = tpu.memref_slice %arg17[%dma_wait3A_177, %dma_wait3A_178] : memref<10240x32xf32, #tpu.memory_space<vmem_shared>> -> memref<10240x32xf32, #tpu.memory_space<vmem_shared>>
    tpu.wait_indirect_dma semaphore(%arg30 : memref<!tpu.dma_semaphore, #tpu.memory_space<semaphore_mem>>) src(%arg12 : memref<128x32xf32, #tpu.memory_space<vmem>>) dst(%dma_wait3A_179 : memref<10240x32xf32, #tpu.memory_space<vmem_shared>>)
    %dma_start3A_180 = arith.constant 1408 : i32
    %dma_start3A_181 = tpu.memref_slice %arg7[%dma_start3A_180] : memref<20480xi32, #tpu.memory_space<vmem>> -> memref<128xi32, #tpu.memory_space<vmem>>
    %dma_start3A_182 = arith.constant 0 : i32
    %dma_start3A_183 = arith.constant 0 : i32
    %dma_start3A_184 = tpu.memref_slice %arg18[%dma_start3A_182, %dma_start3A_183] : memref<10240x32xf32, #tpu.memory_space<vmem_shared>> -> memref<10240x32xf32, #tpu.memory_space<vmem_shared>>
    tpu.enqueue_indirect_dma source(%dma_start3A_184 : memref<10240x32xf32, #tpu.memory_space<vmem_shared>>) target(%arg12 : memref<128x32xf32, #tpu.memory_space<vmem>>) offsets(%dma_start3A_181 : memref<128xi32, #tpu.memory_space<vmem>>) semaphore(%arg22 : memref<!tpu.dma_semaphore, #tpu.memory_space<semaphore_mem>>)
    %scan3A = arith.constant 0 : i32
    %scan3A_185 = arith.constant 1 : i32
    %scan3A_186 = arith.constant 19 : i32
    %scan3A_187 = arith.addi %scan3A_185, %scan3A_186 : i32
    %scan3A_188 = arith.constant 1 : i32
    scf.for %scan3A_219 = %scan3A_185 to %scan3A_187 step %scan3A_188  : i32 {
      %mul3A_220 = arith.constant 8 : i32
      %mul3A_221 = arith.muli %scan3A_219, %mul3A_220 : i32
      %add3A = arith.constant 0 : i32
      %add3A_222 = arith.addi %mul3A_221, %add3A : i32
      %mul3A_223 = arith.constant 128 : i32
      %mul3A_224 = arith.muli %add3A_222, %mul3A_223 : i32
      %dma_wait3A_225 = tpu.memref_slice %arg7[%mul3A_224] : memref<20480xi32, #tpu.memory_space<vmem>> -> memref<128xi32, #tpu.memory_space<vmem>>
      %dma_wait3A_226 = arith.constant 0 : i32
      %dma_wait3A_227 = arith.constant 0 : i32
      %dma_wait3A_228 = tpu.memref_slice %arg18[%dma_wait3A_226, %dma_wait3A_227] : memref<10240x32xf32, #tpu.memory_space<vmem_shared>> -> memref<10240x32xf32, #tpu.memory_space<vmem_shared>>
      tpu.wait_indirect_dma semaphore(%arg19 : memref<!tpu.dma_semaphore, #tpu.memory_space<semaphore_mem>>) src(%dma_wait3A_228 : memref<10240x32xf32, #tpu.memory_space<vmem_shared>>) dst(%arg9 : memref<128x32xf32, #tpu.memory_space<vmem>>)
      %dma_start3A_229 = arith.constant 0 : i32
      %dma_start3A_230 = tpu.memref_slice %arg8[%add3A_222, %dma_start3A_229] : memref<160x128xi32, #tpu.memory_space<vmem>> -> memref<1x128xi32, #tpu.memory_space<vmem>>
      %dma_start3A_231 = tpu.memref_squeeze %dma_start3A_230 : memref<1x128xi32, #tpu.memory_space<vmem>> -> memref<128xi32, #tpu.memory_space<vmem>>
      %dma_start3A_232 = arith.constant 0 : i32
      %dma_start3A_233 = arith.constant 0 : i32
      %dma_start3A_234 = tpu.memref_slice %arg17[%dma_start3A_232, %dma_start3A_233] : memref<10240x32xf32, #tpu.memory_space<vmem_shared>> -> memref<10240x32xf32, #tpu.memory_space<vmem_shared>>
      tpu.enqueue_indirect_dma source(%arg9 : memref<128x32xf32, #tpu.memory_space<vmem>>) target(%dma_start3A_234 : memref<10240x32xf32, #tpu.memory_space<vmem_shared>>) offsets(%dma_start3A_231 : memref<128xi32, #tpu.memory_space<vmem>>) semaphore(%arg27 : memref<!tpu.dma_semaphore, #tpu.memory_space<semaphore_mem>>) {add = true}
      %sub3A = arith.constant 4 : i32
      %sub3A_235 = arith.subi %add3A_222, %sub3A : i32
      %dma_wait3A_236 = arith.constant 0 : i32
      %dma_wait3A_237 = tpu.memref_slice %arg8[%sub3A_235, %dma_wait3A_236] : memref<160x128xi32, #tpu.memory_space<vmem>> -> memref<1x128xi32, #tpu.memory_space<vmem>>
      %dma_wait3A_238 = tpu.memref_squeeze %dma_wait3A_237 : memref<1x128xi32, #tpu.memory_space<vmem>> -> memref<128xi32, #tpu.memory_space<vmem>>
      %dma_wait3A_239 = arith.constant 0 : i32
      %dma_wait3A_240 = arith.constant 0 : i32
      %dma_wait3A_241 = tpu.memref_slice %arg17[%dma_wait3A_239, %dma_wait3A_240] : memref<10240x32xf32, #tpu.memory_space<vmem_shared>> -> memref<10240x32xf32, #tpu.memory_space<vmem_shared>>
      tpu.wait_indirect_dma semaphore(%arg31 : memref<!tpu.dma_semaphore, #tpu.memory_space<semaphore_mem>>) src(%arg13 : memref<128x32xf32, #tpu.memory_space<vmem>>) dst(%dma_wait3A_241 : memref<10240x32xf32, #tpu.memory_space<vmem_shared>>)
      %add3A_242 = arith.constant 4 : i32
      %add3A_243 = arith.addi %add3A_222, %add3A_242 : i32
      %lt3A = arith.constant 160 : i32
      %lt3A_244 = arith.cmpi slt, %add3A_243, %lt3A : i32
      %convert_element_type3A = arith.extui %lt3A_244 : i1 to i32
      %cond3A = arith.constant 0 : i32
      %cond3A_245 = arith.cmpi ne, %convert_element_type3A, %cond3A : i32
      scf.if %cond3A_245 {
        %add3A_449 = arith.constant 4 : i32
        %add3A_450 = arith.addi %add3A_222, %add3A_449 : i32
        %mul3A_451 = arith.constant 128 : i32
        %mul3A_452 = arith.muli %add3A_450, %mul3A_451 : i32
        %dma_start3A_453 = tpu.memref_slice %arg7[%mul3A_452] : memref<20480xi32, #tpu.memory_space<vmem>> -> memref<128xi32, #tpu.memory_space<vmem>>
        %dma_start3A_454 = arith.constant 0 : i32
        %dma_start3A_455 = arith.constant 0 : i32
        %dma_start3A_456 = tpu.memref_slice %arg18[%dma_start3A_454, %dma_start3A_455] : memref<10240x32xf32, #tpu.memory_space<vmem_shared>> -> memref<10240x32xf32, #tpu.memory_space<vmem_shared>>
        tpu.enqueue_indirect_dma source(%dma_start3A_456 : memref<10240x32xf32, #tpu.memory_space<vmem_shared>>) target(%arg13 : memref<128x32xf32, #tpu.memory_space<vmem>>) offsets(%dma_start3A_453 : memref<128xi32, #tpu.memory_space<vmem>>) semaphore(%arg23 : memref<!tpu.dma_semaphore, #tpu.memory_space<semaphore_mem>>)
      } else {
      }
      %add3A_246 = arith.constant 1 : i32
      %add3A_247 = arith.addi %mul3A_221, %add3A_246 : i32
      %mul3A_248 = arith.constant 128 : i32
      %mul3A_249 = arith.muli %add3A_247, %mul3A_248 : i32
      %dma_wait3A_250 = tpu.memref_slice %arg7[%mul3A_249] : memref<20480xi32, #tpu.memory_space<vmem>> -> memref<128xi32, #tpu.memory_space<vmem>>
      %dma_wait3A_251 = arith.constant 0 : i32
      %dma_wait3A_252 = arith.constant 0 : i32
      %dma_wait3A_253 = tpu.memref_slice %arg18[%dma_wait3A_251, %dma_wait3A_252] : memref<10240x32xf32, #tpu.memory_space<vmem_shared>> -> memref<10240x32xf32, #tpu.memory_space<vmem_shared>>
      tpu.wait_indirect_dma semaphore(%arg20 : memref<!tpu.dma_semaphore, #tpu.memory_space<semaphore_mem>>) src(%dma_wait3A_253 : memref<10240x32xf32, #tpu.memory_space<vmem_shared>>) dst(%arg10 : memref<128x32xf32, #tpu.memory_space<vmem>>)
      %dma_start3A_254 = arith.constant 0 : i32
      %dma_start3A_255 = tpu.memref_slice %arg8[%add3A_247, %dma_start3A_254] : memref<160x128xi32, #tpu.memory_space<vmem>> -> memref<1x128xi32, #tpu.memory_space<vmem>>
      %dma_start3A_256 = tpu.memref_squeeze %dma_start3A_255 : memref<1x128xi32, #tpu.memory_space<vmem>> -> memref<128xi32, #tpu.memory_space<vmem>>
      %dma_start3A_257 = arith.constant 0 : i32
      %dma_start3A_258 = arith.constant 0 : i32
      %dma_start3A_259 = tpu.memref_slice %arg17[%dma_start3A_257, %dma_start3A_258] : memref<10240x32xf32, #tpu.memory_space<vmem_shared>> -> memref<10240x32xf32, #tpu.memory_space<vmem_shared>>
      tpu.enqueue_indirect_dma source(%arg10 : memref<128x32xf32, #tpu.memory_space<vmem>>) target(%dma_start3A_259 : memref<10240x32xf32, #tpu.memory_space<vmem_shared>>) offsets(%dma_start3A_256 : memref<128xi32, #tpu.memory_space<vmem>>) semaphore(%arg28 : memref<!tpu.dma_semaphore, #tpu.memory_space<semaphore_mem>>) {add = true}
      %sub3A_260 = arith.constant 4 : i32
      %sub3A_261 = arith.subi %add3A_247, %sub3A_260 : i32
      %dma_wait3A_262 = arith.constant 0 : i32
      %dma_wait3A_263 = tpu.memref_slice %arg8[%sub3A_261, %dma_wait3A_262] : memref<160x128xi32, #tpu.memory_space<vmem>> -> memref<1x128xi32, #tpu.memory_space<vmem>>
      %dma_wait3A_264 = tpu.memref_squeeze %dma_wait3A_263 : memref<1x128xi32, #tpu.memory_space<vmem>> -> memref<128xi32, #tpu.memory_space<vmem>>
      %dma_wait3A_265 = arith.constant 0 : i32
      %dma_wait3A_266 = arith.constant 0 : i32
      %dma_wait3A_267 = tpu.memref_slice %arg17[%dma_wait3A_265, %dma_wait3A_266] : memref<10240x32xf32, #tpu.memory_space<vmem_shared>> -> memref<10240x32xf32, #tpu.memory_space<vmem_shared>>
      tpu.wait_indirect_dma semaphore(%arg32 : memref<!tpu.dma_semaphore, #tpu.memory_space<semaphore_mem>>) src(%arg14 : memref<128x32xf32, #tpu.memory_space<vmem>>) dst(%dma_wait3A_267 : memref<10240x32xf32, #tpu.memory_space<vmem_shared>>)
      %add3A_268 = arith.constant 4 : i32
      %add3A_269 = arith.addi %add3A_247, %add3A_268 : i32
      %lt3A_270 = arith.constant 160 : i32
      %lt3A_271 = arith.cmpi slt, %add3A_269, %lt3A_270 : i32
      %convert_element_type3A_272 = arith.extui %lt3A_271 : i1 to i32
      %cond3A_273 = arith.constant 0 : i32
      %cond3A_274 = arith.cmpi ne, %convert_element_type3A_272, %cond3A_273 : i32
      scf.if %cond3A_274 {
        %add3A_449 = arith.constant 4 : i32
        %add3A_450 = arith.addi %add3A_247, %add3A_449 : i32
        %mul3A_451 = arith.constant 128 : i32
        %mul3A_452 = arith.muli %add3A_450, %mul3A_451 : i32
        %dma_start3A_453 = tpu.memref_slice %arg7[%mul3A_452] : memref<20480xi32, #tpu.memory_space<vmem>> -> memref<128xi32, #tpu.memory_space<vmem>>
        %dma_start3A_454 = arith.constant 0 : i32
        %dma_start3A_455 = arith.constant 0 : i32
        %dma_start3A_456 = tpu.memref_slice %arg18[%dma_start3A_454, %dma_start3A_455] : memref<10240x32xf32, #tpu.memory_space<vmem_shared>> -> memref<10240x32xf32, #tpu.memory_space<vmem_shared>>
        tpu.enqueue_indirect_dma source(%dma_start3A_456 : memref<10240x32xf32, #tpu.memory_space<vmem_shared>>) target(%arg14 : memref<128x32xf32, #tpu.memory_space<vmem>>) offsets(%dma_start3A_453 : memref<128xi32, #tpu.memory_space<vmem>>) semaphore(%arg24 : memref<!tpu.dma_semaphore, #tpu.memory_space<semaphore_mem>>)
      } else {
      }
      %add3A_275 = arith.constant 2 : i32
      %add3A_276 = arith.addi %mul3A_221, %add3A_275 : i32
      %mul3A_277 = arith.constant 128 : i32
      %mul3A_278 = arith.muli %add3A_276, %mul3A_277 : i32
      %dma_wait3A_279 = tpu.memref_slice %arg7[%mul3A_278] : memref<20480xi32, #tpu.memory_space<vmem>> -> memref<128xi32, #tpu.memory_space<vmem>>
      %dma_wait3A_280 = arith.constant 0 : i32
      %dma_wait3A_281 = arith.constant 0 : i32
      %dma_wait3A_282 = tpu.memref_slice %arg18[%dma_wait3A_280, %dma_wait3A_281] : memref<10240x32xf32, #tpu.memory_space<vmem_shared>> -> memref<10240x32xf32, #tpu.memory_space<vmem_shared>>
      tpu.wait_indirect_dma semaphore(%arg21 : memref<!tpu.dma_semaphore, #tpu.memory_space<semaphore_mem>>) src(%dma_wait3A_282 : memref<10240x32xf32, #tpu.memory_space<vmem_shared>>) dst(%arg11 : memref<128x32xf32, #tpu.memory_space<vmem>>)
      %dma_start3A_283 = arith.constant 0 : i32
      %dma_start3A_284 = tpu.memref_slice %arg8[%add3A_276, %dma_start3A_283] : memref<160x128xi32, #tpu.memory_space<vmem>> -> memref<1x128xi32, #tpu.memory_space<vmem>>
      %dma_start3A_285 = tpu.memref_squeeze %dma_start3A_284 : memref<1x128xi32, #tpu.memory_space<vmem>> -> memref<128xi32, #tpu.memory_space<vmem>>
      %dma_start3A_286 = arith.constant 0 : i32
      %dma_start3A_287 = arith.constant 0 : i32
      %dma_start3A_288 = tpu.memref_slice %arg17[%dma_start3A_286, %dma_start3A_287] : memref<10240x32xf32, #tpu.memory_space<vmem_shared>> -> memref<10240x32xf32, #tpu.memory_space<vmem_shared>>
      tpu.enqueue_indirect_dma source(%arg11 : memref<128x32xf32, #tpu.memory_space<vmem>>) target(%dma_start3A_288 : memref<10240x32xf32, #tpu.memory_space<vmem_shared>>) offsets(%dma_start3A_285 : memref<128xi32, #tpu.memory_space<vmem>>) semaphore(%arg29 : memref<!tpu.dma_semaphore, #tpu.memory_space<semaphore_mem>>) {add = true}
      %sub3A_289 = arith.constant 4 : i32
      %sub3A_290 = arith.subi %add3A_276, %sub3A_289 : i32
      %dma_wait3A_291 = arith.constant 0 : i32
      %dma_wait3A_292 = tpu.memref_slice %arg8[%sub3A_290, %dma_wait3A_291] : memref<160x128xi32, #tpu.memory_space<vmem>> -> memref<1x128xi32, #tpu.memory_space<vmem>>
      %dma_wait3A_293 = tpu.memref_squeeze %dma_wait3A_292 : memref<1x128xi32, #tpu.memory_space<vmem>> -> memref<128xi32, #tpu.memory_space<vmem>>
      %dma_wait3A_294 = arith.constant 0 : i32
      %dma_wait3A_295 = arith.constant 0 : i32
      %dma_wait3A_296 = tpu.memref_slice %arg17[%dma_wait3A_294, %dma_wait3A_295] : memref<10240x32xf32, #tpu.memory_space<vmem_shared>> -> memref<10240x32xf32, #tpu.memory_space<vmem_shared>>
      tpu.wait_indirect_dma semaphore(%arg33 : memref<!tpu.dma_semaphore, #tpu.memory_space<semaphore_mem>>) src(%arg15 : memref<128x32xf32, #tpu.memory_space<vmem>>) dst(%dma_wait3A_296 : memref<10240x32xf32, #tpu.memory_space<vmem_shared>>)
      %add3A_297 = arith.constant 4 : i32
      %add3A_298 = arith.addi %add3A_276, %add3A_297 : i32
      %lt3A_299 = arith.constant 160 : i32
      %lt3A_300 = arith.cmpi slt, %add3A_298, %lt3A_299 : i32
      %convert_element_type3A_301 = arith.extui %lt3A_300 : i1 to i32
      %cond3A_302 = arith.constant 0 : i32
      %cond3A_303 = arith.cmpi ne, %convert_element_type3A_301, %cond3A_302 : i32
      scf.if %cond3A_303 {
        %add3A_449 = arith.constant 4 : i32
        %add3A_450 = arith.addi %add3A_276, %add3A_449 : i32
        %mul3A_451 = arith.constant 128 : i32
        %mul3A_452 = arith.muli %add3A_450, %mul3A_451 : i32
        %dma_start3A_453 = tpu.memref_slice %arg7[%mul3A_452] : memref<20480xi32, #tpu.memory_space<vmem>> -> memref<128xi32, #tpu.memory_space<vmem>>
        %dma_start3A_454 = arith.constant 0 : i32
        %dma_start3A_455 = arith.constant 0 : i32
        %dma_start3A_456 = tpu.memref_slice %arg18[%dma_start3A_454, %dma_start3A_455] : memref<10240x32xf32, #tpu.memory_space<vmem_shared>> -> memref<10240x32xf32, #tpu.memory_space<vmem_shared>>
        tpu.enqueue_indirect_dma source(%dma_start3A_456 : memref<10240x32xf32, #tpu.memory_space<vmem_shared>>) target(%arg15 : memref<128x32xf32, #tpu.memory_space<vmem>>) offsets(%dma_start3A_453 : memref<128xi32, #tpu.memory_space<vmem>>) semaphore(%arg25 : memref<!tpu.dma_semaphore, #tpu.memory_space<semaphore_mem>>)
      } else {
      }
      %add3A_304 = arith.constant 3 : i32
      %add3A_305 = arith.addi %mul3A_221, %add3A_304 : i32
      %mul3A_306 = arith.constant 128 : i32
      %mul3A_307 = arith.muli %add3A_305, %mul3A_306 : i32
      %dma_wait3A_308 = tpu.memref_slice %arg7[%mul3A_307] : memref<20480xi32, #tpu.memory_space<vmem>> -> memref<128xi32, #tpu.memory_space<vmem>>
      %dma_wait3A_309 = arith.constant 0 : i32
      %dma_wait3A_310 = arith.constant 0 : i32
      %dma_wait3A_311 = tpu.memref_slice %arg18[%dma_wait3A_309, %dma_wait3A_310] : memref<10240x32xf32, #tpu.memory_space<vmem_shared>> -> memref<10240x32xf32, #tpu.memory_space<vmem_shared>>
      tpu.wait_indirect_dma semaphore(%arg22 : memref<!tpu.dma_semaphore, #tpu.memory_space<semaphore_mem>>) src(%dma_wait3A_311 : memref<10240x32xf32, #tpu.memory_space<vmem_shared>>) dst(%arg12 : memref<128x32xf32, #tpu.memory_space<vmem>>)
      %dma_start3A_312 = arith.constant 0 : i32
      %dma_start3A_313 = tpu.memref_slice %arg8[%add3A_305, %dma_start3A_312] : memref<160x128xi32, #tpu.memory_space<vmem>> -> memref<1x128xi32, #tpu.memory_space<vmem>>
      %dma_start3A_314 = tpu.memref_squeeze %dma_start3A_313 : memref<1x128xi32, #tpu.memory_space<vmem>> -> memref<128xi32, #tpu.memory_space<vmem>>
      %dma_start3A_315 = arith.constant 0 : i32
      %dma_start3A_316 = arith.constant 0 : i32
      %dma_start3A_317 = tpu.memref_slice %arg17[%dma_start3A_315, %dma_start3A_316] : memref<10240x32xf32, #tpu.memory_space<vmem_shared>> -> memref<10240x32xf32, #tpu.memory_space<vmem_shared>>
      tpu.enqueue_indirect_dma source(%arg12 : memref<128x32xf32, #tpu.memory_space<vmem>>) target(%dma_start3A_317 : memref<10240x32xf32, #tpu.memory_space<vmem_shared>>) offsets(%dma_start3A_314 : memref<128xi32, #tpu.memory_space<vmem>>) semaphore(%arg30 : memref<!tpu.dma_semaphore, #tpu.memory_space<semaphore_mem>>) {add = true}
      %sub3A_318 = arith.constant 4 : i32
      %sub3A_319 = arith.subi %add3A_305, %sub3A_318 : i32
      %dma_wait3A_320 = arith.constant 0 : i32
      %dma_wait3A_321 = tpu.memref_slice %arg8[%sub3A_319, %dma_wait3A_320] : memref<160x128xi32, #tpu.memory_space<vmem>> -> memref<1x128xi32, #tpu.memory_space<vmem>>
      %dma_wait3A_322 = tpu.memref_squeeze %dma_wait3A_321 : memref<1x128xi32, #tpu.memory_space<vmem>> -> memref<128xi32, #tpu.memory_space<vmem>>
      %dma_wait3A_323 = arith.constant 0 : i32
      %dma_wait3A_324 = arith.constant 0 : i32
      %dma_wait3A_325 = tpu.memref_slice %arg17[%dma_wait3A_323, %dma_wait3A_324] : memref<10240x32xf32, #tpu.memory_space<vmem_shared>> -> memref<10240x32xf32, #tpu.memory_space<vmem_shared>>
      tpu.wait_indirect_dma semaphore(%arg34 : memref<!tpu.dma_semaphore, #tpu.memory_space<semaphore_mem>>) src(%arg16 : memref<128x32xf32, #tpu.memory_space<vmem>>) dst(%dma_wait3A_325 : memref<10240x32xf32, #tpu.memory_space<vmem_shared>>)
      %add3A_326 = arith.constant 4 : i32
      %add3A_327 = arith.addi %add3A_305, %add3A_326 : i32
      %lt3A_328 = arith.constant 160 : i32
      %lt3A_329 = arith.cmpi slt, %add3A_327, %lt3A_328 : i32
      %convert_element_type3A_330 = arith.extui %lt3A_329 : i1 to i32
      %cond3A_331 = arith.constant 0 : i32
      %cond3A_332 = arith.cmpi ne, %convert_element_type3A_330, %cond3A_331 : i32
      scf.if %cond3A_332 {
        %add3A_449 = arith.constant 4 : i32
        %add3A_450 = arith.addi %add3A_305, %add3A_449 : i32
        %mul3A_451 = arith.constant 128 : i32
        %mul3A_452 = arith.muli %add3A_450, %mul3A_451 : i32
        %dma_start3A_453 = tpu.memref_slice %arg7[%mul3A_452] : memref<20480xi32, #tpu.memory_space<vmem>> -> memref<128xi32, #tpu.memory_space<vmem>>
        %dma_start3A_454 = arith.constant 0 : i32
        %dma_start3A_455 = arith.constant 0 : i32
        %dma_start3A_456 = tpu.memref_slice %arg18[%dma_start3A_454, %dma_start3A_455] : memref<10240x32xf32, #tpu.memory_space<vmem_shared>> -> memref<10240x32xf32, #tpu.memory_space<vmem_shared>>
        tpu.enqueue_indirect_dma source(%dma_start3A_456 : memref<10240x32xf32, #tpu.memory_space<vmem_shared>>) target(%arg16 : memref<128x32xf32, #tpu.memory_space<vmem>>) offsets(%dma_start3A_453 : memref<128xi32, #tpu.memory_space<vmem>>) semaphore(%arg26 : memref<!tpu.dma_semaphore, #tpu.memory_space<semaphore_mem>>)
      } else {
      }
      %add3A_333 = arith.constant 4 : i32
      %add3A_334 = arith.addi %mul3A_221, %add3A_333 : i32
      %mul3A_335 = arith.constant 128 : i32
      %mul3A_336 = arith.muli %add3A_334, %mul3A_335 : i32
      %dma_wait3A_337 = tpu.memref_slice %arg7[%mul3A_336] : memref<20480xi32, #tpu.memory_space<vmem>> -> memref<128xi32, #tpu.memory_space<vmem>>
      %dma_wait3A_338 = arith.constant 0 : i32
      %dma_wait3A_339 = arith.constant 0 : i32
      %dma_wait3A_340 = tpu.memref_slice %arg18[%dma_wait3A_338, %dma_wait3A_339] : memref<10240x32xf32, #tpu.memory_space<vmem_shared>> -> memref<10240x32xf32, #tpu.memory_space<vmem_shared>>
      tpu.wait_indirect_dma semaphore(%arg23 : memref<!tpu.dma_semaphore, #tpu.memory_space<semaphore_mem>>) src(%dma_wait3A_340 : memref<10240x32xf32, #tpu.memory_space<vmem_shared>>) dst(%arg13 : memref<128x32xf32, #tpu.memory_space<vmem>>)
      %dma_start3A_341 = arith.constant 0 : i32
      %dma_start3A_342 = tpu.memref_slice %arg8[%add3A_334, %dma_start3A_341] : memref<160x128xi32, #tpu.memory_space<vmem>> -> memref<1x128xi32, #tpu.memory_space<vmem>>
      %dma_start3A_343 = tpu.memref_squeeze %dma_start3A_342 : memref<1x128xi32, #tpu.memory_space<vmem>> -> memref<128xi32, #tpu.memory_space<vmem>>
      %dma_start3A_344 = arith.constant 0 : i32
      %dma_start3A_345 = arith.constant 0 : i32
      %dma_start3A_346 = tpu.memref_slice %arg17[%dma_start3A_344, %dma_start3A_345] : memref<10240x32xf32, #tpu.memory_space<vmem_shared>> -> memref<10240x32xf32, #tpu.memory_space<vmem_shared>>
      tpu.enqueue_indirect_dma source(%arg13 : memref<128x32xf32, #tpu.memory_space<vmem>>) target(%dma_start3A_346 : memref<10240x32xf32, #tpu.memory_space<vmem_shared>>) offsets(%dma_start3A_343 : memref<128xi32, #tpu.memory_space<vmem>>) semaphore(%arg31 : memref<!tpu.dma_semaphore, #tpu.memory_space<semaphore_mem>>) {add = true}
      %sub3A_347 = arith.constant 4 : i32
      %sub3A_348 = arith.subi %add3A_334, %sub3A_347 : i32
      %dma_wait3A_349 = arith.constant 0 : i32
      %dma_wait3A_350 = tpu.memref_slice %arg8[%sub3A_348, %dma_wait3A_349] : memref<160x128xi32, #tpu.memory_space<vmem>> -> memref<1x128xi32, #tpu.memory_space<vmem>>
      %dma_wait3A_351 = tpu.memref_squeeze %dma_wait3A_350 : memref<1x128xi32, #tpu.memory_space<vmem>> -> memref<128xi32, #tpu.memory_space<vmem>>
      %dma_wait3A_352 = arith.constant 0 : i32
      %dma_wait3A_353 = arith.constant 0 : i32
      %dma_wait3A_354 = tpu.memref_slice %arg17[%dma_wait3A_352, %dma_wait3A_353] : memref<10240x32xf32, #tpu.memory_space<vmem_shared>> -> memref<10240x32xf32, #tpu.memory_space<vmem_shared>>
      tpu.wait_indirect_dma semaphore(%arg27 : memref<!tpu.dma_semaphore, #tpu.memory_space<semaphore_mem>>) src(%arg9 : memref<128x32xf32, #tpu.memory_space<vmem>>) dst(%dma_wait3A_354 : memref<10240x32xf32, #tpu.memory_space<vmem_shared>>)
      %add3A_355 = arith.constant 4 : i32
      %add3A_356 = arith.addi %add3A_334, %add3A_355 : i32
      %lt3A_357 = arith.constant 160 : i32
      %lt3A_358 = arith.cmpi slt, %add3A_356, %lt3A_357 : i32
      %convert_element_type3A_359 = arith.extui %lt3A_358 : i1 to i32
      %cond3A_360 = arith.constant 0 : i32
      %cond3A_361 = arith.cmpi ne, %convert_element_type3A_359, %cond3A_360 : i32
      scf.if %cond3A_361 {
        %add3A_449 = arith.constant 4 : i32
        %add3A_450 = arith.addi %add3A_334, %add3A_449 : i32
        %mul3A_451 = arith.constant 128 : i32
        %mul3A_452 = arith.muli %add3A_450, %mul3A_451 : i32
        %dma_start3A_453 = tpu.memref_slice %arg7[%mul3A_452] : memref<20480xi32, #tpu.memory_space<vmem>> -> memref<128xi32, #tpu.memory_space<vmem>>
        %dma_start3A_454 = arith.constant 0 : i32
        %dma_start3A_455 = arith.constant 0 : i32
        %dma_start3A_456 = tpu.memref_slice %arg18[%dma_start3A_454, %dma_start3A_455] : memref<10240x32xf32, #tpu.memory_space<vmem_shared>> -> memref<10240x32xf32, #tpu.memory_space<vmem_shared>>
        tpu.enqueue_indirect_dma source(%dma_start3A_456 : memref<10240x32xf32, #tpu.memory_space<vmem_shared>>) target(%arg9 : memref<128x32xf32, #tpu.memory_space<vmem>>) offsets(%dma_start3A_453 : memref<128xi32, #tpu.memory_space<vmem>>) semaphore(%arg19 : memref<!tpu.dma_semaphore, #tpu.memory_space<semaphore_mem>>)
      } else {
      }
      %add3A_362 = arith.constant 5 : i32
      %add3A_363 = arith.addi %mul3A_221, %add3A_362 : i32
      %mul3A_364 = arith.constant 128 : i32
      %mul3A_365 = arith.muli %add3A_363, %mul3A_364 : i32
      %dma_wait3A_366 = tpu.memref_slice %arg7[%mul3A_365] : memref<20480xi32, #tpu.memory_space<vmem>> -> memref<128xi32, #tpu.memory_space<vmem>>
      %dma_wait3A_367 = arith.constant 0 : i32
      %dma_wait3A_368 = arith.constant 0 : i32
      %dma_wait3A_369 = tpu.memref_slice %arg18[%dma_wait3A_367, %dma_wait3A_368] : memref<10240x32xf32, #tpu.memory_space<vmem_shared>> -> memref<10240x32xf32, #tpu.memory_space<vmem_shared>>
      tpu.wait_indirect_dma semaphore(%arg24 : memref<!tpu.dma_semaphore, #tpu.memory_space<semaphore_mem>>) src(%dma_wait3A_369 : memref<10240x32xf32, #tpu.memory_space<vmem_shared>>) dst(%arg14 : memref<128x32xf32, #tpu.memory_space<vmem>>)
      %dma_start3A_370 = arith.constant 0 : i32
      %dma_start3A_371 = tpu.memref_slice %arg8[%add3A_363, %dma_start3A_370] : memref<160x128xi32, #tpu.memory_space<vmem>> -> memref<1x128xi32, #tpu.memory_space<vmem>>
      %dma_start3A_372 = tpu.memref_squeeze %dma_start3A_371 : memref<1x128xi32, #tpu.memory_space<vmem>> -> memref<128xi32, #tpu.memory_space<vmem>>
      %dma_start3A_373 = arith.constant 0 : i32
      %dma_start3A_374 = arith.constant 0 : i32
      %dma_start3A_375 = tpu.memref_slice %arg17[%dma_start3A_373, %dma_start3A_374] : memref<10240x32xf32, #tpu.memory_space<vmem_shared>> -> memref<10240x32xf32, #tpu.memory_space<vmem_shared>>
      tpu.enqueue_indirect_dma source(%arg14 : memref<128x32xf32, #tpu.memory_space<vmem>>) target(%dma_start3A_375 : memref<10240x32xf32, #tpu.memory_space<vmem_shared>>) offsets(%dma_start3A_372 : memref<128xi32, #tpu.memory_space<vmem>>) semaphore(%arg32 : memref<!tpu.dma_semaphore, #tpu.memory_space<semaphore_mem>>) {add = true}
      %sub3A_376 = arith.constant 4 : i32
      %sub3A_377 = arith.subi %add3A_363, %sub3A_376 : i32
      %dma_wait3A_378 = arith.constant 0 : i32
      %dma_wait3A_379 = tpu.memref_slice %arg8[%sub3A_377, %dma_wait3A_378] : memref<160x128xi32, #tpu.memory_space<vmem>> -> memref<1x128xi32, #tpu.memory_space<vmem>>
      %dma_wait3A_380 = tpu.memref_squeeze %dma_wait3A_379 : memref<1x128xi32, #tpu.memory_space<vmem>> -> memref<128xi32, #tpu.memory_space<vmem>>
      %dma_wait3A_381 = arith.constant 0 : i32
      %dma_wait3A_382 = arith.constant 0 : i32
      %dma_wait3A_383 = tpu.memref_slice %arg17[%dma_wait3A_381, %dma_wait3A_382] : memref<10240x32xf32, #tpu.memory_space<vmem_shared>> -> memref<10240x32xf32, #tpu.memory_space<vmem_shared>>
      tpu.wait_indirect_dma semaphore(%arg28 : memref<!tpu.dma_semaphore, #tpu.memory_space<semaphore_mem>>) src(%arg10 : memref<128x32xf32, #tpu.memory_space<vmem>>) dst(%dma_wait3A_383 : memref<10240x32xf32, #tpu.memory_space<vmem_shared>>)
      %add3A_384 = arith.constant 4 : i32
      %add3A_385 = arith.addi %add3A_363, %add3A_384 : i32
      %lt3A_386 = arith.constant 160 : i32
      %lt3A_387 = arith.cmpi slt, %add3A_385, %lt3A_386 : i32
      %convert_element_type3A_388 = arith.extui %lt3A_387 : i1 to i32
      %cond3A_389 = arith.constant 0 : i32
      %cond3A_390 = arith.cmpi ne, %convert_element_type3A_388, %cond3A_389 : i32
      scf.if %cond3A_390 {
        %add3A_449 = arith.constant 4 : i32
        %add3A_450 = arith.addi %add3A_363, %add3A_449 : i32
        %mul3A_451 = arith.constant 128 : i32
        %mul3A_452 = arith.muli %add3A_450, %mul3A_451 : i32
        %dma_start3A_453 = tpu.memref_slice %arg7[%mul3A_452] : memref<20480xi32, #tpu.memory_space<vmem>> -> memref<128xi32, #tpu.memory_space<vmem>>
        %dma_start3A_454 = arith.constant 0 : i32
        %dma_start3A_455 = arith.constant 0 : i32
        %dma_start3A_456 = tpu.memref_slice %arg18[%dma_start3A_454, %dma_start3A_455] : memref<10240x32xf32, #tpu.memory_space<vmem_shared>> -> memref<10240x32xf32, #tpu.memory_space<vmem_shared>>
        tpu.enqueue_indirect_dma source(%dma_start3A_456 : memref<10240x32xf32, #tpu.memory_space<vmem_shared>>) target(%arg10 : memref<128x32xf32, #tpu.memory_space<vmem>>) offsets(%dma_start3A_453 : memref<128xi32, #tpu.memory_space<vmem>>) semaphore(%arg20 : memref<!tpu.dma_semaphore, #tpu.memory_space<semaphore_mem>>)
      } else {
      }
      %add3A_391 = arith.constant 6 : i32
      %add3A_392 = arith.addi %mul3A_221, %add3A_391 : i32
      %mul3A_393 = arith.constant 128 : i32
      %mul3A_394 = arith.muli %add3A_392, %mul3A_393 : i32
      %dma_wait3A_395 = tpu.memref_slice %arg7[%mul3A_394] : memref<20480xi32, #tpu.memory_space<vmem>> -> memref<128xi32, #tpu.memory_space<vmem>>
      %dma_wait3A_396 = arith.constant 0 : i32
      %dma_wait3A_397 = arith.constant 0 : i32
      %dma_wait3A_398 = tpu.memref_slice %arg18[%dma_wait3A_396, %dma_wait3A_397] : memref<10240x32xf32, #tpu.memory_space<vmem_shared>> -> memref<10240x32xf32, #tpu.memory_space<vmem_shared>>
      tpu.wait_indirect_dma semaphore(%arg25 : memref<!tpu.dma_semaphore, #tpu.memory_space<semaphore_mem>>) src(%dma_wait3A_398 : memref<10240x32xf32, #tpu.memory_space<vmem_shared>>) dst(%arg15 : memref<128x32xf32, #tpu.memory_space<vmem>>)
      %dma_start3A_399 = arith.constant 0 : i32
      %dma_start3A_400 = tpu.memref_slice %arg8[%add3A_392, %dma_start3A_399] : memref<160x128xi32, #tpu.memory_space<vmem>> -> memref<1x128xi32, #tpu.memory_space<vmem>>
      %dma_start3A_401 = tpu.memref_squeeze %dma_start3A_400 : memref<1x128xi32, #tpu.memory_space<vmem>> -> memref<128xi32, #tpu.memory_space<vmem>>
      %dma_start3A_402 = arith.constant 0 : i32
      %dma_start3A_403 = arith.constant 0 : i32
      %dma_start3A_404 = tpu.memref_slice %arg17[%dma_start3A_402, %dma_start3A_403] : memref<10240x32xf32, #tpu.memory_space<vmem_shared>> -> memref<10240x32xf32, #tpu.memory_space<vmem_shared>>
      tpu.enqueue_indirect_dma source(%arg15 : memref<128x32xf32, #tpu.memory_space<vmem>>) target(%dma_start3A_404 : memref<10240x32xf32, #tpu.memory_space<vmem_shared>>) offsets(%dma_start3A_401 : memref<128xi32, #tpu.memory_space<vmem>>) semaphore(%arg33 : memref<!tpu.dma_semaphore, #tpu.memory_space<semaphore_mem>>) {add = true}
      %sub3A_405 = arith.constant 4 : i32
      %sub3A_406 = arith.subi %add3A_392, %sub3A_405 : i32
      %dma_wait3A_407 = arith.constant 0 : i32
      %dma_wait3A_408 = tpu.memref_slice %arg8[%sub3A_406, %dma_wait3A_407] : memref<160x128xi32, #tpu.memory_space<vmem>> -> memref<1x128xi32, #tpu.memory_space<vmem>>
      %dma_wait3A_409 = tpu.memref_squeeze %dma_wait3A_408 : memref<1x128xi32, #tpu.memory_space<vmem>> -> memref<128xi32, #tpu.memory_space<vmem>>
      %dma_wait3A_410 = arith.constant 0 : i32
      %dma_wait3A_411 = arith.constant 0 : i32
      %dma_wait3A_412 = tpu.memref_slice %arg17[%dma_wait3A_410, %dma_wait3A_411] : memref<10240x32xf32, #tpu.memory_space<vmem_shared>> -> memref<10240x32xf32, #tpu.memory_space<vmem_shared>>
      tpu.wait_indirect_dma semaphore(%arg29 : memref<!tpu.dma_semaphore, #tpu.memory_space<semaphore_mem>>) src(%arg11 : memref<128x32xf32, #tpu.memory_space<vmem>>) dst(%dma_wait3A_412 : memref<10240x32xf32, #tpu.memory_space<vmem_shared>>)
      %add3A_413 = arith.constant 4 : i32
      %add3A_414 = arith.addi %add3A_392, %add3A_413 : i32
      %lt3A_415 = arith.constant 160 : i32
      %lt3A_416 = arith.cmpi slt, %add3A_414, %lt3A_415 : i32
      %convert_element_type3A_417 = arith.extui %lt3A_416 : i1 to i32
      %cond3A_418 = arith.constant 0 : i32
      %cond3A_419 = arith.cmpi ne, %convert_element_type3A_417, %cond3A_418 : i32
      scf.if %cond3A_419 {
        %add3A_449 = arith.constant 4 : i32
        %add3A_450 = arith.addi %add3A_392, %add3A_449 : i32
        %mul3A_451 = arith.constant 128 : i32
        %mul3A_452 = arith.muli %add3A_450, %mul3A_451 : i32
        %dma_start3A_453 = tpu.memref_slice %arg7[%mul3A_452] : memref<20480xi32, #tpu.memory_space<vmem>> -> memref<128xi32, #tpu.memory_space<vmem>>
        %dma_start3A_454 = arith.constant 0 : i32
        %dma_start3A_455 = arith.constant 0 : i32
        %dma_start3A_456 = tpu.memref_slice %arg18[%dma_start3A_454, %dma_start3A_455] : memref<10240x32xf32, #tpu.memory_space<vmem_shared>> -> memref<10240x32xf32, #tpu.memory_space<vmem_shared>>
        tpu.enqueue_indirect_dma source(%dma_start3A_456 : memref<10240x32xf32, #tpu.memory_space<vmem_shared>>) target(%arg11 : memref<128x32xf32, #tpu.memory_space<vmem>>) offsets(%dma_start3A_453 : memref<128xi32, #tpu.memory_space<vmem>>) semaphore(%arg21 : memref<!tpu.dma_semaphore, #tpu.memory_space<semaphore_mem>>)
      } else {
      }
      %add3A_420 = arith.constant 7 : i32
      %add3A_421 = arith.addi %mul3A_221, %add3A_420 : i32
      %mul3A_422 = arith.constant 128 : i32
      %mul3A_423 = arith.muli %add3A_421, %mul3A_422 : i32
      %dma_wait3A_424 = tpu.memref_slice %arg7[%mul3A_423] : memref<20480xi32, #tpu.memory_space<vmem>> -> memref<128xi32, #tpu.memory_space<vmem>>
      %dma_wait3A_425 = arith.constant 0 : i32
      %dma_wait3A_426 = arith.constant 0 : i32
      %dma_wait3A_427 = tpu.memref_slice %arg18[%dma_wait3A_425, %dma_wait3A_426] : memref<10240x32xf32, #tpu.memory_space<vmem_shared>> -> memref<10240x32xf32, #tpu.memory_space<vmem_shared>>
      tpu.wait_indirect_dma semaphore(%arg26 : memref<!tpu.dma_semaphore, #tpu.memory_space<semaphore_mem>>) src(%dma_wait3A_427 : memref<10240x32xf32, #tpu.memory_space<vmem_shared>>) dst(%arg16 : memref<128x32xf32, #tpu.memory_space<vmem>>)
      %dma_start3A_428 = arith.constant 0 : i32
      %dma_start3A_429 = tpu.memref_slice %arg8[%add3A_421, %dma_start3A_428] : memref<160x128xi32, #tpu.memory_space<vmem>> -> memref<1x128xi32, #tpu.memory_space<vmem>>
      %dma_start3A_430 = tpu.memref_squeeze %dma_start3A_429 : memref<1x128xi32, #tpu.memory_space<vmem>> -> memref<128xi32, #tpu.memory_space<vmem>>
      %dma_start3A_431 = arith.constant 0 : i32
      %dma_start3A_432 = arith.constant 0 : i32
      %dma_start3A_433 = tpu.memref_slice %arg17[%dma_start3A_431, %dma_start3A_432] : memref<10240x32xf32, #tpu.memory_space<vmem_shared>> -> memref<10240x32xf32, #tpu.memory_space<vmem_shared>>
      tpu.enqueue_indirect_dma source(%arg16 : memref<128x32xf32, #tpu.memory_space<vmem>>) target(%dma_start3A_433 : memref<10240x32xf32, #tpu.memory_space<vmem_shared>>) offsets(%dma_start3A_430 : memref<128xi32, #tpu.memory_space<vmem>>) semaphore(%arg34 : memref<!tpu.dma_semaphore, #tpu.memory_space<semaphore_mem>>) {add = true}
      %sub3A_434 = arith.constant 4 : i32
      %sub3A_435 = arith.subi %add3A_421, %sub3A_434 : i32
      %dma_wait3A_436 = arith.constant 0 : i32
      %dma_wait3A_437 = tpu.memref_slice %arg8[%sub3A_435, %dma_wait3A_436] : memref<160x128xi32, #tpu.memory_space<vmem>> -> memref<1x128xi32, #tpu.memory_space<vmem>>
      %dma_wait3A_438 = tpu.memref_squeeze %dma_wait3A_437 : memref<1x128xi32, #tpu.memory_space<vmem>> -> memref<128xi32, #tpu.memory_space<vmem>>
      %dma_wait3A_439 = arith.constant 0 : i32
      %dma_wait3A_440 = arith.constant 0 : i32
      %dma_wait3A_441 = tpu.memref_slice %arg17[%dma_wait3A_439, %dma_wait3A_440] : memref<10240x32xf32, #tpu.memory_space<vmem_shared>> -> memref<10240x32xf32, #tpu.memory_space<vmem_shared>>
      tpu.wait_indirect_dma semaphore(%arg30 : memref<!tpu.dma_semaphore, #tpu.memory_space<semaphore_mem>>) src(%arg12 : memref<128x32xf32, #tpu.memory_space<vmem>>) dst(%dma_wait3A_441 : memref<10240x32xf32, #tpu.memory_space<vmem_shared>>)
      %add3A_442 = arith.constant 4 : i32
      %add3A_443 = arith.addi %add3A_421, %add3A_442 : i32
      %lt3A_444 = arith.constant 160 : i32
      %lt3A_445 = arith.cmpi slt, %add3A_443, %lt3A_444 : i32
      %convert_element_type3A_446 = arith.extui %lt3A_445 : i1 to i32
      %cond3A_447 = arith.constant 0 : i32
      %cond3A_448 = arith.cmpi ne, %convert_element_type3A_446, %cond3A_447 : i32
      scf.if %cond3A_448 {
        %add3A_449 = arith.constant 4 : i32
        %add3A_450 = arith.addi %add3A_421, %add3A_449 : i32
        %mul3A_451 = arith.constant 128 : i32
        %mul3A_452 = arith.muli %add3A_450, %mul3A_451 : i32
        %dma_start3A_453 = tpu.memref_slice %arg7[%mul3A_452] : memref<20480xi32, #tpu.memory_space<vmem>> -> memref<128xi32, #tpu.memory_space<vmem>>
        %dma_start3A_454 = arith.constant 0 : i32
        %dma_start3A_455 = arith.constant 0 : i32
        %dma_start3A_456 = tpu.memref_slice %arg18[%dma_start3A_454, %dma_start3A_455] : memref<10240x32xf32, #tpu.memory_space<vmem_shared>> -> memref<10240x32xf32, #tpu.memory_space<vmem_shared>>
        tpu.enqueue_indirect_dma source(%dma_start3A_456 : memref<10240x32xf32, #tpu.memory_space<vmem_shared>>) target(%arg12 : memref<128x32xf32, #tpu.memory_space<vmem>>) offsets(%dma_start3A_453 : memref<128xi32, #tpu.memory_space<vmem>>) semaphore(%arg22 : memref<!tpu.dma_semaphore, #tpu.memory_space<semaphore_mem>>)
      } else {
      }
    }
    %scan3A_189 = arith.constant 19 : i32
    %dma_wait3A_190 = arith.constant 156 : i32
    %dma_wait3A_191 = arith.constant 0 : i32
    %dma_wait3A_192 = tpu.memref_slice %arg8[%dma_wait3A_190, %dma_wait3A_191] : memref<160x128xi32, #tpu.memory_space<vmem>> -> memref<1x128xi32, #tpu.memory_space<vmem>>
    %dma_wait3A_193 = tpu.memref_squeeze %dma_wait3A_192 : memref<1x128xi32, #tpu.memory_space<vmem>> -> memref<128xi32, #tpu.memory_space<vmem>>
    %dma_wait3A_194 = arith.constant 0 : i32
    %dma_wait3A_195 = arith.constant 0 : i32
    %dma_wait3A_196 = tpu.memref_slice %arg17[%dma_wait3A_194, %dma_wait3A_195] : memref<10240x32xf32, #tpu.memory_space<vmem_shared>> -> memref<10240x32xf32, #tpu.memory_space<vmem_shared>>
    tpu.wait_indirect_dma semaphore(%arg31 : memref<!tpu.dma_semaphore, #tpu.memory_space<semaphore_mem>>) src(%arg13 : memref<128x32xf32, #tpu.memory_space<vmem>>) dst(%dma_wait3A_196 : memref<10240x32xf32, #tpu.memory_space<vmem_shared>>)
    %dma_wait3A_197 = arith.constant 157 : i32
    %dma_wait3A_198 = arith.constant 0 : i32
    %dma_wait3A_199 = tpu.memref_slice %arg8[%dma_wait3A_197, %dma_wait3A_198] : memref<160x128xi32, #tpu.memory_space<vmem>> -> memref<1x128xi32, #tpu.memory_space<vmem>>
    %dma_wait3A_200 = tpu.memref_squeeze %dma_wait3A_199 : memref<1x128xi32, #tpu.memory_space<vmem>> -> memref<128xi32, #tpu.memory_space<vmem>>
    %dma_wait3A_201 = arith.constant 0 : i32
    %dma_wait3A_202 = arith.constant 0 : i32
    %dma_wait3A_203 = tpu.memref_slice %arg17[%dma_wait3A_201, %dma_wait3A_202] : memref<10240x32xf32, #tpu.memory_space<vmem_shared>> -> memref<10240x32xf32, #tpu.memory_space<vmem_shared>>
    tpu.wait_indirect_dma semaphore(%arg32 : memref<!tpu.dma_semaphore, #tpu.memory_space<semaphore_mem>>) src(%arg14 : memref<128x32xf32, #tpu.memory_space<vmem>>) dst(%dma_wait3A_203 : memref<10240x32xf32, #tpu.memory_space<vmem_shared>>)
    %dma_wait3A_204 = arith.constant 158 : i32
    %dma_wait3A_205 = arith.constant 0 : i32
    %dma_wait3A_206 = tpu.memref_slice %arg8[%dma_wait3A_204, %dma_wait3A_205] : memref<160x128xi32, #tpu.memory_space<vmem>> -> memref<1x128xi32, #tpu.memory_space<vmem>>
    %dma_wait3A_207 = tpu.memref_squeeze %dma_wait3A_206 : memref<1x128xi32, #tpu.memory_space<vmem>> -> memref<128xi32, #tpu.memory_space<vmem>>
    %dma_wait3A_208 = arith.constant 0 : i32
    %dma_wait3A_209 = arith.constant 0 : i32
    %dma_wait3A_210 = tpu.memref_slice %arg17[%dma_wait3A_208, %dma_wait3A_209] : memref<10240x32xf32, #tpu.memory_space<vmem_shared>> -> memref<10240x32xf32, #tpu.memory_space<vmem_shared>>
    tpu.wait_indirect_dma semaphore(%arg33 : memref<!tpu.dma_semaphore, #tpu.memory_space<semaphore_mem>>) src(%arg15 : memref<128x32xf32, #tpu.memory_space<vmem>>) dst(%dma_wait3A_210 : memref<10240x32xf32, #tpu.memory_space<vmem_shared>>)
    %dma_wait3A_211 = arith.constant 159 : i32
    %dma_wait3A_212 = arith.constant 0 : i32
    %dma_wait3A_213 = tpu.memref_slice %arg8[%dma_wait3A_211, %dma_wait3A_212] : memref<160x128xi32, #tpu.memory_space<vmem>> -> memref<1x128xi32, #tpu.memory_space<vmem>>
    %dma_wait3A_214 = tpu.memref_squeeze %dma_wait3A_213 : memref<1x128xi32, #tpu.memory_space<vmem>> -> memref<128xi32, #tpu.memory_space<vmem>>
    %dma_wait3A_215 = arith.constant 0 : i32
    %dma_wait3A_216 = arith.constant 0 : i32
    %dma_wait3A_217 = tpu.memref_slice %arg17[%dma_wait3A_215, %dma_wait3A_216] : memref<10240x32xf32, #tpu.memory_space<vmem_shared>> -> memref<10240x32xf32, #tpu.memory_space<vmem_shared>>
    tpu.wait_indirect_dma semaphore(%arg34 : memref<!tpu.dma_semaphore, #tpu.memory_space<semaphore_mem>>) src(%arg16 : memref<128x32xf32, #tpu.memory_space<vmem>>) dst(%dma_wait3A_217 : memref<10240x32xf32, #tpu.memory_space<vmem_shared>>)
    %barrier3A_218 = arith.constant 0 : index
    tpu.barrier barrier_id(%barrier3A_218)
    "tpu.region"() ({
      %run_scoped3A = tpu.sem_alloc : memref<!tpu.dma_semaphore, #tpu.memory_space<semaphore_mem>>
      %dma_start3A_219 = tpu.memref_slice %arg6[%mul3A_0, %mul3A_2] : memref<10240x64xf32, #tpu.memory_space<hbm>> -> memref<640x32xf32, #tpu.memory_space<hbm>>
      %dma_start3A_220 = arith.constant 0 : i32
      %dma_start3A_221 = tpu.memref_slice %arg17[%mul3A_0, %dma_start3A_220] : memref<10240x32xf32, #tpu.memory_space<vmem_shared>> -> memref<640x32xf32, #tpu.memory_space<vmem_shared>>
      tpu.enqueue_dma source(%dma_start3A_221 : memref<640x32xf32, #tpu.memory_space<vmem_shared>>) target(%dma_start3A_219 : memref<640x32xf32, #tpu.memory_space<hbm>>) target_semaphore(%run_scoped3A : memref<!tpu.dma_semaphore, #tpu.memory_space<semaphore_mem>>)
      %dma_wait3A_222 = tpu.memref_slice %arg6[%mul3A_0, %mul3A_2] : memref<10240x64xf32, #tpu.memory_space<hbm>> -> memref<640x32xf32, #tpu.memory_space<hbm>>
      %dma_wait3A_223 = arith.constant 0 : i32
      %dma_wait3A_224 = tpu.memref_slice %arg17[%mul3A_0, %dma_wait3A_223] : memref<10240x32xf32, #tpu.memory_space<vmem_shared>> -> memref<640x32xf32, #tpu.memory_space<vmem_shared>>
      tpu.wait_dma2 semaphore(%run_scoped3A : memref<!tpu.dma_semaphore, #tpu.memory_space<semaphore_mem>>) src(%dma_wait3A_224 : memref<640x32xf32, #tpu.memory_space<vmem_shared>>) dst(%dma_wait3A_222 : memref<640x32xf32, #tpu.memory_space<hbm>>)
      tpu.yield
    }) : () -> ()
    return
  }
}

#map = affine_map<(d0, d1) -> (0, 0)>
#map1 = affine_map<(d0, d1) -> (0, 0, 0)>
module attributes {stable_mosaic.version = 14 : i64} {
  func.func @_agg_kernel(%arg0: i32, %arg1: i32, %arg2: memref<16x20480xi32, #tpu.memory_space<hbm>>, %arg3: memref<16x160x128xi32, #tpu.memory_space<hbm>>, %arg4: memref<10240x64xf32, #tpu.memory_space<hbm>>, %arg5: memref<10240x32xf32, #tpu.memory_space<hbm>>, %arg6: memref<10240x64xf32, #tpu.memory_space<hbm>>, %arg7: memref<20480xi32, #tpu.memory_space<vmem>>, %arg8: memref<160x128xi32, #tpu.memory_space<vmem>>, %arg9: memref<128x32xf32, #tpu.memory_space<vmem>>, %arg10: memref<128x32xf32, #tpu.memory_space<vmem>>, %arg11: memref<128x32xf32, #tpu.memory_space<vmem>>, %arg12: memref<128x32xf32, #tpu.memory_space<vmem>>, %arg13: memref<128x32xf32, #tpu.memory_space<vmem>>, %arg14: memref<128x32xf32, #tpu.memory_space<vmem>>, %arg15: memref<128x32xf32, #tpu.memory_space<vmem>>, %arg16: memref<128x32xf32, #tpu.memory_space<vmem>>, %arg17: memref<10240x32xf32, #tpu.memory_space<vmem_shared>>, %arg18: memref<10240x32xf32, #tpu.memory_space<vmem_shared>>, %arg19: memref<!tpu.dma_semaphore, #tpu.memory_space<semaphore_mem>>, %arg20: memref<!tpu.dma_semaphore, #tpu.memory_space<semaphore_mem>>, %arg21: memref<!tpu.dma_semaphore, #tpu.memory_space<semaphore_mem>>, %arg22: memref<!tpu.dma_semaphore, #tpu.memory_space<semaphore_mem>>, %arg23: memref<!tpu.dma_semaphore, #tpu.memory_space<semaphore_mem>>, %arg24: memref<!tpu.dma_semaphore, #tpu.memory_space<semaphore_mem>>, %arg25: memref<!tpu.dma_semaphore, #tpu.memory_space<semaphore_mem>>, %arg26: memref<!tpu.dma_semaphore, #tpu.memory_space<semaphore_mem>>, %arg27: memref<!tpu.dma_semaphore, #tpu.memory_space<semaphore_mem>>, %arg28: memref<!tpu.dma_semaphore, #tpu.memory_space<semaphore_mem>>, %arg29: memref<!tpu.dma_semaphore, #tpu.memory_space<semaphore_mem>>, %arg30: memref<!tpu.dma_semaphore, #tpu.memory_space<semaphore_mem>>, %arg31: memref<!tpu.dma_semaphore, #tpu.memory_space<semaphore_mem>>, %arg32: memref<!tpu.dma_semaphore, #tpu.memory_space<semaphore_mem>>, %arg33: memref<!tpu.dma_semaphore, #tpu.memory_space<semaphore_mem>>, %arg34: memref<!tpu.dma_semaphore, #tpu.memory_space<semaphore_mem>>) attributes {dimension_semantics = [#tpu.dimension_semantics<core_parallel>, #tpu.dimension_semantics<subcore_parallel>], iteration_bounds = array<i64: 2, 16>, scalar_prefetch = 0 : i64, scratch_operands = 28 : i64, tpu.core_type = #tpu.core_type<sc_vector_subcore>, window_params = [{transform_indices = #map}, {transform_indices = #map1}, {transform_indices = #map}, {transform_indices = #map}, {transform_indices = #map}]} {
    "tpu.region"() ({
      %run_scoped3A = tpu.sem_alloc : memref<!tpu.dma_semaphore, #tpu.memory_space<semaphore_mem>>
      %dma_start3A_219 = arith.constant 0 : i32
      %dma_start3A_220 = tpu.memref_slice %arg2[%arg1, %dma_start3A_219] : memref<16x20480xi32, #tpu.memory_space<hbm>> -> memref<1x20480xi32, #tpu.memory_space<hbm>>
      %dma_start3A_221 = tpu.memref_squeeze %dma_start3A_220 : memref<1x20480xi32, #tpu.memory_space<hbm>> -> memref<20480xi32, #tpu.memory_space<hbm>>
      %dma_start3A_222 = arith.constant 0 : i32
      %dma_start3A_223 = tpu.memref_slice %arg2[%arg1, %dma_start3A_222] : memref<16x20480xi32, #tpu.memory_space<hbm>> -> memref<1x20480xi32, #tpu.memory_space<hbm>>
      %dma_start3A_224 = tpu.memref_squeeze %dma_start3A_223 : memref<1x20480xi32, #tpu.memory_space<hbm>> -> memref<20480xi32, #tpu.memory_space<hbm>>
      tpu.enqueue_dma source(%dma_start3A_224 : memref<20480xi32, #tpu.memory_space<hbm>>) target(%arg7 : memref<20480xi32, #tpu.memory_space<vmem>>) target_semaphore(%run_scoped3A : memref<!tpu.dma_semaphore, #tpu.memory_space<semaphore_mem>>)
      %dma_wait3A_225 = arith.constant 0 : i32
      %dma_wait3A_226 = tpu.memref_slice %arg2[%arg1, %dma_wait3A_225] : memref<16x20480xi32, #tpu.memory_space<hbm>> -> memref<1x20480xi32, #tpu.memory_space<hbm>>
      %dma_wait3A_227 = tpu.memref_squeeze %dma_wait3A_226 : memref<1x20480xi32, #tpu.memory_space<hbm>> -> memref<20480xi32, #tpu.memory_space<hbm>>
      %dma_wait3A_228 = arith.constant 0 : i32
      %dma_wait3A_229 = tpu.memref_slice %arg2[%arg1, %dma_wait3A_228] : memref<16x20480xi32, #tpu.memory_space<hbm>> -> memref<1x20480xi32, #tpu.memory_space<hbm>>
      %dma_wait3A_230 = tpu.memref_squeeze %dma_wait3A_229 : memref<1x20480xi32, #tpu.memory_space<hbm>> -> memref<20480xi32, #tpu.memory_space<hbm>>
      tpu.wait_dma2 semaphore(%run_scoped3A : memref<!tpu.dma_semaphore, #tpu.memory_space<semaphore_mem>>) src(%dma_wait3A_230 : memref<20480xi32, #tpu.memory_space<hbm>>) dst(%arg7 : memref<20480xi32, #tpu.memory_space<vmem>>)
      tpu.yield
    }) : () -> ()
    "tpu.region"() ({
      %run_scoped3A = tpu.sem_alloc : memref<!tpu.dma_semaphore, #tpu.memory_space<semaphore_mem>>
      %dma_start3A_219 = arith.constant 0 : i32
      %dma_start3A_220 = arith.constant 0 : i32
      %dma_start3A_221 = tpu.memref_slice %arg3[%arg1, %dma_start3A_219, %dma_start3A_220] : memref<16x160x128xi32, #tpu.memory_space<hbm>> -> memref<1x160x128xi32, #tpu.memory_space<hbm>>
      %dma_start3A_222 = tpu.memref_squeeze %dma_start3A_221 : memref<1x160x128xi32, #tpu.memory_space<hbm>> -> memref<160x128xi32, #tpu.memory_space<hbm>>
      %dma_start3A_223 = arith.constant 0 : i32
      %dma_start3A_224 = arith.constant 0 : i32
      %dma_start3A_225 = tpu.memref_slice %arg3[%arg1, %dma_start3A_223, %dma_start3A_224] : memref<16x160x128xi32, #tpu.memory_space<hbm>> -> memref<1x160x128xi32, #tpu.memory_space<hbm>>
      %dma_start3A_226 = tpu.memref_squeeze %dma_start3A_225 : memref<1x160x128xi32, #tpu.memory_space<hbm>> -> memref<160x128xi32, #tpu.memory_space<hbm>>
      tpu.enqueue_dma source(%dma_start3A_226 : memref<160x128xi32, #tpu.memory_space<hbm>>) target(%arg8 : memref<160x128xi32, #tpu.memory_space<vmem>>) target_semaphore(%run_scoped3A : memref<!tpu.dma_semaphore, #tpu.memory_space<semaphore_mem>>)
      %dma_wait3A_227 = arith.constant 0 : i32
      %dma_wait3A_228 = arith.constant 0 : i32
      %dma_wait3A_229 = tpu.memref_slice %arg3[%arg1, %dma_wait3A_227, %dma_wait3A_228] : memref<16x160x128xi32, #tpu.memory_space<hbm>> -> memref<1x160x128xi32, #tpu.memory_space<hbm>>
      %dma_wait3A_230 = tpu.memref_squeeze %dma_wait3A_229 : memref<1x160x128xi32, #tpu.memory_space<hbm>> -> memref<160x128xi32, #tpu.memory_space<hbm>>
      %dma_wait3A_231 = arith.constant 0 : i32
      %dma_wait3A_232 = arith.constant 0 : i32
      %dma_wait3A_233 = tpu.memref_slice %arg3[%arg1, %dma_wait3A_231, %dma_wait3A_232] : memref<16x160x128xi32, #tpu.memory_space<hbm>> -> memref<1x160x128xi32, #tpu.memory_space<hbm>>
      %dma_wait3A_234 = tpu.memref_squeeze %dma_wait3A_233 : memref<1x160x128xi32, #tpu.memory_space<hbm>> -> memref<160x128xi32, #tpu.memory_space<hbm>>
      tpu.wait_dma2 semaphore(%run_scoped3A : memref<!tpu.dma_semaphore, #tpu.memory_space<semaphore_mem>>) src(%dma_wait3A_234 : memref<160x128xi32, #tpu.memory_space<hbm>>) dst(%arg8 : memref<160x128xi32, #tpu.memory_space<vmem>>)
      tpu.yield
    }) : () -> ()
    %mul3A = arith.constant 640 : i32
    %mul3A_0 = arith.muli %arg1, %mul3A : i32
    %mul3A_1 = arith.constant 32 : i32
    %mul3A_2 = arith.muli %arg0, %mul3A_1 : i32
    "tpu.region"() ({
      %run_scoped3A = tpu.sem_alloc : memref<!tpu.dma_semaphore, #tpu.memory_space<semaphore_mem>>
      %dma_start3A_219 = arith.constant 0 : i32
      %dma_start3A_220 = tpu.memref_slice %arg18[%mul3A_0, %dma_start3A_219] : memref<10240x32xf32, #tpu.memory_space<vmem_shared>> -> memref<640x32xf32, #tpu.memory_space<vmem_shared>>
      %dma_start3A_221 = tpu.memref_slice %arg4[%mul3A_0, %mul3A_2] : memref<10240x64xf32, #tpu.memory_space<hbm>> -> memref<640x32xf32, #tpu.memory_space<hbm>>
      tpu.enqueue_dma source(%dma_start3A_221 : memref<640x32xf32, #tpu.memory_space<hbm>>) target(%dma_start3A_220 : memref<640x32xf32, #tpu.memory_space<vmem_shared>>) target_semaphore(%run_scoped3A : memref<!tpu.dma_semaphore, #tpu.memory_space<semaphore_mem>>)
      %dma_wait3A_222 = arith.constant 0 : i32
      %dma_wait3A_223 = tpu.memref_slice %arg18[%mul3A_0, %dma_wait3A_222] : memref<10240x32xf32, #tpu.memory_space<vmem_shared>> -> memref<640x32xf32, #tpu.memory_space<vmem_shared>>
      %dma_wait3A_224 = tpu.memref_slice %arg4[%mul3A_0, %mul3A_2] : memref<10240x64xf32, #tpu.memory_space<hbm>> -> memref<640x32xf32, #tpu.memory_space<hbm>>
      tpu.wait_dma2 semaphore(%run_scoped3A : memref<!tpu.dma_semaphore, #tpu.memory_space<semaphore_mem>>) src(%dma_wait3A_224 : memref<640x32xf32, #tpu.memory_space<hbm>>) dst(%dma_wait3A_223 : memref<640x32xf32, #tpu.memory_space<vmem_shared>>)
      tpu.yield
    }) : () -> ()
    "tpu.region"() ({
      %run_scoped3A = tpu.sem_alloc : memref<!tpu.dma_semaphore, #tpu.memory_space<semaphore_mem>>
      %dma_start3A_219 = arith.constant 0 : i32
      %dma_start3A_220 = tpu.memref_slice %arg17[%mul3A_0, %dma_start3A_219] : memref<10240x32xf32, #tpu.memory_space<vmem_shared>> -> memref<640x32xf32, #tpu.memory_space<vmem_shared>>
      %dma_start3A_221 = arith.constant 0 : i32
      %dma_start3A_222 = tpu.memref_slice %arg5[%mul3A_0, %dma_start3A_221] : memref<10240x32xf32, #tpu.memory_space<hbm>> -> memref<640x32xf32, #tpu.memory_space<hbm>>
      tpu.enqueue_dma source(%dma_start3A_222 : memref<640x32xf32, #tpu.memory_space<hbm>>) target(%dma_start3A_220 : memref<640x32xf32, #tpu.memory_space<vmem_shared>>) target_semaphore(%run_scoped3A : memref<!tpu.dma_semaphore, #tpu.memory_space<semaphore_mem>>)
      %dma_wait3A_223 = arith.constant 0 : i32
      %dma_wait3A_224 = tpu.memref_slice %arg17[%mul3A_0, %dma_wait3A_223] : memref<10240x32xf32, #tpu.memory_space<vmem_shared>> -> memref<640x32xf32, #tpu.memory_space<vmem_shared>>
      %dma_wait3A_225 = arith.constant 0 : i32
      %dma_wait3A_226 = tpu.memref_slice %arg5[%mul3A_0, %dma_wait3A_225] : memref<10240x32xf32, #tpu.memory_space<hbm>> -> memref<640x32xf32, #tpu.memory_space<hbm>>
      tpu.wait_dma2 semaphore(%run_scoped3A : memref<!tpu.dma_semaphore, #tpu.memory_space<semaphore_mem>>) src(%dma_wait3A_226 : memref<640x32xf32, #tpu.memory_space<hbm>>) dst(%dma_wait3A_224 : memref<640x32xf32, #tpu.memory_space<vmem_shared>>)
      tpu.yield
    }) : () -> ()
    %barrier3A = arith.constant 0 : index
    tpu.barrier barrier_id(%barrier3A)
    %dma_start3A = arith.constant 0 : i32
    %dma_start3A_3 = tpu.memref_slice %arg7[%dma_start3A] : memref<20480xi32, #tpu.memory_space<vmem>> -> memref<128xi32, #tpu.memory_space<vmem>>
    %dma_start3A_4 = arith.constant 0 : i32
    %dma_start3A_5 = arith.constant 0 : i32
    %dma_start3A_6 = tpu.memref_slice %arg18[%dma_start3A_4, %dma_start3A_5] : memref<10240x32xf32, #tpu.memory_space<vmem_shared>> -> memref<10240x32xf32, #tpu.memory_space<vmem_shared>>
    tpu.enqueue_indirect_dma source(%dma_start3A_6 : memref<10240x32xf32, #tpu.memory_space<vmem_shared>>) target(%arg9 : memref<128x32xf32, #tpu.memory_space<vmem>>) offsets(%dma_start3A_3 : memref<128xi32, #tpu.memory_space<vmem>>) semaphore(%arg19 : memref<!tpu.dma_semaphore, #tpu.memory_space<semaphore_mem>>)
    %dma_start3A_7 = arith.constant 128 : i32
    %dma_start3A_8 = tpu.memref_slice %arg7[%dma_start3A_7] : memref<20480xi32, #tpu.memory_space<vmem>> -> memref<128xi32, #tpu.memory_space<vmem>>
    %dma_start3A_9 = arith.constant 0 : i32
    %dma_start3A_10 = arith.constant 0 : i32
    %dma_start3A_11 = tpu.memref_slice %arg18[%dma_start3A_9, %dma_start3A_10] : memref<10240x32xf32, #tpu.memory_space<vmem_shared>> -> memref<10240x32xf32, #tpu.memory_space<vmem_shared>>
    tpu.enqueue_indirect_dma source(%dma_start3A_11 : memref<10240x32xf32, #tpu.memory_space<vmem_shared>>) target(%arg10 : memref<128x32xf32, #tpu.memory_space<vmem>>) offsets(%dma_start3A_8 : memref<128xi32, #tpu.memory_space<vmem>>) semaphore(%arg20 : memref<!tpu.dma_semaphore, #tpu.memory_space<semaphore_mem>>)
    %dma_start3A_12 = arith.constant 256 : i32
    %dma_start3A_13 = tpu.memref_slice %arg7[%dma_start3A_12] : memref<20480xi32, #tpu.memory_space<vmem>> -> memref<128xi32, #tpu.memory_space<vmem>>
    %dma_start3A_14 = arith.constant 0 : i32
    %dma_start3A_15 = arith.constant 0 : i32
    %dma_start3A_16 = tpu.memref_slice %arg18[%dma_start3A_14, %dma_start3A_15] : memref<10240x32xf32, #tpu.memory_space<vmem_shared>> -> memref<10240x32xf32, #tpu.memory_space<vmem_shared>>
    tpu.enqueue_indirect_dma source(%dma_start3A_16 : memref<10240x32xf32, #tpu.memory_space<vmem_shared>>) target(%arg11 : memref<128x32xf32, #tpu.memory_space<vmem>>) offsets(%dma_start3A_13 : memref<128xi32, #tpu.memory_space<vmem>>) semaphore(%arg21 : memref<!tpu.dma_semaphore, #tpu.memory_space<semaphore_mem>>)
    %dma_start3A_17 = arith.constant 384 : i32
    %dma_start3A_18 = tpu.memref_slice %arg7[%dma_start3A_17] : memref<20480xi32, #tpu.memory_space<vmem>> -> memref<128xi32, #tpu.memory_space<vmem>>
    %dma_start3A_19 = arith.constant 0 : i32
    %dma_start3A_20 = arith.constant 0 : i32
    %dma_start3A_21 = tpu.memref_slice %arg18[%dma_start3A_19, %dma_start3A_20] : memref<10240x32xf32, #tpu.memory_space<vmem_shared>> -> memref<10240x32xf32, #tpu.memory_space<vmem_shared>>
    tpu.enqueue_indirect_dma source(%dma_start3A_21 : memref<10240x32xf32, #tpu.memory_space<vmem_shared>>) target(%arg12 : memref<128x32xf32, #tpu.memory_space<vmem>>) offsets(%dma_start3A_18 : memref<128xi32, #tpu.memory_space<vmem>>) semaphore(%arg22 : memref<!tpu.dma_semaphore, #tpu.memory_space<semaphore_mem>>)
    %dma_wait3A = arith.constant 0 : i32
    %dma_wait3A_22 = tpu.memref_slice %arg7[%dma_wait3A] : memref<20480xi32, #tpu.memory_space<vmem>> -> memref<128xi32, #tpu.memory_space<vmem>>
    %dma_wait3A_23 = arith.constant 0 : i32
    %dma_wait3A_24 = arith.constant 0 : i32
    %dma_wait3A_25 = tpu.memref_slice %arg18[%dma_wait3A_23, %dma_wait3A_24] : memref<10240x32xf32, #tpu.memory_space<vmem_shared>> -> memref<10240x32xf32, #tpu.memory_space<vmem_shared>>
    tpu.wait_indirect_dma semaphore(%arg19 : memref<!tpu.dma_semaphore, #tpu.memory_space<semaphore_mem>>) src(%dma_wait3A_25 : memref<10240x32xf32, #tpu.memory_space<vmem_shared>>) dst(%arg9 : memref<128x32xf32, #tpu.memory_space<vmem>>)
    %dma_start3A_26 = arith.constant 0 : i32
    %dma_start3A_27 = arith.constant 0 : i32
    %dma_start3A_28 = tpu.memref_slice %arg8[%dma_start3A_26, %dma_start3A_27] : memref<160x128xi32, #tpu.memory_space<vmem>> -> memref<1x128xi32, #tpu.memory_space<vmem>>
    %dma_start3A_29 = tpu.memref_squeeze %dma_start3A_28 : memref<1x128xi32, #tpu.memory_space<vmem>> -> memref<128xi32, #tpu.memory_space<vmem>>
    %dma_start3A_30 = arith.constant 0 : i32
    %dma_start3A_31 = arith.constant 0 : i32
    %dma_start3A_32 = tpu.memref_slice %arg17[%dma_start3A_30, %dma_start3A_31] : memref<10240x32xf32, #tpu.memory_space<vmem_shared>> -> memref<10240x32xf32, #tpu.memory_space<vmem_shared>>
    tpu.enqueue_indirect_dma source(%arg9 : memref<128x32xf32, #tpu.memory_space<vmem>>) target(%dma_start3A_32 : memref<10240x32xf32, #tpu.memory_space<vmem_shared>>) offsets(%dma_start3A_29 : memref<128xi32, #tpu.memory_space<vmem>>) semaphore(%arg27 : memref<!tpu.dma_semaphore, #tpu.memory_space<semaphore_mem>>) {add = true}
    %dma_start3A_33 = arith.constant 512 : i32
    %dma_start3A_34 = tpu.memref_slice %arg7[%dma_start3A_33] : memref<20480xi32, #tpu.memory_space<vmem>> -> memref<128xi32, #tpu.memory_space<vmem>>
    %dma_start3A_35 = arith.constant 0 : i32
    %dma_start3A_36 = arith.constant 0 : i32
    %dma_start3A_37 = tpu.memref_slice %arg18[%dma_start3A_35, %dma_start3A_36] : memref<10240x32xf32, #tpu.memory_space<vmem_shared>> -> memref<10240x32xf32, #tpu.memory_space<vmem_shared>>
    tpu.enqueue_indirect_dma source(%dma_start3A_37 : memref<10240x32xf32, #tpu.memory_space<vmem_shared>>) target(%arg13 : memref<128x32xf32, #tpu.memory_space<vmem>>) offsets(%dma_start3A_34 : memref<128xi32, #tpu.memory_space<vmem>>) semaphore(%arg23 : memref<!tpu.dma_semaphore, #tpu.memory_space<semaphore_mem>>)
    %dma_wait3A_38 = arith.constant 128 : i32
    %dma_wait3A_39 = tpu.memref_slice %arg7[%dma_wait3A_38] : memref<20480xi32, #tpu.memory_space<vmem>> -> memref<128xi32, #tpu.memory_space<vmem>>
    %dma_wait3A_40 = arith.constant 0 : i32
    %dma_wait3A_41 = arith.constant 0 : i32
    %dma_wait3A_42 = tpu.memref_slice %arg18[%dma_wait3A_40, %dma_wait3A_41] : memref<10240x32xf32, #tpu.memory_space<vmem_shared>> -> memref<10240x32xf32, #tpu.memory_space<vmem_shared>>
    tpu.wait_indirect_dma semaphore(%arg20 : memref<!tpu.dma_semaphore, #tpu.memory_space<semaphore_mem>>) src(%dma_wait3A_42 : memref<10240x32xf32, #tpu.memory_space<vmem_shared>>) dst(%arg10 : memref<128x32xf32, #tpu.memory_space<vmem>>)
    %dma_start3A_43 = arith.constant 1 : i32
    %dma_start3A_44 = arith.constant 0 : i32
    %dma_start3A_45 = tpu.memref_slice %arg8[%dma_start3A_43, %dma_start3A_44] : memref<160x128xi32, #tpu.memory_space<vmem>> -> memref<1x128xi32, #tpu.memory_space<vmem>>
    %dma_start3A_46 = tpu.memref_squeeze %dma_start3A_45 : memref<1x128xi32, #tpu.memory_space<vmem>> -> memref<128xi32, #tpu.memory_space<vmem>>
    %dma_start3A_47 = arith.constant 0 : i32
    %dma_start3A_48 = arith.constant 0 : i32
    %dma_start3A_49 = tpu.memref_slice %arg17[%dma_start3A_47, %dma_start3A_48] : memref<10240x32xf32, #tpu.memory_space<vmem_shared>> -> memref<10240x32xf32, #tpu.memory_space<vmem_shared>>
    tpu.enqueue_indirect_dma source(%arg10 : memref<128x32xf32, #tpu.memory_space<vmem>>) target(%dma_start3A_49 : memref<10240x32xf32, #tpu.memory_space<vmem_shared>>) offsets(%dma_start3A_46 : memref<128xi32, #tpu.memory_space<vmem>>) semaphore(%arg28 : memref<!tpu.dma_semaphore, #tpu.memory_space<semaphore_mem>>) {add = true}
    %dma_start3A_50 = arith.constant 640 : i32
    %dma_start3A_51 = tpu.memref_slice %arg7[%dma_start3A_50] : memref<20480xi32, #tpu.memory_space<vmem>> -> memref<128xi32, #tpu.memory_space<vmem>>
    %dma_start3A_52 = arith.constant 0 : i32
    %dma_start3A_53 = arith.constant 0 : i32
    %dma_start3A_54 = tpu.memref_slice %arg18[%dma_start3A_52, %dma_start3A_53] : memref<10240x32xf32, #tpu.memory_space<vmem_shared>> -> memref<10240x32xf32, #tpu.memory_space<vmem_shared>>
    tpu.enqueue_indirect_dma source(%dma_start3A_54 : memref<10240x32xf32, #tpu.memory_space<vmem_shared>>) target(%arg14 : memref<128x32xf32, #tpu.memory_space<vmem>>) offsets(%dma_start3A_51 : memref<128xi32, #tpu.memory_space<vmem>>) semaphore(%arg24 : memref<!tpu.dma_semaphore, #tpu.memory_space<semaphore_mem>>)
    %dma_wait3A_55 = arith.constant 256 : i32
    %dma_wait3A_56 = tpu.memref_slice %arg7[%dma_wait3A_55] : memref<20480xi32, #tpu.memory_space<vmem>> -> memref<128xi32, #tpu.memory_space<vmem>>
    %dma_wait3A_57 = arith.constant 0 : i32
    %dma_wait3A_58 = arith.constant 0 : i32
    %dma_wait3A_59 = tpu.memref_slice %arg18[%dma_wait3A_57, %dma_wait3A_58] : memref<10240x32xf32, #tpu.memory_space<vmem_shared>> -> memref<10240x32xf32, #tpu.memory_space<vmem_shared>>
    tpu.wait_indirect_dma semaphore(%arg21 : memref<!tpu.dma_semaphore, #tpu.memory_space<semaphore_mem>>) src(%dma_wait3A_59 : memref<10240x32xf32, #tpu.memory_space<vmem_shared>>) dst(%arg11 : memref<128x32xf32, #tpu.memory_space<vmem>>)
    %dma_start3A_60 = arith.constant 2 : i32
    %dma_start3A_61 = arith.constant 0 : i32
    %dma_start3A_62 = tpu.memref_slice %arg8[%dma_start3A_60, %dma_start3A_61] : memref<160x128xi32, #tpu.memory_space<vmem>> -> memref<1x128xi32, #tpu.memory_space<vmem>>
    %dma_start3A_63 = tpu.memref_squeeze %dma_start3A_62 : memref<1x128xi32, #tpu.memory_space<vmem>> -> memref<128xi32, #tpu.memory_space<vmem>>
    %dma_start3A_64 = arith.constant 0 : i32
    %dma_start3A_65 = arith.constant 0 : i32
    %dma_start3A_66 = tpu.memref_slice %arg17[%dma_start3A_64, %dma_start3A_65] : memref<10240x32xf32, #tpu.memory_space<vmem_shared>> -> memref<10240x32xf32, #tpu.memory_space<vmem_shared>>
    tpu.enqueue_indirect_dma source(%arg11 : memref<128x32xf32, #tpu.memory_space<vmem>>) target(%dma_start3A_66 : memref<10240x32xf32, #tpu.memory_space<vmem_shared>>) offsets(%dma_start3A_63 : memref<128xi32, #tpu.memory_space<vmem>>) semaphore(%arg29 : memref<!tpu.dma_semaphore, #tpu.memory_space<semaphore_mem>>) {add = true}
    %dma_start3A_67 = arith.constant 768 : i32
    %dma_start3A_68 = tpu.memref_slice %arg7[%dma_start3A_67] : memref<20480xi32, #tpu.memory_space<vmem>> -> memref<128xi32, #tpu.memory_space<vmem>>
    %dma_start3A_69 = arith.constant 0 : i32
    %dma_start3A_70 = arith.constant 0 : i32
    %dma_start3A_71 = tpu.memref_slice %arg18[%dma_start3A_69, %dma_start3A_70] : memref<10240x32xf32, #tpu.memory_space<vmem_shared>> -> memref<10240x32xf32, #tpu.memory_space<vmem_shared>>
    tpu.enqueue_indirect_dma source(%dma_start3A_71 : memref<10240x32xf32, #tpu.memory_space<vmem_shared>>) target(%arg15 : memref<128x32xf32, #tpu.memory_space<vmem>>) offsets(%dma_start3A_68 : memref<128xi32, #tpu.memory_space<vmem>>) semaphore(%arg25 : memref<!tpu.dma_semaphore, #tpu.memory_space<semaphore_mem>>)
    %dma_wait3A_72 = arith.constant 384 : i32
    %dma_wait3A_73 = tpu.memref_slice %arg7[%dma_wait3A_72] : memref<20480xi32, #tpu.memory_space<vmem>> -> memref<128xi32, #tpu.memory_space<vmem>>
    %dma_wait3A_74 = arith.constant 0 : i32
    %dma_wait3A_75 = arith.constant 0 : i32
    %dma_wait3A_76 = tpu.memref_slice %arg18[%dma_wait3A_74, %dma_wait3A_75] : memref<10240x32xf32, #tpu.memory_space<vmem_shared>> -> memref<10240x32xf32, #tpu.memory_space<vmem_shared>>
    tpu.wait_indirect_dma semaphore(%arg22 : memref<!tpu.dma_semaphore, #tpu.memory_space<semaphore_mem>>) src(%dma_wait3A_76 : memref<10240x32xf32, #tpu.memory_space<vmem_shared>>) dst(%arg12 : memref<128x32xf32, #tpu.memory_space<vmem>>)
    %dma_start3A_77 = arith.constant 3 : i32
    %dma_start3A_78 = arith.constant 0 : i32
    %dma_start3A_79 = tpu.memref_slice %arg8[%dma_start3A_77, %dma_start3A_78] : memref<160x128xi32, #tpu.memory_space<vmem>> -> memref<1x128xi32, #tpu.memory_space<vmem>>
    %dma_start3A_80 = tpu.memref_squeeze %dma_start3A_79 : memref<1x128xi32, #tpu.memory_space<vmem>> -> memref<128xi32, #tpu.memory_space<vmem>>
    %dma_start3A_81 = arith.constant 0 : i32
    %dma_start3A_82 = arith.constant 0 : i32
    %dma_start3A_83 = tpu.memref_slice %arg17[%dma_start3A_81, %dma_start3A_82] : memref<10240x32xf32, #tpu.memory_space<vmem_shared>> -> memref<10240x32xf32, #tpu.memory_space<vmem_shared>>
    tpu.enqueue_indirect_dma source(%arg12 : memref<128x32xf32, #tpu.memory_space<vmem>>) target(%dma_start3A_83 : memref<10240x32xf32, #tpu.memory_space<vmem_shared>>) offsets(%dma_start3A_80 : memref<128xi32, #tpu.memory_space<vmem>>) semaphore(%arg30 : memref<!tpu.dma_semaphore, #tpu.memory_space<semaphore_mem>>) {add = true}
    %dma_start3A_84 = arith.constant 896 : i32
    %dma_start3A_85 = tpu.memref_slice %arg7[%dma_start3A_84] : memref<20480xi32, #tpu.memory_space<vmem>> -> memref<128xi32, #tpu.memory_space<vmem>>
    %dma_start3A_86 = arith.constant 0 : i32
    %dma_start3A_87 = arith.constant 0 : i32
    %dma_start3A_88 = tpu.memref_slice %arg18[%dma_start3A_86, %dma_start3A_87] : memref<10240x32xf32, #tpu.memory_space<vmem_shared>> -> memref<10240x32xf32, #tpu.memory_space<vmem_shared>>
    tpu.enqueue_indirect_dma source(%dma_start3A_88 : memref<10240x32xf32, #tpu.memory_space<vmem_shared>>) target(%arg16 : memref<128x32xf32, #tpu.memory_space<vmem>>) offsets(%dma_start3A_85 : memref<128xi32, #tpu.memory_space<vmem>>) semaphore(%arg26 : memref<!tpu.dma_semaphore, #tpu.memory_space<semaphore_mem>>)
    %dma_wait3A_89 = arith.constant 512 : i32
    %dma_wait3A_90 = tpu.memref_slice %arg7[%dma_wait3A_89] : memref<20480xi32, #tpu.memory_space<vmem>> -> memref<128xi32, #tpu.memory_space<vmem>>
    %dma_wait3A_91 = arith.constant 0 : i32
    %dma_wait3A_92 = arith.constant 0 : i32
    %dma_wait3A_93 = tpu.memref_slice %arg18[%dma_wait3A_91, %dma_wait3A_92] : memref<10240x32xf32, #tpu.memory_space<vmem_shared>> -> memref<10240x32xf32, #tpu.memory_space<vmem_shared>>
    tpu.wait_indirect_dma semaphore(%arg23 : memref<!tpu.dma_semaphore, #tpu.memory_space<semaphore_mem>>) src(%dma_wait3A_93 : memref<10240x32xf32, #tpu.memory_space<vmem_shared>>) dst(%arg13 : memref<128x32xf32, #tpu.memory_space<vmem>>)
    %dma_start3A_94 = arith.constant 4 : i32
    %dma_start3A_95 = arith.constant 0 : i32
    %dma_start3A_96 = tpu.memref_slice %arg8[%dma_start3A_94, %dma_start3A_95] : memref<160x128xi32, #tpu.memory_space<vmem>> -> memref<1x128xi32, #tpu.memory_space<vmem>>
    %dma_start3A_97 = tpu.memref_squeeze %dma_start3A_96 : memref<1x128xi32, #tpu.memory_space<vmem>> -> memref<128xi32, #tpu.memory_space<vmem>>
    %dma_start3A_98 = arith.constant 0 : i32
    %dma_start3A_99 = arith.constant 0 : i32
    %dma_start3A_100 = tpu.memref_slice %arg17[%dma_start3A_98, %dma_start3A_99] : memref<10240x32xf32, #tpu.memory_space<vmem_shared>> -> memref<10240x32xf32, #tpu.memory_space<vmem_shared>>
    tpu.enqueue_indirect_dma source(%arg13 : memref<128x32xf32, #tpu.memory_space<vmem>>) target(%dma_start3A_100 : memref<10240x32xf32, #tpu.memory_space<vmem_shared>>) offsets(%dma_start3A_97 : memref<128xi32, #tpu.memory_space<vmem>>) semaphore(%arg31 : memref<!tpu.dma_semaphore, #tpu.memory_space<semaphore_mem>>) {add = true}
    %dma_wait3A_101 = arith.constant 0 : i32
    %dma_wait3A_102 = arith.constant 0 : i32
    %dma_wait3A_103 = tpu.memref_slice %arg8[%dma_wait3A_101, %dma_wait3A_102] : memref<160x128xi32, #tpu.memory_space<vmem>> -> memref<1x128xi32, #tpu.memory_space<vmem>>
    %dma_wait3A_104 = tpu.memref_squeeze %dma_wait3A_103 : memref<1x128xi32, #tpu.memory_space<vmem>> -> memref<128xi32, #tpu.memory_space<vmem>>
    %dma_wait3A_105 = arith.constant 0 : i32
    %dma_wait3A_106 = arith.constant 0 : i32
    %dma_wait3A_107 = tpu.memref_slice %arg17[%dma_wait3A_105, %dma_wait3A_106] : memref<10240x32xf32, #tpu.memory_space<vmem_shared>> -> memref<10240x32xf32, #tpu.memory_space<vmem_shared>>
    tpu.wait_indirect_dma semaphore(%arg27 : memref<!tpu.dma_semaphore, #tpu.memory_space<semaphore_mem>>) src(%arg9 : memref<128x32xf32, #tpu.memory_space<vmem>>) dst(%dma_wait3A_107 : memref<10240x32xf32, #tpu.memory_space<vmem_shared>>)
    %dma_start3A_108 = arith.constant 1024 : i32
    %dma_start3A_109 = tpu.memref_slice %arg7[%dma_start3A_108] : memref<20480xi32, #tpu.memory_space<vmem>> -> memref<128xi32, #tpu.memory_space<vmem>>
    %dma_start3A_110 = arith.constant 0 : i32
    %dma_start3A_111 = arith.constant 0 : i32
    %dma_start3A_112 = tpu.memref_slice %arg18[%dma_start3A_110, %dma_start3A_111] : memref<10240x32xf32, #tpu.memory_space<vmem_shared>> -> memref<10240x32xf32, #tpu.memory_space<vmem_shared>>
    tpu.enqueue_indirect_dma source(%dma_start3A_112 : memref<10240x32xf32, #tpu.memory_space<vmem_shared>>) target(%arg9 : memref<128x32xf32, #tpu.memory_space<vmem>>) offsets(%dma_start3A_109 : memref<128xi32, #tpu.memory_space<vmem>>) semaphore(%arg19 : memref<!tpu.dma_semaphore, #tpu.memory_space<semaphore_mem>>)
    %dma_wait3A_113 = arith.constant 640 : i32
    %dma_wait3A_114 = tpu.memref_slice %arg7[%dma_wait3A_113] : memref<20480xi32, #tpu.memory_space<vmem>> -> memref<128xi32, #tpu.memory_space<vmem>>
    %dma_wait3A_115 = arith.constant 0 : i32
    %dma_wait3A_116 = arith.constant 0 : i32
    %dma_wait3A_117 = tpu.memref_slice %arg18[%dma_wait3A_115, %dma_wait3A_116] : memref<10240x32xf32, #tpu.memory_space<vmem_shared>> -> memref<10240x32xf32, #tpu.memory_space<vmem_shared>>
    tpu.wait_indirect_dma semaphore(%arg24 : memref<!tpu.dma_semaphore, #tpu.memory_space<semaphore_mem>>) src(%dma_wait3A_117 : memref<10240x32xf32, #tpu.memory_space<vmem_shared>>) dst(%arg14 : memref<128x32xf32, #tpu.memory_space<vmem>>)
    %dma_start3A_118 = arith.constant 5 : i32
    %dma_start3A_119 = arith.constant 0 : i32
    %dma_start3A_120 = tpu.memref_slice %arg8[%dma_start3A_118, %dma_start3A_119] : memref<160x128xi32, #tpu.memory_space<vmem>> -> memref<1x128xi32, #tpu.memory_space<vmem>>
    %dma_start3A_121 = tpu.memref_squeeze %dma_start3A_120 : memref<1x128xi32, #tpu.memory_space<vmem>> -> memref<128xi32, #tpu.memory_space<vmem>>
    %dma_start3A_122 = arith.constant 0 : i32
    %dma_start3A_123 = arith.constant 0 : i32
    %dma_start3A_124 = tpu.memref_slice %arg17[%dma_start3A_122, %dma_start3A_123] : memref<10240x32xf32, #tpu.memory_space<vmem_shared>> -> memref<10240x32xf32, #tpu.memory_space<vmem_shared>>
    tpu.enqueue_indirect_dma source(%arg14 : memref<128x32xf32, #tpu.memory_space<vmem>>) target(%dma_start3A_124 : memref<10240x32xf32, #tpu.memory_space<vmem_shared>>) offsets(%dma_start3A_121 : memref<128xi32, #tpu.memory_space<vmem>>) semaphore(%arg32 : memref<!tpu.dma_semaphore, #tpu.memory_space<semaphore_mem>>) {add = true}
    %dma_wait3A_125 = arith.constant 1 : i32
    %dma_wait3A_126 = arith.constant 0 : i32
    %dma_wait3A_127 = tpu.memref_slice %arg8[%dma_wait3A_125, %dma_wait3A_126] : memref<160x128xi32, #tpu.memory_space<vmem>> -> memref<1x128xi32, #tpu.memory_space<vmem>>
    %dma_wait3A_128 = tpu.memref_squeeze %dma_wait3A_127 : memref<1x128xi32, #tpu.memory_space<vmem>> -> memref<128xi32, #tpu.memory_space<vmem>>
    %dma_wait3A_129 = arith.constant 0 : i32
    %dma_wait3A_130 = arith.constant 0 : i32
    %dma_wait3A_131 = tpu.memref_slice %arg17[%dma_wait3A_129, %dma_wait3A_130] : memref<10240x32xf32, #tpu.memory_space<vmem_shared>> -> memref<10240x32xf32, #tpu.memory_space<vmem_shared>>
    tpu.wait_indirect_dma semaphore(%arg28 : memref<!tpu.dma_semaphore, #tpu.memory_space<semaphore_mem>>) src(%arg10 : memref<128x32xf32, #tpu.memory_space<vmem>>) dst(%dma_wait3A_131 : memref<10240x32xf32, #tpu.memory_space<vmem_shared>>)
    %dma_start3A_132 = arith.constant 1152 : i32
    %dma_start3A_133 = tpu.memref_slice %arg7[%dma_start3A_132] : memref<20480xi32, #tpu.memory_space<vmem>> -> memref<128xi32, #tpu.memory_space<vmem>>
    %dma_start3A_134 = arith.constant 0 : i32
    %dma_start3A_135 = arith.constant 0 : i32
    %dma_start3A_136 = tpu.memref_slice %arg18[%dma_start3A_134, %dma_start3A_135] : memref<10240x32xf32, #tpu.memory_space<vmem_shared>> -> memref<10240x32xf32, #tpu.memory_space<vmem_shared>>
    tpu.enqueue_indirect_dma source(%dma_start3A_136 : memref<10240x32xf32, #tpu.memory_space<vmem_shared>>) target(%arg10 : memref<128x32xf32, #tpu.memory_space<vmem>>) offsets(%dma_start3A_133 : memref<128xi32, #tpu.memory_space<vmem>>) semaphore(%arg20 : memref<!tpu.dma_semaphore, #tpu.memory_space<semaphore_mem>>)
    %dma_wait3A_137 = arith.constant 768 : i32
    %dma_wait3A_138 = tpu.memref_slice %arg7[%dma_wait3A_137] : memref<20480xi32, #tpu.memory_space<vmem>> -> memref<128xi32, #tpu.memory_space<vmem>>
    %dma_wait3A_139 = arith.constant 0 : i32
    %dma_wait3A_140 = arith.constant 0 : i32
    %dma_wait3A_141 = tpu.memref_slice %arg18[%dma_wait3A_139, %dma_wait3A_140] : memref<10240x32xf32, #tpu.memory_space<vmem_shared>> -> memref<10240x32xf32, #tpu.memory_space<vmem_shared>>
    tpu.wait_indirect_dma semaphore(%arg25 : memref<!tpu.dma_semaphore, #tpu.memory_space<semaphore_mem>>) src(%dma_wait3A_141 : memref<10240x32xf32, #tpu.memory_space<vmem_shared>>) dst(%arg15 : memref<128x32xf32, #tpu.memory_space<vmem>>)
    %dma_start3A_142 = arith.constant 6 : i32
    %dma_start3A_143 = arith.constant 0 : i32
    %dma_start3A_144 = tpu.memref_slice %arg8[%dma_start3A_142, %dma_start3A_143] : memref<160x128xi32, #tpu.memory_space<vmem>> -> memref<1x128xi32, #tpu.memory_space<vmem>>
    %dma_start3A_145 = tpu.memref_squeeze %dma_start3A_144 : memref<1x128xi32, #tpu.memory_space<vmem>> -> memref<128xi32, #tpu.memory_space<vmem>>
    %dma_start3A_146 = arith.constant 0 : i32
    %dma_start3A_147 = arith.constant 0 : i32
    %dma_start3A_148 = tpu.memref_slice %arg17[%dma_start3A_146, %dma_start3A_147] : memref<10240x32xf32, #tpu.memory_space<vmem_shared>> -> memref<10240x32xf32, #tpu.memory_space<vmem_shared>>
    tpu.enqueue_indirect_dma source(%arg15 : memref<128x32xf32, #tpu.memory_space<vmem>>) target(%dma_start3A_148 : memref<10240x32xf32, #tpu.memory_space<vmem_shared>>) offsets(%dma_start3A_145 : memref<128xi32, #tpu.memory_space<vmem>>) semaphore(%arg33 : memref<!tpu.dma_semaphore, #tpu.memory_space<semaphore_mem>>) {add = true}
    %dma_wait3A_149 = arith.constant 2 : i32
    %dma_wait3A_150 = arith.constant 0 : i32
    %dma_wait3A_151 = tpu.memref_slice %arg8[%dma_wait3A_149, %dma_wait3A_150] : memref<160x128xi32, #tpu.memory_space<vmem>> -> memref<1x128xi32, #tpu.memory_space<vmem>>
    %dma_wait3A_152 = tpu.memref_squeeze %dma_wait3A_151 : memref<1x128xi32, #tpu.memory_space<vmem>> -> memref<128xi32, #tpu.memory_space<vmem>>
    %dma_wait3A_153 = arith.constant 0 : i32
    %dma_wait3A_154 = arith.constant 0 : i32
    %dma_wait3A_155 = tpu.memref_slice %arg17[%dma_wait3A_153, %dma_wait3A_154] : memref<10240x32xf32, #tpu.memory_space<vmem_shared>> -> memref<10240x32xf32, #tpu.memory_space<vmem_shared>>
    tpu.wait_indirect_dma semaphore(%arg29 : memref<!tpu.dma_semaphore, #tpu.memory_space<semaphore_mem>>) src(%arg11 : memref<128x32xf32, #tpu.memory_space<vmem>>) dst(%dma_wait3A_155 : memref<10240x32xf32, #tpu.memory_space<vmem_shared>>)
    %dma_start3A_156 = arith.constant 1280 : i32
    %dma_start3A_157 = tpu.memref_slice %arg7[%dma_start3A_156] : memref<20480xi32, #tpu.memory_space<vmem>> -> memref<128xi32, #tpu.memory_space<vmem>>
    %dma_start3A_158 = arith.constant 0 : i32
    %dma_start3A_159 = arith.constant 0 : i32
    %dma_start3A_160 = tpu.memref_slice %arg18[%dma_start3A_158, %dma_start3A_159] : memref<10240x32xf32, #tpu.memory_space<vmem_shared>> -> memref<10240x32xf32, #tpu.memory_space<vmem_shared>>
    tpu.enqueue_indirect_dma source(%dma_start3A_160 : memref<10240x32xf32, #tpu.memory_space<vmem_shared>>) target(%arg11 : memref<128x32xf32, #tpu.memory_space<vmem>>) offsets(%dma_start3A_157 : memref<128xi32, #tpu.memory_space<vmem>>) semaphore(%arg21 : memref<!tpu.dma_semaphore, #tpu.memory_space<semaphore_mem>>)
    %dma_wait3A_161 = arith.constant 896 : i32
    %dma_wait3A_162 = tpu.memref_slice %arg7[%dma_wait3A_161] : memref<20480xi32, #tpu.memory_space<vmem>> -> memref<128xi32, #tpu.memory_space<vmem>>
    %dma_wait3A_163 = arith.constant 0 : i32
    %dma_wait3A_164 = arith.constant 0 : i32
    %dma_wait3A_165 = tpu.memref_slice %arg18[%dma_wait3A_163, %dma_wait3A_164] : memref<10240x32xf32, #tpu.memory_space<vmem_shared>> -> memref<10240x32xf32, #tpu.memory_space<vmem_shared>>
    tpu.wait_indirect_dma semaphore(%arg26 : memref<!tpu.dma_semaphore, #tpu.memory_space<semaphore_mem>>) src(%dma_wait3A_165 : memref<10240x32xf32, #tpu.memory_space<vmem_shared>>) dst(%arg16 : memref<128x32xf32, #tpu.memory_space<vmem>>)
    %dma_start3A_166 = arith.constant 7 : i32
    %dma_start3A_167 = arith.constant 0 : i32
    %dma_start3A_168 = tpu.memref_slice %arg8[%dma_start3A_166, %dma_start3A_167] : memref<160x128xi32, #tpu.memory_space<vmem>> -> memref<1x128xi32, #tpu.memory_space<vmem>>
    %dma_start3A_169 = tpu.memref_squeeze %dma_start3A_168 : memref<1x128xi32, #tpu.memory_space<vmem>> -> memref<128xi32, #tpu.memory_space<vmem>>
    %dma_start3A_170 = arith.constant 0 : i32
    %dma_start3A_171 = arith.constant 0 : i32
    %dma_start3A_172 = tpu.memref_slice %arg17[%dma_start3A_170, %dma_start3A_171] : memref<10240x32xf32, #tpu.memory_space<vmem_shared>> -> memref<10240x32xf32, #tpu.memory_space<vmem_shared>>
    tpu.enqueue_indirect_dma source(%arg16 : memref<128x32xf32, #tpu.memory_space<vmem>>) target(%dma_start3A_172 : memref<10240x32xf32, #tpu.memory_space<vmem_shared>>) offsets(%dma_start3A_169 : memref<128xi32, #tpu.memory_space<vmem>>) semaphore(%arg34 : memref<!tpu.dma_semaphore, #tpu.memory_space<semaphore_mem>>) {add = true}
    %dma_wait3A_173 = arith.constant 3 : i32
    %dma_wait3A_174 = arith.constant 0 : i32
    %dma_wait3A_175 = tpu.memref_slice %arg8[%dma_wait3A_173, %dma_wait3A_174] : memref<160x128xi32, #tpu.memory_space<vmem>> -> memref<1x128xi32, #tpu.memory_space<vmem>>
    %dma_wait3A_176 = tpu.memref_squeeze %dma_wait3A_175 : memref<1x128xi32, #tpu.memory_space<vmem>> -> memref<128xi32, #tpu.memory_space<vmem>>
    %dma_wait3A_177 = arith.constant 0 : i32
    %dma_wait3A_178 = arith.constant 0 : i32
    %dma_wait3A_179 = tpu.memref_slice %arg17[%dma_wait3A_177, %dma_wait3A_178] : memref<10240x32xf32, #tpu.memory_space<vmem_shared>> -> memref<10240x32xf32, #tpu.memory_space<vmem_shared>>
    tpu.wait_indirect_dma semaphore(%arg30 : memref<!tpu.dma_semaphore, #tpu.memory_space<semaphore_mem>>) src(%arg12 : memref<128x32xf32, #tpu.memory_space<vmem>>) dst(%dma_wait3A_179 : memref<10240x32xf32, #tpu.memory_space<vmem_shared>>)
    %dma_start3A_180 = arith.constant 1408 : i32
    %dma_start3A_181 = tpu.memref_slice %arg7[%dma_start3A_180] : memref<20480xi32, #tpu.memory_space<vmem>> -> memref<128xi32, #tpu.memory_space<vmem>>
    %dma_start3A_182 = arith.constant 0 : i32
    %dma_start3A_183 = arith.constant 0 : i32
    %dma_start3A_184 = tpu.memref_slice %arg18[%dma_start3A_182, %dma_start3A_183] : memref<10240x32xf32, #tpu.memory_space<vmem_shared>> -> memref<10240x32xf32, #tpu.memory_space<vmem_shared>>
    tpu.enqueue_indirect_dma source(%dma_start3A_184 : memref<10240x32xf32, #tpu.memory_space<vmem_shared>>) target(%arg12 : memref<128x32xf32, #tpu.memory_space<vmem>>) offsets(%dma_start3A_181 : memref<128xi32, #tpu.memory_space<vmem>>) semaphore(%arg22 : memref<!tpu.dma_semaphore, #tpu.memory_space<semaphore_mem>>)
    %scan3A = arith.constant 0 : i32
    %scan3A_185 = arith.constant 1 : i32
    %scan3A_186 = arith.constant 19 : i32
    %scan3A_187 = arith.addi %scan3A_185, %scan3A_186 : i32
    %scan3A_188 = arith.constant 1 : i32
    scf.for %scan3A_219 = %scan3A_185 to %scan3A_187 step %scan3A_188  : i32 {
      %mul3A_220 = arith.constant 8 : i32
      %mul3A_221 = arith.muli %scan3A_219, %mul3A_220 : i32
      %add3A = arith.constant 0 : i32
      %add3A_222 = arith.addi %mul3A_221, %add3A : i32
      %mul3A_223 = arith.constant 128 : i32
      %mul3A_224 = arith.muli %add3A_222, %mul3A_223 : i32
      %dma_wait3A_225 = tpu.memref_slice %arg7[%mul3A_224] : memref<20480xi32, #tpu.memory_space<vmem>> -> memref<128xi32, #tpu.memory_space<vmem>>
      %dma_wait3A_226 = arith.constant 0 : i32
      %dma_wait3A_227 = arith.constant 0 : i32
      %dma_wait3A_228 = tpu.memref_slice %arg18[%dma_wait3A_226, %dma_wait3A_227] : memref<10240x32xf32, #tpu.memory_space<vmem_shared>> -> memref<10240x32xf32, #tpu.memory_space<vmem_shared>>
      tpu.wait_indirect_dma semaphore(%arg19 : memref<!tpu.dma_semaphore, #tpu.memory_space<semaphore_mem>>) src(%dma_wait3A_228 : memref<10240x32xf32, #tpu.memory_space<vmem_shared>>) dst(%arg9 : memref<128x32xf32, #tpu.memory_space<vmem>>)
      %dma_start3A_229 = arith.constant 0 : i32
      %dma_start3A_230 = tpu.memref_slice %arg8[%add3A_222, %dma_start3A_229] : memref<160x128xi32, #tpu.memory_space<vmem>> -> memref<1x128xi32, #tpu.memory_space<vmem>>
      %dma_start3A_231 = tpu.memref_squeeze %dma_start3A_230 : memref<1x128xi32, #tpu.memory_space<vmem>> -> memref<128xi32, #tpu.memory_space<vmem>>
      %dma_start3A_232 = arith.constant 0 : i32
      %dma_start3A_233 = arith.constant 0 : i32
      %dma_start3A_234 = tpu.memref_slice %arg17[%dma_start3A_232, %dma_start3A_233] : memref<10240x32xf32, #tpu.memory_space<vmem_shared>> -> memref<10240x32xf32, #tpu.memory_space<vmem_shared>>
      tpu.enqueue_indirect_dma source(%arg9 : memref<128x32xf32, #tpu.memory_space<vmem>>) target(%dma_start3A_234 : memref<10240x32xf32, #tpu.memory_space<vmem_shared>>) offsets(%dma_start3A_231 : memref<128xi32, #tpu.memory_space<vmem>>) semaphore(%arg27 : memref<!tpu.dma_semaphore, #tpu.memory_space<semaphore_mem>>) {add = true}
      %sub3A = arith.constant 4 : i32
      %sub3A_235 = arith.subi %add3A_222, %sub3A : i32
      %dma_wait3A_236 = arith.constant 0 : i32
      %dma_wait3A_237 = tpu.memref_slice %arg8[%sub3A_235, %dma_wait3A_236] : memref<160x128xi32, #tpu.memory_space<vmem>> -> memref<1x128xi32, #tpu.memory_space<vmem>>
      %dma_wait3A_238 = tpu.memref_squeeze %dma_wait3A_237 : memref<1x128xi32, #tpu.memory_space<vmem>> -> memref<128xi32, #tpu.memory_space<vmem>>
      %dma_wait3A_239 = arith.constant 0 : i32
      %dma_wait3A_240 = arith.constant 0 : i32
      %dma_wait3A_241 = tpu.memref_slice %arg17[%dma_wait3A_239, %dma_wait3A_240] : memref<10240x32xf32, #tpu.memory_space<vmem_shared>> -> memref<10240x32xf32, #tpu.memory_space<vmem_shared>>
      tpu.wait_indirect_dma semaphore(%arg31 : memref<!tpu.dma_semaphore, #tpu.memory_space<semaphore_mem>>) src(%arg13 : memref<128x32xf32, #tpu.memory_space<vmem>>) dst(%dma_wait3A_241 : memref<10240x32xf32, #tpu.memory_space<vmem_shared>>)
      %add3A_242 = arith.constant 4 : i32
      %add3A_243 = arith.addi %add3A_222, %add3A_242 : i32
      %lt3A = arith.constant 160 : i32
      %lt3A_244 = arith.cmpi slt, %add3A_243, %lt3A : i32
      %convert_element_type3A = arith.extui %lt3A_244 : i1 to i32
      %cond3A = arith.constant 0 : i32
      %cond3A_245 = arith.cmpi ne, %convert_element_type3A, %cond3A : i32
      scf.if %cond3A_245 {
        %add3A_449 = arith.constant 4 : i32
        %add3A_450 = arith.addi %add3A_222, %add3A_449 : i32
        %mul3A_451 = arith.constant 128 : i32
        %mul3A_452 = arith.muli %add3A_450, %mul3A_451 : i32
        %dma_start3A_453 = tpu.memref_slice %arg7[%mul3A_452] : memref<20480xi32, #tpu.memory_space<vmem>> -> memref<128xi32, #tpu.memory_space<vmem>>
        %dma_start3A_454 = arith.constant 0 : i32
        %dma_start3A_455 = arith.constant 0 : i32
        %dma_start3A_456 = tpu.memref_slice %arg18[%dma_start3A_454, %dma_start3A_455] : memref<10240x32xf32, #tpu.memory_space<vmem_shared>> -> memref<10240x32xf32, #tpu.memory_space<vmem_shared>>
        tpu.enqueue_indirect_dma source(%dma_start3A_456 : memref<10240x32xf32, #tpu.memory_space<vmem_shared>>) target(%arg13 : memref<128x32xf32, #tpu.memory_space<vmem>>) offsets(%dma_start3A_453 : memref<128xi32, #tpu.memory_space<vmem>>) semaphore(%arg23 : memref<!tpu.dma_semaphore, #tpu.memory_space<semaphore_mem>>)
      } else {
      }
      %add3A_246 = arith.constant 1 : i32
      %add3A_247 = arith.addi %mul3A_221, %add3A_246 : i32
      %mul3A_248 = arith.constant 128 : i32
      %mul3A_249 = arith.muli %add3A_247, %mul3A_248 : i32
      %dma_wait3A_250 = tpu.memref_slice %arg7[%mul3A_249] : memref<20480xi32, #tpu.memory_space<vmem>> -> memref<128xi32, #tpu.memory_space<vmem>>
      %dma_wait3A_251 = arith.constant 0 : i32
      %dma_wait3A_252 = arith.constant 0 : i32
      %dma_wait3A_253 = tpu.memref_slice %arg18[%dma_wait3A_251, %dma_wait3A_252] : memref<10240x32xf32, #tpu.memory_space<vmem_shared>> -> memref<10240x32xf32, #tpu.memory_space<vmem_shared>>
      tpu.wait_indirect_dma semaphore(%arg20 : memref<!tpu.dma_semaphore, #tpu.memory_space<semaphore_mem>>) src(%dma_wait3A_253 : memref<10240x32xf32, #tpu.memory_space<vmem_shared>>) dst(%arg10 : memref<128x32xf32, #tpu.memory_space<vmem>>)
      %dma_start3A_254 = arith.constant 0 : i32
      %dma_start3A_255 = tpu.memref_slice %arg8[%add3A_247, %dma_start3A_254] : memref<160x128xi32, #tpu.memory_space<vmem>> -> memref<1x128xi32, #tpu.memory_space<vmem>>
      %dma_start3A_256 = tpu.memref_squeeze %dma_start3A_255 : memref<1x128xi32, #tpu.memory_space<vmem>> -> memref<128xi32, #tpu.memory_space<vmem>>
      %dma_start3A_257 = arith.constant 0 : i32
      %dma_start3A_258 = arith.constant 0 : i32
      %dma_start3A_259 = tpu.memref_slice %arg17[%dma_start3A_257, %dma_start3A_258] : memref<10240x32xf32, #tpu.memory_space<vmem_shared>> -> memref<10240x32xf32, #tpu.memory_space<vmem_shared>>
      tpu.enqueue_indirect_dma source(%arg10 : memref<128x32xf32, #tpu.memory_space<vmem>>) target(%dma_start3A_259 : memref<10240x32xf32, #tpu.memory_space<vmem_shared>>) offsets(%dma_start3A_256 : memref<128xi32, #tpu.memory_space<vmem>>) semaphore(%arg28 : memref<!tpu.dma_semaphore, #tpu.memory_space<semaphore_mem>>) {add = true}
      %sub3A_260 = arith.constant 4 : i32
      %sub3A_261 = arith.subi %add3A_247, %sub3A_260 : i32
      %dma_wait3A_262 = arith.constant 0 : i32
      %dma_wait3A_263 = tpu.memref_slice %arg8[%sub3A_261, %dma_wait3A_262] : memref<160x128xi32, #tpu.memory_space<vmem>> -> memref<1x128xi32, #tpu.memory_space<vmem>>
      %dma_wait3A_264 = tpu.memref_squeeze %dma_wait3A_263 : memref<1x128xi32, #tpu.memory_space<vmem>> -> memref<128xi32, #tpu.memory_space<vmem>>
      %dma_wait3A_265 = arith.constant 0 : i32
      %dma_wait3A_266 = arith.constant 0 : i32
      %dma_wait3A_267 = tpu.memref_slice %arg17[%dma_wait3A_265, %dma_wait3A_266] : memref<10240x32xf32, #tpu.memory_space<vmem_shared>> -> memref<10240x32xf32, #tpu.memory_space<vmem_shared>>
      tpu.wait_indirect_dma semaphore(%arg32 : memref<!tpu.dma_semaphore, #tpu.memory_space<semaphore_mem>>) src(%arg14 : memref<128x32xf32, #tpu.memory_space<vmem>>) dst(%dma_wait3A_267 : memref<10240x32xf32, #tpu.memory_space<vmem_shared>>)
      %add3A_268 = arith.constant 4 : i32
      %add3A_269 = arith.addi %add3A_247, %add3A_268 : i32
      %lt3A_270 = arith.constant 160 : i32
      %lt3A_271 = arith.cmpi slt, %add3A_269, %lt3A_270 : i32
      %convert_element_type3A_272 = arith.extui %lt3A_271 : i1 to i32
      %cond3A_273 = arith.constant 0 : i32
      %cond3A_274 = arith.cmpi ne, %convert_element_type3A_272, %cond3A_273 : i32
      scf.if %cond3A_274 {
        %add3A_449 = arith.constant 4 : i32
        %add3A_450 = arith.addi %add3A_247, %add3A_449 : i32
        %mul3A_451 = arith.constant 128 : i32
        %mul3A_452 = arith.muli %add3A_450, %mul3A_451 : i32
        %dma_start3A_453 = tpu.memref_slice %arg7[%mul3A_452] : memref<20480xi32, #tpu.memory_space<vmem>> -> memref<128xi32, #tpu.memory_space<vmem>>
        %dma_start3A_454 = arith.constant 0 : i32
        %dma_start3A_455 = arith.constant 0 : i32
        %dma_start3A_456 = tpu.memref_slice %arg18[%dma_start3A_454, %dma_start3A_455] : memref<10240x32xf32, #tpu.memory_space<vmem_shared>> -> memref<10240x32xf32, #tpu.memory_space<vmem_shared>>
        tpu.enqueue_indirect_dma source(%dma_start3A_456 : memref<10240x32xf32, #tpu.memory_space<vmem_shared>>) target(%arg14 : memref<128x32xf32, #tpu.memory_space<vmem>>) offsets(%dma_start3A_453 : memref<128xi32, #tpu.memory_space<vmem>>) semaphore(%arg24 : memref<!tpu.dma_semaphore, #tpu.memory_space<semaphore_mem>>)
      } else {
      }
      %add3A_275 = arith.constant 2 : i32
      %add3A_276 = arith.addi %mul3A_221, %add3A_275 : i32
      %mul3A_277 = arith.constant 128 : i32
      %mul3A_278 = arith.muli %add3A_276, %mul3A_277 : i32
      %dma_wait3A_279 = tpu.memref_slice %arg7[%mul3A_278] : memref<20480xi32, #tpu.memory_space<vmem>> -> memref<128xi32, #tpu.memory_space<vmem>>
      %dma_wait3A_280 = arith.constant 0 : i32
      %dma_wait3A_281 = arith.constant 0 : i32
      %dma_wait3A_282 = tpu.memref_slice %arg18[%dma_wait3A_280, %dma_wait3A_281] : memref<10240x32xf32, #tpu.memory_space<vmem_shared>> -> memref<10240x32xf32, #tpu.memory_space<vmem_shared>>
      tpu.wait_indirect_dma semaphore(%arg21 : memref<!tpu.dma_semaphore, #tpu.memory_space<semaphore_mem>>) src(%dma_wait3A_282 : memref<10240x32xf32, #tpu.memory_space<vmem_shared>>) dst(%arg11 : memref<128x32xf32, #tpu.memory_space<vmem>>)
      %dma_start3A_283 = arith.constant 0 : i32
      %dma_start3A_284 = tpu.memref_slice %arg8[%add3A_276, %dma_start3A_283] : memref<160x128xi32, #tpu.memory_space<vmem>> -> memref<1x128xi32, #tpu.memory_space<vmem>>
      %dma_start3A_285 = tpu.memref_squeeze %dma_start3A_284 : memref<1x128xi32, #tpu.memory_space<vmem>> -> memref<128xi32, #tpu.memory_space<vmem>>
      %dma_start3A_286 = arith.constant 0 : i32
      %dma_start3A_287 = arith.constant 0 : i32
      %dma_start3A_288 = tpu.memref_slice %arg17[%dma_start3A_286, %dma_start3A_287] : memref<10240x32xf32, #tpu.memory_space<vmem_shared>> -> memref<10240x32xf32, #tpu.memory_space<vmem_shared>>
      tpu.enqueue_indirect_dma source(%arg11 : memref<128x32xf32, #tpu.memory_space<vmem>>) target(%dma_start3A_288 : memref<10240x32xf32, #tpu.memory_space<vmem_shared>>) offsets(%dma_start3A_285 : memref<128xi32, #tpu.memory_space<vmem>>) semaphore(%arg29 : memref<!tpu.dma_semaphore, #tpu.memory_space<semaphore_mem>>) {add = true}
      %sub3A_289 = arith.constant 4 : i32
      %sub3A_290 = arith.subi %add3A_276, %sub3A_289 : i32
      %dma_wait3A_291 = arith.constant 0 : i32
      %dma_wait3A_292 = tpu.memref_slice %arg8[%sub3A_290, %dma_wait3A_291] : memref<160x128xi32, #tpu.memory_space<vmem>> -> memref<1x128xi32, #tpu.memory_space<vmem>>
      %dma_wait3A_293 = tpu.memref_squeeze %dma_wait3A_292 : memref<1x128xi32, #tpu.memory_space<vmem>> -> memref<128xi32, #tpu.memory_space<vmem>>
      %dma_wait3A_294 = arith.constant 0 : i32
      %dma_wait3A_295 = arith.constant 0 : i32
      %dma_wait3A_296 = tpu.memref_slice %arg17[%dma_wait3A_294, %dma_wait3A_295] : memref<10240x32xf32, #tpu.memory_space<vmem_shared>> -> memref<10240x32xf32, #tpu.memory_space<vmem_shared>>
      tpu.wait_indirect_dma semaphore(%arg33 : memref<!tpu.dma_semaphore, #tpu.memory_space<semaphore_mem>>) src(%arg15 : memref<128x32xf32, #tpu.memory_space<vmem>>) dst(%dma_wait3A_296 : memref<10240x32xf32, #tpu.memory_space<vmem_shared>>)
      %add3A_297 = arith.constant 4 : i32
      %add3A_298 = arith.addi %add3A_276, %add3A_297 : i32
      %lt3A_299 = arith.constant 160 : i32
      %lt3A_300 = arith.cmpi slt, %add3A_298, %lt3A_299 : i32
      %convert_element_type3A_301 = arith.extui %lt3A_300 : i1 to i32
      %cond3A_302 = arith.constant 0 : i32
      %cond3A_303 = arith.cmpi ne, %convert_element_type3A_301, %cond3A_302 : i32
      scf.if %cond3A_303 {
        %add3A_449 = arith.constant 4 : i32
        %add3A_450 = arith.addi %add3A_276, %add3A_449 : i32
        %mul3A_451 = arith.constant 128 : i32
        %mul3A_452 = arith.muli %add3A_450, %mul3A_451 : i32
        %dma_start3A_453 = tpu.memref_slice %arg7[%mul3A_452] : memref<20480xi32, #tpu.memory_space<vmem>> -> memref<128xi32, #tpu.memory_space<vmem>>
        %dma_start3A_454 = arith.constant 0 : i32
        %dma_start3A_455 = arith.constant 0 : i32
        %dma_start3A_456 = tpu.memref_slice %arg18[%dma_start3A_454, %dma_start3A_455] : memref<10240x32xf32, #tpu.memory_space<vmem_shared>> -> memref<10240x32xf32, #tpu.memory_space<vmem_shared>>
        tpu.enqueue_indirect_dma source(%dma_start3A_456 : memref<10240x32xf32, #tpu.memory_space<vmem_shared>>) target(%arg15 : memref<128x32xf32, #tpu.memory_space<vmem>>) offsets(%dma_start3A_453 : memref<128xi32, #tpu.memory_space<vmem>>) semaphore(%arg25 : memref<!tpu.dma_semaphore, #tpu.memory_space<semaphore_mem>>)
      } else {
      }
      %add3A_304 = arith.constant 3 : i32
      %add3A_305 = arith.addi %mul3A_221, %add3A_304 : i32
      %mul3A_306 = arith.constant 128 : i32
      %mul3A_307 = arith.muli %add3A_305, %mul3A_306 : i32
      %dma_wait3A_308 = tpu.memref_slice %arg7[%mul3A_307] : memref<20480xi32, #tpu.memory_space<vmem>> -> memref<128xi32, #tpu.memory_space<vmem>>
      %dma_wait3A_309 = arith.constant 0 : i32
      %dma_wait3A_310 = arith.constant 0 : i32
      %dma_wait3A_311 = tpu.memref_slice %arg18[%dma_wait3A_309, %dma_wait3A_310] : memref<10240x32xf32, #tpu.memory_space<vmem_shared>> -> memref<10240x32xf32, #tpu.memory_space<vmem_shared>>
      tpu.wait_indirect_dma semaphore(%arg22 : memref<!tpu.dma_semaphore, #tpu.memory_space<semaphore_mem>>) src(%dma_wait3A_311 : memref<10240x32xf32, #tpu.memory_space<vmem_shared>>) dst(%arg12 : memref<128x32xf32, #tpu.memory_space<vmem>>)
      %dma_start3A_312 = arith.constant 0 : i32
      %dma_start3A_313 = tpu.memref_slice %arg8[%add3A_305, %dma_start3A_312] : memref<160x128xi32, #tpu.memory_space<vmem>> -> memref<1x128xi32, #tpu.memory_space<vmem>>
      %dma_start3A_314 = tpu.memref_squeeze %dma_start3A_313 : memref<1x128xi32, #tpu.memory_space<vmem>> -> memref<128xi32, #tpu.memory_space<vmem>>
      %dma_start3A_315 = arith.constant 0 : i32
      %dma_start3A_316 = arith.constant 0 : i32
      %dma_start3A_317 = tpu.memref_slice %arg17[%dma_start3A_315, %dma_start3A_316] : memref<10240x32xf32, #tpu.memory_space<vmem_shared>> -> memref<10240x32xf32, #tpu.memory_space<vmem_shared>>
      tpu.enqueue_indirect_dma source(%arg12 : memref<128x32xf32, #tpu.memory_space<vmem>>) target(%dma_start3A_317 : memref<10240x32xf32, #tpu.memory_space<vmem_shared>>) offsets(%dma_start3A_314 : memref<128xi32, #tpu.memory_space<vmem>>) semaphore(%arg30 : memref<!tpu.dma_semaphore, #tpu.memory_space<semaphore_mem>>) {add = true}
      %sub3A_318 = arith.constant 4 : i32
      %sub3A_319 = arith.subi %add3A_305, %sub3A_318 : i32
      %dma_wait3A_320 = arith.constant 0 : i32
      %dma_wait3A_321 = tpu.memref_slice %arg8[%sub3A_319, %dma_wait3A_320] : memref<160x128xi32, #tpu.memory_space<vmem>> -> memref<1x128xi32, #tpu.memory_space<vmem>>
      %dma_wait3A_322 = tpu.memref_squeeze %dma_wait3A_321 : memref<1x128xi32, #tpu.memory_space<vmem>> -> memref<128xi32, #tpu.memory_space<vmem>>
      %dma_wait3A_323 = arith.constant 0 : i32
      %dma_wait3A_324 = arith.constant 0 : i32
      %dma_wait3A_325 = tpu.memref_slice %arg17[%dma_wait3A_323, %dma_wait3A_324] : memref<10240x32xf32, #tpu.memory_space<vmem_shared>> -> memref<10240x32xf32, #tpu.memory_space<vmem_shared>>
      tpu.wait_indirect_dma semaphore(%arg34 : memref<!tpu.dma_semaphore, #tpu.memory_space<semaphore_mem>>) src(%arg16 : memref<128x32xf32, #tpu.memory_space<vmem>>) dst(%dma_wait3A_325 : memref<10240x32xf32, #tpu.memory_space<vmem_shared>>)
      %add3A_326 = arith.constant 4 : i32
      %add3A_327 = arith.addi %add3A_305, %add3A_326 : i32
      %lt3A_328 = arith.constant 160 : i32
      %lt3A_329 = arith.cmpi slt, %add3A_327, %lt3A_328 : i32
      %convert_element_type3A_330 = arith.extui %lt3A_329 : i1 to i32
      %cond3A_331 = arith.constant 0 : i32
      %cond3A_332 = arith.cmpi ne, %convert_element_type3A_330, %cond3A_331 : i32
      scf.if %cond3A_332 {
        %add3A_449 = arith.constant 4 : i32
        %add3A_450 = arith.addi %add3A_305, %add3A_449 : i32
        %mul3A_451 = arith.constant 128 : i32
        %mul3A_452 = arith.muli %add3A_450, %mul3A_451 : i32
        %dma_start3A_453 = tpu.memref_slice %arg7[%mul3A_452] : memref<20480xi32, #tpu.memory_space<vmem>> -> memref<128xi32, #tpu.memory_space<vmem>>
        %dma_start3A_454 = arith.constant 0 : i32
        %dma_start3A_455 = arith.constant 0 : i32
        %dma_start3A_456 = tpu.memref_slice %arg18[%dma_start3A_454, %dma_start3A_455] : memref<10240x32xf32, #tpu.memory_space<vmem_shared>> -> memref<10240x32xf32, #tpu.memory_space<vmem_shared>>
        tpu.enqueue_indirect_dma source(%dma_start3A_456 : memref<10240x32xf32, #tpu.memory_space<vmem_shared>>) target(%arg16 : memref<128x32xf32, #tpu.memory_space<vmem>>) offsets(%dma_start3A_453 : memref<128xi32, #tpu.memory_space<vmem>>) semaphore(%arg26 : memref<!tpu.dma_semaphore, #tpu.memory_space<semaphore_mem>>)
      } else {
      }
      %add3A_333 = arith.constant 4 : i32
      %add3A_334 = arith.addi %mul3A_221, %add3A_333 : i32
      %mul3A_335 = arith.constant 128 : i32
      %mul3A_336 = arith.muli %add3A_334, %mul3A_335 : i32
      %dma_wait3A_337 = tpu.memref_slice %arg7[%mul3A_336] : memref<20480xi32, #tpu.memory_space<vmem>> -> memref<128xi32, #tpu.memory_space<vmem>>
      %dma_wait3A_338 = arith.constant 0 : i32
      %dma_wait3A_339 = arith.constant 0 : i32
      %dma_wait3A_340 = tpu.memref_slice %arg18[%dma_wait3A_338, %dma_wait3A_339] : memref<10240x32xf32, #tpu.memory_space<vmem_shared>> -> memref<10240x32xf32, #tpu.memory_space<vmem_shared>>
      tpu.wait_indirect_dma semaphore(%arg23 : memref<!tpu.dma_semaphore, #tpu.memory_space<semaphore_mem>>) src(%dma_wait3A_340 : memref<10240x32xf32, #tpu.memory_space<vmem_shared>>) dst(%arg13 : memref<128x32xf32, #tpu.memory_space<vmem>>)
      %dma_start3A_341 = arith.constant 0 : i32
      %dma_start3A_342 = tpu.memref_slice %arg8[%add3A_334, %dma_start3A_341] : memref<160x128xi32, #tpu.memory_space<vmem>> -> memref<1x128xi32, #tpu.memory_space<vmem>>
      %dma_start3A_343 = tpu.memref_squeeze %dma_start3A_342 : memref<1x128xi32, #tpu.memory_space<vmem>> -> memref<128xi32, #tpu.memory_space<vmem>>
      %dma_start3A_344 = arith.constant 0 : i32
      %dma_start3A_345 = arith.constant 0 : i32
      %dma_start3A_346 = tpu.memref_slice %arg17[%dma_start3A_344, %dma_start3A_345] : memref<10240x32xf32, #tpu.memory_space<vmem_shared>> -> memref<10240x32xf32, #tpu.memory_space<vmem_shared>>
      tpu.enqueue_indirect_dma source(%arg13 : memref<128x32xf32, #tpu.memory_space<vmem>>) target(%dma_start3A_346 : memref<10240x32xf32, #tpu.memory_space<vmem_shared>>) offsets(%dma_start3A_343 : memref<128xi32, #tpu.memory_space<vmem>>) semaphore(%arg31 : memref<!tpu.dma_semaphore, #tpu.memory_space<semaphore_mem>>) {add = true}
      %sub3A_347 = arith.constant 4 : i32
      %sub3A_348 = arith.subi %add3A_334, %sub3A_347 : i32
      %dma_wait3A_349 = arith.constant 0 : i32
      %dma_wait3A_350 = tpu.memref_slice %arg8[%sub3A_348, %dma_wait3A_349] : memref<160x128xi32, #tpu.memory_space<vmem>> -> memref<1x128xi32, #tpu.memory_space<vmem>>
      %dma_wait3A_351 = tpu.memref_squeeze %dma_wait3A_350 : memref<1x128xi32, #tpu.memory_space<vmem>> -> memref<128xi32, #tpu.memory_space<vmem>>
      %dma_wait3A_352 = arith.constant 0 : i32
      %dma_wait3A_353 = arith.constant 0 : i32
      %dma_wait3A_354 = tpu.memref_slice %arg17[%dma_wait3A_352, %dma_wait3A_353] : memref<10240x32xf32, #tpu.memory_space<vmem_shared>> -> memref<10240x32xf32, #tpu.memory_space<vmem_shared>>
      tpu.wait_indirect_dma semaphore(%arg27 : memref<!tpu.dma_semaphore, #tpu.memory_space<semaphore_mem>>) src(%arg9 : memref<128x32xf32, #tpu.memory_space<vmem>>) dst(%dma_wait3A_354 : memref<10240x32xf32, #tpu.memory_space<vmem_shared>>)
      %add3A_355 = arith.constant 4 : i32
      %add3A_356 = arith.addi %add3A_334, %add3A_355 : i32
      %lt3A_357 = arith.constant 160 : i32
      %lt3A_358 = arith.cmpi slt, %add3A_356, %lt3A_357 : i32
      %convert_element_type3A_359 = arith.extui %lt3A_358 : i1 to i32
      %cond3A_360 = arith.constant 0 : i32
      %cond3A_361 = arith.cmpi ne, %convert_element_type3A_359, %cond3A_360 : i32
      scf.if %cond3A_361 {
        %add3A_449 = arith.constant 4 : i32
        %add3A_450 = arith.addi %add3A_334, %add3A_449 : i32
        %mul3A_451 = arith.constant 128 : i32
        %mul3A_452 = arith.muli %add3A_450, %mul3A_451 : i32
        %dma_start3A_453 = tpu.memref_slice %arg7[%mul3A_452] : memref<20480xi32, #tpu.memory_space<vmem>> -> memref<128xi32, #tpu.memory_space<vmem>>
        %dma_start3A_454 = arith.constant 0 : i32
        %dma_start3A_455 = arith.constant 0 : i32
        %dma_start3A_456 = tpu.memref_slice %arg18[%dma_start3A_454, %dma_start3A_455] : memref<10240x32xf32, #tpu.memory_space<vmem_shared>> -> memref<10240x32xf32, #tpu.memory_space<vmem_shared>>
        tpu.enqueue_indirect_dma source(%dma_start3A_456 : memref<10240x32xf32, #tpu.memory_space<vmem_shared>>) target(%arg9 : memref<128x32xf32, #tpu.memory_space<vmem>>) offsets(%dma_start3A_453 : memref<128xi32, #tpu.memory_space<vmem>>) semaphore(%arg19 : memref<!tpu.dma_semaphore, #tpu.memory_space<semaphore_mem>>)
      } else {
      }
      %add3A_362 = arith.constant 5 : i32
      %add3A_363 = arith.addi %mul3A_221, %add3A_362 : i32
      %mul3A_364 = arith.constant 128 : i32
      %mul3A_365 = arith.muli %add3A_363, %mul3A_364 : i32
      %dma_wait3A_366 = tpu.memref_slice %arg7[%mul3A_365] : memref<20480xi32, #tpu.memory_space<vmem>> -> memref<128xi32, #tpu.memory_space<vmem>>
      %dma_wait3A_367 = arith.constant 0 : i32
      %dma_wait3A_368 = arith.constant 0 : i32
      %dma_wait3A_369 = tpu.memref_slice %arg18[%dma_wait3A_367, %dma_wait3A_368] : memref<10240x32xf32, #tpu.memory_space<vmem_shared>> -> memref<10240x32xf32, #tpu.memory_space<vmem_shared>>
      tpu.wait_indirect_dma semaphore(%arg24 : memref<!tpu.dma_semaphore, #tpu.memory_space<semaphore_mem>>) src(%dma_wait3A_369 : memref<10240x32xf32, #tpu.memory_space<vmem_shared>>) dst(%arg14 : memref<128x32xf32, #tpu.memory_space<vmem>>)
      %dma_start3A_370 = arith.constant 0 : i32
      %dma_start3A_371 = tpu.memref_slice %arg8[%add3A_363, %dma_start3A_370] : memref<160x128xi32, #tpu.memory_space<vmem>> -> memref<1x128xi32, #tpu.memory_space<vmem>>
      %dma_start3A_372 = tpu.memref_squeeze %dma_start3A_371 : memref<1x128xi32, #tpu.memory_space<vmem>> -> memref<128xi32, #tpu.memory_space<vmem>>
      %dma_start3A_373 = arith.constant 0 : i32
      %dma_start3A_374 = arith.constant 0 : i32
      %dma_start3A_375 = tpu.memref_slice %arg17[%dma_start3A_373, %dma_start3A_374] : memref<10240x32xf32, #tpu.memory_space<vmem_shared>> -> memref<10240x32xf32, #tpu.memory_space<vmem_shared>>
      tpu.enqueue_indirect_dma source(%arg14 : memref<128x32xf32, #tpu.memory_space<vmem>>) target(%dma_start3A_375 : memref<10240x32xf32, #tpu.memory_space<vmem_shared>>) offsets(%dma_start3A_372 : memref<128xi32, #tpu.memory_space<vmem>>) semaphore(%arg32 : memref<!tpu.dma_semaphore, #tpu.memory_space<semaphore_mem>>) {add = true}
      %sub3A_376 = arith.constant 4 : i32
      %sub3A_377 = arith.subi %add3A_363, %sub3A_376 : i32
      %dma_wait3A_378 = arith.constant 0 : i32
      %dma_wait3A_379 = tpu.memref_slice %arg8[%sub3A_377, %dma_wait3A_378] : memref<160x128xi32, #tpu.memory_space<vmem>> -> memref<1x128xi32, #tpu.memory_space<vmem>>
      %dma_wait3A_380 = tpu.memref_squeeze %dma_wait3A_379 : memref<1x128xi32, #tpu.memory_space<vmem>> -> memref<128xi32, #tpu.memory_space<vmem>>
      %dma_wait3A_381 = arith.constant 0 : i32
      %dma_wait3A_382 = arith.constant 0 : i32
      %dma_wait3A_383 = tpu.memref_slice %arg17[%dma_wait3A_381, %dma_wait3A_382] : memref<10240x32xf32, #tpu.memory_space<vmem_shared>> -> memref<10240x32xf32, #tpu.memory_space<vmem_shared>>
      tpu.wait_indirect_dma semaphore(%arg28 : memref<!tpu.dma_semaphore, #tpu.memory_space<semaphore_mem>>) src(%arg10 : memref<128x32xf32, #tpu.memory_space<vmem>>) dst(%dma_wait3A_383 : memref<10240x32xf32, #tpu.memory_space<vmem_shared>>)
      %add3A_384 = arith.constant 4 : i32
      %add3A_385 = arith.addi %add3A_363, %add3A_384 : i32
      %lt3A_386 = arith.constant 160 : i32
      %lt3A_387 = arith.cmpi slt, %add3A_385, %lt3A_386 : i32
      %convert_element_type3A_388 = arith.extui %lt3A_387 : i1 to i32
      %cond3A_389 = arith.constant 0 : i32
      %cond3A_390 = arith.cmpi ne, %convert_element_type3A_388, %cond3A_389 : i32
      scf.if %cond3A_390 {
        %add3A_449 = arith.constant 4 : i32
        %add3A_450 = arith.addi %add3A_363, %add3A_449 : i32
        %mul3A_451 = arith.constant 128 : i32
        %mul3A_452 = arith.muli %add3A_450, %mul3A_451 : i32
        %dma_start3A_453 = tpu.memref_slice %arg7[%mul3A_452] : memref<20480xi32, #tpu.memory_space<vmem>> -> memref<128xi32, #tpu.memory_space<vmem>>
        %dma_start3A_454 = arith.constant 0 : i32
        %dma_start3A_455 = arith.constant 0 : i32
        %dma_start3A_456 = tpu.memref_slice %arg18[%dma_start3A_454, %dma_start3A_455] : memref<10240x32xf32, #tpu.memory_space<vmem_shared>> -> memref<10240x32xf32, #tpu.memory_space<vmem_shared>>
        tpu.enqueue_indirect_dma source(%dma_start3A_456 : memref<10240x32xf32, #tpu.memory_space<vmem_shared>>) target(%arg10 : memref<128x32xf32, #tpu.memory_space<vmem>>) offsets(%dma_start3A_453 : memref<128xi32, #tpu.memory_space<vmem>>) semaphore(%arg20 : memref<!tpu.dma_semaphore, #tpu.memory_space<semaphore_mem>>)
      } else {
      }
      %add3A_391 = arith.constant 6 : i32
      %add3A_392 = arith.addi %mul3A_221, %add3A_391 : i32
      %mul3A_393 = arith.constant 128 : i32
      %mul3A_394 = arith.muli %add3A_392, %mul3A_393 : i32
      %dma_wait3A_395 = tpu.memref_slice %arg7[%mul3A_394] : memref<20480xi32, #tpu.memory_space<vmem>> -> memref<128xi32, #tpu.memory_space<vmem>>
      %dma_wait3A_396 = arith.constant 0 : i32
      %dma_wait3A_397 = arith.constant 0 : i32
      %dma_wait3A_398 = tpu.memref_slice %arg18[%dma_wait3A_396, %dma_wait3A_397] : memref<10240x32xf32, #tpu.memory_space<vmem_shared>> -> memref<10240x32xf32, #tpu.memory_space<vmem_shared>>
      tpu.wait_indirect_dma semaphore(%arg25 : memref<!tpu.dma_semaphore, #tpu.memory_space<semaphore_mem>>) src(%dma_wait3A_398 : memref<10240x32xf32, #tpu.memory_space<vmem_shared>>) dst(%arg15 : memref<128x32xf32, #tpu.memory_space<vmem>>)
      %dma_start3A_399 = arith.constant 0 : i32
      %dma_start3A_400 = tpu.memref_slice %arg8[%add3A_392, %dma_start3A_399] : memref<160x128xi32, #tpu.memory_space<vmem>> -> memref<1x128xi32, #tpu.memory_space<vmem>>
      %dma_start3A_401 = tpu.memref_squeeze %dma_start3A_400 : memref<1x128xi32, #tpu.memory_space<vmem>> -> memref<128xi32, #tpu.memory_space<vmem>>
      %dma_start3A_402 = arith.constant 0 : i32
      %dma_start3A_403 = arith.constant 0 : i32
      %dma_start3A_404 = tpu.memref_slice %arg17[%dma_start3A_402, %dma_start3A_403] : memref<10240x32xf32, #tpu.memory_space<vmem_shared>> -> memref<10240x32xf32, #tpu.memory_space<vmem_shared>>
      tpu.enqueue_indirect_dma source(%arg15 : memref<128x32xf32, #tpu.memory_space<vmem>>) target(%dma_start3A_404 : memref<10240x32xf32, #tpu.memory_space<vmem_shared>>) offsets(%dma_start3A_401 : memref<128xi32, #tpu.memory_space<vmem>>) semaphore(%arg33 : memref<!tpu.dma_semaphore, #tpu.memory_space<semaphore_mem>>) {add = true}
      %sub3A_405 = arith.constant 4 : i32
      %sub3A_406 = arith.subi %add3A_392, %sub3A_405 : i32
      %dma_wait3A_407 = arith.constant 0 : i32
      %dma_wait3A_408 = tpu.memref_slice %arg8[%sub3A_406, %dma_wait3A_407] : memref<160x128xi32, #tpu.memory_space<vmem>> -> memref<1x128xi32, #tpu.memory_space<vmem>>
      %dma_wait3A_409 = tpu.memref_squeeze %dma_wait3A_408 : memref<1x128xi32, #tpu.memory_space<vmem>> -> memref<128xi32, #tpu.memory_space<vmem>>
      %dma_wait3A_410 = arith.constant 0 : i32
      %dma_wait3A_411 = arith.constant 0 : i32
      %dma_wait3A_412 = tpu.memref_slice %arg17[%dma_wait3A_410, %dma_wait3A_411] : memref<10240x32xf32, #tpu.memory_space<vmem_shared>> -> memref<10240x32xf32, #tpu.memory_space<vmem_shared>>
      tpu.wait_indirect_dma semaphore(%arg29 : memref<!tpu.dma_semaphore, #tpu.memory_space<semaphore_mem>>) src(%arg11 : memref<128x32xf32, #tpu.memory_space<vmem>>) dst(%dma_wait3A_412 : memref<10240x32xf32, #tpu.memory_space<vmem_shared>>)
      %add3A_413 = arith.constant 4 : i32
      %add3A_414 = arith.addi %add3A_392, %add3A_413 : i32
      %lt3A_415 = arith.constant 160 : i32
      %lt3A_416 = arith.cmpi slt, %add3A_414, %lt3A_415 : i32
      %convert_element_type3A_417 = arith.extui %lt3A_416 : i1 to i32
      %cond3A_418 = arith.constant 0 : i32
      %cond3A_419 = arith.cmpi ne, %convert_element_type3A_417, %cond3A_418 : i32
      scf.if %cond3A_419 {
        %add3A_449 = arith.constant 4 : i32
        %add3A_450 = arith.addi %add3A_392, %add3A_449 : i32
        %mul3A_451 = arith.constant 128 : i32
        %mul3A_452 = arith.muli %add3A_450, %mul3A_451 : i32
        %dma_start3A_453 = tpu.memref_slice %arg7[%mul3A_452] : memref<20480xi32, #tpu.memory_space<vmem>> -> memref<128xi32, #tpu.memory_space<vmem>>
        %dma_start3A_454 = arith.constant 0 : i32
        %dma_start3A_455 = arith.constant 0 : i32
        %dma_start3A_456 = tpu.memref_slice %arg18[%dma_start3A_454, %dma_start3A_455] : memref<10240x32xf32, #tpu.memory_space<vmem_shared>> -> memref<10240x32xf32, #tpu.memory_space<vmem_shared>>
        tpu.enqueue_indirect_dma source(%dma_start3A_456 : memref<10240x32xf32, #tpu.memory_space<vmem_shared>>) target(%arg11 : memref<128x32xf32, #tpu.memory_space<vmem>>) offsets(%dma_start3A_453 : memref<128xi32, #tpu.memory_space<vmem>>) semaphore(%arg21 : memref<!tpu.dma_semaphore, #tpu.memory_space<semaphore_mem>>)
      } else {
      }
      %add3A_420 = arith.constant 7 : i32
      %add3A_421 = arith.addi %mul3A_221, %add3A_420 : i32
      %mul3A_422 = arith.constant 128 : i32
      %mul3A_423 = arith.muli %add3A_421, %mul3A_422 : i32
      %dma_wait3A_424 = tpu.memref_slice %arg7[%mul3A_423] : memref<20480xi32, #tpu.memory_space<vmem>> -> memref<128xi32, #tpu.memory_space<vmem>>
      %dma_wait3A_425 = arith.constant 0 : i32
      %dma_wait3A_426 = arith.constant 0 : i32
      %dma_wait3A_427 = tpu.memref_slice %arg18[%dma_wait3A_425, %dma_wait3A_426] : memref<10240x32xf32, #tpu.memory_space<vmem_shared>> -> memref<10240x32xf32, #tpu.memory_space<vmem_shared>>
      tpu.wait_indirect_dma semaphore(%arg26 : memref<!tpu.dma_semaphore, #tpu.memory_space<semaphore_mem>>) src(%dma_wait3A_427 : memref<10240x32xf32, #tpu.memory_space<vmem_shared>>) dst(%arg16 : memref<128x32xf32, #tpu.memory_space<vmem>>)
      %dma_start3A_428 = arith.constant 0 : i32
      %dma_start3A_429 = tpu.memref_slice %arg8[%add3A_421, %dma_start3A_428] : memref<160x128xi32, #tpu.memory_space<vmem>> -> memref<1x128xi32, #tpu.memory_space<vmem>>
      %dma_start3A_430 = tpu.memref_squeeze %dma_start3A_429 : memref<1x128xi32, #tpu.memory_space<vmem>> -> memref<128xi32, #tpu.memory_space<vmem>>
      %dma_start3A_431 = arith.constant 0 : i32
      %dma_start3A_432 = arith.constant 0 : i32
      %dma_start3A_433 = tpu.memref_slice %arg17[%dma_start3A_431, %dma_start3A_432] : memref<10240x32xf32, #tpu.memory_space<vmem_shared>> -> memref<10240x32xf32, #tpu.memory_space<vmem_shared>>
      tpu.enqueue_indirect_dma source(%arg16 : memref<128x32xf32, #tpu.memory_space<vmem>>) target(%dma_start3A_433 : memref<10240x32xf32, #tpu.memory_space<vmem_shared>>) offsets(%dma_start3A_430 : memref<128xi32, #tpu.memory_space<vmem>>) semaphore(%arg34 : memref<!tpu.dma_semaphore, #tpu.memory_space<semaphore_mem>>) {add = true}
      %sub3A_434 = arith.constant 4 : i32
      %sub3A_435 = arith.subi %add3A_421, %sub3A_434 : i32
      %dma_wait3A_436 = arith.constant 0 : i32
      %dma_wait3A_437 = tpu.memref_slice %arg8[%sub3A_435, %dma_wait3A_436] : memref<160x128xi32, #tpu.memory_space<vmem>> -> memref<1x128xi32, #tpu.memory_space<vmem>>
      %dma_wait3A_438 = tpu.memref_squeeze %dma_wait3A_437 : memref<1x128xi32, #tpu.memory_space<vmem>> -> memref<128xi32, #tpu.memory_space<vmem>>
      %dma_wait3A_439 = arith.constant 0 : i32
      %dma_wait3A_440 = arith.constant 0 : i32
      %dma_wait3A_441 = tpu.memref_slice %arg17[%dma_wait3A_439, %dma_wait3A_440] : memref<10240x32xf32, #tpu.memory_space<vmem_shared>> -> memref<10240x32xf32, #tpu.memory_space<vmem_shared>>
      tpu.wait_indirect_dma semaphore(%arg30 : memref<!tpu.dma_semaphore, #tpu.memory_space<semaphore_mem>>) src(%arg12 : memref<128x32xf32, #tpu.memory_space<vmem>>) dst(%dma_wait3A_441 : memref<10240x32xf32, #tpu.memory_space<vmem_shared>>)
      %add3A_442 = arith.constant 4 : i32
      %add3A_443 = arith.addi %add3A_421, %add3A_442 : i32
      %lt3A_444 = arith.constant 160 : i32
      %lt3A_445 = arith.cmpi slt, %add3A_443, %lt3A_444 : i32
      %convert_element_type3A_446 = arith.extui %lt3A_445 : i1 to i32
      %cond3A_447 = arith.constant 0 : i32
      %cond3A_448 = arith.cmpi ne, %convert_element_type3A_446, %cond3A_447 : i32
      scf.if %cond3A_448 {
        %add3A_449 = arith.constant 4 : i32
        %add3A_450 = arith.addi %add3A_421, %add3A_449 : i32
        %mul3A_451 = arith.constant 128 : i32
        %mul3A_452 = arith.muli %add3A_450, %mul3A_451 : i32
        %dma_start3A_453 = tpu.memref_slice %arg7[%mul3A_452] : memref<20480xi32, #tpu.memory_space<vmem>> -> memref<128xi32, #tpu.memory_space<vmem>>
        %dma_start3A_454 = arith.constant 0 : i32
        %dma_start3A_455 = arith.constant 0 : i32
        %dma_start3A_456 = tpu.memref_slice %arg18[%dma_start3A_454, %dma_start3A_455] : memref<10240x32xf32, #tpu.memory_space<vmem_shared>> -> memref<10240x32xf32, #tpu.memory_space<vmem_shared>>
        tpu.enqueue_indirect_dma source(%dma_start3A_456 : memref<10240x32xf32, #tpu.memory_space<vmem_shared>>) target(%arg12 : memref<128x32xf32, #tpu.memory_space<vmem>>) offsets(%dma_start3A_453 : memref<128xi32, #tpu.memory_space<vmem>>) semaphore(%arg22 : memref<!tpu.dma_semaphore, #tpu.memory_space<semaphore_mem>>)
      } else {
      }
    }
    %scan3A_189 = arith.constant 19 : i32
    %dma_wait3A_190 = arith.constant 156 : i32
    %dma_wait3A_191 = arith.constant 0 : i32
    %dma_wait3A_192 = tpu.memref_slice %arg8[%dma_wait3A_190, %dma_wait3A_191] : memref<160x128xi32, #tpu.memory_space<vmem>> -> memref<1x128xi32, #tpu.memory_space<vmem>>
    %dma_wait3A_193 = tpu.memref_squeeze %dma_wait3A_192 : memref<1x128xi32, #tpu.memory_space<vmem>> -> memref<128xi32, #tpu.memory_space<vmem>>
    %dma_wait3A_194 = arith.constant 0 : i32
    %dma_wait3A_195 = arith.constant 0 : i32
    %dma_wait3A_196 = tpu.memref_slice %arg17[%dma_wait3A_194, %dma_wait3A_195] : memref<10240x32xf32, #tpu.memory_space<vmem_shared>> -> memref<10240x32xf32, #tpu.memory_space<vmem_shared>>
    tpu.wait_indirect_dma semaphore(%arg31 : memref<!tpu.dma_semaphore, #tpu.memory_space<semaphore_mem>>) src(%arg13 : memref<128x32xf32, #tpu.memory_space<vmem>>) dst(%dma_wait3A_196 : memref<10240x32xf32, #tpu.memory_space<vmem_shared>>)
    %dma_wait3A_197 = arith.constant 157 : i32
    %dma_wait3A_198 = arith.constant 0 : i32
    %dma_wait3A_199 = tpu.memref_slice %arg8[%dma_wait3A_197, %dma_wait3A_198] : memref<160x128xi32, #tpu.memory_space<vmem>> -> memref<1x128xi32, #tpu.memory_space<vmem>>
    %dma_wait3A_200 = tpu.memref_squeeze %dma_wait3A_199 : memref<1x128xi32, #tpu.memory_space<vmem>> -> memref<128xi32, #tpu.memory_space<vmem>>
    %dma_wait3A_201 = arith.constant 0 : i32
    %dma_wait3A_202 = arith.constant 0 : i32
    %dma_wait3A_203 = tpu.memref_slice %arg17[%dma_wait3A_201, %dma_wait3A_202] : memref<10240x32xf32, #tpu.memory_space<vmem_shared>> -> memref<10240x32xf32, #tpu.memory_space<vmem_shared>>
    tpu.wait_indirect_dma semaphore(%arg32 : memref<!tpu.dma_semaphore, #tpu.memory_space<semaphore_mem>>) src(%arg14 : memref<128x32xf32, #tpu.memory_space<vmem>>) dst(%dma_wait3A_203 : memref<10240x32xf32, #tpu.memory_space<vmem_shared>>)
    %dma_wait3A_204 = arith.constant 158 : i32
    %dma_wait3A_205 = arith.constant 0 : i32
    %dma_wait3A_206 = tpu.memref_slice %arg8[%dma_wait3A_204, %dma_wait3A_205] : memref<160x128xi32, #tpu.memory_space<vmem>> -> memref<1x128xi32, #tpu.memory_space<vmem>>
    %dma_wait3A_207 = tpu.memref_squeeze %dma_wait3A_206 : memref<1x128xi32, #tpu.memory_space<vmem>> -> memref<128xi32, #tpu.memory_space<vmem>>
    %dma_wait3A_208 = arith.constant 0 : i32
    %dma_wait3A_209 = arith.constant 0 : i32
    %dma_wait3A_210 = tpu.memref_slice %arg17[%dma_wait3A_208, %dma_wait3A_209] : memref<10240x32xf32, #tpu.memory_space<vmem_shared>> -> memref<10240x32xf32, #tpu.memory_space<vmem_shared>>
    tpu.wait_indirect_dma semaphore(%arg33 : memref<!tpu.dma_semaphore, #tpu.memory_space<semaphore_mem>>) src(%arg15 : memref<128x32xf32, #tpu.memory_space<vmem>>) dst(%dma_wait3A_210 : memref<10240x32xf32, #tpu.memory_space<vmem_shared>>)
    %dma_wait3A_211 = arith.constant 159 : i32
    %dma_wait3A_212 = arith.constant 0 : i32
    %dma_wait3A_213 = tpu.memref_slice %arg8[%dma_wait3A_211, %dma_wait3A_212] : memref<160x128xi32, #tpu.memory_space<vmem>> -> memref<1x128xi32, #tpu.memory_space<vmem>>
    %dma_wait3A_214 = tpu.memref_squeeze %dma_wait3A_213 : memref<1x128xi32, #tpu.memory_space<vmem>> -> memref<128xi32, #tpu.memory_space<vmem>>
    %dma_wait3A_215 = arith.constant 0 : i32
    %dma_wait3A_216 = arith.constant 0 : i32
    %dma_wait3A_217 = tpu.memref_slice %arg17[%dma_wait3A_215, %dma_wait3A_216] : memref<10240x32xf32, #tpu.memory_space<vmem_shared>> -> memref<10240x32xf32, #tpu.memory_space<vmem_shared>>
    tpu.wait_indirect_dma semaphore(%arg34 : memref<!tpu.dma_semaphore, #tpu.memory_space<semaphore_mem>>) src(%arg16 : memref<128x32xf32, #tpu.memory_space<vmem>>) dst(%dma_wait3A_217 : memref<10240x32xf32, #tpu.memory_space<vmem_shared>>)
    %barrier3A_218 = arith.constant 0 : index
    tpu.barrier barrier_id(%barrier3A_218)
    "tpu.region"() ({
      %run_scoped3A = tpu.sem_alloc : memref<!tpu.dma_semaphore, #tpu.memory_space<semaphore_mem>>
      %dma_start3A_219 = tpu.memref_slice %arg6[%mul3A_0, %mul3A_2] : memref<10240x64xf32, #tpu.memory_space<hbm>> -> memref<640x32xf32, #tpu.memory_space<hbm>>
      %dma_start3A_220 = arith.constant 0 : i32
      %dma_start3A_221 = tpu.memref_slice %arg17[%mul3A_0, %dma_start3A_220] : memref<10240x32xf32, #tpu.memory_space<vmem_shared>> -> memref<640x32xf32, #tpu.memory_space<vmem_shared>>
      tpu.enqueue_dma source(%dma_start3A_221 : memref<640x32xf32, #tpu.memory_space<vmem_shared>>) target(%dma_start3A_219 : memref<640x32xf32, #tpu.memory_space<hbm>>) target_semaphore(%run_scoped3A : memref<!tpu.dma_semaphore, #tpu.memory_space<semaphore_mem>>)
      %dma_wait3A_222 = tpu.memref_slice %arg6[%mul3A_0, %mul3A_2] : memref<10240x64xf32, #tpu.memory_space<hbm>> -> memref<640x32xf32, #tpu.memory_space<hbm>>
      %dma_wait3A_223 = arith.constant 0 : i32
      %dma_wait3A_224 = tpu.memref_slice %arg17[%mul3A_0, %dma_wait3A_223] : memref<10240x32xf32, #tpu.memory_space<vmem_shared>> -> memref<640x32xf32, #tpu.memory_space<vmem_shared>>
      tpu.wait_dma2 semaphore(%run_scoped3A : memref<!tpu.dma_semaphore, #tpu.memory_space<semaphore_mem>>) src(%dma_wait3A_224 : memref<640x32xf32, #tpu.memory_space<vmem_shared>>) dst(%dma_wait3A_222 : memref<640x32xf32, #tpu.memory_space<hbm>>)
      tpu.yield
    }) : () -> ()
    return
  }
}

module attributes {stable_mosaic.version = 14 : i64} {
  func.func @_hp1_body(%arg0: i32, %arg1: memref<2x1280x8xf32, #tpu.memory_space<vmem>>, %arg2: memref<1280x128xf32, #tpu.memory_space<vmem>>, %arg3: memref<128x64xf32, #tpu.memory_space<vmem>>, %arg4: memref<1280x1xf32, #tpu.memory_space<vmem>>, %arg5: memref<1280x64xf32, #tpu.memory_space<vmem>>) attributes {dimension_semantics = [#tpu.dimension_semantics<arbitrary>], iteration_bounds = array<i64: 8>, scalar_prefetch = 0 : i64, scratch_operands = 0 : i64, tpu.core_type = #tpu.core_type<tc>, window_params = [{transform_indices = @transform_0, window_bounds = array<i64: 2, 1280, 8>}, {transform_indices = @transform_1, window_bounds = array<i64: 1280, 128>}, {pipeline_mode = #tpu.pipeline_mode<synchronous>, transform_indices = @transform_2, window_bounds = array<i64: 128, 64>}, {transform_indices = @transform_3, window_bounds = array<i64: 1280, 1>}, {transform_indices = @transform_4, window_bounds = array<i64: 1280, 64>}]} {
    %get3A = arith.constant 0 : index
    %get3A_0 = arith.constant 0 : index
    %get3A_1 = arith.constant 0 : index
    %get3A_2 = vector.load %arg1[%get3A, %get3A_0, %get3A_1] : memref<2x1280x8xf32, #tpu.memory_space<vmem>>, vector<1x1280x1xf32>
    %get3A_3 = vector.shape_cast %get3A_2 : vector<1x1280x1xf32> to vector<1280x1xf32>
    %get3A_4 = arith.constant 1 : index
    %get3A_5 = arith.constant 0 : index
    %get3A_6 = arith.constant 0 : index
    %get3A_7 = vector.load %arg1[%get3A_4, %get3A_5, %get3A_6] : memref<2x1280x8xf32, #tpu.memory_space<vmem>>, vector<1x1280x1xf32>
    %get3A_8 = vector.shape_cast %get3A_7 : vector<1x1280x1xf32> to vector<1280x1xf32>
    %add3A = arith.addf %get3A_3, %get3A_8 : vector<1280x1xf32>
    %add3A_9 = arith.constant 1.000000e+00 : f32
    %add3A_10 = vector.broadcast %add3A_9 : f32 to vector<1280x1xf32>
    %add3A_11 = arith.addf %add3A, %add3A_10 : vector<1280x1xf32>
    %rsqrt3A = math.rsqrt %add3A_11 : vector<1280x1xf32>
    %swap3A = arith.constant 0 : index
    %swap3A_12 = arith.constant 0 : index
    %swap3A_13 = vector.load %arg4[%swap3A, %swap3A_12] : memref<1280x1xf32, #tpu.memory_space<vmem>>, vector<1280x1xf32>
    tpu.vector_store %arg4[%swap3A, %swap3A_12], %rsqrt3A {strides = array<i32>} : memref<1280x1xf32, #tpu.memory_space<vmem>>, vector<1280x1xf32>,
    %get3A_14 = arith.constant 0 : index
    %get3A_15 = arith.constant 0 : index
    %get3A_16 = vector.load %arg2[%get3A_14, %get3A_15] : memref<1280x128xf32, #tpu.memory_space<vmem>>, vector<1280x128xf32>
    %get3A_17 = arith.constant 0 : index
    %get3A_18 = arith.constant 0 : index
    %get3A_19 = vector.load %arg3[%get3A_17, %get3A_18] : memref<128x64xf32, #tpu.memory_space<vmem>>, vector<128x64xf32>
    %dot_general3A = arith.constant dense<0.000000e+00> : vector<1280x64xf32>
    %dot_general3A_20 = tpu.matmul %get3A_16, %get3A_19, %dot_general3A {dimension_numbers = #tpu.dot_dimension_numbers<[1], [0], [0], [1], [0, 0, 1, 1], [], []>, transpose_lhs_hint = false} : vector<1280x128xf32>, vector<128x64xf32>, vector<1280x64xf32> -> vector<1280x64xf32>
    %mul3A = vector.broadcast %rsqrt3A : vector<1280x1xf32> to vector<1280x64xf32>
    %mul3A_21 = arith.mulf %dot_general3A_20, %mul3A : vector<1280x64xf32>
    %swap3A_22 = arith.constant 0 : index
    %swap3A_23 = arith.constant 0 : index
    %swap3A_24 = vector.load %arg5[%swap3A_22, %swap3A_23] : memref<1280x64xf32, #tpu.memory_space<vmem>>, vector<1280x64xf32>
    tpu.vector_store %arg5[%swap3A_22, %swap3A_23], %mul3A_21 {strides = array<i32>} : memref<1280x64xf32, #tpu.memory_space<vmem>>, vector<1280x64xf32>,
    return
  }
  func.func @transform_0(%arg0: i32) -> (i32, i32, i32) {
    %c0_i32 = arith.constant 0 : i32
    %c0_i32_0 = arith.constant 0 : i32
    %c0_i32_1 = arith.constant 0 : i32
    return %c0_i32, %arg0, %c0_i32_0 : i32, i32, i32
  }
  func.func @transform_1(%arg0: i32) -> (i32, i32) {
    %c0_i32 = arith.constant 0 : i32
    %c0_i32_0 = arith.constant 0 : i32
    return %arg0, %c0_i32 : i32, i32
  }
  func.func @transform_2(%arg0: i32) -> (i32, i32) {
    %c0_i32 = arith.constant 0 : i32
    %c0_i32_0 = arith.constant 0 : i32
    %c0_i32_1 = arith.constant 0 : i32
    return %c0_i32, %c0_i32_0 : i32, i32
  }
  func.func @transform_3(%arg0: i32) -> (i32, i32) {
    %c0_i32 = arith.constant 0 : i32
    %c0_i32_0 = arith.constant 0 : i32
    return %arg0, %c0_i32 : i32, i32
  }
  func.func @transform_4(%arg0: i32) -> (i32, i32) {
    %c0_i32 = arith.constant 0 : i32
    %c0_i32_0 = arith.constant 0 : i32
    return %arg0, %c0_i32 : i32, i32
  }
}

module attributes {stable_mosaic.version = 14 : i64} {
  func.func @_layer_body(%arg0: memref<10240x64xf32, #tpu.memory_space<vmem>>, %arg1: memref<10240x64xf32, #tpu.memory_space<vmem>>, %arg2: memref<10240x1xf32, #tpu.memory_space<vmem>>, %arg3: memref<1x64xf32, #tpu.memory_space<vmem>>, %arg4: memref<1x64xf32, #tpu.memory_space<vmem>>, %arg5: memref<1x64xf32, #tpu.memory_space<vmem>>, %arg6: memref<64x64xf32, #tpu.memory_space<vmem>>, %arg7: memref<10240x64xf32, #tpu.memory_space<vmem>>) attributes {dimension_semantics = [], scalar_prefetch = 0 : i64, scratch_operands = 0 : i64, tpu.core_type = #tpu.core_type<tc>} {
    %get3A = arith.constant 0 : index
    %get3A_0 = arith.constant 0 : index
    %get3A_1 = vector.load %arg2[%get3A, %get3A_0] : memref<10240x1xf32, #tpu.memory_space<vmem>>, vector<10240x1xf32>
    %get3A_2 = arith.constant 0 : index
    %get3A_3 = arith.constant 0 : index
    %get3A_4 = vector.load %arg0[%get3A_2, %get3A_3] : memref<10240x64xf32, #tpu.memory_space<vmem>>, vector<10240x64xf32>
    %get3A_5 = arith.constant 0 : index
    %get3A_6 = arith.constant 0 : index
    %get3A_7 = vector.load %arg1[%get3A_5, %get3A_6] : memref<10240x64xf32, #tpu.memory_space<vmem>>, vector<10240x64xf32>
    %add3A = arith.addf %get3A_4, %get3A_7 : vector<10240x64xf32>
    %mul3A = vector.broadcast %get3A_1 : vector<10240x1xf32> to vector<10240x64xf32>
    %mul3A_8 = arith.mulf %mul3A, %add3A : vector<10240x64xf32>
    %get3A_9 = arith.constant 0 : index
    %get3A_10 = arith.constant 0 : index
    %get3A_11 = vector.load %arg3[%get3A_9, %get3A_10] : memref<1x64xf32, #tpu.memory_space<vmem>>, vector<1x64xf32>
    %add3A_12 = vector.broadcast %get3A_11 : vector<1x64xf32> to vector<10240x64xf32>
    %add3A_13 = arith.addf %mul3A_8, %add3A_12 : vector<10240x64xf32>
    %slice3A = vector.extract_strided_slice %add3A_13 {offsets = [0, 0], sizes = [10000, 64], strides = [1, 1]} : vector<10240x64xf32> to vector<10000x64xf32>
    %reduce_sum3A = arith.constant dense<0.000000e+00> : vector<64xf32>
    %reduce_sum3A_14 = vector.multi_reduction <add>, %slice3A, %reduce_sum3A [0] : vector<10000x64xf32> to vector<64xf32>
    %mul3A_15 = arith.constant 9.99999974E-5 : f32
    %mul3A_16 = vector.broadcast %mul3A_15 : f32 to vector<64xf32>
    %mul3A_17 = arith.mulf %reduce_sum3A_14, %mul3A_16 : vector<64xf32>
    %broadcast_in_dim3A = vector.shape_cast %mul3A_17 : vector<64xf32> to vector<1x64xf32>
    %sub3A = vector.broadcast %broadcast_in_dim3A : vector<1x64xf32> to vector<10000x64xf32>
    %sub3A_18 = arith.subf %slice3A, %sub3A : vector<10000x64xf32>
    %integer_pow3A = arith.mulf %sub3A_18, %sub3A_18 : vector<10000x64xf32>
    %reduce_sum3A_19 = arith.constant dense<0.000000e+00> : vector<64xf32>
    %reduce_sum3A_20 = vector.multi_reduction <add>, %integer_pow3A, %reduce_sum3A_19 [0] : vector<10000x64xf32> to vector<64xf32>
    %mul3A_21 = arith.constant 9.99999974E-5 : f32
    %mul3A_22 = vector.broadcast %mul3A_21 : f32 to vector<64xf32>
    %mul3A_23 = arith.mulf %reduce_sum3A_20, %mul3A_22 : vector<64xf32>
    %add3A_24 = arith.constant 9.99999974E-6 : f32
    %add3A_25 = vector.broadcast %add3A_24 : f32 to vector<64xf32>
    %add3A_26 = arith.addf %mul3A_23, %add3A_25 : vector<64xf32>
    %rsqrt3A = math.rsqrt %add3A_26 : vector<64xf32>
    %get3A_27 = arith.constant 0 : index
    %get3A_28 = arith.constant 0 : index
    %get3A_29 = vector.load %arg4[%get3A_27, %get3A_28] : memref<1x64xf32, #tpu.memory_space<vmem>>, vector<1x64xf32>
    %broadcast_in_dim3A_30 = vector.shape_cast %mul3A_17 : vector<64xf32> to vector<1x64xf32>
    %sub3A_31 = vector.broadcast %broadcast_in_dim3A_30 : vector<1x64xf32> to vector<10240x64xf32>
    %sub3A_32 = arith.subf %add3A_13, %sub3A_31 : vector<10240x64xf32>
    %mul3A_33 = vector.broadcast %get3A_29 : vector<1x64xf32> to vector<10240x64xf32>
    %mul3A_34 = arith.mulf %mul3A_33, %sub3A_32 : vector<10240x64xf32>
    %broadcast_in_dim3A_35 = vector.shape_cast %rsqrt3A : vector<64xf32> to vector<1x64xf32>
    %mul3A_36 = vector.broadcast %broadcast_in_dim3A_35 : vector<1x64xf32> to vector<10240x64xf32>
    %mul3A_37 = arith.mulf %mul3A_34, %mul3A_36 : vector<10240x64xf32>
    %get3A_38 = arith.constant 0 : index
    %get3A_39 = arith.constant 0 : index
    %get3A_40 = vector.load %arg5[%get3A_38, %get3A_39] : memref<1x64xf32, #tpu.memory_space<vmem>>, vector<1x64xf32>
    %add3A_41 = vector.broadcast %get3A_40 : vector<1x64xf32> to vector<10240x64xf32>
    %add3A_42 = arith.addf %mul3A_37, %add3A_41 : vector<10240x64xf32>
    %max3A = arith.constant 0.000000e+00 : f32
    %max3A_43 = vector.broadcast %max3A : f32 to vector<10240x64xf32>
    %max3A_44 = arith.maximumf %add3A_42, %max3A_43 : vector<10240x64xf32>
    %iota3A = tpu.iota {dimensions = array<i32: 0>} : vector<10240x1xi32>
    %lt3A = arith.constant 10000 : i32
    %lt3A_45 = vector.broadcast %lt3A : i32 to vector<10240x1xi32>
    %lt3A_46 = arith.cmpi slt, %iota3A, %lt3A_45 : vector<10240x1xi32>
    %jit3A = arith.constant 0.000000e+00 : f32
    %broadcast_in_dim3A_47 = vector.shape_cast %lt3A_46 : vector<10240x1xi1> to vector<10240x1xi1>
    %broadcast_in_dim3A_48 = vector.broadcast %broadcast_in_dim3A_47 : vector<10240x1xi1> to vector<10240x64xi1>
    %broadcast_in_dim3A_49 = vector.broadcast %jit3A : f32 to vector<10240x64xf32>
    %select_n3A = arith.select %broadcast_in_dim3A_48, %max3A_44, %broadcast_in_dim3A_49 : vector<10240x64xi1>, vector<10240x64xf32>
    %get3A_50 = arith.constant 0 : index
    %get3A_51 = arith.constant 0 : index
    %get3A_52 = vector.load %arg6[%get3A_50, %get3A_51] : memref<64x64xf32, #tpu.memory_space<vmem>>, vector<64x64xf32>
    %dot_general3A = arith.constant dense<0.000000e+00> : vector<10240x64xf32>
    %dot_general3A_53 = tpu.matmul %select_n3A, %get3A_52, %dot_general3A {dimension_numbers = #tpu.dot_dimension_numbers<[1], [0], [0], [1], [0, 0, 1, 1], [], []>, transpose_lhs_hint = false} : vector<10240x64xf32>, vector<64x64xf32>, vector<10240x64xf32> -> vector<10240x64xf32>
    %get3A_54 = arith.constant 0 : index
    %get3A_55 = arith.constant 0 : index
    %get3A_56 = vector.load %arg2[%get3A_54, %get3A_55] : memref<10240x1xf32, #tpu.memory_space<vmem>>, vector<10240x1xf32>
    %mul3A_57 = vector.broadcast %get3A_56 : vector<10240x1xf32> to vector<10240x64xf32>
    %mul3A_58 = arith.mulf %dot_general3A_53, %mul3A_57 : vector<10240x64xf32>
    %swap3A = arith.constant 0 : index
    %swap3A_59 = arith.constant 0 : index
    %swap3A_60 = vector.load %arg7[%swap3A, %swap3A_59] : memref<10240x64xf32, #tpu.memory_space<vmem>>, vector<10240x64xf32>
    tpu.vector_store %arg7[%swap3A, %swap3A_59], %mul3A_58 {strides = array<i32>} : memref<10240x64xf32, #tpu.memory_space<vmem>>, vector<10240x64xf32>,
    return
  }
}

module attributes {stable_mosaic.version = 14 : i64} {
  func.func @_final_body(%arg0: memref<10240x64xf32, #tpu.memory_space<vmem>>, %arg1: memref<10240x64xf32, #tpu.memory_space<vmem>>, %arg2: memref<10240x1xf32, #tpu.memory_space<vmem>>, %arg3: memref<1x64xf32, #tpu.memory_space<vmem>>, %arg4: memref<1x64xf32, #tpu.memory_space<vmem>>, %arg5: memref<1x64xf32, #tpu.memory_space<vmem>>, %arg6: memref<10240x1xi32, #tpu.memory_space<vmem>>, %arg7: memref<64x64xf32, #tpu.memory_space<vmem>>) attributes {dimension_semantics = [], scalar_prefetch = 0 : i64, scratch_operands = 0 : i64, tpu.core_type = #tpu.core_type<tc>} {
    %get3A = arith.constant 0 : index
    %get3A_0 = arith.constant 0 : index
    %get3A_1 = vector.load %arg2[%get3A, %get3A_0] : memref<10240x1xf32, #tpu.memory_space<vmem>>, vector<10240x1xf32>
    %get3A_2 = arith.constant 0 : index
    %get3A_3 = arith.constant 0 : index
    %get3A_4 = vector.load %arg0[%get3A_2, %get3A_3] : memref<10240x64xf32, #tpu.memory_space<vmem>>, vector<10240x64xf32>
    %get3A_5 = arith.constant 0 : index
    %get3A_6 = arith.constant 0 : index
    %get3A_7 = vector.load %arg1[%get3A_5, %get3A_6] : memref<10240x64xf32, #tpu.memory_space<vmem>>, vector<10240x64xf32>
    %add3A = arith.addf %get3A_4, %get3A_7 : vector<10240x64xf32>
    %mul3A = vector.broadcast %get3A_1 : vector<10240x1xf32> to vector<10240x64xf32>
    %mul3A_8 = arith.mulf %mul3A, %add3A : vector<10240x64xf32>
    %get3A_9 = arith.constant 0 : index
    %get3A_10 = arith.constant 0 : index
    %get3A_11 = vector.load %arg3[%get3A_9, %get3A_10] : memref<1x64xf32, #tpu.memory_space<vmem>>, vector<1x64xf32>
    %add3A_12 = vector.broadcast %get3A_11 : vector<1x64xf32> to vector<10240x64xf32>
    %add3A_13 = arith.addf %mul3A_8, %add3A_12 : vector<10240x64xf32>
    %slice3A = vector.extract_strided_slice %add3A_13 {offsets = [0, 0], sizes = [10000, 64], strides = [1, 1]} : vector<10240x64xf32> to vector<10000x64xf32>
    %reduce_sum3A = arith.constant dense<0.000000e+00> : vector<64xf32>
    %reduce_sum3A_14 = vector.multi_reduction <add>, %slice3A, %reduce_sum3A [0] : vector<10000x64xf32> to vector<64xf32>
    %mul3A_15 = arith.constant 9.99999974E-5 : f32
    %mul3A_16 = vector.broadcast %mul3A_15 : f32 to vector<64xf32>
    %mul3A_17 = arith.mulf %reduce_sum3A_14, %mul3A_16 : vector<64xf32>
    %broadcast_in_dim3A = vector.shape_cast %mul3A_17 : vector<64xf32> to vector<1x64xf32>
    %sub3A = vector.broadcast %broadcast_in_dim3A : vector<1x64xf32> to vector<10000x64xf32>
    %sub3A_18 = arith.subf %slice3A, %sub3A : vector<10000x64xf32>
    %integer_pow3A = arith.mulf %sub3A_18, %sub3A_18 : vector<10000x64xf32>
    %reduce_sum3A_19 = arith.constant dense<0.000000e+00> : vector<64xf32>
    %reduce_sum3A_20 = vector.multi_reduction <add>, %integer_pow3A, %reduce_sum3A_19 [0] : vector<10000x64xf32> to vector<64xf32>
    %mul3A_21 = arith.constant 9.99999974E-5 : f32
    %mul3A_22 = vector.broadcast %mul3A_21 : f32 to vector<64xf32>
    %mul3A_23 = arith.mulf %reduce_sum3A_20, %mul3A_22 : vector<64xf32>
    %add3A_24 = arith.constant 9.99999974E-6 : f32
    %add3A_25 = vector.broadcast %add3A_24 : f32 to vector<64xf32>
    %add3A_26 = arith.addf %mul3A_23, %add3A_25 : vector<64xf32>
    %rsqrt3A = math.rsqrt %add3A_26 : vector<64xf32>
    %get3A_27 = arith.constant 0 : index
    %get3A_28 = arith.constant 0 : index
    %get3A_29 = vector.load %arg4[%get3A_27, %get3A_28] : memref<1x64xf32, #tpu.memory_space<vmem>>, vector<1x64xf32>
    %broadcast_in_dim3A_30 = vector.shape_cast %mul3A_17 : vector<64xf32> to vector<1x64xf32>
    %sub3A_31 = vector.broadcast %broadcast_in_dim3A_30 : vector<1x64xf32> to vector<10240x64xf32>
    %sub3A_32 = arith.subf %add3A_13, %sub3A_31 : vector<10240x64xf32>
    %mul3A_33 = vector.broadcast %get3A_29 : vector<1x64xf32> to vector<10240x64xf32>
    %mul3A_34 = arith.mulf %mul3A_33, %sub3A_32 : vector<10240x64xf32>
    %broadcast_in_dim3A_35 = vector.shape_cast %rsqrt3A : vector<64xf32> to vector<1x64xf32>
    %mul3A_36 = vector.broadcast %broadcast_in_dim3A_35 : vector<1x64xf32> to vector<10240x64xf32>
    %mul3A_37 = arith.mulf %mul3A_34, %mul3A_36 : vector<10240x64xf32>
    %get3A_38 = arith.constant 0 : index
    %get3A_39 = arith.constant 0 : index
    %get3A_40 = vector.load %arg5[%get3A_38, %get3A_39] : memref<1x64xf32, #tpu.memory_space<vmem>>, vector<1x64xf32>
    %add3A_41 = vector.broadcast %get3A_40 : vector<1x64xf32> to vector<10240x64xf32>
    %add3A_42 = arith.addf %mul3A_37, %add3A_41 : vector<10240x64xf32>
    %max3A = arith.constant 0.000000e+00 : f32
    %max3A_43 = vector.broadcast %max3A : f32 to vector<10240x64xf32>
    %max3A_44 = arith.maximumf %add3A_42, %max3A_43 : vector<10240x64xf32>
    %iota3A = tpu.iota {dimensions = array<i32: 0>} : vector<10240x1xi32>
    %lt3A = arith.constant 10000 : i32
    %lt3A_45 = vector.broadcast %lt3A : i32 to vector<10240x1xi32>
    %lt3A_46 = arith.cmpi slt, %iota3A, %lt3A_45 : vector<10240x1xi32>
    %jit3A = arith.constant 0.000000e+00 : f32
    %broadcast_in_dim3A_47 = vector.shape_cast %lt3A_46 : vector<10240x1xi1> to vector<10240x1xi1>
    %broadcast_in_dim3A_48 = vector.broadcast %broadcast_in_dim3A_47 : vector<10240x1xi1> to vector<10240x64xi1>
    %broadcast_in_dim3A_49 = vector.broadcast %jit3A : f32 to vector<10240x64xf32>
    %select_n3A = arith.select %broadcast_in_dim3A_48, %max3A_44, %broadcast_in_dim3A_49 : vector<10240x64xi1>, vector<10240x64xf32>
    %iota3A_50 = tpu.iota {dimensions = array<i32: 1>} : vector<1x64xi32>
    %get3A_51 = arith.constant 0 : index
    %get3A_52 = arith.constant 0 : index
    %get3A_53 = vector.load %arg6[%get3A_51, %get3A_52] : memref<10240x1xi32, #tpu.memory_space<vmem>>, vector<10240x1xi32>
    %eq3A = vector.broadcast %get3A_53 : vector<10240x1xi32> to vector<10240x64xi32>
    %eq3A_54 = vector.broadcast %iota3A_50 : vector<1x64xi32> to vector<10240x64xi32>
    %eq3A_55 = arith.cmpi eq, %eq3A, %eq3A_54 : vector<10240x64xi32>
    %convert_element_type3A = arith.extui %eq3A_55 : vector<10240x64xi1> to vector<10240x64xi32>
    %convert_element_type3A_56 = arith.sitofp %convert_element_type3A : vector<10240x64xi32> to vector<10240x64xf32>
    %dot_general3A = arith.constant dense<0.000000e+00> : vector<64x64xf32>
    %dot_general3A_57 = tpu.matmul %convert_element_type3A_56, %select_n3A, %dot_general3A {dimension_numbers = #tpu.dot_dimension_numbers<[0], [0], [1], [1], [0, 1, 1, 1], [], []>, transpose_lhs_hint = false} : vector<10240x64xf32>, vector<10240x64xf32>, vector<64x64xf32> -> vector<64x64xf32>
    %broadcast_in_dim3A_58 = arith.constant 1.000000e+00 : f32
    %broadcast_in_dim3A_59 = vector.broadcast %broadcast_in_dim3A_58 : f32 to vector<10240x1xf32>
    %dot_general3A_60 = arith.constant dense<0.000000e+00> : vector<64x1xf32>
    %dot_general3A_61 = tpu.matmul %convert_element_type3A_56, %broadcast_in_dim3A_59, %dot_general3A_60 {dimension_numbers = #tpu.dot_dimension_numbers<[0], [0], [1], [1], [0, 1, 1, 1], [], []>, transpose_lhs_hint = false} : vector<10240x64xf32>, vector<10240x1xf32>, vector<64x1xf32> -> vector<64x1xf32>
    %max3A_62 = arith.constant 1.000000e+00 : f32
    %max3A_63 = vector.broadcast %max3A_62 : f32 to vector<64x1xf32>
    %max3A_64 = arith.maximumf %dot_general3A_61, %max3A_63 : vector<64x1xf32>
    %div3A = vector.broadcast %max3A_64 : vector<64x1xf32> to vector<64x64xf32>
    %div3A_65 = arith.divf %dot_general3A_57, %div3A : vector<64x64xf32>
    %swap3A = arith.constant 0 : index
    %swap3A_66 = arith.constant 0 : index
    %swap3A_67 = vector.load %arg7[%swap3A, %swap3A_66] : memref<64x64xf32, #tpu.memory_space<vmem>>, vector<64x64xf32>
    tpu.vector_store %arg7[%swap3A, %swap3A_66], %div3A_65 {strides = array<i32>} : memref<64x64xf32, #tpu.memory_space<vmem>>, vector<64x64xf32>,
    return
  }
}

</mosaic_0001>

<sc_bundles>
// kernel: kernel.10.cloned.1.call-start
scs
__scs_entry_jumppad:
0x0: {  	(pc) =	sbr.rel $0x88, $3  }
0x1: {  	(tag) =	ssettag $0x0;
	lr =	simm.s32 $0x1  }
0x2: {  	[smem:$0x3F92] =	sst lr;
	_ =	strace $0xD0000000  }
0x3: {  	_ = 	snop  }
0x4: {  	_ = 	snop  }
0x5: {  	_ = 	snop  }
0x6: {  	_ = 	snop  }
0x7: {  	_ = 	snop  }
__scs_overlays_trampoline_lowered:
0x8: {  	[smem:$0x3FA1] =	sst s0  }
0x9: {  	[smem:$0x3FA2] =	sst s1  }
0xa: {  	[smem:$0x3FA3] =	sst s2  }
0xb: {  	[smem:$0x3FA4] =	sst s3  }
0xc: {  	[smem:$0x3FA5] =	sst s4  }
0xd: {  	[smem:$0x3FA6] =	sst s5  }
0xe: {  	[smem:$0x3FA7] =	sst s6  }
0xf: {  	[smem:$0x3FA8] =	sst s7  }
0x10: {  	[smem:$0x3FA9] =	sst s8  }
0x11: {  	[smem:$0x3FAA] =	sst s9;
	s0 =	simm.s32 @!p0 $0x0  }
0x12: {  	s1 =	sld [smem:$0x3F90];
	s0 =	simm.s32 @p0 $0x1  }
0x13: {  	[smem:$0x3FAB] =	sst s0;
	s0 =	simm.s32 @!p1 $0x0  }
0x14: {  	s2 =	sld [smem:$0x3F8F];
	s0 =	simm.s32 @p1 $0x1  }
0x15: {  	[smem:$0x3FAC] =	sst s0;
	s0 =	simm.s32 @!p2 $0x0  }
0x16: {  	s3 =	sld [smem:$0x3FDB];
	s0 =	simm.s32 @p2 $0x1  }
0x17: {  	s4 =	simm.s32 $0x1BF5;
	[smem:$0x3FAE] =	sst s0  }
0x18: {  	s0 =	sld [smem:$0x3F91];
	_ =	swait.ge [sflag:s4], $0x0  }
0x19: {  	s7 =	sld [smem:$0x3F92]  }
0x1a: {  	s8 =	sadd.s32 $0xFFFFE003, lr  }
0x1b: {  	s9 =	sadd.s32 $0xFFFFFEF7, lr;
	s5 =	simm.s32 $0xFFFFFFFF;
	p2 =	slt.u32 s8, $0xFFFFF086  }
0x1c: {  	p1 =	slt.u32 s9, $0xF7A;
	s5 =	simm.s32 @!p2 $0x0  }
0x1d: {  	s5 =	simm.s32 @p1 $0x1;
	p0 =	seq.s32 s7, s2  }
0x1e: {  	s7 =	smul.u32 @!p0 $0xF7A, s2;
	p2 =	seq.s32 @!p0 s5, $0x0  }
0x1f: {  	s9 =	smul.u32 $0xF7A, s1;
	s8 =	simm.s32 @!p0 $0x1BF5;
	p2 =	por !p2, p0  }
0x20: {  	[sflag:s8] =	ssyncset.s32 @!p0 $0xFFFFF086;
	s6 =	sadd.s32 @!p0 s3, s7;
	s7 =	simm.s32 @!p0 $0x108  }
0x21: {  	s3 =	sadd.s32 s3, s9;
	s6 =	sadd.s32 @!p0 $0x88, s6;
	s7 =	simm.s32 @p2 $0x1082  }
0x22: {  	[simem:s7], [sflag:s8] =	dma.local @!p0 [hbm:s6], $0xF7A  }
0x23: {  	s9 =	sor.u32 $0xD0000000, s2;
	s6 =	simm.s32 $0x108;
	_ =	swait.ge @!p0 [sflag:s8], $0x0  }
0x24: {  	s3 =	sadd.s32 $0x88, s3;
	s6 =	simm.s32 @!p1 $0x1082;
	[sflag:s4] =	ssyncset.s32 $0xFFFFF086  }
0x25: {  	[simem:s6], [sflag:s4] =	dma.local [hbm:s3], $0xF7A  }
0x26: {  	[smem:$0x3F92] =	sst s1;
	(tag) =	ssettag s2;
	_ =	strace s9  }
0x27: {  	s1 =	sld [smem:$0x3FA2]  }
0x28: {  	s2 =	sld [smem:$0x3FA3]  }
0x29: {  	s4 =	sld [smem:$0x3FA5]  }
0x2a: {  	p0 =	seq.s32 s5, $0x0;
	s5 =	sld [smem:$0x3FA6]  }
0x2b: {  	s6 =	sld [smem:$0x3FA7]  }
0x2c: {  	s7 =	sld [smem:$0x3FA8]  }
0x2d: {  	s3 =	simm.s32 $0x108;
	s8 =	sld [smem:$0x3FA9]  }
0x2e: {  	s3 =	simm.s32 @!p0 $0x1082;
	s9 =	sld [smem:$0x3FAA]  }
0x2f: {  	lr =	sadd.s32 s0, s3;
	s0 =	sld [smem:$0x3FA1]  }
0x30: {  	s3 =	sld [smem:$0x3FA4]  }
0x31: {  	[smem:$0x3FAD] =	sst s10  }
0x32: {  	s10 =	sld [smem:$0x3FAB];
	_ =	sdelay $0x3  }
0x33: {  	p0 =	seq.s32 s10, $0x1;
	s10 =	sld [smem:$0x3FAD];
	_ =	sdelay $0x3  }
0x34: {  	[smem:$0x3FAD] =	sst s10  }
0x35: {  	s10 =	sld [smem:$0x3FAC];
	_ =	sdelay $0x3  }
0x36: {  	p1 =	seq.s32 s10, $0x1;
	s10 =	sld [smem:$0x3FAD];
	_ =	sdelay $0x3  }
0x37: {  	[smem:$0x3FAD] =	sst s10  }
0x38: {  	s10 =	sld [smem:$0x3FAE]  }
0x39: {  	_ = 	snop;
	(pc) =	sbr.ind lr, $3  }
0x3a: {  	_ = 	snop  }
0x3b: {  	_ = 	snop  }
0x3c: {  	p2 =	seq.s32 s10, $0x1;
	s10 =	sld [smem:$0x3FAD]  }
0x3d: {  	_ =	shalt  }
0x3e: {  	_ =	shalt  }
0x3f: {  	_ =	shalt  }
0x40: {  	_ =	shalt  }
0x41: {  	_ =	shalt  }
0x42: {  	_ =	shalt  }
0x43: {  	_ =	shalt  }
0x44: {  	_ =	shalt  }
0x45: {  	_ =	shalt  }
0x46: {  	_ =	shalt  }
0x47: {  	_ =	shalt  }
0x48: {  	_ =	shalt  }
0x49: {  	_ =	shalt  }
0x4a: {  	_ =	shalt  }
0x4b: {  	_ =	shalt  }
0x4c: {  	_ =	shalt  }
0x4d: {  	_ =	shalt  }
0x4e: {  	_ =	shalt  }
0x4f: {  	_ =	shalt  }
0x50: {  	_ =	shalt  }
0x51: {  	_ =	shalt  }
0x52: {  	_ =	shalt  }
0x53: {  	_ =	shalt  }
0x54: {  	_ =	shalt  }
0x55: {  	_ =	shalt  }
0x56: {  	_ =	shalt  }
0x57: {  	_ =	shalt  }
0x58: {  	_ =	shalt  }
0x59: {  	_ =	shalt  }
0x5a: {  	_ =	shalt  }
0x5b: {  	_ =	shalt  }
0x5c: {  	_ =	shalt  }
0x5d: {  	_ =	shalt  }
0x5e: {  	_ =	shalt  }
0x5f: {  	_ =	shalt  }
0x60: {  	_ =	shalt  }
0x61: {  	_ =	shalt  }
0x62: {  	_ =	shalt  }
0x63: {  	_ =	shalt  }
0x64: {  	_ =	shalt  }
0x65: {  	_ =	shalt  }
0x66: {  	_ =	shalt  }
0x67: {  	_ =	shalt  }
0x68: {  	_ =	shalt  }
0x69: {  	_ =	shalt  }
0x6a: {  	_ =	shalt  }
0x6b: {  	_ =	shalt  }
0x6c: {  	_ =	shalt  }
0x6d: {  	_ =	shalt  }
0x6e: {  	_ =	shalt  }
0x6f: {  	_ =	shalt  }
0x70: {  	_ =	shalt  }
0x71: {  	_ =	shalt  }
0x72: {  	_ =	shalt  }
0x73: {  	_ =	shalt  }
0x74: {  	_ =	shalt  }
0x75: {  	_ =	shalt  }
0x76: {  	_ =	shalt  }
0x77: {  	_ =	shalt  }
0x78: {  	_ =	shalt  }
0x79: {  	_ =	shalt  }
0x7a: {  	_ =	shalt  }
0x7b: {  	_ =	shalt  }
0x7c: {  	_ =	shalt  }
0x7d: {  	_ =	shalt  }
0x7e: {  	_ =	shalt  }
0x7f: {  	_ =	shalt  }
0x80: {  	_ =	shalt  }
0x81: {  	_ =	shalt  }
0x82: {  	_ =	shalt  }
0x83: {  	_ =	shalt  }
0x84: {  	_ =	shalt  }
0x85: {  	_ =	shalt  }
0x86: {  	_ =	shalt  }
0x87: {  	_ =	shalt  }
.Lfunc_end0:
.L_simem_size_0:
called_computation_lowered:
.L_overlay_start_0:
0x88: {  	s2 =	sld [smem:$0x3FD9]  }
0x89: {  	s3 =	sld [smem:$0x3FFE];
	_ =	sdelay $0x1  }
0x8a: {  	s1 =	srdreg.scid  }
0x8b: {  	s0 =	sand.u32 $0x1, s1  }
0x8c: {  	s17 =	sshll.u32 s0, $0xA;
	s2 =	sadd.s32 s3, s2  }
0x8d: {  	s2 =	sadd.s32 s2, s17  }
0x8e: {  	[smem:$0x3FB9] =	sst s2  }
0x8f: {  	_ = 	snop  }
0x90: {  	s2 =	sld [smem:$0x3FD0];
	(tm) =	ssettm $0x1  }
0x91: {  	s18 =	sld [smem:$0x3FFB];
	_ =	sdelay $0x3  }
0x92: {  	_ =	strace s18  }
0x93: {  	s3 =	sld [smem:$0x3FFC];
	_ =	sdelay $0x3  }
0x94: {  	_ =	strace s3  }
0x95: {  	s3 =	sld [smem:$0x3FFD];
	_ =	sdelay $0x3  }
0x96: {  	_ =	strace s3  }
0x97: {  	_ =	strace $0x8FFFFFFF  }
0x98: {  	s19 =	sld [smem:$0x3FDB];
	_ =	sdelay $0x1  }
0x99: {  	s4 =	simm.s32 $_scs_section_size  }
0x9a: {  	s5 =	simm.s32 $_size__tile_overlayer_lowered;
	s6 =	simm.s32 $_tile_overlayer_lowered  }
0x9b: {  	s22 =	simm.s32 $0x1BFF;
	s21 =	sshll.u32 s6, $0x1;
	s3 =	sadd.s32 s4, s19  }
0x9c: {  	s7 =	simm.s32 $0x0;
	s20 =	sshll.u32 s5, $0x1;
	s5 =	sadd.s32 s21, s3  }
0x9d: {  	[timem:s7], [sflag:s22] =	dma.local [hbm:s5], s20  }
0x9e: {  	_ =	swait.ge [sflag:s22], s20  }
0x9f: {  	s4 =	ssub.s32 $0x0, s20;
	[sflag:s22] =	ssyncset.done $0x0  }
0xa0: {  	[sflag:s22] =	ssyncadd.s32 s4;
	_ =	sdelay $0x1  }
0xa1: {  	s23 =	simm.s32 $0x1B8B  }
0xa2: {  	_ =	swait.ge [sflag:s23], $0x1  }
0xa3: {  	[sflag:s23] =	ssyncset.done $0x0  }
0xa4: {  	s25 =	simm.s32 $0x1B8E;
	s24 =	sld [smem:$0x3FFE];
	[sflag:s23] =	ssyncadd.s32 $0xFFFFFFFF  }
0xa5: {  	s26 =	simm.s32 $execute0_lowered;
	[smem:$0x3FD2] =	sst s25  }
0xa6: {  	s5 =	sshll.u32 s26, $0x1;
	_ =	strace $0x80000046;
	[dreg:$0x1] =	wrdreg $0xFFFFFFFF  }
0xa7: {  	s28 =	simm.s32 $_size_execute0_lowered;
	s3 =	sadd.s32 s3, s5;
	[dreg:$0x0] =	wrdreg $0x0  }
0xa8: {  	s5 =	sshll.u32 s28, $0x1;
	[dreg:$0x2] =	wrdreg s3  }
0xa9: {  	[dreg:$0x3] =	wrdreg s5  }
0xaa: {  	[dreg:$0x4] =	wrdreg $0xC0  }
0xab: {  	_ =	task [dreg:s7], $0x5FFFF  }
0xac: {  	[dreg:$0x1] =	wrdreg $0xFFFFFFFF  }
0xad: {  	[dreg:$0x0] =	wrdreg $0x60  }
0xae: {  	[dreg:$0x2] =	wrdreg s24  }
0xaf: {  	[dreg:$0x3] =	wrdreg s2  }
0xb0: {  	[dreg:$0x4] =	wrdreg $0x54000  }
0xb1: {  	[dreg:$0x5] =	wrdreg $0x9  }
0xb2: {  	_ =	task.clear_ibuf [dreg:s7], $0x6FFFF;
	_ =	strace $0x90000046  }
0xb3: {  	s29 =	simm.s32 $0x9;
	_ =	strace $0x80000048  }
0xb4: {  	_ =	swait.ge [sflag:s29], $0x1  }
0xb5: {  	[sflag:s29] =	ssyncadd.s32 $0xFFFFFFFF  }
0xb6: {  	_ =	strace $0x90000048  }
0xb7: {  	_ =	sfence  }
0xb8: {  	s30 =	sld [smem:$0x0];
	_ =	sdelay $0x2  }
0xb9: {  	s31 =	sshll.u32 s1, $0xD;
	s1 =	sshrl.u32 s1, $0x2  }
0xba: {  	s3 =	sand.u32 $0x4000, s31;
	s1 =	sadd.s32 s1, s30  }
0xbb: {  	s0 =	sor.u32 s3, s0;
	s1 =	sshll.u32 s1, $0x11  }
0xbc: {  	s0 =	sor.u32 s1, s0  }
0xbd: {  	s0 =	sadd.s32 $0x8F2B, s0  }
0xbe: {  	[sflag:s0] =	ssyncadd.remote.s32 $0x1  }
0xbf: {  	_ =	sfence.sel $0xFFFF  }
0xc0: {  	[dreg:$0x0] =	wrdreg $0xFFFFFFFF;
	(pc) =	sbr.abs _section_cstart, $3  }
0xc1: {  	[dreg:$0x1] =	wrdreg $0xFFFFFFFF  }
0xc2: {  	_ =	task.clear_ibuf [dreg:s7], $0x2FFFF;
	_ =	strace $0x9FFFFFFF  }
0xc3: {  	(tm) =	ssettm $0x7FFFFFFF  }
tec
execute0_lowered:
.L_overlay_start_1:
0x0: {  	(tag) =	ssettag $0x1  }
0x1: {  	s5 =	rddreg [dreg:$0x0]  }
0x2: {  	s2 =	rddreg [dreg:$0x1]  }
0x3: {  	s3 =	rddreg [dreg:$0x2]  }
0x4: {  	s0 =	rddreg [dreg:$0x3]  }
0x5: {  	s1 =	stileid.u32;
	s7 =	srdreg.scid;
	s4 =	simm.s32 $0x0  }
0x6: {  	s14 =	simm.s32 $0x80;
	s15 =	simm.s32 $0x1;
	s6 =	smul.u32 $0xA00, s1  }
0x7: {  	s16 =	simm.s32 $0x0;
	s8 =	smul.u32 $0x1400, s1;
	s7 =	sand.u32 $0x1, s7  }
0x8: {  	[smem:$0x7FF] =	sst s4;
	s12 =	sshll.u32 s1, $0x6;
	s9 =	smul.u32 $0x14000, s7  }
0x9: {  	_ =	strace $0x80000047;
	s11 =	ssub.s32 $0x2, s7;
	s7 =	smul.u32 $0xA000, s7  }
0xa: {  	s12 =	sor.u32 $0x1C02, s12;
	s6 =	sadd.s32 s6, s5;
	s10 =	sshrl.u32 s8, $0x3  }
0xb: {  	s31 =	sshrl.u32 s11, $0x1;
	s13 =	sadd.s32 s8, s3;
	s9 =	sadd.s32 s8, s9  }
0xc: {  	s10 =	sadd.s32 s10, s5;
	s11 =	ssub.s32 s11, s31;
	s9 =	sshrl.u32 s9, $0x3  }
0xd: {  	s7 =	sshrl.u32 s7, $0x2;
	s13 =	sshrl.u32 s13, $0x3;
	s9 =	sadd.s32 s9, s5  }
0xe: {  	s5 =	sadd.s32 $0x2C00, s6;
	s6 =	sadd.s32 $0xCC00, s10;
	s10 =	simm.s32 $0x2  }
0xf: {  	s8 =	sadd.s32 $0xF400, s9;
	s9 =	smax.u32 s11, $0x1;
	s11 =	simm.s32 $0x5000  }
.LBB2_1:
0x10: {  	[tilespmem:s4], [sflag:$0x2] =	stream.linear.gather [hbm4b:s5+s4], $0x5000, $0x38;
	[tilespmem:$0x6800] =	vst v63  }
0x11: {  	_ =	swait.ge [sflag:s10], $0x5000  }
0x12: {  	[sflag:s10] =	ssyncset.done $0x0  }
0x13: {  	[sflag:s10] =	ssyncadd.s32 $0xFFFFB000  }
0x14: {  	[tilespmem:s11], [sflag:$0x2] =	stream.linear.gather [hbm4b:s2+s4], $0x400, $0x38;
	[tilespmem:$0x6800] =	vst v63  }
0x15: {  	_ =	swait.ge [sflag:s10], $0x400  }
0x16: {  	[sflag:s10] =	ssyncset.done $0x0  }
0x17: {  	[sflag:s10] =	ssyncadd.s32 $0xFFFFFC00  }
0x18: {  	[spmem:s13], [sflag:s12] =	dma.local [hbm:s6], $0x280  }
0x19: {  	_ =	swait.ge [sflag:s10], $0x280  }
0x1a: {  	[sflag:s10] =	ssyncset.done $0x0  }
0x1b: {  	[sflag:s10] =	ssyncadd.s32 $0xFFFFFD80  }
0x1c: {  	s17 =	sadd.s32 $0x0, s7;
	[bflag:$0x0] =	sbarrier.arrive $0xFFFF  }
0x1d: {  	[spmem:s3] =	stream.indirect.scatter.add.f32 [tilespmem:s11], [sflag:$0x1], $0x8, s17, s14, $0xb8;
	[tilespmem:$0x6800] =	vst v63  }
0x1e: {  	s18 =	sadd.s32 $0x80, s17  }
0x1f: {  	[spmem:s3] =	stream.indirect.scatter.add.f32 [tilespmem:s11], [sflag:$0x1], $0x8, s18, s14, $0xb8;
	[tilespmem:$0x6800] =	vst v63  }
0x20: {  	s26 =	sadd.s32 $0x100, s17  }
0x21: {  	[spmem:s3] =	stream.indirect.scatter.add.f32 [tilespmem:s11], [sflag:$0x1], $0x8, s26, s14, $0xb8;
	[tilespmem:$0x6800] =	vst v63  }
0x22: {  	s28 =	sadd.s32 $0x180, s17  }
0x23: {  	[spmem:s3] =	stream.indirect.scatter.add.f32 [tilespmem:s11], [sflag:$0x1], $0x8, s28, s14, $0xb8;
	[tilespmem:$0x6800] =	vst v63  }
0x24: {  	s29 =	sadd.s32 $0x200, s17  }
0x25: {  	[spmem:s3] =	stream.indirect.scatter.add.f32 [tilespmem:s11], [sflag:$0x1], $0x8, s29, s14, $0xb8;
	[tilespmem:$0x6800] =	vst v63  }
0x26: {  	s30 =	sadd.s32 $0x280, s17  }
0x27: {  	[spmem:s3] =	stream.indirect.scatter.add.f32 [tilespmem:s11], [sflag:$0x1], $0x8, s30, s14, $0xb8;
	[tilespmem:$0x6800] =	vst v63  }
0x28: {  	s31 =	sadd.s32 $0x300, s17  }
0x29: {  	[spmem:s3] =	stream.indirect.scatter.add.f32 [tilespmem:s11], [sflag:$0x1], $0x8, s31, s14, $0xb8;
	[tilespmem:$0x6800] =	vst v63  }
0x2a: {  	s17 =	sadd.s32 $0x380, s17  }
0x2b: {  	[spmem:s3] =	stream.indirect.scatter.add.f32 [tilespmem:s11], [sflag:$0x1], $0x8, s17, s14, $0xb8;
	[tilespmem:$0x6800] =	vst v63  }
0x2c: {  	_ =	swait.ge [sflag:s15], $0x400  }
0x2d: {  	[sflag:s15] =	ssyncset.done $0x0  }
0x2e: {  	[sflag:s15] =	ssyncadd.s32 $0xFFFFFC00  }
0x2f: {  	_ =	swait.ge [sflag:s15], $0x400  }
0x30: {  	[sflag:s15] =	ssyncset.done $0x0  }
0x31: {  	[sflag:s15] =	ssyncadd.s32 $0xFFFFFC00  }
0x32: {  	_ =	swait.ge [sflag:s15], $0x400  }
0x33: {  	[sflag:s15] =	ssyncset.done $0x0  }
0x34: {  	[sflag:s15] =	ssyncadd.s32 $0xFFFFFC00  }
0x35: {  	_ =	swait.ge [sflag:s15], $0x400  }
0x36: {  	[sflag:s15] =	ssyncset.done $0x0  }
0x37: {  	[sflag:s15] =	ssyncadd.s32 $0xFFFFFC00  }
0x38: {  	_ =	swait.ge [sflag:s15], $0x400  }
0x39: {  	[sflag:s15] =	ssyncset.done $0x0  }
0x3a: {  	[sflag:s15] =	ssyncadd.s32 $0xFFFFFC00  }
0x3b: {  	_ =	swait.ge [sflag:s15], $0x400  }
0x3c: {  	[sflag:s15] =	ssyncset.done $0x0  }
0x3d: {  	[sflag:s15] =	ssyncadd.s32 $0xFFFFFC00  }
0x3e: {  	_ =	swait.ge [sflag:s15], $0x400  }
0x3f: {  	[sflag:s15] =	ssyncset.done $0x0  }
0x40: {  	[sflag:s15] =	ssyncadd.s32 $0xFFFFFC00  }
0x41: {  	_ =	swait.ge [sflag:s15], $0x400  }
0x42: {  	s19 =	simm.s32 $0x2000;
	s18 =	simm.s32 $0x400;
	[sflag:s15] =	ssyncset.done $0x0  }
.LBB2_2:
0x43: {  	s20 =	sadd.s32 s18, s7  }
0x44: {  	[sflag:s15] =	ssyncadd.s32 $0xFFFFFC00;
	s18 =	smov.u32 s19;
	s17 =	sadd.s32 $0x1000, s19  }
0x45: {  	[spmem:s3] =	stream.indirect.scatter.add.f32 [tilespmem:s11], [sflag:$0x1], $0x8, s20, s14, $0xb8;
	[tilespmem:$0x6800] =	vst v63  }
0x46: {  	p0 =	sne.s32 s19, $0x9000;
	s19 =	sadd.s32 $0x80, s20  }
0x47: {  	[spmem:s3] =	stream.indirect.scatter.add.f32 [tilespmem:s11], [sflag:$0x1], $0x8, s19, s14, $0xb8;
	[tilespmem:$0x6800] =	vst v63  }
0x48: {  	s19 =	sadd.s32 $0x100, s20  }
0x49: {  	[spmem:s3] =	stream.indirect.scatter.add.f32 [tilespmem:s11], [sflag:$0x1], $0x8, s19, s14, $0xb8;
	[tilespmem:$0x6800] =	vst v63  }
0x4a: {  	s19 =	sadd.s32 $0x180, s20  }
0x4b: {  	[spmem:s3] =	stream.indirect.scatter.add.f32 [tilespmem:s11], [sflag:$0x1], $0x8, s19, s14, $0xb8;
	[tilespmem:$0x6800] =	vst v63  }
0x4c: {  	s19 =	sadd.s32 $0x200, s20  }
0x4d: {  	[spmem:s3] =	stream.indirect.scatter.add.f32 [tilespmem:s11], [sflag:$0x1], $0x8, s19, s14, $0xb8;
	[tilespmem:$0x6800] =	vst v63  }
0x4e: {  	s19 =	sadd.s32 $0x280, s20  }
0x4f: {  	[spmem:s3] =	stream.indirect.scatter.add.f32 [tilespmem:s11], [sflag:$0x1], $0x8, s19, s14, $0xb8;
	[tilespmem:$0x6800] =	vst v63  }
0x50: {  	s19 =	sadd.s32 $0x300, s20  }
0x51: {  	[spmem:s3] =	stream.indirect.scatter.add.f32 [tilespmem:s11], [sflag:$0x1], $0x8, s19, s14, $0xb8;
	[tilespmem:$0x6800] =	vst v63  }
0x52: {  	s19 =	sadd.s32 $0x380, s20  }
0x53: {  	[spmem:s3] =	stream.indirect.scatter.add.f32 [tilespmem:s11], [sflag:$0x1], $0x8, s19, s14, $0xb8;
	[tilespmem:$0x6800] =	vst v63  }
0x54: {  	_ =	swait.ge [sflag:s15], $0x400  }
0x55: {  	[sflag:s15] =	ssyncset.done $0x0  }
0x56: {  	[sflag:s15] =	ssyncadd.s32 $0xFFFFFC00  }
0x57: {  	_ =	swait.ge [sflag:s15], $0x400  }
0x58: {  	[sflag:s15] =	ssyncset.done $0x0  }
0x59: {  	[sflag:s15] =	ssyncadd.s32 $0xFFFFFC00  }
0x5a: {  	_ =	swait.ge [sflag:s15], $0x400  }
0x5b: {  	[sflag:s15] =	ssyncset.done $0x0  }
0x5c: {  	[sflag:s15] =	ssyncadd.s32 $0xFFFFFC00  }
0x5d: {  	_ =	swait.ge [sflag:s15], $0x400  }
0x5e: {  	[sflag:s15] =	ssyncset.done $0x0  }
0x5f: {  	[sflag:s15] =	ssyncadd.s32 $0xFFFFFC00  }
0x60: {  	_ =	swait.ge [sflag:s15], $0x400  }
0x61: {  	[sflag:s15] =	ssyncset.done $0x0  }
0x62: {  	[sflag:s15] =	ssyncadd.s32 $0xFFFFFC00  }
0x63: {  	_ =	swait.ge [sflag:s15], $0x400  }
0x64: {  	[sflag:s15] =	ssyncset.done $0x0  }
0x65: {  	[sflag:s15] =	ssyncadd.s32 $0xFFFFFC00  }
.Ltmp0:
0x66: {  	_ =	swait.ge [sflag:s15], $0x400;
	(pc) =	sbr.rel @p0 .LBB2_2-.Ltmp0, $4  }
0x67: {  	[sflag:s15] =	ssyncset.done $0x0  }
0x68: {  	[sflag:s15] =	ssyncadd.s32 $0xFFFFFC00  }
0x69: {  	_ =	swait.ge [sflag:s15], $0x400  }
0x6a: {  	s18 =	sshra.s32 s18, $0x2;
	s19 =	smov.u32 s17;
	[sflag:s15] =	ssyncset.done $0x0  }
0x6b: {  	s17 =	sadd.s32 s18, s7;
	[sflag:s15] =	ssyncadd.s32 $0xFFFFFC00  }
0x6c: {  	[spmem:s3] =	stream.indirect.scatter.add.f32 [tilespmem:s11], [sflag:$0x1], $0x8, s17, s14, $0xb8;
	[tilespmem:$0x6800] =	vst v63  }
0x6d: {  	s18 =	sadd.s32 $0x80, s17  }
0x6e: {  	[spmem:s3] =	stream.indirect.scatter.add.f32 [tilespmem:s11], [sflag:$0x1], $0x8, s18, s14, $0xb8;
	[tilespmem:$0x6800] =	vst v63  }
0x6f: {  	s26 =	sadd.s32 $0x100, s17  }
0x70: {  	[spmem:s3] =	stream.indirect.scatter.add.f32 [tilespmem:s11], [sflag:$0x1], $0x8, s26, s14, $0xb8;
	[tilespmem:$0x6800] =	vst v63  }
0x71: {  	s28 =	sadd.s32 $0x180, s17  }
0x72: {  	[spmem:s3] =	stream.indirect.scatter.add.f32 [tilespmem:s11], [sflag:$0x1], $0x8, s28, s14, $0xb8;
	[tilespmem:$0x6800] =	vst v63  }
0x73: {  	s29 =	sadd.s32 $0x200, s17  }
0x74: {  	[spmem:s3] =	stream.indirect.scatter.add.f32 [tilespmem:s11], [sflag:$0x1], $0x8, s29, s14, $0xb8;
	[tilespmem:$0x6800] =	vst v63  }
0x75: {  	s30 =	sadd.s32 $0x280, s17  }
0x76: {  	[spmem:s3] =	stream.indirect.scatter.add.f32 [tilespmem:s11], [sflag:$0x1], $0x8, s30, s14, $0xb8;
	[tilespmem:$0x6800] =	vst v63  }
0x77: {  	s31 =	sadd.s32 $0x300, s17  }
0x78: {  	[spmem:s3] =	stream.indirect.scatter.add.f32 [tilespmem:s11], [sflag:$0x1], $0x8, s31, s14, $0xb8;
	[tilespmem:$0x6800] =	vst v63  }
0x79: {  	s17 =	sadd.s32 $0x380, s17  }
0x7a: {  	[spmem:s3] =	stream.indirect.scatter.add.f32 [tilespmem:s11], [sflag:$0x1], $0x8, s17, s14, $0xb8;
	[tilespmem:$0x6800] =	vst v63  }
0x7b: {  	_ =	swait.ge [sflag:s15], $0x400  }
0x7c: {  	[sflag:s15] =	ssyncset.done $0x0  }
0x7d: {  	[sflag:s15] =	ssyncadd.s32 $0xFFFFFC00  }
0x7e: {  	_ =	swait.ge [sflag:s15], $0x400  }
0x7f: {  	[sflag:s15] =	ssyncset.done $0x0  }
0x80: {  	[sflag:s15] =	ssyncadd.s32 $0xFFFFFC00  }
0x81: {  	_ =	swait.ge [sflag:s15], $0x400  }
0x82: {  	[sflag:s15] =	ssyncset.done $0x0  }
0x83: {  	[sflag:s15] =	ssyncadd.s32 $0xFFFFFC00  }
0x84: {  	_ =	swait.ge [sflag:s15], $0x400  }
0x85: {  	[sflag:s15] =	ssyncset.done $0x0  }
0x86: {  	[sflag:s15] =	ssyncadd.s32 $0xFFFFFC00  }
0x87: {  	_ =	swait.ge [sflag:s15], $0x400  }
0x88: {  	[sflag:s15] =	ssyncset.done $0x0  }
0x89: {  	[sflag:s15] =	ssyncadd.s32 $0xFFFFFC00  }
0x8a: {  	_ =	swait.ge [sflag:s15], $0x400  }
0x8b: {  	[sflag:s15] =	ssyncset.done $0x0  }
0x8c: {  	[sflag:s15] =	ssyncadd.s32 $0xFFFFFC00  }
0x8d: {  	_ =	swait.ge [sflag:s15], $0x400  }
0x8e: {  	[sflag:s15] =	ssyncset.done $0x0  }
0x8f: {  	[sflag:s15] =	ssyncadd.s32 $0xFFFFFC00  }
0x90: {  	_ =	swait.ge [sflag:s15], $0x400  }
0x91: {  	s16 =	sadd.s32 $0x1, s16;
	[sflag:s15] =	ssyncset.done $0x0  }
0x92: {  	p0 =	sne.s32 s16, s9;
	[sflag:s15] =	ssyncadd.s32 $0xFFFFFC00  }
.Ltmp1:
0x93: {  	[bflag:$0x0] =	sbarrier.arrive $0xFFFF;
	(pc) =	sbr.rel @p0 .LBB2_1-.Ltmp1, $4  }
0x94: {  	[hbm:s8], [sflag:s12] =	dma.local [spmem:s13], $0x280  }
0x95: {  	_ =	swait.ge [sflag:s10], $0x280  }
0x96: {  	[sflag:s10] =	ssyncset.done $0x0  }
0x97: {  	[sflag:s10] =	ssyncadd.s32 $0xFFFFFD80  }
0x98: {  	_ =	sfence.sel $0x180000  }
0x99: {  	[bflag:$0x0] =	sbarrier.arrive $0xFFFF  }
0x9a: {  	p0 =	sne.s32 s1, $0x0;
	_ =	strace $0x90000047  }
0x9b: {  	s0 =	sadd.s32 @!p0 $0x100000, s0;
	[bflag:$0x2] =	sbarrier.arrive $0xFFFF  }
0x9c: {  	[sflag:s0] =	ssyncadd.tile.s32 @!p0 $0x1;
	_ =	shalt  }
.Lfunc_end2:
_tile_overlayer_lowered:
.L_overlay_start_2:
0x9d: {  	(tag) =	ssettag $0x2  }
0x9e: {  	s0 =	rddreg [dreg:$0x0];
	s2 =	stileid.u32  }
0x9f: {  	s1 =	rddreg [dreg:$0x1];
	p0 =	sne.s32 s2, $0x0  }
0xa0: {  	s3 =	rddreg [dreg:$0x2];
	[bflag:$0x3] =	sbarrier.arrive $0xFFFF;
	s2 =	simm.s32 @!p0 $0x1C02  }
0xa1: {  	[timem:s3], [sflag:s2] =	dma.local @!p0 [hbm:s0], s1  }
0xa2: {  	s0 =	simm.s32 @!p0 $0x2  }
0xa3: {  	_ =	swait.ge @!p0 [sflag:s0], s1  }
0xa4: {  	s1 =	ssub.s32 @!p0 $0x0, s1;
	[sflag:s0] =	ssyncset.done @!p0 $0x0  }
0xa5: {  	[sflag:s0] =	ssyncadd.s32 @!p0 s1  }
0xa6: {  	[bflag:$0x3] =	sbarrier.arrive $0xFFFF  }
0xa7: {  	_ =	shalt  }

// kernel: kernel.13.cloned.1.call-start
scs
__scs_entry_jumppad:
0x0: {  	(pc) =	sbr.rel $0x88, $3  }
0x1: {  	(tag) =	ssettag $0x0;
	lr =	simm.s32 $0x1  }
0x2: {  	[smem:$0x3F92] =	sst lr;
	_ =	strace $0xD0000000  }
0x3: {  	_ = 	snop  }
0x4: {  	_ = 	snop  }
0x5: {  	_ = 	snop  }
0x6: {  	_ = 	snop  }
0x7: {  	_ = 	snop  }
__scs_overlays_trampoline_lowered:
0x8: {  	[smem:$0x3FA1] =	sst s0  }
0x9: {  	[smem:$0x3FA2] =	sst s1  }
0xa: {  	[smem:$0x3FA3] =	sst s2  }
0xb: {  	[smem:$0x3FA4] =	sst s3  }
0xc: {  	[smem:$0x3FA5] =	sst s4  }
0xd: {  	[smem:$0x3FA6] =	sst s5  }
0xe: {  	[smem:$0x3FA7] =	sst s6  }
0xf: {  	[smem:$0x3FA8] =	sst s7  }
0x10: {  	[smem:$0x3FA9] =	sst s8  }
0x11: {  	[smem:$0x3FAA] =	sst s9;
	s0 =	simm.s32 @!p0 $0x0  }
0x12: {  	s1 =	sld [smem:$0x3F90];
	s0 =	simm.s32 @p0 $0x1  }
0x13: {  	[smem:$0x3FAB] =	sst s0;
	s0 =	simm.s32 @!p1 $0x0  }
0x14: {  	s2 =	sld [smem:$0x3F8F];
	s0 =	simm.s32 @p1 $0x1  }
0x15: {  	[smem:$0x3FAC] =	sst s0;
	s0 =	simm.s32 @!p2 $0x0  }
0x16: {  	s3 =	sld [smem:$0x3FDB];
	s0 =	simm.s32 @p2 $0x1  }
0x17: {  	s4 =	simm.s32 $0x1BF5;
	[smem:$0x3FAE] =	sst s0  }
0x18: {  	s0 =	sld [smem:$0x3F91];
	_ =	swait.ge [sflag:s4], $0x0  }
0x19: {  	s7 =	sld [smem:$0x3F92]  }
0x1a: {  	s8 =	sadd.s32 $0xFFFFE003, lr  }
0x1b: {  	s9 =	sadd.s32 $0xFFFFFEF7, lr;
	s5 =	simm.s32 $0xFFFFFFFF;
	p2 =	slt.u32 s8, $0xFFFFF086  }
0x1c: {  	p1 =	slt.u32 s9, $0xF7A;
	s5 =	simm.s32 @!p2 $0x0  }
0x1d: {  	s5 =	simm.s32 @p1 $0x1;
	p0 =	seq.s32 s7, s2  }
0x1e: {  	s7 =	smul.u32 @!p0 $0xF7A, s2;
	p2 =	seq.s32 @!p0 s5, $0x0  }
0x1f: {  	s9 =	smul.u32 $0xF7A, s1;
	s8 =	simm.s32 @!p0 $0x1BF5;
	p2 =	por !p2, p0  }
0x20: {  	[sflag:s8] =	ssyncset.s32 @!p0 $0xFFFFF086;
	s6 =	sadd.s32 @!p0 s3, s7;
	s7 =	simm.s32 @!p0 $0x108  }
0x21: {  	s3 =	sadd.s32 s3, s9;
	s6 =	sadd.s32 @!p0 $0x88, s6;
	s7 =	simm.s32 @p2 $0x1082  }
0x22: {  	[simem:s7], [sflag:s8] =	dma.local @!p0 [hbm:s6], $0xF7A  }
0x23: {  	s9 =	sor.u32 $0xD0000000, s2;
	s6 =	simm.s32 $0x108;
	_ =	swait.ge @!p0 [sflag:s8], $0x0  }
0x24: {  	s3 =	sadd.s32 $0x88, s3;
	s6 =	simm.s32 @!p1 $0x1082;
	[sflag:s4] =	ssyncset.s32 $0xFFFFF086  }
0x25: {  	[simem:s6], [sflag:s4] =	dma.local [hbm:s3], $0xF7A  }
0x26: {  	[smem:$0x3F92] =	sst s1;
	(tag) =	ssettag s2;
	_ =	strace s9  }
0x27: {  	s1 =	sld [smem:$0x3FA2]  }
0x28: {  	s2 =	sld [smem:$0x3FA3]  }
0x29: {  	s4 =	sld [smem:$0x3FA5]  }
0x2a: {  	p0 =	seq.s32 s5, $0x0;
	s5 =	sld [smem:$0x3FA6]  }
0x2b: {  	s6 =	sld [smem:$0x3FA7]  }
0x2c: {  	s7 =	sld [smem:$0x3FA8]  }
0x2d: {  	s3 =	simm.s32 $0x108;
	s8 =	sld [smem:$0x3FA9]  }
0x2e: {  	s3 =	simm.s32 @!p0 $0x1082;
	s9 =	sld [smem:$0x3FAA]  }
0x2f: {  	lr =	sadd.s32 s0, s3;
	s0 =	sld [smem:$0x3FA1]  }
0x30: {  	s3 =	sld [smem:$0x3FA4]  }
0x31: {  	[smem:$0x3FAD] =	sst s10  }
0x32: {  	s10 =	sld [smem:$0x3FAB];
	_ =	sdelay $0x3  }
0x33: {  	p0 =	seq.s32 s10, $0x1;
	s10 =	sld [smem:$0x3FAD];
	_ =	sdelay $0x3  }
0x34: {  	[smem:$0x3FAD] =	sst s10  }
0x35: {  	s10 =	sld [smem:$0x3FAC];
	_ =	sdelay $0x3  }
0x36: {  	p1 =	seq.s32 s10, $0x1;
	s10 =	sld [smem:$0x3FAD];
	_ =	sdelay $0x3  }
0x37: {  	[smem:$0x3FAD] =	sst s10  }
0x38: {  	s10 =	sld [smem:$0x3FAE]  }
0x39: {  	_ = 	snop;
	(pc) =	sbr.ind lr, $3  }
0x3a: {  	_ = 	snop  }
0x3b: {  	_ = 	snop  }
0x3c: {  	p2 =	seq.s32 s10, $0x1;
	s10 =	sld [smem:$0x3FAD]  }
0x3d: {  	_ =	shalt  }
0x3e: {  	_ =	shalt  }
0x3f: {  	_ =	shalt  }
0x40: {  	_ =	shalt  }
0x41: {  	_ =	shalt  }
0x42: {  	_ =	shalt  }
0x43: {  	_ =	shalt  }
0x44: {  	_ =	shalt  }
0x45: {  	_ =	shalt  }
0x46: {  	_ =	shalt  }
0x47: {  	_ =	shalt  }
0x48: {  	_ =	shalt  }
0x49: {  	_ =	shalt  }
0x4a: {  	_ =	shalt  }
0x4b: {  	_ =	shalt  }
0x4c: {  	_ =	shalt  }
0x4d: {  	_ =	shalt  }
0x4e: {  	_ =	shalt  }
0x4f: {  	_ =	shalt  }
0x50: {  	_ =	shalt  }
0x51: {  	_ =	shalt  }
0x52: {  	_ =	shalt  }
0x53: {  	_ =	shalt  }
0x54: {  	_ =	shalt  }
0x55: {  	_ =	shalt  }
0x56: {  	_ =	shalt  }
0x57: {  	_ =	shalt  }
0x58: {  	_ =	shalt  }
0x59: {  	_ =	shalt  }
0x5a: {  	_ =	shalt  }
0x5b: {  	_ =	shalt  }
0x5c: {  	_ =	shalt  }
0x5d: {  	_ =	shalt  }
0x5e: {  	_ =	shalt  }
0x5f: {  	_ =	shalt  }
0x60: {  	_ =	shalt  }
0x61: {  	_ =	shalt  }
0x62: {  	_ =	shalt  }
0x63: {  	_ =	shalt  }
0x64: {  	_ =	shalt  }
0x65: {  	_ =	shalt  }
0x66: {  	_ =	shalt  }
0x67: {  	_ =	shalt  }
0x68: {  	_ =	shalt  }
0x69: {  	_ =	shalt  }
0x6a: {  	_ =	shalt  }
0x6b: {  	_ =	shalt  }
0x6c: {  	_ =	shalt  }
0x6d: {  	_ =	shalt  }
0x6e: {  	_ =	shalt  }
0x6f: {  	_ =	shalt  }
0x70: {  	_ =	shalt  }
0x71: {  	_ =	shalt  }
0x72: {  	_ =	shalt  }
0x73: {  	_ =	shalt  }
0x74: {  	_ =	shalt  }
0x75: {  	_ =	shalt  }
0x76: {  	_ =	shalt  }
0x77: {  	_ =	shalt  }
0x78: {  	_ =	shalt  }
0x79: {  	_ =	shalt  }
0x7a: {  	_ =	shalt  }
0x7b: {  	_ =	shalt  }
0x7c: {  	_ =	shalt  }
0x7d: {  	_ =	shalt  }
0x7e: {  	_ =	shalt  }
0x7f: {  	_ =	shalt  }
0x80: {  	_ =	shalt  }
0x81: {  	_ =	shalt  }
0x82: {  	_ =	shalt  }
0x83: {  	_ =	shalt  }
0x84: {  	_ =	shalt  }
0x85: {  	_ =	shalt  }
0x86: {  	_ =	shalt  }
0x87: {  	_ =	shalt  }
.Lfunc_end0:
.L_simem_size_0:
called_computation.1_lowered:
.L_overlay_start_0:
0x88: {  	s2 =	sld [smem:$0x3FD9]  }
0x89: {  	s3 =	sld [smem:$0x3FFE];
	_ =	sdelay $0x1  }
0x8a: {  	s1 =	srdreg.scid  }
0x8b: {  	s0 =	sand.u32 $0x1, s1  }
0x8c: {  	s16 =	sshll.u32 s0, $0xA;
	s2 =	sadd.s32 s3, s2  }
0x8d: {  	s2 =	sadd.s32 s2, s16  }
0x8e: {  	[smem:$0x3FB9] =	sst s2  }
0x8f: {  	_ = 	snop  }
0x90: {  	(tm) =	ssettm $0x1  }
0x91: {  	s17 =	sld [smem:$0x3FFB];
	_ =	sdelay $0x3  }
0x92: {  	_ =	strace s17  }
0x93: {  	s2 =	sld [smem:$0x3FFC];
	_ =	sdelay $0x3  }
0x94: {  	_ =	strace s2  }
0x95: {  	s2 =	sld [smem:$0x3FFD];
	_ =	sdelay $0x3  }
0x96: {  	_ =	strace s2  }
0x97: {  	_ =	strace $0x8FFFFFFF  }
0x98: {  	s18 =	sld [smem:$0x3FDB];
	_ =	sdelay $0x1  }
0x99: {  	s19 =	simm.s32 $_scs_section_size  }
0x9a: {  	s4 =	simm.s32 $_size__tile_overlayer_lowered;
	s5 =	simm.s32 $_tile_overlayer_lowered  }
0x9b: {  	s22 =	simm.s32 $0x1BFF;
	s21 =	sshll.u32 s5, $0x1;
	s2 =	sadd.s32 s19, s18  }
0x9c: {  	s6 =	simm.s32 $0x0;
	s20 =	sshll.u32 s4, $0x1;
	s4 =	sadd.s32 s21, s2  }
0x9d: {  	[timem:s6], [sflag:s22] =	dma.local [hbm:s4], s20  }
0x9e: {  	_ =	swait.ge [sflag:s22], s20  }
0x9f: {  	s3 =	ssub.s32 $0x0, s20;
	[sflag:s22] =	ssyncset.done $0x0  }
0xa0: {  	[sflag:s22] =	ssyncadd.s32 s3;
	_ =	sdelay $0x1  }
0xa1: {  	s23 =	simm.s32 $0x1B8B  }
0xa2: {  	_ =	swait.ge [sflag:s23], $0x1  }
0xa3: {  	[sflag:s23] =	ssyncset.done $0x0  }
0xa4: {  	s25 =	simm.s32 $0x1B8E;
	s24 =	sld [smem:$0x3FFE];
	[sflag:s23] =	ssyncadd.s32 $0xFFFFFFFF  }
0xa5: {  	s26 =	simm.s32 $execute0_lowered;
	[smem:$0x3FD2] =	sst s25  }
0xa6: {  	s4 =	sshll.u32 s26, $0x1;
	_ =	strace $0x80000049;
	[dreg:$0x1] =	wrdreg $0xFFFFFFFF  }
0xa7: {  	s28 =	simm.s32 $_size_execute0_lowered;
	s2 =	sadd.s32 s2, s4;
	[dreg:$0x0] =	wrdreg $0x0  }
0xa8: {  	s4 =	sshll.u32 s28, $0x1;
	[dreg:$0x2] =	wrdreg s2  }
0xa9: {  	[dreg:$0x3] =	wrdreg s4  }
0xaa: {  	[dreg:$0x4] =	wrdreg $0xC0  }
0xab: {  	_ =	task [dreg:s6], $0x5FFFF  }
0xac: {  	[dreg:$0x1] =	wrdreg $0xFFFFFFFF  }
0xad: {  	[dreg:$0x0] =	wrdreg $0x60  }
0xae: {  	[dreg:$0x2] =	wrdreg s24  }
0xaf: {  	[dreg:$0x3] =	wrdreg $0x170000  }
0xb0: {  	[dreg:$0x4] =	wrdreg $0x120000  }
0xb1: {  	[dreg:$0x5] =	wrdreg $0x9  }
0xb2: {  	_ =	task.clear_ibuf [dreg:s6], $0x6FFFF;
	_ =	strace $0x90000049  }
0xb3: {  	s29 =	simm.s32 $0x9;
	_ =	strace $0x8000004B  }
0xb4: {  	_ =	swait.ge [sflag:s29], $0x1  }
0xb5: {  	[sflag:s29] =	ssyncadd.s32 $0xFFFFFFFF  }
0xb6: {  	_ =	strace $0x9000004B  }
0xb7: {  	_ =	sfence  }
0xb8: {  	s30 =	sld [smem:$0x0];
	_ =	sdelay $0x2  }
0xb9: {  	s31 =	sshll.u32 s1, $0xD;
	s1 =	sshrl.u32 s1, $0x2  }
0xba: {  	s3 =	sand.u32 $0x4000, s31;
	s1 =	sadd.s32 s1, s30  }
0xbb: {  	s0 =	sor.u32 s3, s0;
	s1 =	sshll.u32 s1, $0x11  }
0xbc: {  	s0 =	sor.u32 s1, s0  }
0xbd: {  	s0 =	sadd.s32 $0x8F2B, s0  }
0xbe: {  	[sflag:s0] =	ssyncadd.remote.s32 $0x1  }
0xbf: {  	_ =	sfence.sel $0xFFFF  }
0xc0: {  	[dreg:$0x0] =	wrdreg $0xFFFFFFFF;
	(pc) =	sbr.abs _section_cstart, $3  }
0xc1: {  	[dreg:$0x1] =	wrdreg $0xFFFFFFFF  }
0xc2: {  	_ =	task.clear_ibuf [dreg:s6], $0x2FFFF;
	_ =	strace $0x9FFFFFFF  }
0xc3: {  	(tm) =	ssettm $0x7FFFFFFF  }
tec
execute0_lowered:
.L_overlay_start_1:
0x0: {  	(tag) =	ssettag $0x1  }
0x1: {  	s0 =	rddreg [dreg:$0x0]  }
0x2: {  	s2 =	rddreg [dreg:$0x1]  }
0x3: {  	s3 =	rddreg [dreg:$0x2];
	s9 =	stileid.u32;
	s5 =	simm.s32 $0x0  }
0x4: {  	s4 =	srdreg.scid;
	s11 =	simm.s32 $0x11;
	s15 =	simm.s32 $0x1  }
0x5: {  	s16 =	simm.s32 $0x4;
	s17 =	simm.s32 $0x8;
	s28 =	simm.s32 $0xE000  }
0x6: {  	s29 =	simm.s32 $0x2;
	s31 =	simm.s32 $0x9;
	s12 =	simm.s32 $0xD  }
0x7: {  	s10 =	simm.s32 $0xF;
	s14 =	simm.s32 $0x10;
	s1 =	smul.u32 $0xA00, s9  }
0x8: {  	s13 =	simm.s32 $0x0;
	[smem:$0x7FF] =	sst s5;
	s18 =	smul.u32 $0xA000, s9  }
0x9: {  	s4 =	sand.u32 $0x1, s4;
	s6 =	smul.u32 $0x5000, s9;
	s26 =	sshll.u32 s9, $0x6  }
0xa: {  	s9 =	simm.s32 $0xE;
	_ =	strace $0x8000004A;
	s7 =	sshll.u32 s4, $0x5  }
0xb: {  	s4 =	ssub.s32 $0x2, s4;
	s1 =	sadd.s32 s1, s0;
	s5 =	sor.u32 s7, s18  }
0xc: {  	s19 =	sshrl.u32 s6, $0x3;
	s8 =	sshrl.u32 s4, $0x1;
	s21 =	sadd.s32 s6, s2  }
0xd: {  	s23 =	sadd.s32 s6, s3;
	s18 =	sor.u32 $0x1C11, s26;
	s26 =	simm.s32 $0x10000  }
0xe: {  	s6 =	simm.s32 $0x7;
	s5 =	sshrl.u32 s5, $0x3;
	s7 =	sadd.s32 s19, s0  }
0xf: {  	s4 =	ssub.s32 s4, s8;
	s20 =	sadd.s32 $0x14400, s1;
	s1 =	sadd.s32 $0x2C00, s1  }
0x10: {  	s30 =	sshrl.u32 s21, $0x3;
	s19 =	simm.s32 $0x80;
	[dreg:$0xa] =	wrdreg s18  }
0x11: {  	s21 =	simm.s32 $0xB000;
	s8 =	simm.s32 $0xC;
	[dreg:$0x4] =	wrdreg s20  }
0x12: {  	s0 =	sadd.s32 s5, s0;
	[dreg:$0x5] =	wrdreg s1;
	s24 =	sadd.s32 $0x32400, s7  }
0x13: {  	s25 =	smax.u32 s4, $0x1;
	[dreg:$0xb] =	wrdreg s30;
	s20 =	sshrl.u32 s23, $0x3  }
.Ltmp0:
0x14: {  	s23 =	simm.s32 $0xC000;
	[dreg:$0x7] =	wrdreg s24;
	(pc) =	sbr.rel .LBB2_1-.Ltmp0, $4  }
0x15: {  	s1 =	simm.s32 $0x3;
	s7 =	simm.s32 $0xB;
	[dreg:$0x9] =	wrdreg s25  }
0x16: {  	s22 =	sadd.s32 $0x1E400, s0;
	s0 =	sadd.s32 $0x3C400, s0;
	[dreg:$0xc] =	wrdreg s20  }
0x17: {  	s25 =	simm.s32 $0xD000;
	s24 =	simm.s32 $0x5;
	[dreg:$0x6] =	wrdreg s22  }
0x18: {  	[dreg:$0x8] =	wrdreg s0;
	s0 =	simm.s32 $0xF000;
	s22 =	simm.s32 $0x11000  }
.LBB2_4:
0x19: {  	_ =	swait.ge [sflag:s17], $0x1000  }
0x1a: {  	[sflag:s17] =	ssyncset.done $0x0  }
0x1b: {  	[sflag:s17] =	ssyncadd.s32 $0xFFFFF000  }
0x1c: {  	[spmem:s3] =	stream.indirect.scatter.add.f32 [tilespmem:s22], [sflag:$0x10], $0x20, s18, s19, $0xb8;
	[tilespmem:$0x1C000] =	vst v63  }
0x1d: {  	_ =	swait.ge [sflag:s8], $0x1000  }
0x1e: {  	[sflag:s8] =	ssyncset.done $0x0  }
0x1f: {  	[sflag:s8] =	ssyncadd.s32 $0xFFFFF000  }
0x20: {  	_ =	swait.ge [sflag:s12], $0x1000  }
0x21: {  	[sflag:s12] =	ssyncset.done $0x0  }
0x22: {  	[sflag:s12] =	ssyncadd.s32 $0xFFFFF000  }
0x23: {  	_ =	swait.ge [sflag:s9], $0x1000  }
0x24: {  	[sflag:s9] =	ssyncset.done $0x0  }
0x25: {  	[sflag:s9] =	ssyncadd.s32 $0xFFFFF000  }
0x26: {  	_ =	swait.ge [sflag:s10], $0x1000  }
0x27: {  	[sflag:s10] =	ssyncset.done $0x0  }
0x28: {  	[sflag:s10] =	ssyncadd.s32 $0xFFFFF000  }
0x29: {  	_ =	swait.ge [sflag:s14], $0x1000  }
0x2a: {  	[sflag:s14] =	ssyncset.done $0x0  }
0x2b: {  	[sflag:s14] =	ssyncadd.s32 $0xFFFFF000  }
0x2c: {  	[bflag:$0x0] =	sbarrier.arrive $0xFFFF  }
0x2d: {  	s4 =	rddreg [dreg:$0x8]  }
0x2e: {  	s18 =	rddreg [dreg:$0xa]  }
0x2f: {  	s11 =	simm.s32 $0x11;
	s20 =	rddreg [dreg:$0xc]  }
0x30: {  	[hbm:s4@s17], [sflag:s18] =	dma.strided [spmem:s20@s16], $0xA00, s15, $0x4   }
0x31: {  	_ =	swait.ge [sflag:s11], $0xA00  }
0x32: {  	s13 =	rddreg [dreg:$0xd]  }
0x33: {  	s30 =	rddreg [dreg:$0x9];
	s13 =	sadd.s32 $0x1, s13  }
0x34: {  	p0 =	sne.s32 s13, s30  }
.Ltmp1:
0x35: {  	_ = 	snop;
	(pc) =	sbr.rel @!p0 .LBB2_5-.Ltmp1, $3  }
0x36: {  	_ =	sdelay $0x1  }
0x37: {  	[sflag:s11] =	ssyncset.done $0x0  }
0x38: {  	[sflag:s11] =	ssyncadd.s32 $0xFFFFF600  }
.LBB2_1:
0x39: {  	[dreg:$0xd] =	wrdreg s13  }
0x3a: {  	s4 =	simm.s32 $0x0;
	s5 =	rddreg [dreg:$0x4]  }
0x3b: {  	[tilespmem:s4], [sflag:$0x11] =	stream.linear.gather [hbm4b:s5+s4], $0x5000, $0x38;
	[tilespmem:$0x1C000] =	vst v63  }
0x3c: {  	_ =	swait.ge [sflag:s11], $0x5000  }
0x3d: {  	[sflag:s11] =	ssyncset.done $0x0  }
0x3e: {  	s13 =	simm.s32 $0x5000;
	s5 =	rddreg [dreg:$0x5];
	[sflag:s11] =	ssyncadd.s32 $0xFFFFB000  }
0x3f: {  	[tilespmem:s13], [sflag:$0x11] =	stream.linear.gather [hbm4b:s5+s4], $0x5000, $0x38;
	[tilespmem:$0x1C000] =	vst v63  }
0x40: {  	_ =	swait.ge [sflag:s11], $0x5000  }
0x41: {  	[sflag:s11] =	ssyncset.done $0x0;
	s5 =	rddreg [dreg:$0x6]  }
0x42: {  	s30 =	rddreg [dreg:$0xb];
	[sflag:s11] =	ssyncadd.s32 $0xFFFFB000  }
0x43: {  	[spmem:s30@s16], [sflag:s18] =	dma.strided [hbm:s5@s17], $0xA00, s15, $0x4   }
0x44: {  	_ =	swait.ge [sflag:s11], $0xA00  }
0x45: {  	[sflag:s11] =	ssyncset.done $0x0  }
0x46: {  	s5 =	rddreg [dreg:$0x7];
	[sflag:s11] =	ssyncadd.s32 $0xFFFFF600  }
0x47: {  	[spmem:s20], [sflag:s18] =	dma.local [hbm:s5], $0xA00  }
0x48: {  	_ =	swait.ge [sflag:s11], $0xA00  }
0x49: {  	[sflag:s11] =	ssyncset.done $0x0  }
0x4a: {  	[sflag:s11] =	ssyncadd.s32 $0xFFFFF600  }
0x4b: {  	s20 =	simm.s32 $0xA000;
	[bflag:$0x0] =	sbarrier.arrive $0xFFFF  }
0x4c: {  	[tilespmem:s20], [sflag:$0x1] =	stream.indirect.gather [spmem:s2], $0x20, s4, s19, $0xb8;
	[tilespmem:$0x1C000] =	vst v63  }
0x4d: {  	_ = 	snop  }
0x4e: {  	[tilespmem:s21], [sflag:$0x2] =	stream.indirect.gather [spmem:s2], $0x20, s19, s19, $0xb8;
	[tilespmem:$0x1C000] =	vst v63  }
0x4f: {  	s5 =	simm.s32 $0x100  }
0x50: {  	[tilespmem:s23], [sflag:$0x3] =	stream.indirect.gather [spmem:s2], $0x20, s5, s19, $0xb8;
	[tilespmem:$0x1C000] =	vst v63  }
0x51: {  	s11 =	simm.s32 $0x180  }
0x52: {  	[tilespmem:s25], [sflag:$0x4] =	stream.indirect.gather [spmem:s2], $0x20, s11, s19, $0xb8;
	[tilespmem:$0x1C000] =	vst v63  }
0x53: {  	_ =	swait.ge [sflag:s15], $0x1000  }
0x54: {  	[sflag:s15] =	ssyncset.done $0x0  }
0x55: {  	[sflag:s15] =	ssyncadd.s32 $0xFFFFF000  }
0x56: {  	[spmem:s3] =	stream.indirect.scatter.add.f32 [tilespmem:s20], [sflag:$0x9], $0x20, s13, s19, $0xb8;
	[tilespmem:$0x1C000] =	vst v63  }
0x57: {  	s18 =	simm.s32 $0x200  }
0x58: {  	[tilespmem:s28], [sflag:$0x5] =	stream.indirect.gather [spmem:s2], $0x20, s18, s19, $0xb8;
	[tilespmem:$0x1C000] =	vst v63  }
0x59: {  	_ =	swait.ge [sflag:s29], $0x1000  }
0x5a: {  	[sflag:s29] =	ssyncset.done $0x0  }
0x5b: {  	s5 =	simm.s32 $0x5080;
	[sflag:s29] =	ssyncadd.s32 $0xFFFFF000  }
0x5c: {  	[spmem:s3] =	stream.indirect.scatter.add.f32 [tilespmem:s21], [sflag:$0xA], $0x20, s5, s19, $0xb8;
	[tilespmem:$0x1C000] =	vst v63  }
0x5d: {  	s11 =	simm.s32 $0x280  }
0x5e: {  	[tilespmem:s0], [sflag:$0x6] =	stream.indirect.gather [spmem:s2], $0x20, s11, s19, $0xb8;
	[tilespmem:$0x1C000] =	vst v63  }
0x5f: {  	_ =	swait.ge [sflag:s1], $0x1000  }
0x60: {  	[sflag:s1] =	ssyncset.done $0x0  }
0x61: {  	s13 =	simm.s32 $0x5100;
	[sflag:s1] =	ssyncadd.s32 $0xFFFFF000  }
0x62: {  	[spmem:s3] =	stream.indirect.scatter.add.f32 [tilespmem:s23], [sflag:$0xB], $0x20, s13, s19, $0xb8;
	[tilespmem:$0x1C000] =	vst v63  }
0x63: {  	s18 =	simm.s32 $0x300  }
0x64: {  	[tilespmem:s26], [sflag:$0x7] =	stream.indirect.gather [spmem:s2], $0x20, s18, s19, $0xb8;
	[tilespmem:$0x1C000] =	vst v63  }
0x65: {  	_ =	swait.ge [sflag:s16], $0x1000  }
0x66: {  	[sflag:s16] =	ssyncset.done $0x0  }
0x67: {  	s5 =	simm.s32 $0x5180;
	[sflag:s16] =	ssyncadd.s32 $0xFFFFF000  }
0x68: {  	[spmem:s3] =	stream.indirect.scatter.add.f32 [tilespmem:s25], [sflag:$0xC], $0x20, s5, s19, $0xb8;
	[tilespmem:$0x1C000] =	vst v63  }
0x69: {  	s11 =	simm.s32 $0x380  }
0x6a: {  	[tilespmem:s22], [sflag:$0x8] =	stream.indirect.gather [spmem:s2], $0x20, s11, s19, $0xb8;
	[tilespmem:$0x1C000] =	vst v63  }
0x6b: {  	_ =	swait.ge [sflag:s24], $0x1000  }
0x6c: {  	[sflag:s24] =	ssyncset.done $0x0  }
0x6d: {  	s13 =	simm.s32 $0x5200;
	[sflag:s24] =	ssyncadd.s32 $0xFFFFF000  }
0x6e: {  	[spmem:s3] =	stream.indirect.scatter.add.f32 [tilespmem:s28], [sflag:$0xD], $0x20, s13, s19, $0xb8;
	[tilespmem:$0x1C000] =	vst v63  }
0x6f: {  	_ =	swait.ge [sflag:s31], $0x1000  }
0x70: {  	[sflag:s31] =	ssyncset.done $0x0  }
0x71: {  	s18 =	simm.s32 $0x400;
	s5 =	simm.s32 $0x6;
	[sflag:s31] =	ssyncadd.s32 $0xFFFFF000  }
0x72: {  	[tilespmem:s20], [sflag:$0x1] =	stream.indirect.gather [spmem:s2], $0x20, s18, s19, $0xb8;
	[tilespmem:$0x1C000] =	vst v63  }
0x73: {  	_ =	swait.ge [sflag:s5], $0x1000  }
0x74: {  	[sflag:s5] =	ssyncset.done $0x0  }
0x75: {  	s11 =	simm.s32 $0x5280;
	s13 =	simm.s32 $0xA;
	[sflag:s5] =	ssyncadd.s32 $0xFFFFF000  }
0x76: {  	[spmem:s3] =	stream.indirect.scatter.add.f32 [tilespmem:s0], [sflag:$0xE], $0x20, s11, s19, $0xb8;
	[tilespmem:$0x1C000] =	vst v63  }
0x77: {  	_ =	swait.ge [sflag:s13], $0x1000  }
0x78: {  	[sflag:s13] =	ssyncset.done $0x0  }
0x79: {  	s18 =	simm.s32 $0x480;
	[sflag:s13] =	ssyncadd.s32 $0xFFFFF000  }
0x7a: {  	[tilespmem:s21], [sflag:$0x2] =	stream.indirect.gather [spmem:s2], $0x20, s18, s19, $0xb8;
	[tilespmem:$0x1C000] =	vst v63  }
0x7b: {  	_ =	swait.ge [sflag:s6], $0x1000  }
0x7c: {  	[sflag:s6] =	ssyncset.done $0x0  }
0x7d: {  	s5 =	simm.s32 $0x5300;
	[sflag:s6] =	ssyncadd.s32 $0xFFFFF000  }
0x7e: {  	[spmem:s3] =	stream.indirect.scatter.add.f32 [tilespmem:s26], [sflag:$0xF], $0x20, s5, s19, $0xb8;
	[tilespmem:$0x1C000] =	vst v63  }
0x7f: {  	_ =	swait.ge [sflag:s7], $0x1000  }
0x80: {  	[sflag:s7] =	ssyncset.done $0x0  }
0x81: {  	s11 =	simm.s32 $0x500;
	[sflag:s7] =	ssyncadd.s32 $0xFFFFF000  }
0x82: {  	[tilespmem:s23], [sflag:$0x3] =	stream.indirect.gather [spmem:s2], $0x20, s11, s19, $0xb8;
	[tilespmem:$0x1C000] =	vst v63  }
0x83: {  	_ =	swait.ge [sflag:s17], $0x1000  }
0x84: {  	[sflag:s17] =	ssyncset.done $0x0  }
0x85: {  	s13 =	simm.s32 $0x5380;
	[sflag:s17] =	ssyncadd.s32 $0xFFFFF000  }
0x86: {  	[spmem:s3] =	stream.indirect.scatter.add.f32 [tilespmem:s22], [sflag:$0x10], $0x20, s13, s19, $0xb8;
	[tilespmem:$0x1C000] =	vst v63  }
0x87: {  	_ =	swait.ge [sflag:s8], $0x1000  }
0x88: {  	[sflag:s8] =	ssyncset.done $0x0  }
0x89: {  	s30 =	simm.s32 $0x0;
	s18 =	simm.s32 $0x580;
	[sflag:s8] =	ssyncadd.s32 $0xFFFFF000  }
0x8a: {  	[tilespmem:s25], [sflag:$0x4] =	stream.indirect.gather [spmem:s2], $0x20, s18, s19, $0xb8;
	[tilespmem:$0x1C000] =	vst v63  }
.LBB2_2:
0x8b: {  	_ =	swait.ge [sflag:s15], $0x1000  }
0x8c: {  	s5 =	sshra.s32 s30, $0x2;
	[sflag:s15] =	ssyncset.done $0x0  }
0x8d: {  	s18 =	sadd.s32 $0x5400, s5;
	[sflag:s15] =	ssyncadd.s32 $0xFFFFF000  }
0x8e: {  	[spmem:s3] =	stream.indirect.scatter.add.f32 [tilespmem:s20], [sflag:$0x9], $0x20, s18, s19, $0xb8;
	[tilespmem:$0x1C000] =	vst v63  }
0x8f: {  	_ =	swait.ge [sflag:s12], $0x1000  }
0x90: {  	[sflag:s12] =	ssyncset.done $0x0  }
0x91: {  	s11 =	sadd.s32 $0x600, s5;
	[sflag:s12] =	ssyncadd.s32 $0xFFFFF000  }
0x92: {  	[tilespmem:s28], [sflag:$0x5] =	stream.indirect.gather [spmem:s2], $0x20, s11, s19, $0xb8;
	[tilespmem:$0x1C000] =	vst v63  }
0x93: {  	_ =	swait.ge [sflag:s29], $0x1000  }
0x94: {  	[sflag:s29] =	ssyncset.done $0x0  }
0x95: {  	s13 =	sadd.s32 $0x5480, s5;
	[sflag:s29] =	ssyncadd.s32 $0xFFFFF000  }
0x96: {  	[spmem:s3] =	stream.indirect.scatter.add.f32 [tilespmem:s21], [sflag:$0xA], $0x20, s13, s19, $0xb8;
	[tilespmem:$0x1C000] =	vst v63  }
0x97: {  	_ =	swait.ge [sflag:s9], $0x1000  }
0x98: {  	[sflag:s9] =	ssyncset.done $0x0  }
0x99: {  	s4 =	sadd.s32 $0x680, s5;
	[sflag:s9] =	ssyncadd.s32 $0xFFFFF000  }
0x9a: {  	[tilespmem:s0], [sflag:$0x6] =	stream.indirect.gather [spmem:s2], $0x20, s4, s19, $0xb8;
	[tilespmem:$0x1C000] =	vst v63  }
0x9b: {  	_ =	swait.ge [sflag:s1], $0x1000  }
0x9c: {  	[sflag:s1] =	ssyncset.done $0x0  }
0x9d: {  	s11 =	sadd.s32 $0x5500, s5;
	[sflag:s1] =	ssyncadd.s32 $0xFFFFF000  }
0x9e: {  	[spmem:s3] =	stream.indirect.scatter.add.f32 [tilespmem:s23], [sflag:$0xB], $0x20, s11, s19, $0xb8;
	[tilespmem:$0x1C000] =	vst v63  }
0x9f: {  	_ =	swait.ge [sflag:s10], $0x1000  }
0xa0: {  	[sflag:s10] =	ssyncset.done $0x0  }
0xa1: {  	s13 =	sadd.s32 $0x700, s5;
	[sflag:s10] =	ssyncadd.s32 $0xFFFFF000  }
0xa2: {  	[tilespmem:s26], [sflag:$0x7] =	stream.indirect.gather [spmem:s2], $0x20, s13, s19, $0xb8;
	[tilespmem:$0x1C000] =	vst v63  }
0xa3: {  	_ =	swait.ge [sflag:s16], $0x1000  }
0xa4: {  	[sflag:s16] =	ssyncset.done $0x0  }
0xa5: {  	s4 =	sadd.s32 $0x5580, s5;
	[sflag:s16] =	ssyncadd.s32 $0xFFFFF000  }
0xa6: {  	[spmem:s3] =	stream.indirect.scatter.add.f32 [tilespmem:s25], [sflag:$0xC], $0x20, s4, s19, $0xb8;
	[tilespmem:$0x1C000] =	vst v63  }
0xa7: {  	_ =	swait.ge [sflag:s14], $0x1000  }
0xa8: {  	[sflag:s14] =	ssyncset.done $0x0  }
0xa9: {  	s11 =	sadd.s32 $0x780, s5;
	[sflag:s14] =	ssyncadd.s32 $0xFFFFF000  }
0xaa: {  	[tilespmem:s22], [sflag:$0x8] =	stream.indirect.gather [spmem:s2], $0x20, s11, s19, $0xb8;
	[tilespmem:$0x1C000] =	vst v63  }
0xab: {  	_ =	swait.ge [sflag:s24], $0x1000  }
0xac: {  	[sflag:s24] =	ssyncset.done $0x0  }
0xad: {  	s13 =	sadd.s32 $0x5600, s5;
	[sflag:s24] =	ssyncadd.s32 $0xFFFFF000  }
0xae: {  	[spmem:s3] =	stream.indirect.scatter.add.f32 [tilespmem:s28], [sflag:$0xD], $0x20, s13, s19, $0xb8;
	[tilespmem:$0x1C000] =	vst v63  }
0xaf: {  	_ =	swait.ge [sflag:s31], $0x1000  }
0xb0: {  	p0 =	seq.s32 s30, $0x12000;
	[sflag:s31] =	ssyncset.done $0x0  }
0xb1: {  	s18 =	simm.s32 @p0 $0x6;
	[sflag:s31] =	ssyncadd.s32 $0xFFFFF000  }
0xb2: {  	_ =	swait.ge @p0 [sflag:s18], $0x1000  }
0xb3: {  	[sflag:s18] =	ssyncset.done @p0 $0x0  }
0xb4: {  	[sflag:s18] =	ssyncadd.s32 @p0 $0xFFFFF000;
	s18 =	sshra.s32 @p0 s30, $0x2  }
0xb5: {  	s11 =	simm.s32 @p0 $0xF000;
	s13 =	simm.s32 @p0 $0x80;
	s18 =	sadd.s32 @p0 $0x5680, s18  }
0xb6: {  	[spmem:s3] =	stream.indirect.scatter.add.f32 @p0 [tilespmem:s11], [sflag:$0xE], $0x20, s18, s13, $0xb8;
	[tilespmem:$0x1C000] =	vst v63  }
0xb7: {  	s11 =	simm.s32 @p0 $0xA  }
0xb8: {  	_ =	swait.ge @p0 [sflag:s11], $0x1000  }
0xb9: {  	[sflag:s11] =	ssyncset.done @p0 $0x0  }
0xba: {  	[sflag:s11] =	ssyncadd.s32 @p0 $0xFFFFF000;
	s11 =	sshra.s32 @!p0 s30, $0x2  }
0xbb: {  	s4 =	simm.s32 @!p0 $0xA000;
	s18 =	simm.s32 @!p0 $0x80;
	s13 =	sadd.s32 @!p0 $0x800, s11  }
0xbc: {  	[tilespmem:s4], [sflag:$0x1] =	stream.indirect.gather @!p0 [spmem:s2], $0x20, s13, s18, $0xb8;
	[tilespmem:$0x1C000] =	vst v63  }
0xbd: {  	s4 =	simm.s32 @!p0 $0x6  }
0xbe: {  	_ =	swait.ge @!p0 [sflag:s4], $0x1000  }
0xbf: {  	[sflag:s4] =	ssyncset.done @!p0 $0x0  }
0xc0: {  	s13 =	simm.s32 @!p0 $0xF000;
	[sflag:s4] =	ssyncadd.s32 @!p0 $0xFFFFF000;
	s4 =	sadd.s32 @!p0 $0x5680, s11  }
0xc1: {  	[spmem:s3] =	stream.indirect.scatter.add.f32 @!p0 [tilespmem:s13], [sflag:$0xE], $0x20, s4, s18, $0xb8;
	[tilespmem:$0x1C000] =	vst v63  }
0xc2: {  	s4 =	simm.s32 @!p0 $0xA  }
0xc3: {  	_ =	swait.ge @!p0 [sflag:s4], $0x1000  }
0xc4: {  	[sflag:s4] =	ssyncset.done @!p0 $0x0  }
0xc5: {  	[sflag:s4] =	ssyncadd.s32 @!p0 $0xFFFFF000;
	s4 =	sadd.s32 @!p0 $0x880, s11;
	s11 =	simm.s32 @!p0 $0xB000  }
0xc6: {  	[tilespmem:s11], [sflag:$0x2] =	stream.indirect.gather @!p0 [spmem:s2], $0x20, s4, s18, $0xb8;
	[tilespmem:$0x1C000] =	vst v63  }
0xc7: {  	_ =	swait.ge [sflag:s6], $0x1000  }
0xc8: {  	[sflag:s6] =	ssyncset.done $0x0  }
.Ltmp2:
0xc9: {  	s18 =	sadd.s32 $0x5700, s5;
	[sflag:s6] =	ssyncadd.s32 $0xFFFFF000;
	(pc) =	sbr.rel @p0 .LBB2_4-.Ltmp2, $4  }
0xca: {  	[spmem:s3] =	stream.indirect.scatter.add.f32 [tilespmem:s26], [sflag:$0xF], $0x20, s18, s19, $0xb8;
	[tilespmem:$0x1C000] =	vst v63  }
0xcb: {  	_ =	swait.ge [sflag:s7], $0x1000  }
0xcc: {  	[sflag:s7] =	ssyncset.done $0x0  }
0xcd: {  	s18 =	sadd.s32 $0x5780, s5;
	[sflag:s7] =	ssyncadd.s32 $0xFFFFF000  }
0xce: {  	s4 =	sadd.s32 $0x900, s5  }
0xcf: {  	[tilespmem:s23], [sflag:$0x3] =	stream.indirect.gather [spmem:s2], $0x20, s4, s19, $0xb8;
	[tilespmem:$0x1C000] =	vst v63  }
0xd0: {  	_ =	swait.ge [sflag:s17], $0x1000  }
0xd1: {  	[sflag:s17] =	ssyncset.done $0x0  }
0xd2: {  	[sflag:s17] =	ssyncadd.s32 $0xFFFFF000  }
0xd3: {  	[spmem:s3] =	stream.indirect.scatter.add.f32 [tilespmem:s22], [sflag:$0x10], $0x20, s18, s19, $0xb8;
	[tilespmem:$0x1C000] =	vst v63  }
.Ltmp3:
0xd4: {  	_ = 	snop;
	(pc) =	sbr.rel .LBB2_2-.Ltmp3, $4  }
0xd5: {  	_ =	swait.ge [sflag:s8], $0x1000  }
0xd6: {  	[sflag:s8] =	ssyncset.done $0x0  }
0xd7: {  	s30 =	sadd.s32 $0x1000, s30;
	s18 =	sadd.s32 $0x980, s5;
	[sflag:s8] =	ssyncadd.s32 $0xFFFFF000  }
0xd8: {  	[tilespmem:s25], [sflag:$0x4] =	stream.indirect.gather [spmem:s2], $0x20, s18, s19, $0xb8;
	[tilespmem:$0x1C000] =	vst v63  }
.LBB2_5:
0xd9: {  	_ =	sfence.sel $0x180000  }
0xda: {  	[bflag:$0x0] =	sbarrier.arrive $0xFFFF  }
0xdb: {  	_ =	strace $0x9000004A  }
0xdc: {  	s0 =	stileid.u32;
	[bflag:$0x2] =	sbarrier.arrive $0xFFFF  }
0xdd: {  	p0 =	sne.s32 s0, $0x0;
	s0 =	rddreg [dreg:$0x3]  }
0xde: {  	s0 =	sadd.s32 @!p0 $0x100000, s0  }
0xdf: {  	[sflag:s0] =	ssyncadd.tile.s32 @!p0 $0x1;
	_ =	shalt  }
.Lfunc_end2:
_tile_overlayer_lowered:
.L_overlay_start_2:
0xe0: {  	(tag) =	ssettag $0x2  }
0xe1: {  	s0 =	rddreg [dreg:$0x0];
	s2 =	stileid.u32  }
0xe2: {  	s1 =	rddreg [dreg:$0x1];
	p0 =	sne.s32 s2, $0x0  }
0xe3: {  	s3 =	rddreg [dreg:$0x2];
	[bflag:$0x3] =	sbarrier.arrive $0xFFFF;
	s2 =	simm.s32 @!p0 $0x1C11  }
0xe4: {  	[timem:s3], [sflag:s2] =	dma.local @!p0 [hbm:s0], s1  }
0xe5: {  	s0 =	simm.s32 @!p0 $0x11  }
0xe6: {  	_ =	swait.ge @!p0 [sflag:s0], s1  }
0xe7: {  	s1 =	ssub.s32 @!p0 $0x0, s1;
	[sflag:s0] =	ssyncset.done @!p0 $0x0  }
0xe8: {  	[sflag:s0] =	ssyncadd.s32 @!p0 s1  }
0xe9: {  	[bflag:$0x3] =	sbarrier.arrive $0xFFFF  }
0xea: {  	_ =	shalt  }

// kernel: kernel.16.cloned.1.call-start
scs
__scs_entry_jumppad:
0x0: {  	(pc) =	sbr.rel $0x88, $3  }
0x1: {  	(tag) =	ssettag $0x0;
	lr =	simm.s32 $0x1  }
0x2: {  	[smem:$0x3F92] =	sst lr;
	_ =	strace $0xD0000000  }
0x3: {  	_ = 	snop  }
0x4: {  	_ = 	snop  }
0x5: {  	_ = 	snop  }
0x6: {  	_ = 	snop  }
0x7: {  	_ = 	snop  }
__scs_overlays_trampoline_lowered:
0x8: {  	[smem:$0x3FA1] =	sst s0  }
0x9: {  	[smem:$0x3FA2] =	sst s1  }
0xa: {  	[smem:$0x3FA3] =	sst s2  }
0xb: {  	[smem:$0x3FA4] =	sst s3  }
0xc: {  	[smem:$0x3FA5] =	sst s4  }
0xd: {  	[smem:$0x3FA6] =	sst s5  }
0xe: {  	[smem:$0x3FA7] =	sst s6  }
0xf: {  	[smem:$0x3FA8] =	sst s7  }
0x10: {  	[smem:$0x3FA9] =	sst s8  }
0x11: {  	[smem:$0x3FAA] =	sst s9;
	s0 =	simm.s32 @!p0 $0x0  }
0x12: {  	s1 =	sld [smem:$0x3F90];
	s0 =	simm.s32 @p0 $0x1  }
0x13: {  	[smem:$0x3FAB] =	sst s0;
	s0 =	simm.s32 @!p1 $0x0  }
0x14: {  	s2 =	sld [smem:$0x3F8F];
	s0 =	simm.s32 @p1 $0x1  }
0x15: {  	[smem:$0x3FAC] =	sst s0;
	s0 =	simm.s32 @!p2 $0x0  }
0x16: {  	s3 =	sld [smem:$0x3FDB];
	s0 =	simm.s32 @p2 $0x1  }
0x17: {  	s4 =	simm.s32 $0x1BF5;
	[smem:$0x3FAE] =	sst s0  }
0x18: {  	s0 =	sld [smem:$0x3F91];
	_ =	swait.ge [sflag:s4], $0x0  }
0x19: {  	s7 =	sld [smem:$0x3F92]  }
0x1a: {  	s8 =	sadd.s32 $0xFFFFE003, lr  }
0x1b: {  	s9 =	sadd.s32 $0xFFFFFEF7, lr;
	s5 =	simm.s32 $0xFFFFFFFF;
	p2 =	slt.u32 s8, $0xFFFFF086  }
0x1c: {  	p1 =	slt.u32 s9, $0xF7A;
	s5 =	simm.s32 @!p2 $0x0  }
0x1d: {  	s5 =	simm.s32 @p1 $0x1;
	p0 =	seq.s32 s7, s2  }
0x1e: {  	s7 =	smul.u32 @!p0 $0xF7A, s2;
	p2 =	seq.s32 @!p0 s5, $0x0  }
0x1f: {  	s9 =	smul.u32 $0xF7A, s1;
	s8 =	simm.s32 @!p0 $0x1BF5;
	p2 =	por !p2, p0  }
0x20: {  	[sflag:s8] =	ssyncset.s32 @!p0 $0xFFFFF086;
	s6 =	sadd.s32 @!p0 s3, s7;
	s7 =	simm.s32 @!p0 $0x108  }
0x21: {  	s3 =	sadd.s32 s3, s9;
	s6 =	sadd.s32 @!p0 $0x88, s6;
	s7 =	simm.s32 @p2 $0x1082  }
0x22: {  	[simem:s7], [sflag:s8] =	dma.local @!p0 [hbm:s6], $0xF7A  }
0x23: {  	s9 =	sor.u32 $0xD0000000, s2;
	s6 =	simm.s32 $0x108;
	_ =	swait.ge @!p0 [sflag:s8], $0x0  }
0x24: {  	s3 =	sadd.s32 $0x88, s3;
	s6 =	simm.s32 @!p1 $0x1082;
	[sflag:s4] =	ssyncset.s32 $0xFFFFF086  }
0x25: {  	[simem:s6], [sflag:s4] =	dma.local [hbm:s3], $0xF7A  }
0x26: {  	[smem:$0x3F92] =	sst s1;
	(tag) =	ssettag s2;
	_ =	strace s9  }
0x27: {  	s1 =	sld [smem:$0x3FA2]  }
0x28: {  	s2 =	sld [smem:$0x3FA3]  }
0x29: {  	s4 =	sld [smem:$0x3FA5]  }
0x2a: {  	p0 =	seq.s32 s5, $0x0;
	s5 =	sld [smem:$0x3FA6]  }
0x2b: {  	s6 =	sld [smem:$0x3FA7]  }
0x2c: {  	s7 =	sld [smem:$0x3FA8]  }
0x2d: {  	s3 =	simm.s32 $0x108;
	s8 =	sld [smem:$0x3FA9]  }
0x2e: {  	s3 =	simm.s32 @!p0 $0x1082;
	s9 =	sld [smem:$0x3FAA]  }
0x2f: {  	lr =	sadd.s32 s0, s3;
	s0 =	sld [smem:$0x3FA1]  }
0x30: {  	s3 =	sld [smem:$0x3FA4]  }
0x31: {  	[smem:$0x3FAD] =	sst s10  }
0x32: {  	s10 =	sld [smem:$0x3FAB];
	_ =	sdelay $0x3  }
0x33: {  	p0 =	seq.s32 s10, $0x1;
	s10 =	sld [smem:$0x3FAD];
	_ =	sdelay $0x3  }
0x34: {  	[smem:$0x3FAD] =	sst s10  }
0x35: {  	s10 =	sld [smem:$0x3FAC];
	_ =	sdelay $0x3  }
0x36: {  	p1 =	seq.s32 s10, $0x1;
	s10 =	sld [smem:$0x3FAD];
	_ =	sdelay $0x3  }
0x37: {  	[smem:$0x3FAD] =	sst s10  }
0x38: {  	s10 =	sld [smem:$0x3FAE]  }
0x39: {  	_ = 	snop;
	(pc) =	sbr.ind lr, $3  }
0x3a: {  	_ = 	snop  }
0x3b: {  	_ = 	snop  }
0x3c: {  	p2 =	seq.s32 s10, $0x1;
	s10 =	sld [smem:$0x3FAD]  }
0x3d: {  	_ =	shalt  }
0x3e: {  	_ =	shalt  }
0x3f: {  	_ =	shalt  }
0x40: {  	_ =	shalt  }
0x41: {  	_ =	shalt  }
0x42: {  	_ =	shalt  }
0x43: {  	_ =	shalt  }
0x44: {  	_ =	shalt  }
0x45: {  	_ =	shalt  }
0x46: {  	_ =	shalt  }
0x47: {  	_ =	shalt  }
0x48: {  	_ =	shalt  }
0x49: {  	_ =	shalt  }
0x4a: {  	_ =	shalt  }
0x4b: {  	_ =	shalt  }
0x4c: {  	_ =	shalt  }
0x4d: {  	_ =	shalt  }
0x4e: {  	_ =	shalt  }
0x4f: {  	_ =	shalt  }
0x50: {  	_ =	shalt  }
0x51: {  	_ =	shalt  }
0x52: {  	_ =	shalt  }
0x53: {  	_ =	shalt  }
0x54: {  	_ =	shalt  }
0x55: {  	_ =	shalt  }
0x56: {  	_ =	shalt  }
0x57: {  	_ =	shalt  }
0x58: {  	_ =	shalt  }
0x59: {  	_ =	shalt  }
0x5a: {  	_ =	shalt  }
0x5b: {  	_ =	shalt  }
0x5c: {  	_ =	shalt  }
0x5d: {  	_ =	shalt  }
0x5e: {  	_ =	shalt  }
0x5f: {  	_ =	shalt  }
0x60: {  	_ =	shalt  }
0x61: {  	_ =	shalt  }
0x62: {  	_ =	shalt  }
0x63: {  	_ =	shalt  }
0x64: {  	_ =	shalt  }
0x65: {  	_ =	shalt  }
0x66: {  	_ =	shalt  }
0x67: {  	_ =	shalt  }
0x68: {  	_ =	shalt  }
0x69: {  	_ =	shalt  }
0x6a: {  	_ =	shalt  }
0x6b: {  	_ =	shalt  }
0x6c: {  	_ =	shalt  }
0x6d: {  	_ =	shalt  }
0x6e: {  	_ =	shalt  }
0x6f: {  	_ =	shalt  }
0x70: {  	_ =	shalt  }
0x71: {  	_ =	shalt  }
0x72: {  	_ =	shalt  }
0x73: {  	_ =	shalt  }
0x74: {  	_ =	shalt  }
0x75: {  	_ =	shalt  }
0x76: {  	_ =	shalt  }
0x77: {  	_ =	shalt  }
0x78: {  	_ =	shalt  }
0x79: {  	_ =	shalt  }
0x7a: {  	_ =	shalt  }
0x7b: {  	_ =	shalt  }
0x7c: {  	_ =	shalt  }
0x7d: {  	_ =	shalt  }
0x7e: {  	_ =	shalt  }
0x7f: {  	_ =	shalt  }
0x80: {  	_ =	shalt  }
0x81: {  	_ =	shalt  }
0x82: {  	_ =	shalt  }
0x83: {  	_ =	shalt  }
0x84: {  	_ =	shalt  }
0x85: {  	_ =	shalt  }
0x86: {  	_ =	shalt  }
0x87: {  	_ =	shalt  }
.Lfunc_end0:
.L_simem_size_0:
called_computation.2_lowered:
.L_overlay_start_0:
0x88: {  	s2 =	sld [smem:$0x3FD9]  }
0x89: {  	s3 =	sld [smem:$0x3FFE];
	_ =	sdelay $0x1  }
0x8a: {  	s1 =	srdreg.scid  }
0x8b: {  	s0 =	sand.u32 $0x1, s1  }
0x8c: {  	s16 =	sshll.u32 s0, $0xA;
	s2 =	sadd.s32 s3, s2  }
0x8d: {  	s2 =	sadd.s32 s2, s16  }
0x8e: {  	[smem:$0x3FB9] =	sst s2  }
0x8f: {  	_ = 	snop  }
0x90: {  	(tm) =	ssettm $0x1  }
0x91: {  	s17 =	sld [smem:$0x3FFB];
	_ =	sdelay $0x3  }
0x92: {  	_ =	strace s17  }
0x93: {  	s2 =	sld [smem:$0x3FFC];
	_ =	sdelay $0x3  }
0x94: {  	_ =	strace s2  }
0x95: {  	s2 =	sld [smem:$0x3FFD];
	_ =	sdelay $0x3  }
0x96: {  	_ =	strace s2  }
0x97: {  	_ =	strace $0x8FFFFFFF  }
0x98: {  	s18 =	sld [smem:$0x3FDB];
	_ =	sdelay $0x1  }
0x99: {  	s19 =	simm.s32 $_scs_section_size  }
0x9a: {  	s4 =	simm.s32 $_size__tile_overlayer_lowered;
	s5 =	simm.s32 $_tile_overlayer_lowered  }
0x9b: {  	s22 =	simm.s32 $0x1BFF;
	s21 =	sshll.u32 s5, $0x1;
	s2 =	sadd.s32 s19, s18  }
0x9c: {  	s6 =	simm.s32 $0x0;
	s20 =	sshll.u32 s4, $0x1;
	s4 =	sadd.s32 s21, s2  }
0x9d: {  	[timem:s6], [sflag:s22] =	dma.local [hbm:s4], s20  }
0x9e: {  	_ =	swait.ge [sflag:s22], s20  }
0x9f: {  	s3 =	ssub.s32 $0x0, s20;
	[sflag:s22] =	ssyncset.done $0x0  }
0xa0: {  	[sflag:s22] =	ssyncadd.s32 s3;
	_ =	sdelay $0x1  }
0xa1: {  	s23 =	simm.s32 $0x1B8B  }
0xa2: {  	_ =	swait.ge [sflag:s23], $0x1  }
0xa3: {  	[sflag:s23] =	ssyncset.done $0x0  }
0xa4: {  	s25 =	simm.s32 $0x1B8E;
	s24 =	sld [smem:$0x3FFE];
	[sflag:s23] =	ssyncadd.s32 $0xFFFFFFFF  }
0xa5: {  	s26 =	simm.s32 $execute0_lowered;
	[smem:$0x3FD2] =	sst s25  }
0xa6: {  	s4 =	sshll.u32 s26, $0x1;
	_ =	strace $0x8000004C;
	[dreg:$0x1] =	wrdreg $0xFFFFFFFF  }
0xa7: {  	s28 =	simm.s32 $_size_execute0_lowered;
	s2 =	sadd.s32 s2, s4;
	[dreg:$0x0] =	wrdreg $0x0  }
0xa8: {  	s4 =	sshll.u32 s28, $0x1;
	[dreg:$0x2] =	wrdreg s2  }
0xa9: {  	[dreg:$0x3] =	wrdreg s4  }
0xaa: {  	[dreg:$0x4] =	wrdreg $0xC0  }
0xab: {  	_ =	task [dreg:s6], $0x5FFFF  }
0xac: {  	[dreg:$0x1] =	wrdreg $0xFFFFFFFF  }
0xad: {  	[dreg:$0x0] =	wrdreg $0x60  }
0xae: {  	[dreg:$0x2] =	wrdreg s24  }
0xaf: {  	[dreg:$0x3] =	wrdreg $0x170000  }
0xb0: {  	[dreg:$0x4] =	wrdreg $0x120000  }
0xb1: {  	[dreg:$0x5] =	wrdreg $0x9  }
0xb2: {  	_ =	task.clear_ibuf [dreg:s6], $0x6FFFF;
	_ =	strace $0x9000004C  }
0xb3: {  	s29 =	simm.s32 $0x9;
	_ =	strace $0x8000004E  }
0xb4: {  	_ =	swait.ge [sflag:s29], $0x1  }
0xb5: {  	[sflag:s29] =	ssyncadd.s32 $0xFFFFFFFF  }
0xb6: {  	_ =	strace $0x9000004E  }
0xb7: {  	_ =	sfence  }
0xb8: {  	s30 =	sld [smem:$0x0];
	_ =	sdelay $0x2  }
0xb9: {  	s31 =	sshll.u32 s1, $0xD;
	s1 =	sshrl.u32 s1, $0x2  }
0xba: {  	s3 =	sand.u32 $0x4000, s31;
	s1 =	sadd.s32 s1, s30  }
0xbb: {  	s0 =	sor.u32 s3, s0;
	s1 =	sshll.u32 s1, $0x11  }
0xbc: {  	s0 =	sor.u32 s1, s0  }
0xbd: {  	s0 =	sadd.s32 $0x8F2B, s0  }
0xbe: {  	[sflag:s0] =	ssyncadd.remote.s32 $0x1  }
0xbf: {  	_ =	sfence.sel $0xFFFF  }
0xc0: {  	[dreg:$0x0] =	wrdreg $0xFFFFFFFF;
	(pc) =	sbr.abs _section_cstart, $3  }
0xc1: {  	[dreg:$0x1] =	wrdreg $0xFFFFFFFF  }
0xc2: {  	_ =	task.clear_ibuf [dreg:s6], $0x2FFFF;
	_ =	strace $0x9FFFFFFF  }
0xc3: {  	(tm) =	ssettm $0x7FFFFFFF  }
tec
execute0_lowered:
.L_overlay_start_1:
0x0: {  	(tag) =	ssettag $0x1  }
0x1: {  	s0 =	rddreg [dreg:$0x0]  }
0x2: {  	s2 =	rddreg [dreg:$0x1]  }
0x3: {  	s3 =	rddreg [dreg:$0x2];
	s9 =	stileid.u32;
	s5 =	simm.s32 $0x0  }
0x4: {  	s4 =	srdreg.scid;
	s11 =	simm.s32 $0x11;
	s15 =	simm.s32 $0x1  }
0x5: {  	s16 =	simm.s32 $0x4;
	s17 =	simm.s32 $0x8;
	s28 =	simm.s32 $0xE000  }
0x6: {  	s29 =	simm.s32 $0x2;
	s31 =	simm.s32 $0x9;
	s12 =	simm.s32 $0xD  }
0x7: {  	s10 =	simm.s32 $0xF;
	s14 =	simm.s32 $0x10;
	s1 =	smul.u32 $0xA00, s9  }
0x8: {  	s13 =	simm.s32 $0x0;
	[smem:$0x7FF] =	sst s5;
	s18 =	smul.u32 $0xA000, s9  }
0x9: {  	s4 =	sand.u32 $0x1, s4;
	s6 =	smul.u32 $0x5000, s9;
	s26 =	sshll.u32 s9, $0x6  }
0xa: {  	s9 =	simm.s32 $0xE;
	_ =	strace $0x8000004D;
	s7 =	sshll.u32 s4, $0x5  }
0xb: {  	s4 =	ssub.s32 $0x2, s4;
	s1 =	sadd.s32 s1, s0;
	s5 =	sor.u32 s7, s18  }
0xc: {  	s19 =	sshrl.u32 s6, $0x3;
	s8 =	sshrl.u32 s4, $0x1;
	s21 =	sadd.s32 s6, s2  }
0xd: {  	s23 =	sadd.s32 s6, s3;
	s18 =	sor.u32 $0x1C11, s26;
	s26 =	simm.s32 $0x10000  }
0xe: {  	s6 =	simm.s32 $0x7;
	s5 =	sshrl.u32 s5, $0x3;
	s7 =	sadd.s32 s19, s0  }
0xf: {  	s4 =	ssub.s32 s4, s8;
	s20 =	sadd.s32 $0x14400, s1;
	s1 =	sadd.s32 $0x2C00, s1  }
0x10: {  	s30 =	sshrl.u32 s21, $0x3;
	s19 =	simm.s32 $0x80;
	[dreg:$0xa] =	wrdreg s18  }
0x11: {  	s21 =	simm.s32 $0xB000;
	s8 =	simm.s32 $0xC;
	[dreg:$0x4] =	wrdreg s20  }
0x12: {  	s0 =	sadd.s32 s5, s0;
	[dreg:$0x5] =	wrdreg s1;
	s24 =	sadd.s32 $0x32400, s7  }
0x13: {  	s25 =	smax.u32 s4, $0x1;
	[dreg:$0xb] =	wrdreg s30;
	s20 =	sshrl.u32 s23, $0x3  }
.Ltmp0:
0x14: {  	s23 =	simm.s32 $0xC000;
	[dreg:$0x7] =	wrdreg s24;
	(pc) =	sbr.rel .LBB2_1-.Ltmp0, $4  }
0x15: {  	s1 =	simm.s32 $0x3;
	s7 =	simm.s32 $0xB;
	[dreg:$0x9] =	wrdreg s25  }
0x16: {  	s22 =	sadd.s32 $0x1E400, s0;
	s0 =	sadd.s32 $0x3C400, s0;
	[dreg:$0xc] =	wrdreg s20  }
0x17: {  	s25 =	simm.s32 $0xD000;
	s24 =	simm.s32 $0x5;
	[dreg:$0x6] =	wrdreg s22  }
0x18: {  	[dreg:$0x8] =	wrdreg s0;
	s0 =	simm.s32 $0xF000;
	s22 =	simm.s32 $0x11000  }
.LBB2_4:
0x19: {  	_ =	swait.ge [sflag:s17], $0x1000  }
0x1a: {  	[sflag:s17] =	ssyncset.done $0x0  }
0x1b: {  	[sflag:s17] =	ssyncadd.s32 $0xFFFFF000  }
0x1c: {  	[spmem:s3] =	stream.indirect.scatter.add.f32 [tilespmem:s22], [sflag:$0x10], $0x20, s18, s19, $0xb8;
	[tilespmem:$0x1C000] =	vst v63  }
0x1d: {  	_ =	swait.ge [sflag:s8], $0x1000  }
0x1e: {  	[sflag:s8] =	ssyncset.done $0x0  }
0x1f: {  	[sflag:s8] =	ssyncadd.s32 $0xFFFFF000  }
0x20: {  	_ =	swait.ge [sflag:s12], $0x1000  }
0x21: {  	[sflag:s12] =	ssyncset.done $0x0  }
0x22: {  	[sflag:s12] =	ssyncadd.s32 $0xFFFFF000  }
0x23: {  	_ =	swait.ge [sflag:s9], $0x1000  }
0x24: {  	[sflag:s9] =	ssyncset.done $0x0  }
0x25: {  	[sflag:s9] =	ssyncadd.s32 $0xFFFFF000  }
0x26: {  	_ =	swait.ge [sflag:s10], $0x1000  }
0x27: {  	[sflag:s10] =	ssyncset.done $0x0  }
0x28: {  	[sflag:s10] =	ssyncadd.s32 $0xFFFFF000  }
0x29: {  	_ =	swait.ge [sflag:s14], $0x1000  }
0x2a: {  	[sflag:s14] =	ssyncset.done $0x0  }
0x2b: {  	[sflag:s14] =	ssyncadd.s32 $0xFFFFF000  }
0x2c: {  	[bflag:$0x0] =	sbarrier.arrive $0xFFFF  }
0x2d: {  	s4 =	rddreg [dreg:$0x8]  }
0x2e: {  	s18 =	rddreg [dreg:$0xa]  }
0x2f: {  	s11 =	simm.s32 $0x11;
	s20 =	rddreg [dreg:$0xc]  }
0x30: {  	[hbm:s4@s17], [sflag:s18] =	dma.strided [spmem:s20@s16], $0xA00, s15, $0x4   }
0x31: {  	_ =	swait.ge [sflag:s11], $0xA00  }
0x32: {  	s13 =	rddreg [dreg:$0xd]  }
0x33: {  	s30 =	rddreg [dreg:$0x9];
	s13 =	sadd.s32 $0x1, s13  }
0x34: {  	p0 =	sne.s32 s13, s30  }
.Ltmp1:
0x35: {  	_ = 	snop;
	(pc) =	sbr.rel @!p0 .LBB2_5-.Ltmp1, $3  }
0x36: {  	_ =	sdelay $0x1  }
0x37: {  	[sflag:s11] =	ssyncset.done $0x0  }
0x38: {  	[sflag:s11] =	ssyncadd.s32 $0xFFFFF600  }
.LBB2_1:
0x39: {  	[dreg:$0xd] =	wrdreg s13  }
0x3a: {  	s4 =	simm.s32 $0x0;
	s5 =	rddreg [dreg:$0x4]  }
0x3b: {  	[tilespmem:s4], [sflag:$0x11] =	stream.linear.gather [hbm4b:s5+s4], $0x5000, $0x38;
	[tilespmem:$0x1C000] =	vst v63  }
0x3c: {  	_ =	swait.ge [sflag:s11], $0x5000  }
0x3d: {  	[sflag:s11] =	ssyncset.done $0x0  }
0x3e: {  	s13 =	simm.s32 $0x5000;
	s5 =	rddreg [dreg:$0x5];
	[sflag:s11] =	ssyncadd.s32 $0xFFFFB000  }
0x3f: {  	[tilespmem:s13], [sflag:$0x11] =	stream.linear.gather [hbm4b:s5+s4], $0x5000, $0x38;
	[tilespmem:$0x1C000] =	vst v63  }
0x40: {  	_ =	swait.ge [sflag:s11], $0x5000  }
0x41: {  	[sflag:s11] =	ssyncset.done $0x0;
	s5 =	rddreg [dreg:$0x6]  }
0x42: {  	s30 =	rddreg [dreg:$0xb];
	[sflag:s11] =	ssyncadd.s32 $0xFFFFB000  }
0x43: {  	[spmem:s30@s16], [sflag:s18] =	dma.strided [hbm:s5@s17], $0xA00, s15, $0x4   }
0x44: {  	_ =	swait.ge [sflag:s11], $0xA00  }
0x45: {  	[sflag:s11] =	ssyncset.done $0x0  }
0x46: {  	s5 =	rddreg [dreg:$0x7];
	[sflag:s11] =	ssyncadd.s32 $0xFFFFF600  }
0x47: {  	[spmem:s20], [sflag:s18] =	dma.local [hbm:s5], $0xA00  }
0x48: {  	_ =	swait.ge [sflag:s11], $0xA00  }
0x49: {  	[sflag:s11] =	ssyncset.done $0x0  }
0x4a: {  	[sflag:s11] =	ssyncadd.s32 $0xFFFFF600  }
0x4b: {  	s20 =	simm.s32 $0xA000;
	[bflag:$0x0] =	sbarrier.arrive $0xFFFF  }
0x4c: {  	[tilespmem:s20], [sflag:$0x1] =	stream.indirect.gather [spmem:s2], $0x20, s4, s19, $0xb8;
	[tilespmem:$0x1C000] =	vst v63  }
0x4d: {  	_ = 	snop  }
0x4e: {  	[tilespmem:s21], [sflag:$0x2] =	stream.indirect.gather [spmem:s2], $0x20, s19, s19, $0xb8;
	[tilespmem:$0x1C000] =	vst v63  }
0x4f: {  	s5 =	simm.s32 $0x100  }
0x50: {  	[tilespmem:s23], [sflag:$0x3] =	stream.indirect.gather [spmem:s2], $0x20, s5, s19, $0xb8;
	[tilespmem:$0x1C000] =	vst v63  }
0x51: {  	s11 =	simm.s32 $0x180  }
0x52: {  	[tilespmem:s25], [sflag:$0x4] =	stream.indirect.gather [spmem:s2], $0x20, s11, s19, $0xb8;
	[tilespmem:$0x1C000] =	vst v63  }
0x53: {  	_ =	swait.ge [sflag:s15], $0x1000  }
0x54: {  	[sflag:s15] =	ssyncset.done $0x0  }
0x55: {  	[sflag:s15] =	ssyncadd.s32 $0xFFFFF000  }
0x56: {  	[spmem:s3] =	stream.indirect.scatter.add.f32 [tilespmem:s20], [sflag:$0x9], $0x20, s13, s19, $0xb8;
	[tilespmem:$0x1C000] =	vst v63  }
0x57: {  	s18 =	simm.s32 $0x200  }
0x58: {  	[tilespmem:s28], [sflag:$0x5] =	stream.indirect.gather [spmem:s2], $0x20, s18, s19, $0xb8;
	[tilespmem:$0x1C000] =	vst v63  }
0x59: {  	_ =	swait.ge [sflag:s29], $0x1000  }
0x5a: {  	[sflag:s29] =	ssyncset.done $0x0  }
0x5b: {  	s5 =	simm.s32 $0x5080;
	[sflag:s29] =	ssyncadd.s32 $0xFFFFF000  }
0x5c: {  	[spmem:s3] =	stream.indirect.scatter.add.f32 [tilespmem:s21], [sflag:$0xA], $0x20, s5, s19, $0xb8;
	[tilespmem:$0x1C000] =	vst v63  }
0x5d: {  	s11 =	simm.s32 $0x280  }
0x5e: {  	[tilespmem:s0], [sflag:$0x6] =	stream.indirect.gather [spmem:s2], $0x20, s11, s19, $0xb8;
	[tilespmem:$0x1C000] =	vst v63  }
0x5f: {  	_ =	swait.ge [sflag:s1], $0x1000  }
0x60: {  	[sflag:s1] =	ssyncset.done $0x0  }
0x61: {  	s13 =	simm.s32 $0x5100;
	[sflag:s1] =	ssyncadd.s32 $0xFFFFF000  }
0x62: {  	[spmem:s3] =	stream.indirect.scatter.add.f32 [tilespmem:s23], [sflag:$0xB], $0x20, s13, s19, $0xb8;
	[tilespmem:$0x1C000] =	vst v63  }
0x63: {  	s18 =	simm.s32 $0x300  }
0x64: {  	[tilespmem:s26], [sflag:$0x7] =	stream.indirect.gather [spmem:s2], $0x20, s18, s19, $0xb8;
	[tilespmem:$0x1C000] =	vst v63  }
0x65: {  	_ =	swait.ge [sflag:s16], $0x1000  }
0x66: {  	[sflag:s16] =	ssyncset.done $0x0  }
0x67: {  	s5 =	simm.s32 $0x5180;
	[sflag:s16] =	ssyncadd.s32 $0xFFFFF000  }
0x68: {  	[spmem:s3] =	stream.indirect.scatter.add.f32 [tilespmem:s25], [sflag:$0xC], $0x20, s5, s19, $0xb8;
	[tilespmem:$0x1C000] =	vst v63  }
0x69: {  	s11 =	simm.s32 $0x380  }
0x6a: {  	[tilespmem:s22], [sflag:$0x8] =	stream.indirect.gather [spmem:s2], $0x20, s11, s19, $0xb8;
	[tilespmem:$0x1C000] =	vst v63  }
0x6b: {  	_ =	swait.ge [sflag:s24], $0x1000  }
0x6c: {  	[sflag:s24] =	ssyncset.done $0x0  }
0x6d: {  	s13 =	simm.s32 $0x5200;
	[sflag:s24] =	ssyncadd.s32 $0xFFFFF000  }
0x6e: {  	[spmem:s3] =	stream.indirect.scatter.add.f32 [tilespmem:s28], [sflag:$0xD], $0x20, s13, s19, $0xb8;
	[tilespmem:$0x1C000] =	vst v63  }
0x6f: {  	_ =	swait.ge [sflag:s31], $0x1000  }
0x70: {  	[sflag:s31] =	ssyncset.done $0x0  }
0x71: {  	s18 =	simm.s32 $0x400;
	s5 =	simm.s32 $0x6;
	[sflag:s31] =	ssyncadd.s32 $0xFFFFF000  }
0x72: {  	[tilespmem:s20], [sflag:$0x1] =	stream.indirect.gather [spmem:s2], $0x20, s18, s19, $0xb8;
	[tilespmem:$0x1C000] =	vst v63  }
0x73: {  	_ =	swait.ge [sflag:s5], $0x1000  }
0x74: {  	[sflag:s5] =	ssyncset.done $0x0  }
0x75: {  	s11 =	simm.s32 $0x5280;
	s13 =	simm.s32 $0xA;
	[sflag:s5] =	ssyncadd.s32 $0xFFFFF000  }
0x76: {  	[spmem:s3] =	stream.indirect.scatter.add.f32 [tilespmem:s0], [sflag:$0xE], $0x20, s11, s19, $0xb8;
	[tilespmem:$0x1C000] =	vst v63  }
0x77: {  	_ =	swait.ge [sflag:s13], $0x1000  }
0x78: {  	[sflag:s13] =	ssyncset.done $0x0  }
0x79: {  	s18 =	simm.s32 $0x480;
	[sflag:s13] =	ssyncadd.s32 $0xFFFFF000  }
0x7a: {  	[tilespmem:s21], [sflag:$0x2] =	stream.indirect.gather [spmem:s2], $0x20, s18, s19, $0xb8;
	[tilespmem:$0x1C000] =	vst v63  }
0x7b: {  	_ =	swait.ge [sflag:s6], $0x1000  }
0x7c: {  	[sflag:s6] =	ssyncset.done $0x0  }
0x7d: {  	s5 =	simm.s32 $0x5300;
	[sflag:s6] =	ssyncadd.s32 $0xFFFFF000  }
0x7e: {  	[spmem:s3] =	stream.indirect.scatter.add.f32 [tilespmem:s26], [sflag:$0xF], $0x20, s5, s19, $0xb8;
	[tilespmem:$0x1C000] =	vst v63  }
0x7f: {  	_ =	swait.ge [sflag:s7], $0x1000  }
0x80: {  	[sflag:s7] =	ssyncset.done $0x0  }
0x81: {  	s11 =	simm.s32 $0x500;
	[sflag:s7] =	ssyncadd.s32 $0xFFFFF000  }
0x82: {  	[tilespmem:s23], [sflag:$0x3] =	stream.indirect.gather [spmem:s2], $0x20, s11, s19, $0xb8;
	[tilespmem:$0x1C000] =	vst v63  }
0x83: {  	_ =	swait.ge [sflag:s17], $0x1000  }
0x84: {  	[sflag:s17] =	ssyncset.done $0x0  }
0x85: {  	s13 =	simm.s32 $0x5380;
	[sflag:s17] =	ssyncadd.s32 $0xFFFFF000  }
0x86: {  	[spmem:s3] =	stream.indirect.scatter.add.f32 [tilespmem:s22], [sflag:$0x10], $0x20, s13, s19, $0xb8;
	[tilespmem:$0x1C000] =	vst v63  }
0x87: {  	_ =	swait.ge [sflag:s8], $0x1000  }
0x88: {  	[sflag:s8] =	ssyncset.done $0x0  }
0x89: {  	s30 =	simm.s32 $0x0;
	s18 =	simm.s32 $0x580;
	[sflag:s8] =	ssyncadd.s32 $0xFFFFF000  }
0x8a: {  	[tilespmem:s25], [sflag:$0x4] =	stream.indirect.gather [spmem:s2], $0x20, s18, s19, $0xb8;
	[tilespmem:$0x1C000] =	vst v63  }
.LBB2_2:
0x8b: {  	_ =	swait.ge [sflag:s15], $0x1000  }
0x8c: {  	s5 =	sshra.s32 s30, $0x2;
	[sflag:s15] =	ssyncset.done $0x0  }
0x8d: {  	s18 =	sadd.s32 $0x5400, s5;
	[sflag:s15] =	ssyncadd.s32 $0xFFFFF000  }
0x8e: {  	[spmem:s3] =	stream.indirect.scatter.add.f32 [tilespmem:s20], [sflag:$0x9], $0x20, s18, s19, $0xb8;
	[tilespmem:$0x1C000] =	vst v63  }
0x8f: {  	_ =	swait.ge [sflag:s12], $0x1000  }
0x90: {  	[sflag:s12] =	ssyncset.done $0x0  }
0x91: {  	s11 =	sadd.s32 $0x600, s5;
	[sflag:s12] =	ssyncadd.s32 $0xFFFFF000  }
0x92: {  	[tilespmem:s28], [sflag:$0x5] =	stream.indirect.gather [spmem:s2], $0x20, s11, s19, $0xb8;
	[tilespmem:$0x1C000] =	vst v63  }
0x93: {  	_ =	swait.ge [sflag:s29], $0x1000  }
0x94: {  	[sflag:s29] =	ssyncset.done $0x0  }
0x95: {  	s13 =	sadd.s32 $0x5480, s5;
	[sflag:s29] =	ssyncadd.s32 $0xFFFFF000  }
0x96: {  	[spmem:s3] =	stream.indirect.scatter.add.f32 [tilespmem:s21], [sflag:$0xA], $0x20, s13, s19, $0xb8;
	[tilespmem:$0x1C000] =	vst v63  }
0x97: {  	_ =	swait.ge [sflag:s9], $0x1000  }
0x98: {  	[sflag:s9] =	ssyncset.done $0x0  }
0x99: {  	s4 =	sadd.s32 $0x680, s5;
	[sflag:s9] =	ssyncadd.s32 $0xFFFFF000  }
0x9a: {  	[tilespmem:s0], [sflag:$0x6] =	stream.indirect.gather [spmem:s2], $0x20, s4, s19, $0xb8;
	[tilespmem:$0x1C000] =	vst v63  }
0x9b: {  	_ =	swait.ge [sflag:s1], $0x1000  }
0x9c: {  	[sflag:s1] =	ssyncset.done $0x0  }
0x9d: {  	s11 =	sadd.s32 $0x5500, s5;
	[sflag:s1] =	ssyncadd.s32 $0xFFFFF000  }
0x9e: {  	[spmem:s3] =	stream.indirect.scatter.add.f32 [tilespmem:s23], [sflag:$0xB], $0x20, s11, s19, $0xb8;
	[tilespmem:$0x1C000] =	vst v63  }
0x9f: {  	_ =	swait.ge [sflag:s10], $0x1000  }
0xa0: {  	[sflag:s10] =	ssyncset.done $0x0  }
0xa1: {  	s13 =	sadd.s32 $0x700, s5;
	[sflag:s10] =	ssyncadd.s32 $0xFFFFF000  }
0xa2: {  	[tilespmem:s26], [sflag:$0x7] =	stream.indirect.gather [spmem:s2], $0x20, s13, s19, $0xb8;
	[tilespmem:$0x1C000] =	vst v63  }
0xa3: {  	_ =	swait.ge [sflag:s16], $0x1000  }
0xa4: {  	[sflag:s16] =	ssyncset.done $0x0  }
0xa5: {  	s4 =	sadd.s32 $0x5580, s5;
	[sflag:s16] =	ssyncadd.s32 $0xFFFFF000  }
0xa6: {  	[spmem:s3] =	stream.indirect.scatter.add.f32 [tilespmem:s25], [sflag:$0xC], $0x20, s4, s19, $0xb8;
	[tilespmem:$0x1C000] =	vst v63  }
0xa7: {  	_ =	swait.ge [sflag:s14], $0x1000  }
0xa8: {  	[sflag:s14] =	ssyncset.done $0x0  }
0xa9: {  	s11 =	sadd.s32 $0x780, s5;
	[sflag:s14] =	ssyncadd.s32 $0xFFFFF000  }
0xaa: {  	[tilespmem:s22], [sflag:$0x8] =	stream.indirect.gather [spmem:s2], $0x20, s11, s19, $0xb8;
	[tilespmem:$0x1C000] =	vst v63  }
0xab: {  	_ =	swait.ge [sflag:s24], $0x1000  }
0xac: {  	[sflag:s24] =	ssyncset.done $0x0  }
0xad: {  	s13 =	sadd.s32 $0x5600, s5;
	[sflag:s24] =	ssyncadd.s32 $0xFFFFF000  }
0xae: {  	[spmem:s3] =	stream.indirect.scatter.add.f32 [tilespmem:s28], [sflag:$0xD], $0x20, s13, s19, $0xb8;
	[tilespmem:$0x1C000] =	vst v63  }
0xaf: {  	_ =	swait.ge [sflag:s31], $0x1000  }
0xb0: {  	p0 =	seq.s32 s30, $0x12000;
	[sflag:s31] =	ssyncset.done $0x0  }
0xb1: {  	s18 =	simm.s32 @p0 $0x6;
	[sflag:s31] =	ssyncadd.s32 $0xFFFFF000  }
0xb2: {  	_ =	swait.ge @p0 [sflag:s18], $0x1000  }
0xb3: {  	[sflag:s18] =	ssyncset.done @p0 $0x0  }
0xb4: {  	[sflag:s18] =	ssyncadd.s32 @p0 $0xFFFFF000;
	s18 =	sshra.s32 @p0 s30, $0x2  }
0xb5: {  	s11 =	simm.s32 @p0 $0xF000;
	s13 =	simm.s32 @p0 $0x80;
	s18 =	sadd.s32 @p0 $0x5680, s18  }
0xb6: {  	[spmem:s3] =	stream.indirect.scatter.add.f32 @p0 [tilespmem:s11], [sflag:$0xE], $0x20, s18, s13, $0xb8;
	[tilespmem:$0x1C000] =	vst v63  }
0xb7: {  	s11 =	simm.s32 @p0 $0xA  }
0xb8: {  	_ =	swait.ge @p0 [sflag:s11], $0x1000  }
0xb9: {  	[sflag:s11] =	ssyncset.done @p0 $0x0  }
0xba: {  	[sflag:s11] =	ssyncadd.s32 @p0 $0xFFFFF000;
	s11 =	sshra.s32 @!p0 s30, $0x2  }
0xbb: {  	s4 =	simm.s32 @!p0 $0xA000;
	s18 =	simm.s32 @!p0 $0x80;
	s13 =	sadd.s32 @!p0 $0x800, s11  }
0xbc: {  	[tilespmem:s4], [sflag:$0x1] =	stream.indirect.gather @!p0 [spmem:s2], $0x20, s13, s18, $0xb8;
	[tilespmem:$0x1C000] =	vst v63  }
0xbd: {  	s4 =	simm.s32 @!p0 $0x6  }
0xbe: {  	_ =	swait.ge @!p0 [sflag:s4], $0x1000  }
0xbf: {  	[sflag:s4] =	ssyncset.done @!p0 $0x0  }
0xc0: {  	s13 =	simm.s32 @!p0 $0xF000;
	[sflag:s4] =	ssyncadd.s32 @!p0 $0xFFFFF000;
	s4 =	sadd.s32 @!p0 $0x5680, s11  }
0xc1: {  	[spmem:s3] =	stream.indirect.scatter.add.f32 @!p0 [tilespmem:s13], [sflag:$0xE], $0x20, s4, s18, $0xb8;
	[tilespmem:$0x1C000] =	vst v63  }
0xc2: {  	s4 =	simm.s32 @!p0 $0xA  }
0xc3: {  	_ =	swait.ge @!p0 [sflag:s4], $0x1000  }
0xc4: {  	[sflag:s4] =	ssyncset.done @!p0 $0x0  }
0xc5: {  	[sflag:s4] =	ssyncadd.s32 @!p0 $0xFFFFF000;
	s4 =	sadd.s32 @!p0 $0x880, s11;
	s11 =	simm.s32 @!p0 $0xB000  }
0xc6: {  	[tilespmem:s11], [sflag:$0x2] =	stream.indirect.gather @!p0 [spmem:s2], $0x20, s4, s18, $0xb8;
	[tilespmem:$0x1C000] =	vst v63  }
0xc7: {  	_ =	swait.ge [sflag:s6], $0x1000  }
0xc8: {  	[sflag:s6] =	ssyncset.done $0x0  }
.Ltmp2:
0xc9: {  	s18 =	sadd.s32 $0x5700, s5;
	[sflag:s6] =	ssyncadd.s32 $0xFFFFF000;
	(pc) =	sbr.rel @p0 .LBB2_4-.Ltmp2, $4  }
0xca: {  	[spmem:s3] =	stream.indirect.scatter.add.f32 [tilespmem:s26], [sflag:$0xF], $0x20, s18, s19, $0xb8;
	[tilespmem:$0x1C000] =	vst v63  }
0xcb: {  	_ =	swait.ge [sflag:s7], $0x1000  }
0xcc: {  	[sflag:s7] =	ssyncset.done $0x0  }
0xcd: {  	s18 =	sadd.s32 $0x5780, s5;
	[sflag:s7] =	ssyncadd.s32 $0xFFFFF000  }
0xce: {  	s4 =	sadd.s32 $0x900, s5  }
0xcf: {  	[tilespmem:s23], [sflag:$0x3] =	stream.indirect.gather [spmem:s2], $0x20, s4, s19, $0xb8;
	[tilespmem:$0x1C000] =	vst v63  }
0xd0: {  	_ =	swait.ge [sflag:s17], $0x1000  }
0xd1: {  	[sflag:s17] =	ssyncset.done $0x0  }
0xd2: {  	[sflag:s17] =	ssyncadd.s32 $0xFFFFF000  }
0xd3: {  	[spmem:s3] =	stream.indirect.scatter.add.f32 [tilespmem:s22], [sflag:$0x10], $0x20, s18, s19, $0xb8;
	[tilespmem:$0x1C000] =	vst v63  }
.Ltmp3:
0xd4: {  	_ = 	snop;
	(pc) =	sbr.rel .LBB2_2-.Ltmp3, $4  }
0xd5: {  	_ =	swait.ge [sflag:s8], $0x1000  }
0xd6: {  	[sflag:s8] =	ssyncset.done $0x0  }
0xd7: {  	s30 =	sadd.s32 $0x1000, s30;
	s18 =	sadd.s32 $0x980, s5;
	[sflag:s8] =	ssyncadd.s32 $0xFFFFF000  }
0xd8: {  	[tilespmem:s25], [sflag:$0x4] =	stream.indirect.gather [spmem:s2], $0x20, s18, s19, $0xb8;
	[tilespmem:$0x1C000] =	vst v63  }
.LBB2_5:
0xd9: {  	_ =	sfence.sel $0x180000  }
0xda: {  	[bflag:$0x0] =	sbarrier.arrive $0xFFFF  }
0xdb: {  	_ =	strace $0x9000004D  }
0xdc: {  	s0 =	stileid.u32;
	[bflag:$0x2] =	sbarrier.arrive $0xFFFF  }
0xdd: {  	p0 =	sne.s32 s0, $0x0;
	s0 =	rddreg [dreg:$0x3]  }
0xde: {  	s0 =	sadd.s32 @!p0 $0x100000, s0  }
0xdf: {  	[sflag:s0] =	ssyncadd.tile.s32 @!p0 $0x1;
	_ =	shalt  }
.Lfunc_end2:
_tile_overlayer_lowered:
.L_overlay_start_2:
0xe0: {  	(tag) =	ssettag $0x2  }
0xe1: {  	s0 =	rddreg [dreg:$0x0];
	s2 =	stileid.u32  }
0xe2: {  	s1 =	rddreg [dreg:$0x1];
	p0 =	sne.s32 s2, $0x0  }
0xe3: {  	s3 =	rddreg [dreg:$0x2];
	[bflag:$0x3] =	sbarrier.arrive $0xFFFF;
	s2 =	simm.s32 @!p0 $0x1C11  }
0xe4: {  	[timem:s3], [sflag:s2] =	dma.local @!p0 [hbm:s0], s1  }
0xe5: {  	s0 =	simm.s32 @!p0 $0x11  }
0xe6: {  	_ =	swait.ge @!p0 [sflag:s0], s1  }
0xe7: {  	s1 =	ssub.s32 @!p0 $0x0, s1;
	[sflag:s0] =	ssyncset.done @!p0 $0x0  }
0xe8: {  	[sflag:s0] =	ssyncadd.s32 @!p0 s1  }
0xe9: {  	[bflag:$0x3] =	sbarrier.arrive $0xFFFF  }
0xea: {  	_ =	shalt  }

// kernel: kernel.19.cloned.1.call-start
scs
__scs_entry_jumppad:
0x0: {  	(pc) =	sbr.rel $0x88, $3  }
0x1: {  	(tag) =	ssettag $0x0;
	lr =	simm.s32 $0x1  }
0x2: {  	[smem:$0x3F92] =	sst lr;
	_ =	strace $0xD0000000  }
0x3: {  	_ = 	snop  }
0x4: {  	_ = 	snop  }
0x5: {  	_ = 	snop  }
0x6: {  	_ = 	snop  }
0x7: {  	_ = 	snop  }
__scs_overlays_trampoline_lowered:
0x8: {  	[smem:$0x3FA1] =	sst s0  }
0x9: {  	[smem:$0x3FA2] =	sst s1  }
0xa: {  	[smem:$0x3FA3] =	sst s2  }
0xb: {  	[smem:$0x3FA4] =	sst s3  }
0xc: {  	[smem:$0x3FA5] =	sst s4  }
0xd: {  	[smem:$0x3FA6] =	sst s5  }
0xe: {  	[smem:$0x3FA7] =	sst s6  }
0xf: {  	[smem:$0x3FA8] =	sst s7  }
0x10: {  	[smem:$0x3FA9] =	sst s8  }
0x11: {  	[smem:$0x3FAA] =	sst s9;
	s0 =	simm.s32 @!p0 $0x0  }
0x12: {  	s1 =	sld [smem:$0x3F90];
	s0 =	simm.s32 @p0 $0x1  }
0x13: {  	[smem:$0x3FAB] =	sst s0;
	s0 =	simm.s32 @!p1 $0x0  }
0x14: {  	s2 =	sld [smem:$0x3F8F];
	s0 =	simm.s32 @p1 $0x1  }
0x15: {  	[smem:$0x3FAC] =	sst s0;
	s0 =	simm.s32 @!p2 $0x0  }
0x16: {  	s3 =	sld [smem:$0x3FDB];
	s0 =	simm.s32 @p2 $0x1  }
0x17: {  	s4 =	simm.s32 $0x1BF5;
	[smem:$0x3FAE] =	sst s0  }
0x18: {  	s0 =	sld [smem:$0x3F91];
	_ =	swait.ge [sflag:s4], $0x0  }
0x19: {  	s7 =	sld [smem:$0x3F92]  }
0x1a: {  	s8 =	sadd.s32 $0xFFFFE003, lr  }
0x1b: {  	s9 =	sadd.s32 $0xFFFFFEF7, lr;
	s5 =	simm.s32 $0xFFFFFFFF;
	p2 =	slt.u32 s8, $0xFFFFF086  }
0x1c: {  	p1 =	slt.u32 s9, $0xF7A;
	s5 =	simm.s32 @!p2 $0x0  }
0x1d: {  	s5 =	simm.s32 @p1 $0x1;
	p0 =	seq.s32 s7, s2  }
0x1e: {  	s7 =	smul.u32 @!p0 $0xF7A, s2;
	p2 =	seq.s32 @!p0 s5, $0x0  }
0x1f: {  	s9 =	smul.u32 $0xF7A, s1;
	s8 =	simm.s32 @!p0 $0x1BF5;
	p2 =	por !p2, p0  }
0x20: {  	[sflag:s8] =	ssyncset.s32 @!p0 $0xFFFFF086;
	s6 =	sadd.s32 @!p0 s3, s7;
	s7 =	simm.s32 @!p0 $0x108  }
0x21: {  	s3 =	sadd.s32 s3, s9;
	s6 =	sadd.s32 @!p0 $0x88, s6;
	s7 =	simm.s32 @p2 $0x1082  }
0x22: {  	[simem:s7], [sflag:s8] =	dma.local @!p0 [hbm:s6], $0xF7A  }
0x23: {  	s9 =	sor.u32 $0xD0000000, s2;
	s6 =	simm.s32 $0x108;
	_ =	swait.ge @!p0 [sflag:s8], $0x0  }
0x24: {  	s3 =	sadd.s32 $0x88, s3;
	s6 =	simm.s32 @!p1 $0x1082;
	[sflag:s4] =	ssyncset.s32 $0xFFFFF086  }
0x25: {  	[simem:s6], [sflag:s4] =	dma.local [hbm:s3], $0xF7A  }
0x26: {  	[smem:$0x3F92] =	sst s1;
	(tag) =	ssettag s2;
	_ =	strace s9  }
0x27: {  	s1 =	sld [smem:$0x3FA2]  }
0x28: {  	s2 =	sld [smem:$0x3FA3]  }
0x29: {  	s4 =	sld [smem:$0x3FA5]  }
0x2a: {  	p0 =	seq.s32 s5, $0x0;
	s5 =	sld [smem:$0x3FA6]  }
0x2b: {  	s6 =	sld [smem:$0x3FA7]  }
0x2c: {  	s7 =	sld [smem:$0x3FA8]  }
0x2d: {  	s3 =	simm.s32 $0x108;
	s8 =	sld [smem:$0x3FA9]  }
0x2e: {  	s3 =	simm.s32 @!p0 $0x1082;
	s9 =	sld [smem:$0x3FAA]  }
0x2f: {  	lr =	sadd.s32 s0, s3;
	s0 =	sld [smem:$0x3FA1]  }
0x30: {  	s3 =	sld [smem:$0x3FA4]  }
0x31: {  	[smem:$0x3FAD] =	sst s10  }
0x32: {  	s10 =	sld [smem:$0x3FAB];
	_ =	sdelay $0x3  }
0x33: {  	p0 =	seq.s32 s10, $0x1;
	s10 =	sld [smem:$0x3FAD];
	_ =	sdelay $0x3  }
0x34: {  	[smem:$0x3FAD] =	sst s10  }
0x35: {  	s10 =	sld [smem:$0x3FAC];
	_ =	sdelay $0x3  }
0x36: {  	p1 =	seq.s32 s10, $0x1;
	s10 =	sld [smem:$0x3FAD];
	_ =	sdelay $0x3  }
0x37: {  	[smem:$0x3FAD] =	sst s10  }
0x38: {  	s10 =	sld [smem:$0x3FAE]  }
0x39: {  	_ = 	snop;
	(pc) =	sbr.ind lr, $3  }
0x3a: {  	_ = 	snop  }
0x3b: {  	_ = 	snop  }
0x3c: {  	p2 =	seq.s32 s10, $0x1;
	s10 =	sld [smem:$0x3FAD]  }
0x3d: {  	_ =	shalt  }
0x3e: {  	_ =	shalt  }
0x3f: {  	_ =	shalt  }
0x40: {  	_ =	shalt  }
0x41: {  	_ =	shalt  }
0x42: {  	_ =	shalt  }
0x43: {  	_ =	shalt  }
0x44: {  	_ =	shalt  }
0x45: {  	_ =	shalt  }
0x46: {  	_ =	shalt  }
0x47: {  	_ =	shalt  }
0x48: {  	_ =	shalt  }
0x49: {  	_ =	shalt  }
0x4a: {  	_ =	shalt  }
0x4b: {  	_ =	shalt  }
0x4c: {  	_ =	shalt  }
0x4d: {  	_ =	shalt  }
0x4e: {  	_ =	shalt  }
0x4f: {  	_ =	shalt  }
0x50: {  	_ =	shalt  }
0x51: {  	_ =	shalt  }
0x52: {  	_ =	shalt  }
0x53: {  	_ =	shalt  }
0x54: {  	_ =	shalt  }
0x55: {  	_ =	shalt  }
0x56: {  	_ =	shalt  }
0x57: {  	_ =	shalt  }
0x58: {  	_ =	shalt  }
0x59: {  	_ =	shalt  }
0x5a: {  	_ =	shalt  }
0x5b: {  	_ =	shalt  }
0x5c: {  	_ =	shalt  }
0x5d: {  	_ =	shalt  }
0x5e: {  	_ =	shalt  }
0x5f: {  	_ =	shalt  }
0x60: {  	_ =	shalt  }
0x61: {  	_ =	shalt  }
0x62: {  	_ =	shalt  }
0x63: {  	_ =	shalt  }
0x64: {  	_ =	shalt  }
0x65: {  	_ =	shalt  }
0x66: {  	_ =	shalt  }
0x67: {  	_ =	shalt  }
0x68: {  	_ =	shalt  }
0x69: {  	_ =	shalt  }
0x6a: {  	_ =	shalt  }
0x6b: {  	_ =	shalt  }
0x6c: {  	_ =	shalt  }
0x6d: {  	_ =	shalt  }
0x6e: {  	_ =	shalt  }
0x6f: {  	_ =	shalt  }
0x70: {  	_ =	shalt  }
0x71: {  	_ =	shalt  }
0x72: {  	_ =	shalt  }
0x73: {  	_ =	shalt  }
0x74: {  	_ =	shalt  }
0x75: {  	_ =	shalt  }
0x76: {  	_ =	shalt  }
0x77: {  	_ =	shalt  }
0x78: {  	_ =	shalt  }
0x79: {  	_ =	shalt  }
0x7a: {  	_ =	shalt  }
0x7b: {  	_ =	shalt  }
0x7c: {  	_ =	shalt  }
0x7d: {  	_ =	shalt  }
0x7e: {  	_ =	shalt  }
0x7f: {  	_ =	shalt  }
0x80: {  	_ =	shalt  }
0x81: {  	_ =	shalt  }
0x82: {  	_ =	shalt  }
0x83: {  	_ =	shalt  }
0x84: {  	_ =	shalt  }
0x85: {  	_ =	shalt  }
0x86: {  	_ =	shalt  }
0x87: {  	_ =	shalt  }
.Lfunc_end0:
.L_simem_size_0:
called_computation.3_lowered:
.L_overlay_start_0:
0x88: {  	s2 =	sld [smem:$0x3FD9]  }
0x89: {  	s3 =	sld [smem:$0x3FFE];
	_ =	sdelay $0x1  }
0x8a: {  	s1 =	srdreg.scid  }
0x8b: {  	s0 =	sand.u32 $0x1, s1  }
0x8c: {  	s16 =	sshll.u32 s0, $0xA;
	s2 =	sadd.s32 s3, s2  }
0x8d: {  	s2 =	sadd.s32 s2, s16  }
0x8e: {  	[smem:$0x3FB9] =	sst s2  }
0x8f: {  	_ = 	snop  }
0x90: {  	(tm) =	ssettm $0x1  }
0x91: {  	s17 =	sld [smem:$0x3FFB];
	_ =	sdelay $0x3  }
0x92: {  	_ =	strace s17  }
0x93: {  	s2 =	sld [smem:$0x3FFC];
	_ =	sdelay $0x3  }
0x94: {  	_ =	strace s2  }
0x95: {  	s2 =	sld [smem:$0x3FFD];
	_ =	sdelay $0x3  }
0x96: {  	_ =	strace s2  }
0x97: {  	_ =	strace $0x8FFFFFFF  }
0x98: {  	s18 =	sld [smem:$0x3FDB];
	_ =	sdelay $0x1  }
0x99: {  	s19 =	simm.s32 $_scs_section_size  }
0x9a: {  	s4 =	simm.s32 $_size__tile_overlayer_lowered;
	s5 =	simm.s32 $_tile_overlayer_lowered  }
0x9b: {  	s22 =	simm.s32 $0x1BFF;
	s21 =	sshll.u32 s5, $0x1;
	s2 =	sadd.s32 s19, s18  }
0x9c: {  	s6 =	simm.s32 $0x0;
	s20 =	sshll.u32 s4, $0x1;
	s4 =	sadd.s32 s21, s2  }
0x9d: {  	[timem:s6], [sflag:s22] =	dma.local [hbm:s4], s20  }
0x9e: {  	_ =	swait.ge [sflag:s22], s20  }
0x9f: {  	s3 =	ssub.s32 $0x0, s20;
	[sflag:s22] =	ssyncset.done $0x0  }
0xa0: {  	[sflag:s22] =	ssyncadd.s32 s3;
	_ =	sdelay $0x1  }
0xa1: {  	s23 =	simm.s32 $0x1B8B  }
0xa2: {  	_ =	swait.ge [sflag:s23], $0x1  }
0xa3: {  	[sflag:s23] =	ssyncset.done $0x0  }
0xa4: {  	s25 =	simm.s32 $0x1B8E;
	s24 =	sld [smem:$0x3FFE];
	[sflag:s23] =	ssyncadd.s32 $0xFFFFFFFF  }
0xa5: {  	s26 =	simm.s32 $execute0_lowered;
	[smem:$0x3FD2] =	sst s25  }
0xa6: {  	s4 =	sshll.u32 s26, $0x1;
	_ =	strace $0x8000004F;
	[dreg:$0x1] =	wrdreg $0xFFFFFFFF  }
0xa7: {  	s28 =	simm.s32 $_size_execute0_lowered;
	s2 =	sadd.s32 s2, s4;
	[dreg:$0x0] =	wrdreg $0x0  }
0xa8: {  	s4 =	sshll.u32 s28, $0x1;
	[dreg:$0x2] =	wrdreg s2  }
0xa9: {  	[dreg:$0x3] =	wrdreg s4  }
0xaa: {  	[dreg:$0x4] =	wrdreg $0xC0  }
0xab: {  	_ =	task [dreg:s6], $0x5FFFF  }
0xac: {  	[dreg:$0x1] =	wrdreg $0xFFFFFFFF  }
0xad: {  	[dreg:$0x0] =	wrdreg $0x60  }
0xae: {  	[dreg:$0x2] =	wrdreg s24  }
0xaf: {  	[dreg:$0x3] =	wrdreg $0x170000  }
0xb0: {  	[dreg:$0x4] =	wrdreg $0x120000  }
0xb1: {  	[dreg:$0x5] =	wrdreg $0x9  }
0xb2: {  	_ =	task.clear_ibuf [dreg:s6], $0x6FFFF;
	_ =	strace $0x9000004F  }
0xb3: {  	s29 =	simm.s32 $0x9;
	_ =	strace $0x80000051  }
0xb4: {  	_ =	swait.ge [sflag:s29], $0x1  }
0xb5: {  	[sflag:s29] =	ssyncadd.s32 $0xFFFFFFFF  }
0xb6: {  	_ =	strace $0x90000051  }
0xb7: {  	_ =	sfence  }
0xb8: {  	s30 =	sld [smem:$0x0];
	_ =	sdelay $0x2  }
0xb9: {  	s31 =	sshll.u32 s1, $0xD;
	s1 =	sshrl.u32 s1, $0x2  }
0xba: {  	s3 =	sand.u32 $0x4000, s31;
	s1 =	sadd.s32 s1, s30  }
0xbb: {  	s0 =	sor.u32 s3, s0;
	s1 =	sshll.u32 s1, $0x11  }
0xbc: {  	s0 =	sor.u32 s1, s0  }
0xbd: {  	s0 =	sadd.s32 $0x8F2B, s0  }
0xbe: {  	[sflag:s0] =	ssyncadd.remote.s32 $0x1  }
0xbf: {  	_ =	sfence.sel $0xFFFF  }
0xc0: {  	[dreg:$0x0] =	wrdreg $0xFFFFFFFF;
	(pc) =	sbr.abs _section_cstart, $3  }
0xc1: {  	[dreg:$0x1] =	wrdreg $0xFFFFFFFF  }
0xc2: {  	_ =	task.clear_ibuf [dreg:s6], $0x2FFFF;
	_ =	strace $0x9FFFFFFF  }
0xc3: {  	(tm) =	ssettm $0x7FFFFFFF  }
tec
execute0_lowered:
.L_overlay_start_1:
0x0: {  	(tag) =	ssettag $0x1  }
0x1: {  	s0 =	rddreg [dreg:$0x0]  }
0x2: {  	s2 =	rddreg [dreg:$0x1]  }
0x3: {  	s3 =	rddreg [dreg:$0x2];
	s9 =	stileid.u32;
	s5 =	simm.s32 $0x0  }
0x4: {  	s4 =	srdreg.scid;
	s11 =	simm.s32 $0x11;
	s15 =	simm.s32 $0x1  }
0x5: {  	s16 =	simm.s32 $0x4;
	s17 =	simm.s32 $0x8;
	s28 =	simm.s32 $0xE000  }
0x6: {  	s29 =	simm.s32 $0x2;
	s31 =	simm.s32 $0x9;
	s12 =	simm.s32 $0xD  }
0x7: {  	s10 =	simm.s32 $0xF;
	s14 =	simm.s32 $0x10;
	s1 =	smul.u32 $0xA00, s9  }
0x8: {  	s13 =	simm.s32 $0x0;
	[smem:$0x7FF] =	sst s5;
	s18 =	smul.u32 $0xA000, s9  }
0x9: {  	s4 =	sand.u32 $0x1, s4;
	s6 =	smul.u32 $0x5000, s9;
	s26 =	sshll.u32 s9, $0x6  }
0xa: {  	s9 =	simm.s32 $0xE;
	_ =	strace $0x80000050;
	s7 =	sshll.u32 s4, $0x5  }
0xb: {  	s4 =	ssub.s32 $0x2, s4;
	s1 =	sadd.s32 s1, s0;
	s5 =	sor.u32 s7, s18  }
0xc: {  	s19 =	sshrl.u32 s6, $0x3;
	s8 =	sshrl.u32 s4, $0x1;
	s21 =	sadd.s32 s6, s2  }
0xd: {  	s23 =	sadd.s32 s6, s3;
	s18 =	sor.u32 $0x1C11, s26;
	s26 =	simm.s32 $0x10000  }
0xe: {  	s6 =	simm.s32 $0x7;
	s5 =	sshrl.u32 s5, $0x3;
	s7 =	sadd.s32 s19, s0  }
0xf: {  	s4 =	ssub.s32 s4, s8;
	s20 =	sadd.s32 $0x14400, s1;
	s1 =	sadd.s32 $0x2C00, s1  }
0x10: {  	s30 =	sshrl.u32 s21, $0x3;
	s19 =	simm.s32 $0x80;
	[dreg:$0xa] =	wrdreg s18  }
0x11: {  	s21 =	simm.s32 $0xB000;
	s8 =	simm.s32 $0xC;
	[dreg:$0x4] =	wrdreg s20  }
0x12: {  	s0 =	sadd.s32 s5, s0;
	[dreg:$0x5] =	wrdreg s1;
	s24 =	sadd.s32 $0x32400, s7  }
0x13: {  	s25 =	smax.u32 s4, $0x1;
	[dreg:$0xb] =	wrdreg s30;
	s20 =	sshrl.u32 s23, $0x3  }
.Ltmp0:
0x14: {  	s23 =	simm.s32 $0xC000;
	[dreg:$0x7] =	wrdreg s24;
	(pc) =	sbr.rel .LBB2_1-.Ltmp0, $4  }
0x15: {  	s1 =	simm.s32 $0x3;
	s7 =	simm.s32 $0xB;
	[dreg:$0x9] =	wrdreg s25  }
0x16: {  	s22 =	sadd.s32 $0x1E400, s0;
	s0 =	sadd.s32 $0x3C400, s0;
	[dreg:$0xc] =	wrdreg s20  }
0x17: {  	s25 =	simm.s32 $0xD000;
	s24 =	simm.s32 $0x5;
	[dreg:$0x6] =	wrdreg s22  }
0x18: {  	[dreg:$0x8] =	wrdreg s0;
	s0 =	simm.s32 $0xF000;
	s22 =	simm.s32 $0x11000  }
.LBB2_4:
0x19: {  	_ =	swait.ge [sflag:s17], $0x1000  }
0x1a: {  	[sflag:s17] =	ssyncset.done $0x0  }
0x1b: {  	[sflag:s17] =	ssyncadd.s32 $0xFFFFF000  }
0x1c: {  	[spmem:s3] =	stream.indirect.scatter.add.f32 [tilespmem:s22], [sflag:$0x10], $0x20, s18, s19, $0xb8;
	[tilespmem:$0x1C000] =	vst v63  }
0x1d: {  	_ =	swait.ge [sflag:s8], $0x1000  }
0x1e: {  	[sflag:s8] =	ssyncset.done $0x0  }
0x1f: {  	[sflag:s8] =	ssyncadd.s32 $0xFFFFF000  }
0x20: {  	_ =	swait.ge [sflag:s12], $0x1000  }
0x21: {  	[sflag:s12] =	ssyncset.done $0x0  }
0x22: {  	[sflag:s12] =	ssyncadd.s32 $0xFFFFF000  }
0x23: {  	_ =	swait.ge [sflag:s9], $0x1000  }
0x24: {  	[sflag:s9] =	ssyncset.done $0x0  }
0x25: {  	[sflag:s9] =	ssyncadd.s32 $0xFFFFF000  }
0x26: {  	_ =	swait.ge [sflag:s10], $0x1000  }
0x27: {  	[sflag:s10] =	ssyncset.done $0x0  }
0x28: {  	[sflag:s10] =	ssyncadd.s32 $0xFFFFF000  }
0x29: {  	_ =	swait.ge [sflag:s14], $0x1000  }
0x2a: {  	[sflag:s14] =	ssyncset.done $0x0  }
0x2b: {  	[sflag:s14] =	ssyncadd.s32 $0xFFFFF000  }
0x2c: {  	[bflag:$0x0] =	sbarrier.arrive $0xFFFF  }
0x2d: {  	s4 =	rddreg [dreg:$0x8]  }
0x2e: {  	s18 =	rddreg [dreg:$0xa]  }
0x2f: {  	s11 =	simm.s32 $0x11;
	s20 =	rddreg [dreg:$0xc]  }
0x30: {  	[hbm:s4@s17], [sflag:s18] =	dma.strided [spmem:s20@s16], $0xA00, s15, $0x4   }
0x31: {  	_ =	swait.ge [sflag:s11], $0xA00  }
0x32: {  	s13 =	rddreg [dreg:$0xd]  }
0x33: {  	s30 =	rddreg [dreg:$0x9];
	s13 =	sadd.s32 $0x1, s13  }
0x34: {  	p0 =	sne.s32 s13, s30  }
.Ltmp1:
0x35: {  	_ = 	snop;
	(pc) =	sbr.rel @!p0 .LBB2_5-.Ltmp1, $3  }
0x36: {  	_ =	sdelay $0x1  }
0x37: {  	[sflag:s11] =	ssyncset.done $0x0  }
0x38: {  	[sflag:s11] =	ssyncadd.s32 $0xFFFFF600  }
.LBB2_1:
0x39: {  	[dreg:$0xd] =	wrdreg s13  }
0x3a: {  	s4 =	simm.s32 $0x0;
	s5 =	rddreg [dreg:$0x4]  }
0x3b: {  	[tilespmem:s4], [sflag:$0x11] =	stream.linear.gather [hbm4b:s5+s4], $0x5000, $0x38;
	[tilespmem:$0x1C000] =	vst v63  }
0x3c: {  	_ =	swait.ge [sflag:s11], $0x5000  }
0x3d: {  	[sflag:s11] =	ssyncset.done $0x0  }
0x3e: {  	s13 =	simm.s32 $0x5000;
	s5 =	rddreg [dreg:$0x5];
	[sflag:s11] =	ssyncadd.s32 $0xFFFFB000  }
0x3f: {  	[tilespmem:s13], [sflag:$0x11] =	stream.linear.gather [hbm4b:s5+s4], $0x5000, $0x38;
	[tilespmem:$0x1C000] =	vst v63  }
0x40: {  	_ =	swait.ge [sflag:s11], $0x5000  }
0x41: {  	[sflag:s11] =	ssyncset.done $0x0;
	s5 =	rddreg [dreg:$0x6]  }
0x42: {  	s30 =	rddreg [dreg:$0xb];
	[sflag:s11] =	ssyncadd.s32 $0xFFFFB000  }
0x43: {  	[spmem:s30@s16], [sflag:s18] =	dma.strided [hbm:s5@s17], $0xA00, s15, $0x4   }
0x44: {  	_ =	swait.ge [sflag:s11], $0xA00  }
0x45: {  	[sflag:s11] =	ssyncset.done $0x0  }
0x46: {  	s5 =	rddreg [dreg:$0x7];
	[sflag:s11] =	ssyncadd.s32 $0xFFFFF600  }
0x47: {  	[spmem:s20], [sflag:s18] =	dma.local [hbm:s5], $0xA00  }
0x48: {  	_ =	swait.ge [sflag:s11], $0xA00  }
0x49: {  	[sflag:s11] =	ssyncset.done $0x0  }
0x4a: {  	[sflag:s11] =	ssyncadd.s32 $0xFFFFF600  }
0x4b: {  	s20 =	simm.s32 $0xA000;
	[bflag:$0x0] =	sbarrier.arrive $0xFFFF  }
0x4c: {  	[tilespmem:s20], [sflag:$0x1] =	stream.indirect.gather [spmem:s2], $0x20, s4, s19, $0xb8;
	[tilespmem:$0x1C000] =	vst v63  }
0x4d: {  	_ = 	snop  }
0x4e: {  	[tilespmem:s21], [sflag:$0x2] =	stream.indirect.gather [spmem:s2], $0x20, s19, s19, $0xb8;
	[tilespmem:$0x1C000] =	vst v63  }
0x4f: {  	s5 =	simm.s32 $0x100  }
0x50: {  	[tilespmem:s23], [sflag:$0x3] =	stream.indirect.gather [spmem:s2], $0x20, s5, s19, $0xb8;
	[tilespmem:$0x1C000] =	vst v63  }
0x51: {  	s11 =	simm.s32 $0x180  }
0x52: {  	[tilespmem:s25], [sflag:$0x4] =	stream.indirect.gather [spmem:s2], $0x20, s11, s19, $0xb8;
	[tilespmem:$0x1C000] =	vst v63  }
0x53: {  	_ =	swait.ge [sflag:s15], $0x1000  }
0x54: {  	[sflag:s15] =	ssyncset.done $0x0  }
0x55: {  	[sflag:s15] =	ssyncadd.s32 $0xFFFFF000  }
0x56: {  	[spmem:s3] =	stream.indirect.scatter.add.f32 [tilespmem:s20], [sflag:$0x9], $0x20, s13, s19, $0xb8;
	[tilespmem:$0x1C000] =	vst v63  }
0x57: {  	s18 =	simm.s32 $0x200  }
0x58: {  	[tilespmem:s28], [sflag:$0x5] =	stream.indirect.gather [spmem:s2], $0x20, s18, s19, $0xb8;
	[tilespmem:$0x1C000] =	vst v63  }
0x59: {  	_ =	swait.ge [sflag:s29], $0x1000  }
0x5a: {  	[sflag:s29] =	ssyncset.done $0x0  }
0x5b: {  	s5 =	simm.s32 $0x5080;
	[sflag:s29] =	ssyncadd.s32 $0xFFFFF000  }
0x5c: {  	[spmem:s3] =	stream.indirect.scatter.add.f32 [tilespmem:s21], [sflag:$0xA], $0x20, s5, s19, $0xb8;
	[tilespmem:$0x1C000] =	vst v63  }
0x5d: {  	s11 =	simm.s32 $0x280  }
0x5e: {  	[tilespmem:s0], [sflag:$0x6] =	stream.indirect.gather [spmem:s2], $0x20, s11, s19, $0xb8;
	[tilespmem:$0x1C000] =	vst v63  }
0x5f: {  	_ =	swait.ge [sflag:s1], $0x1000  }
0x60: {  	[sflag:s1] =	ssyncset.done $0x0  }
0x61: {  	s13 =	simm.s32 $0x5100;
	[sflag:s1] =	ssyncadd.s32 $0xFFFFF000  }
0x62: {  	[spmem:s3] =	stream.indirect.scatter.add.f32 [tilespmem:s23], [sflag:$0xB], $0x20, s13, s19, $0xb8;
	[tilespmem:$0x1C000] =	vst v63  }
0x63: {  	s18 =	simm.s32 $0x300  }
0x64: {  	[tilespmem:s26], [sflag:$0x7] =	stream.indirect.gather [spmem:s2], $0x20, s18, s19, $0xb8;
	[tilespmem:$0x1C000] =	vst v63  }
0x65: {  	_ =	swait.ge [sflag:s16], $0x1000  }
0x66: {  	[sflag:s16] =	ssyncset.done $0x0  }
0x67: {  	s5 =	simm.s32 $0x5180;
	[sflag:s16] =	ssyncadd.s32 $0xFFFFF000  }
0x68: {  	[spmem:s3] =	stream.indirect.scatter.add.f32 [tilespmem:s25], [sflag:$0xC], $0x20, s5, s19, $0xb8;
	[tilespmem:$0x1C000] =	vst v63  }
0x69: {  	s11 =	simm.s32 $0x380  }
0x6a: {  	[tilespmem:s22], [sflag:$0x8] =	stream.indirect.gather [spmem:s2], $0x20, s11, s19, $0xb8;
	[tilespmem:$0x1C000] =	vst v63  }
0x6b: {  	_ =	swait.ge [sflag:s24], $0x1000  }
0x6c: {  	[sflag:s24] =	ssyncset.done $0x0  }
0x6d: {  	s13 =	simm.s32 $0x5200;
	[sflag:s24] =	ssyncadd.s32 $0xFFFFF000  }
0x6e: {  	[spmem:s3] =	stream.indirect.scatter.add.f32 [tilespmem:s28], [sflag:$0xD], $0x20, s13, s19, $0xb8;
	[tilespmem:$0x1C000] =	vst v63  }
0x6f: {  	_ =	swait.ge [sflag:s31], $0x1000  }
0x70: {  	[sflag:s31] =	ssyncset.done $0x0  }
0x71: {  	s18 =	simm.s32 $0x400;
	s5 =	simm.s32 $0x6;
	[sflag:s31] =	ssyncadd.s32 $0xFFFFF000  }
0x72: {  	[tilespmem:s20], [sflag:$0x1] =	stream.indirect.gather [spmem:s2], $0x20, s18, s19, $0xb8;
	[tilespmem:$0x1C000] =	vst v63  }
0x73: {  	_ =	swait.ge [sflag:s5], $0x1000  }
0x74: {  	[sflag:s5] =	ssyncset.done $0x0  }
0x75: {  	s11 =	simm.s32 $0x5280;
	s13 =	simm.s32 $0xA;
	[sflag:s5] =	ssyncadd.s32 $0xFFFFF000  }
0x76: {  	[spmem:s3] =	stream.indirect.scatter.add.f32 [tilespmem:s0], [sflag:$0xE], $0x20, s11, s19, $0xb8;
	[tilespmem:$0x1C000] =	vst v63  }
0x77: {  	_ =	swait.ge [sflag:s13], $0x1000  }
0x78: {  	[sflag:s13] =	ssyncset.done $0x0  }
0x79: {  	s18 =	simm.s32 $0x480;
	[sflag:s13] =	ssyncadd.s32 $0xFFFFF000  }
0x7a: {  	[tilespmem:s21], [sflag:$0x2] =	stream.indirect.gather [spmem:s2], $0x20, s18, s19, $0xb8;
	[tilespmem:$0x1C000] =	vst v63  }
0x7b: {  	_ =	swait.ge [sflag:s6], $0x1000  }
0x7c: {  	[sflag:s6] =	ssyncset.done $0x0  }
0x7d: {  	s5 =	simm.s32 $0x5300;
	[sflag:s6] =	ssyncadd.s32 $0xFFFFF000  }
0x7e: {  	[spmem:s3] =	stream.indirect.scatter.add.f32 [tilespmem:s26], [sflag:$0xF], $0x20, s5, s19, $0xb8;
	[tilespmem:$0x1C000] =	vst v63  }
0x7f: {  	_ =	swait.ge [sflag:s7], $0x1000  }
0x80: {  	[sflag:s7] =	ssyncset.done $0x0  }
0x81: {  	s11 =	simm.s32 $0x500;
	[sflag:s7] =	ssyncadd.s32 $0xFFFFF000  }
0x82: {  	[tilespmem:s23], [sflag:$0x3] =	stream.indirect.gather [spmem:s2], $0x20, s11, s19, $0xb8;
	[tilespmem:$0x1C000] =	vst v63  }
0x83: {  	_ =	swait.ge [sflag:s17], $0x1000  }
0x84: {  	[sflag:s17] =	ssyncset.done $0x0  }
0x85: {  	s13 =	simm.s32 $0x5380;
	[sflag:s17] =	ssyncadd.s32 $0xFFFFF000  }
0x86: {  	[spmem:s3] =	stream.indirect.scatter.add.f32 [tilespmem:s22], [sflag:$0x10], $0x20, s13, s19, $0xb8;
	[tilespmem:$0x1C000] =	vst v63  }
0x87: {  	_ =	swait.ge [sflag:s8], $0x1000  }
0x88: {  	[sflag:s8] =	ssyncset.done $0x0  }
0x89: {  	s30 =	simm.s32 $0x0;
	s18 =	simm.s32 $0x580;
	[sflag:s8] =	ssyncadd.s32 $0xFFFFF000  }
0x8a: {  	[tilespmem:s25], [sflag:$0x4] =	stream.indirect.gather [spmem:s2], $0x20, s18, s19, $0xb8;
	[tilespmem:$0x1C000] =	vst v63  }
.LBB2_2:
0x8b: {  	_ =	swait.ge [sflag:s15], $0x1000  }
0x8c: {  	s5 =	sshra.s32 s30, $0x2;
	[sflag:s15] =	ssyncset.done $0x0  }
0x8d: {  	s18 =	sadd.s32 $0x5400, s5;
	[sflag:s15] =	ssyncadd.s32 $0xFFFFF000  }
0x8e: {  	[spmem:s3] =	stream.indirect.scatter.add.f32 [tilespmem:s20], [sflag:$0x9], $0x20, s18, s19, $0xb8;
	[tilespmem:$0x1C000] =	vst v63  }
0x8f: {  	_ =	swait.ge [sflag:s12], $0x1000  }
0x90: {  	[sflag:s12] =	ssyncset.done $0x0  }
0x91: {  	s11 =	sadd.s32 $0x600, s5;
	[sflag:s12] =	ssyncadd.s32 $0xFFFFF000  }
0x92: {  	[tilespmem:s28], [sflag:$0x5] =	stream.indirect.gather [spmem:s2], $0x20, s11, s19, $0xb8;
	[tilespmem:$0x1C000] =	vst v63  }
0x93: {  	_ =	swait.ge [sflag:s29], $0x1000  }
0x94: {  	[sflag:s29] =	ssyncset.done $0x0  }
0x95: {  	s13 =	sadd.s32 $0x5480, s5;
	[sflag:s29] =	ssyncadd.s32 $0xFFFFF000  }
0x96: {  	[spmem:s3] =	stream.indirect.scatter.add.f32 [tilespmem:s21], [sflag:$0xA], $0x20, s13, s19, $0xb8;
	[tilespmem:$0x1C000] =	vst v63  }
0x97: {  	_ =	swait.ge [sflag:s9], $0x1000  }
0x98: {  	[sflag:s9] =	ssyncset.done $0x0  }
0x99: {  	s4 =	sadd.s32 $0x680, s5;
	[sflag:s9] =	ssyncadd.s32 $0xFFFFF000  }
0x9a: {  	[tilespmem:s0], [sflag:$0x6] =	stream.indirect.gather [spmem:s2], $0x20, s4, s19, $0xb8;
	[tilespmem:$0x1C000] =	vst v63  }
0x9b: {  	_ =	swait.ge [sflag:s1], $0x1000  }
0x9c: {  	[sflag:s1] =	ssyncset.done $0x0  }
0x9d: {  	s11 =	sadd.s32 $0x5500, s5;
	[sflag:s1] =	ssyncadd.s32 $0xFFFFF000  }
0x9e: {  	[spmem:s3] =	stream.indirect.scatter.add.f32 [tilespmem:s23], [sflag:$0xB], $0x20, s11, s19, $0xb8;
	[tilespmem:$0x1C000] =	vst v63  }
0x9f: {  	_ =	swait.ge [sflag:s10], $0x1000  }
0xa0: {  	[sflag:s10] =	ssyncset.done $0x0  }
0xa1: {  	s13 =	sadd.s32 $0x700, s5;
	[sflag:s10] =	ssyncadd.s32 $0xFFFFF000  }
0xa2: {  	[tilespmem:s26], [sflag:$0x7] =	stream.indirect.gather [spmem:s2], $0x20, s13, s19, $0xb8;
	[tilespmem:$0x1C000] =	vst v63  }
0xa3: {  	_ =	swait.ge [sflag:s16], $0x1000  }
0xa4: {  	[sflag:s16] =	ssyncset.done $0x0  }
0xa5: {  	s4 =	sadd.s32 $0x5580, s5;
	[sflag:s16] =	ssyncadd.s32 $0xFFFFF000  }
0xa6: {  	[spmem:s3] =	stream.indirect.scatter.add.f32 [tilespmem:s25], [sflag:$0xC], $0x20, s4, s19, $0xb8;
	[tilespmem:$0x1C000] =	vst v63  }
0xa7: {  	_ =	swait.ge [sflag:s14], $0x1000  }
0xa8: {  	[sflag:s14] =	ssyncset.done $0x0  }
0xa9: {  	s11 =	sadd.s32 $0x780, s5;
	[sflag:s14] =	ssyncadd.s32 $0xFFFFF000  }
0xaa: {  	[tilespmem:s22], [sflag:$0x8] =	stream.indirect.gather [spmem:s2], $0x20, s11, s19, $0xb8;
	[tilespmem:$0x1C000] =	vst v63  }
0xab: {  	_ =	swait.ge [sflag:s24], $0x1000  }
0xac: {  	[sflag:s24] =	ssyncset.done $0x0  }
0xad: {  	s13 =	sadd.s32 $0x5600, s5;
	[sflag:s24] =	ssyncadd.s32 $0xFFFFF000  }
0xae: {  	[spmem:s3] =	stream.indirect.scatter.add.f32 [tilespmem:s28], [sflag:$0xD], $0x20, s13, s19, $0xb8;
	[tilespmem:$0x1C000] =	vst v63  }
0xaf: {  	_ =	swait.ge [sflag:s31], $0x1000  }
0xb0: {  	p0 =	seq.s32 s30, $0x12000;
	[sflag:s31] =	ssyncset.done $0x0  }
0xb1: {  	s18 =	simm.s32 @p0 $0x6;
	[sflag:s31] =	ssyncadd.s32 $0xFFFFF000  }
0xb2: {  	_ =	swait.ge @p0 [sflag:s18], $0x1000  }
0xb3: {  	[sflag:s18] =	ssyncset.done @p0 $0x0  }
0xb4: {  	[sflag:s18] =	ssyncadd.s32 @p0 $0xFFFFF000;
	s18 =	sshra.s32 @p0 s30, $0x2  }
0xb5: {  	s11 =	simm.s32 @p0 $0xF000;
	s13 =	simm.s32 @p0 $0x80;
	s18 =	sadd.s32 @p0 $0x5680, s18  }
0xb6: {  	[spmem:s3] =	stream.indirect.scatter.add.f32 @p0 [tilespmem:s11], [sflag:$0xE], $0x20, s18, s13, $0xb8;
	[tilespmem:$0x1C000] =	vst v63  }
0xb7: {  	s11 =	simm.s32 @p0 $0xA  }
0xb8: {  	_ =	swait.ge @p0 [sflag:s11], $0x1000  }
0xb9: {  	[sflag:s11] =	ssyncset.done @p0 $0x0  }
0xba: {  	[sflag:s11] =	ssyncadd.s32 @p0 $0xFFFFF000;
	s11 =	sshra.s32 @!p0 s30, $0x2  }
0xbb: {  	s4 =	simm.s32 @!p0 $0xA000;
	s18 =	simm.s32 @!p0 $0x80;
	s13 =	sadd.s32 @!p0 $0x800, s11  }
0xbc: {  	[tilespmem:s4], [sflag:$0x1] =	stream.indirect.gather @!p0 [spmem:s2], $0x20, s13, s18, $0xb8;
	[tilespmem:$0x1C000] =	vst v63  }
0xbd: {  	s4 =	simm.s32 @!p0 $0x6  }
0xbe: {  	_ =	swait.ge @!p0 [sflag:s4], $0x1000  }
0xbf: {  	[sflag:s4] =	ssyncset.done @!p0 $0x0  }
0xc0: {  	s13 =	simm.s32 @!p0 $0xF000;
	[sflag:s4] =	ssyncadd.s32 @!p0 $0xFFFFF000;
	s4 =	sadd.s32 @!p0 $0x5680, s11  }
0xc1: {  	[spmem:s3] =	stream.indirect.scatter.add.f32 @!p0 [tilespmem:s13], [sflag:$0xE], $0x20, s4, s18, $0xb8;
	[tilespmem:$0x1C000] =	vst v63  }
0xc2: {  	s4 =	simm.s32 @!p0 $0xA  }
0xc3: {  	_ =	swait.ge @!p0 [sflag:s4], $0x1000  }
0xc4: {  	[sflag:s4] =	ssyncset.done @!p0 $0x0  }
0xc5: {  	[sflag:s4] =	ssyncadd.s32 @!p0 $0xFFFFF000;
	s4 =	sadd.s32 @!p0 $0x880, s11;
	s11 =	simm.s32 @!p0 $0xB000  }
0xc6: {  	[tilespmem:s11], [sflag:$0x2] =	stream.indirect.gather @!p0 [spmem:s2], $0x20, s4, s18, $0xb8;
	[tilespmem:$0x1C000] =	vst v63  }
0xc7: {  	_ =	swait.ge [sflag:s6], $0x1000  }
0xc8: {  	[sflag:s6] =	ssyncset.done $0x0  }
.Ltmp2:
0xc9: {  	s18 =	sadd.s32 $0x5700, s5;
	[sflag:s6] =	ssyncadd.s32 $0xFFFFF000;
	(pc) =	sbr.rel @p0 .LBB2_4-.Ltmp2, $4  }
0xca: {  	[spmem:s3] =	stream.indirect.scatter.add.f32 [tilespmem:s26], [sflag:$0xF], $0x20, s18, s19, $0xb8;
	[tilespmem:$0x1C000] =	vst v63  }
0xcb: {  	_ =	swait.ge [sflag:s7], $0x1000  }
0xcc: {  	[sflag:s7] =	ssyncset.done $0x0  }
0xcd: {  	s18 =	sadd.s32 $0x5780, s5;
	[sflag:s7] =	ssyncadd.s32 $0xFFFFF000  }
0xce: {  	s4 =	sadd.s32 $0x900, s5  }
0xcf: {  	[tilespmem:s23], [sflag:$0x3] =	stream.indirect.gather [spmem:s2], $0x20, s4, s19, $0xb8;
	[tilespmem:$0x1C000] =	vst v63  }
0xd0: {  	_ =	swait.ge [sflag:s17], $0x1000  }
0xd1: {  	[sflag:s17] =	ssyncset.done $0x0  }
0xd2: {  	[sflag:s17] =	ssyncadd.s32 $0xFFFFF000  }
0xd3: {  	[spmem:s3] =	stream.indirect.scatter.add.f32 [tilespmem:s22], [sflag:$0x10], $0x20, s18, s19, $0xb8;
	[tilespmem:$0x1C000] =	vst v63  }
.Ltmp3:
0xd4: {  	_ = 	snop;
	(pc) =	sbr.rel .LBB2_2-.Ltmp3, $4  }
0xd5: {  	_ =	swait.ge [sflag:s8], $0x1000  }
0xd6: {  	[sflag:s8] =	ssyncset.done $0x0  }
0xd7: {  	s30 =	sadd.s32 $0x1000, s30;
	s18 =	sadd.s32 $0x980, s5;
	[sflag:s8] =	ssyncadd.s32 $0xFFFFF000  }
0xd8: {  	[tilespmem:s25], [sflag:$0x4] =	stream.indirect.gather [spmem:s2], $0x20, s18, s19, $0xb8;
	[tilespmem:$0x1C000] =	vst v63  }
.LBB2_5:
0xd9: {  	_ =	sfence.sel $0x180000  }
0xda: {  	[bflag:$0x0] =	sbarrier.arrive $0xFFFF  }
0xdb: {  	_ =	strace $0x90000050  }
0xdc: {  	s0 =	stileid.u32;
	[bflag:$0x2] =	sbarrier.arrive $0xFFFF  }
0xdd: {  	p0 =	sne.s32 s0, $0x0;
	s0 =	rddreg [dreg:$0x3]  }
0xde: {  	s0 =	sadd.s32 @!p0 $0x100000, s0  }
0xdf: {  	[sflag:s0] =	ssyncadd.tile.s32 @!p0 $0x1;
	_ =	shalt  }
.Lfunc_end2:
_tile_overlayer_lowered:
.L_overlay_start_2:
0xe0: {  	(tag) =	ssettag $0x2  }
0xe1: {  	s0 =	rddreg [dreg:$0x0];
	s2 =	stileid.u32  }
0xe2: {  	s1 =	rddreg [dreg:$0x1];
	p0 =	sne.s32 s2, $0x0  }
0xe3: {  	s3 =	rddreg [dreg:$0x2];
	[bflag:$0x3] =	sbarrier.arrive $0xFFFF;
	s2 =	simm.s32 @!p0 $0x1C11  }
0xe4: {  	[timem:s3], [sflag:s2] =	dma.local @!p0 [hbm:s0], s1  }
0xe5: {  	s0 =	simm.s32 @!p0 $0x11  }
0xe6: {  	_ =	swait.ge @!p0 [sflag:s0], s1  }
0xe7: {  	s1 =	ssub.s32 @!p0 $0x0, s1;
	[sflag:s0] =	ssyncset.done @!p0 $0x0  }
0xe8: {  	[sflag:s0] =	ssyncadd.s32 @!p0 s1  }
0xe9: {  	[bflag:$0x3] =	sbarrier.arrive $0xFFFF  }
0xea: {  	_ =	shalt  }

</sc_bundles>
